<compile_context>
chip_gen: v7x
topology: tpu7x:2x2x1
jax: 0.10.2.dev20260603
libtpu: 0.0.44.dev20260713+nightly
codegen_flags: <defaults>
</compile_context>

<pallas_src>
import functools

import jax
import jax.numpy as jnp
from jax import lax
from jax.experimental import pallas as pl
from jax.experimental.pallas import tpu as pltpu
from jax.experimental.pallas import tpu_sc as plsc

B = 16384
K = 50
NUM_TYPES = 27
GLOVE_DIM = 300
EMBED_DIM = 16
TPAD = 32

NW = 32
BT_PER_W = 4
B_PER_W = BT_PER_W * 128
N_BBLK = B_PER_W // 16


def _table_body(glove_ref, w_ref, b_ref, table_ref):
    g = glove_ref[...]
    w = w_ref[...]
    t = lax.dot_general(w, g, (((1,), (1,)), ((), ())),
                        preferred_element_type=jnp.float32)
    table_ref[:, :NUM_TYPES] = t + b_ref[...]


def _project_table(glove, W, b):
    return pl.pallas_call(
        _table_body,
        out_shape=jax.ShapeDtypeStruct((EMBED_DIM, TPAD), jnp.float32),
    )(glove, W, b.reshape(EMBED_DIM, 1))


def _sc_gather_body(tt_hbm, idx_hbm, out_hbm, *scratch):
    te = scratch[:EMBED_DIM]
    idx_v, st0, st1, s0, s1 = scratch[EMBED_DIM:]
    wid = lax.axis_index("s") * 2 + lax.axis_index("c")

    for e in range(EMBED_DIM):
        pltpu.sync_copy(tt_hbm.at[e], te[e])
    pltpu.sync_copy(idx_hbm.at[:, pl.ds(wid * B_PER_W, B_PER_W)], idx_v)

    staging = (st0, st1)
    ssem = (s0, s1)

    def compute(k, buf):
        st = staging[buf]

        @pl.loop(0, N_BBLK, unroll=4)
        def _blk(bb):
            btl = bb // 8
            cs = (bb % 8) * 16
            idxv = idx_v[k, pl.ds(bb * 16, 16)]
            for e in range(EMBED_DIM):
                col = plsc.load_gather(te[e], [idxv])
                st[e // 8, btl, e % 8, pl.ds(cs, 16)] = col

    def store(k, buf):
        st = staging[buf]
        pltpu.async_copy(st.at[0], out_hbm.at[k, 0, pl.ds(wid * BT_PER_W,
                                                          BT_PER_W)],
                         ssem[buf])
        pltpu.async_copy(st.at[1], out_hbm.at[k, 1, pl.ds(wid * BT_PER_W,
                                                          BT_PER_W)],
                         ssem[buf])

    def store_wait(k, buf):
        st = staging[buf]
        for et in range(2):
            pltpu.make_async_copy(
                st.at[et],
                out_hbm.at[k, et, pl.ds(wid * BT_PER_W, BT_PER_W)],
                ssem[buf]).wait()

    compute(0, 0)
    store(0, 0)
    compute(1, 1)
    store(1, 1)

    @pl.loop(2, K, step=2)
    def _pair(k):
        store_wait(k - 2, 0)
        compute(k, 0)
        store(k, 0)
        store_wait(k - 1, 1)
        compute(k + 1, 1)
        store(k + 1, 1)

    store_wait(K - 2, 0)
    store_wait(K - 1, 1)


_sc_gather = functools.partial(
    pl.kernel,
    out_type=jax.ShapeDtypeStruct((K, 2, 128, 8, 128), jnp.float32),
    mesh=plsc.VectorSubcoreMesh(core_axis_name="c", subcore_axis_name="s"),
    scratch_types=(
        [pltpu.VMEM((TPAD,), jnp.float32) for _ in range(EMBED_DIM)]
        + [
            pltpu.VMEM((K, B_PER_W), jnp.int32),
            pltpu.VMEM((2, BT_PER_W, 8, 128), jnp.float32),
            pltpu.VMEM((2, BT_PER_W, 8, 128), jnp.float32),
            pltpu.SemaphoreType.DMA,
            pltpu.SemaphoreType.DMA,
        ]
    ),
    compiler_params=pltpu.CompilerParams(use_tc_tiling_on_sc=False,
                                         needs_layout_passes=False),
)(_sc_gather_body)


@jax.jit
def kernel(type_indices, glove_embeddings, W, b):
    table_t = _project_table(glove_embeddings, W, b)
    idx_t = type_indices.T.astype(jnp.int32)
    out5 = _sc_gather(table_t, idx_t)
    return out5.transpose(2, 4, 0, 1, 3).reshape(B, K, EMBED_DIM)

# --- scband reference (transcript-rebuilt; emitter-appended) ---
"""Pipeline reference for scband-neighbor-node-type-encoder-53730040873098 (READ-ONLY COPY).

The authoritative reference and input builder live on the scoring server;
editing this copy changes nothing except your own understanding.
"""

import jax, jax.numpy as jnp
import numpy as np

B = 16384
K = 50
NUM_TYPES = 27  # 26 table names + 'mask'
GLOVE_DIM = 300
EMBED_DIM = 16

def setup_inputs(seed: int = 0) -> dict:
    key = jax.random.key(seed)
    k1, k2, k3 = jax.random.split(key, 3)
    type_indices = jax.random.randint(k1, (B, K), 0, NUM_TYPES, dtype=jnp.int64 if jax.config.jax_enable_x64 else jnp.int32)
    # Precomputed GloVe embeddings buffer [num_types+mask, 300]
    glove_embeddings = jax.random.normal(k2, (NUM_TYPES, GLOVE_DIM), dtype=jnp.float32)
    # nn.Linear(300, embedding_dim): weight [out, in], bias [out]
    bound = 1.0 / np.sqrt(GLOVE_DIM)
    W = jax.random.uniform(k3, (EMBED_DIM, GLOVE_DIM), dtype=jnp.float32, minval=-bound, maxval=bound)
    b = jnp.zeros((EMBED_DIM,), dtype=jnp.float32)
    return {"type_indices": type_indices, "glove_embeddings": glove_embeddings, "W": W, "b": b}

def reference(type_indices, glove_embeddings, W, b):
    # x = self.glove_embeddings[type_indices]  -> [B, K, 300]
    x = jnp.take(glove_embeddings, type_indices, axis=0)
    # self.proj(x) -> [B, K, embedding_dim]
    out = jnp.einsum('bkd,ed->bke', x, W) + b
    return out

if __name__ == "__main__":
    import jax
    _d = setup_inputs()
    print(jax.jit(kernel)(*tuple(_d.values())))

</pallas_src>

<mosaic_0001>
#map = affine_map<(d0, d1) -> (0, 0)>
#map1 = affine_map<(d0, d1) -> (0, 0, 0, 0, 0)>
module attributes {stable_mosaic.version = 14 : i64} {
  func.func @_sc_gather_body(%arg0: i32, %arg1: i32, %arg2: memref<16x32xf32, #tpu.memory_space<hbm>>, %arg3: memref<50x16384xi32, #tpu.memory_space<hbm>>, %arg4: memref<50x2x128x8x128xf32, #tpu.memory_space<hbm>>, %arg5: memref<32xf32, #tpu.memory_space<vmem>>, %arg6: memref<32xf32, #tpu.memory_space<vmem>>, %arg7: memref<32xf32, #tpu.memory_space<vmem>>, %arg8: memref<32xf32, #tpu.memory_space<vmem>>, %arg9: memref<32xf32, #tpu.memory_space<vmem>>, %arg10: memref<32xf32, #tpu.memory_space<vmem>>, %arg11: memref<32xf32, #tpu.memory_space<vmem>>, %arg12: memref<32xf32, #tpu.memory_space<vmem>>, %arg13: memref<32xf32, #tpu.memory_space<vmem>>, %arg14: memref<32xf32, #tpu.memory_space<vmem>>, %arg15: memref<32xf32, #tpu.memory_space<vmem>>, %arg16: memref<32xf32, #tpu.memory_space<vmem>>, %arg17: memref<32xf32, #tpu.memory_space<vmem>>, %arg18: memref<32xf32, #tpu.memory_space<vmem>>, %arg19: memref<32xf32, #tpu.memory_space<vmem>>, %arg20: memref<32xf32, #tpu.memory_space<vmem>>, %arg21: memref<50x512xi32, #tpu.memory_space<vmem>>, %arg22: memref<2x4x8x128xf32, #tpu.memory_space<vmem>>, %arg23: memref<2x4x8x128xf32, #tpu.memory_space<vmem>>, %arg24: memref<!tpu.dma_semaphore, #tpu.memory_space<semaphore_mem>>, %arg25: memref<!tpu.dma_semaphore, #tpu.memory_space<semaphore_mem>>) attributes {dimension_semantics = [#tpu.dimension_semantics<core_parallel>, #tpu.dimension_semantics<subcore_parallel>], iteration_bounds = array<i64: 2, 16>, scalar_prefetch = 0 : i64, scratch_operands = 21 : i64, tpu.core_type = #tpu.core_type<sc_vector_subcore>, window_params = [{transform_indices = #map}, {transform_indices = #map}, {transform_indices = #map1}]} {
    %mul3A = arith.constant 2 : i32
    %mul3A_0 = arith.muli %arg1, %mul3A : i32
    %add3A = arith.addi %mul3A_0, %arg0 : i32
    %run_scoped3A = arith.constant 0 : i32
    "tpu.region"() ({
      %run_scoped3A_214 = tpu.sem_alloc : memref<!tpu.dma_semaphore, #tpu.memory_space<semaphore_mem>>
      %dma_start3A_215 = arith.constant 0 : i32
      %dma_start3A_216 = tpu.memref_slice %arg2[%run_scoped3A, %dma_start3A_215] : memref<16x32xf32, #tpu.memory_space<hbm>> -> memref<1x32xf32, #tpu.memory_space<hbm>>
      %dma_start3A_217 = tpu.memref_squeeze %dma_start3A_216 : memref<1x32xf32, #tpu.memory_space<hbm>> -> memref<32xf32, #tpu.memory_space<hbm>>
      %dma_start3A_218 = arith.constant 0 : i32
      %dma_start3A_219 = tpu.memref_slice %arg2[%run_scoped3A, %dma_start3A_218] : memref<16x32xf32, #tpu.memory_space<hbm>> -> memref<1x32xf32, #tpu.memory_space<hbm>>
      %dma_start3A_220 = tpu.memref_squeeze %dma_start3A_219 : memref<1x32xf32, #tpu.memory_space<hbm>> -> memref<32xf32, #tpu.memory_space<hbm>>
      tpu.enqueue_dma source(%dma_start3A_220 : memref<32xf32, #tpu.memory_space<hbm>>) target(%arg5 : memref<32xf32, #tpu.memory_space<vmem>>) target_semaphore(%run_scoped3A_214 : memref<!tpu.dma_semaphore, #tpu.memory_space<semaphore_mem>>)
      %dma_wait3A_221 = arith.constant 0 : i32
      %dma_wait3A_222 = tpu.memref_slice %arg2[%run_scoped3A, %dma_wait3A_221] : memref<16x32xf32, #tpu.memory_space<hbm>> -> memref<1x32xf32, #tpu.memory_space<hbm>>
      %dma_wait3A_223 = tpu.memref_squeeze %dma_wait3A_222 : memref<1x32xf32, #tpu.memory_space<hbm>> -> memref<32xf32, #tpu.memory_space<hbm>>
      %dma_wait3A_224 = arith.constant 0 : i32
      %dma_wait3A_225 = tpu.memref_slice %arg2[%run_scoped3A, %dma_wait3A_224] : memref<16x32xf32, #tpu.memory_space<hbm>> -> memref<1x32xf32, #tpu.memory_space<hbm>>
      %dma_wait3A_226 = tpu.memref_squeeze %dma_wait3A_225 : memref<1x32xf32, #tpu.memory_space<hbm>> -> memref<32xf32, #tpu.memory_space<hbm>>
      tpu.wait_dma2 semaphore(%run_scoped3A_214 : memref<!tpu.dma_semaphore, #tpu.memory_space<semaphore_mem>>) src(%dma_wait3A_226 : memref<32xf32, #tpu.memory_space<hbm>>) dst(%arg5 : memref<32xf32, #tpu.memory_space<vmem>>)
      tpu.yield
    }) : () -> ()
    %run_scoped3A_1 = arith.constant 1 : i32
    "tpu.region"() ({
      %run_scoped3A_214 = tpu.sem_alloc : memref<!tpu.dma_semaphore, #tpu.memory_space<semaphore_mem>>
      %dma_start3A_215 = arith.constant 0 : i32
      %dma_start3A_216 = tpu.memref_slice %arg2[%run_scoped3A_1, %dma_start3A_215] : memref<16x32xf32, #tpu.memory_space<hbm>> -> memref<1x32xf32, #tpu.memory_space<hbm>>
      %dma_start3A_217 = tpu.memref_squeeze %dma_start3A_216 : memref<1x32xf32, #tpu.memory_space<hbm>> -> memref<32xf32, #tpu.memory_space<hbm>>
      %dma_start3A_218 = arith.constant 0 : i32
      %dma_start3A_219 = tpu.memref_slice %arg2[%run_scoped3A_1, %dma_start3A_218] : memref<16x32xf32, #tpu.memory_space<hbm>> -> memref<1x32xf32, #tpu.memory_space<hbm>>
      %dma_start3A_220 = tpu.memref_squeeze %dma_start3A_219 : memref<1x32xf32, #tpu.memory_space<hbm>> -> memref<32xf32, #tpu.memory_space<hbm>>
      tpu.enqueue_dma source(%dma_start3A_220 : memref<32xf32, #tpu.memory_space<hbm>>) target(%arg6 : memref<32xf32, #tpu.memory_space<vmem>>) target_semaphore(%run_scoped3A_214 : memref<!tpu.dma_semaphore, #tpu.memory_space<semaphore_mem>>)
      %dma_wait3A_221 = arith.constant 0 : i32
      %dma_wait3A_222 = tpu.memref_slice %arg2[%run_scoped3A_1, %dma_wait3A_221] : memref<16x32xf32, #tpu.memory_space<hbm>> -> memref<1x32xf32, #tpu.memory_space<hbm>>
      %dma_wait3A_223 = tpu.memref_squeeze %dma_wait3A_222 : memref<1x32xf32, #tpu.memory_space<hbm>> -> memref<32xf32, #tpu.memory_space<hbm>>
      %dma_wait3A_224 = arith.constant 0 : i32
      %dma_wait3A_225 = tpu.memref_slice %arg2[%run_scoped3A_1, %dma_wait3A_224] : memref<16x32xf32, #tpu.memory_space<hbm>> -> memref<1x32xf32, #tpu.memory_space<hbm>>
      %dma_wait3A_226 = tpu.memref_squeeze %dma_wait3A_225 : memref<1x32xf32, #tpu.memory_space<hbm>> -> memref<32xf32, #tpu.memory_space<hbm>>
      tpu.wait_dma2 semaphore(%run_scoped3A_214 : memref<!tpu.dma_semaphore, #tpu.memory_space<semaphore_mem>>) src(%dma_wait3A_226 : memref<32xf32, #tpu.memory_space<hbm>>) dst(%arg6 : memref<32xf32, #tpu.memory_space<vmem>>)
      tpu.yield
    }) : () -> ()
    %run_scoped3A_2 = arith.constant 2 : i32
    "tpu.region"() ({
      %run_scoped3A_214 = tpu.sem_alloc : memref<!tpu.dma_semaphore, #tpu.memory_space<semaphore_mem>>
      %dma_start3A_215 = arith.constant 0 : i32
      %dma_start3A_216 = tpu.memref_slice %arg2[%run_scoped3A_2, %dma_start3A_215] : memref<16x32xf32, #tpu.memory_space<hbm>> -> memref<1x32xf32, #tpu.memory_space<hbm>>
      %dma_start3A_217 = tpu.memref_squeeze %dma_start3A_216 : memref<1x32xf32, #tpu.memory_space<hbm>> -> memref<32xf32, #tpu.memory_space<hbm>>
      %dma_start3A_218 = arith.constant 0 : i32
      %dma_start3A_219 = tpu.memref_slice %arg2[%run_scoped3A_2, %dma_start3A_218] : memref<16x32xf32, #tpu.memory_space<hbm>> -> memref<1x32xf32, #tpu.memory_space<hbm>>
      %dma_start3A_220 = tpu.memref_squeeze %dma_start3A_219 : memref<1x32xf32, #tpu.memory_space<hbm>> -> memref<32xf32, #tpu.memory_space<hbm>>
      tpu.enqueue_dma source(%dma_start3A_220 : memref<32xf32, #tpu.memory_space<hbm>>) target(%arg7 : memref<32xf32, #tpu.memory_space<vmem>>) target_semaphore(%run_scoped3A_214 : memref<!tpu.dma_semaphore, #tpu.memory_space<semaphore_mem>>)
      %dma_wait3A_221 = arith.constant 0 : i32
      %dma_wait3A_222 = tpu.memref_slice %arg2[%run_scoped3A_2, %dma_wait3A_221] : memref<16x32xf32, #tpu.memory_space<hbm>> -> memref<1x32xf32, #tpu.memory_space<hbm>>
      %dma_wait3A_223 = tpu.memref_squeeze %dma_wait3A_222 : memref<1x32xf32, #tpu.memory_space<hbm>> -> memref<32xf32, #tpu.memory_space<hbm>>
      %dma_wait3A_224 = arith.constant 0 : i32
      %dma_wait3A_225 = tpu.memref_slice %arg2[%run_scoped3A_2, %dma_wait3A_224] : memref<16x32xf32, #tpu.memory_space<hbm>> -> memref<1x32xf32, #tpu.memory_space<hbm>>
      %dma_wait3A_226 = tpu.memref_squeeze %dma_wait3A_225 : memref<1x32xf32, #tpu.memory_space<hbm>> -> memref<32xf32, #tpu.memory_space<hbm>>
      tpu.wait_dma2 semaphore(%run_scoped3A_214 : memref<!tpu.dma_semaphore, #tpu.memory_space<semaphore_mem>>) src(%dma_wait3A_226 : memref<32xf32, #tpu.memory_space<hbm>>) dst(%arg7 : memref<32xf32, #tpu.memory_space<vmem>>)
      tpu.yield
    }) : () -> ()
    %run_scoped3A_3 = arith.constant 3 : i32
    "tpu.region"() ({
      %run_scoped3A_214 = tpu.sem_alloc : memref<!tpu.dma_semaphore, #tpu.memory_space<semaphore_mem>>
      %dma_start3A_215 = arith.constant 0 : i32
      %dma_start3A_216 = tpu.memref_slice %arg2[%run_scoped3A_3, %dma_start3A_215] : memref<16x32xf32, #tpu.memory_space<hbm>> -> memref<1x32xf32, #tpu.memory_space<hbm>>
      %dma_start3A_217 = tpu.memref_squeeze %dma_start3A_216 : memref<1x32xf32, #tpu.memory_space<hbm>> -> memref<32xf32, #tpu.memory_space<hbm>>
      %dma_start3A_218 = arith.constant 0 : i32
      %dma_start3A_219 = tpu.memref_slice %arg2[%run_scoped3A_3, %dma_start3A_218] : memref<16x32xf32, #tpu.memory_space<hbm>> -> memref<1x32xf32, #tpu.memory_space<hbm>>
      %dma_start3A_220 = tpu.memref_squeeze %dma_start3A_219 : memref<1x32xf32, #tpu.memory_space<hbm>> -> memref<32xf32, #tpu.memory_space<hbm>>
      tpu.enqueue_dma source(%dma_start3A_220 : memref<32xf32, #tpu.memory_space<hbm>>) target(%arg8 : memref<32xf32, #tpu.memory_space<vmem>>) target_semaphore(%run_scoped3A_214 : memref<!tpu.dma_semaphore, #tpu.memory_space<semaphore_mem>>)
      %dma_wait3A_221 = arith.constant 0 : i32
      %dma_wait3A_222 = tpu.memref_slice %arg2[%run_scoped3A_3, %dma_wait3A_221] : memref<16x32xf32, #tpu.memory_space<hbm>> -> memref<1x32xf32, #tpu.memory_space<hbm>>
      %dma_wait3A_223 = tpu.memref_squeeze %dma_wait3A_222 : memref<1x32xf32, #tpu.memory_space<hbm>> -> memref<32xf32, #tpu.memory_space<hbm>>
      %dma_wait3A_224 = arith.constant 0 : i32
      %dma_wait3A_225 = tpu.memref_slice %arg2[%run_scoped3A_3, %dma_wait3A_224] : memref<16x32xf32, #tpu.memory_space<hbm>> -> memref<1x32xf32, #tpu.memory_space<hbm>>
      %dma_wait3A_226 = tpu.memref_squeeze %dma_wait3A_225 : memref<1x32xf32, #tpu.memory_space<hbm>> -> memref<32xf32, #tpu.memory_space<hbm>>
      tpu.wait_dma2 semaphore(%run_scoped3A_214 : memref<!tpu.dma_semaphore, #tpu.memory_space<semaphore_mem>>) src(%dma_wait3A_226 : memref<32xf32, #tpu.memory_space<hbm>>) dst(%arg8 : memref<32xf32, #tpu.memory_space<vmem>>)
      tpu.yield
    }) : () -> ()
    %run_scoped3A_4 = arith.constant 4 : i32
    "tpu.region"() ({
      %run_scoped3A_214 = tpu.sem_alloc : memref<!tpu.dma_semaphore, #tpu.memory_space<semaphore_mem>>
      %dma_start3A_215 = arith.constant 0 : i32
      %dma_start3A_216 = tpu.memref_slice %arg2[%run_scoped3A_4, %dma_start3A_215] : memref<16x32xf32, #tpu.memory_space<hbm>> -> memref<1x32xf32, #tpu.memory_space<hbm>>
      %dma_start3A_217 = tpu.memref_squeeze %dma_start3A_216 : memref<1x32xf32, #tpu.memory_space<hbm>> -> memref<32xf32, #tpu.memory_space<hbm>>
      %dma_start3A_218 = arith.constant 0 : i32
      %dma_start3A_219 = tpu.memref_slice %arg2[%run_scoped3A_4, %dma_start3A_218] : memref<16x32xf32, #tpu.memory_space<hbm>> -> memref<1x32xf32, #tpu.memory_space<hbm>>
      %dma_start3A_220 = tpu.memref_squeeze %dma_start3A_219 : memref<1x32xf32, #tpu.memory_space<hbm>> -> memref<32xf32, #tpu.memory_space<hbm>>
      tpu.enqueue_dma source(%dma_start3A_220 : memref<32xf32, #tpu.memory_space<hbm>>) target(%arg9 : memref<32xf32, #tpu.memory_space<vmem>>) target_semaphore(%run_scoped3A_214 : memref<!tpu.dma_semaphore, #tpu.memory_space<semaphore_mem>>)
      %dma_wait3A_221 = arith.constant 0 : i32
      %dma_wait3A_222 = tpu.memref_slice %arg2[%run_scoped3A_4, %dma_wait3A_221] : memref<16x32xf32, #tpu.memory_space<hbm>> -> memref<1x32xf32, #tpu.memory_space<hbm>>
      %dma_wait3A_223 = tpu.memref_squeeze %dma_wait3A_222 : memref<1x32xf32, #tpu.memory_space<hbm>> -> memref<32xf32, #tpu.memory_space<hbm>>
      %dma_wait3A_224 = arith.constant 0 : i32
      %dma_wait3A_225 = tpu.memref_slice %arg2[%run_scoped3A_4, %dma_wait3A_224] : memref<16x32xf32, #tpu.memory_space<hbm>> -> memref<1x32xf32, #tpu.memory_space<hbm>>
      %dma_wait3A_226 = tpu.memref_squeeze %dma_wait3A_225 : memref<1x32xf32, #tpu.memory_space<hbm>> -> memref<32xf32, #tpu.memory_space<hbm>>
      tpu.wait_dma2 semaphore(%run_scoped3A_214 : memref<!tpu.dma_semaphore, #tpu.memory_space<semaphore_mem>>) src(%dma_wait3A_226 : memref<32xf32, #tpu.memory_space<hbm>>) dst(%arg9 : memref<32xf32, #tpu.memory_space<vmem>>)
      tpu.yield
    }) : () -> ()
    %run_scoped3A_5 = arith.constant 5 : i32
    "tpu.region"() ({
      %run_scoped3A_214 = tpu.sem_alloc : memref<!tpu.dma_semaphore, #tpu.memory_space<semaphore_mem>>
      %dma_start3A_215 = arith.constant 0 : i32
      %dma_start3A_216 = tpu.memref_slice %arg2[%run_scoped3A_5, %dma_start3A_215] : memref<16x32xf32, #tpu.memory_space<hbm>> -> memref<1x32xf32, #tpu.memory_space<hbm>>
      %dma_start3A_217 = tpu.memref_squeeze %dma_start3A_216 : memref<1x32xf32, #tpu.memory_space<hbm>> -> memref<32xf32, #tpu.memory_space<hbm>>
      %dma_start3A_218 = arith.constant 0 : i32
      %dma_start3A_219 = tpu.memref_slice %arg2[%run_scoped3A_5, %dma_start3A_218] : memref<16x32xf32, #tpu.memory_space<hbm>> -> memref<1x32xf32, #tpu.memory_space<hbm>>
      %dma_start3A_220 = tpu.memref_squeeze %dma_start3A_219 : memref<1x32xf32, #tpu.memory_space<hbm>> -> memref<32xf32, #tpu.memory_space<hbm>>
      tpu.enqueue_dma source(%dma_start3A_220 : memref<32xf32, #tpu.memory_space<hbm>>) target(%arg10 : memref<32xf32, #tpu.memory_space<vmem>>) target_semaphore(%run_scoped3A_214 : memref<!tpu.dma_semaphore, #tpu.memory_space<semaphore_mem>>)
      %dma_wait3A_221 = arith.constant 0 : i32
      %dma_wait3A_222 = tpu.memref_slice %arg2[%run_scoped3A_5, %dma_wait3A_221] : memref<16x32xf32, #tpu.memory_space<hbm>> -> memref<1x32xf32, #tpu.memory_space<hbm>>
      %dma_wait3A_223 = tpu.memref_squeeze %dma_wait3A_222 : memref<1x32xf32, #tpu.memory_space<hbm>> -> memref<32xf32, #tpu.memory_space<hbm>>
      %dma_wait3A_224 = arith.constant 0 : i32
      %dma_wait3A_225 = tpu.memref_slice %arg2[%run_scoped3A_5, %dma_wait3A_224] : memref<16x32xf32, #tpu.memory_space<hbm>> -> memref<1x32xf32, #tpu.memory_space<hbm>>
      %dma_wait3A_226 = tpu.memref_squeeze %dma_wait3A_225 : memref<1x32xf32, #tpu.memory_space<hbm>> -> memref<32xf32, #tpu.memory_space<hbm>>
      tpu.wait_dma2 semaphore(%run_scoped3A_214 : memref<!tpu.dma_semaphore, #tpu.memory_space<semaphore_mem>>) src(%dma_wait3A_226 : memref<32xf32, #tpu.memory_space<hbm>>) dst(%arg10 : memref<32xf32, #tpu.memory_space<vmem>>)
      tpu.yield
    }) : () -> ()
    %run_scoped3A_6 = arith.constant 6 : i32
    "tpu.region"() ({
      %run_scoped3A_214 = tpu.sem_alloc : memref<!tpu.dma_semaphore, #tpu.memory_space<semaphore_mem>>
      %dma_start3A_215 = arith.constant 0 : i32
      %dma_start3A_216 = tpu.memref_slice %arg2[%run_scoped3A_6, %dma_start3A_215] : memref<16x32xf32, #tpu.memory_space<hbm>> -> memref<1x32xf32, #tpu.memory_space<hbm>>
      %dma_start3A_217 = tpu.memref_squeeze %dma_start3A_216 : memref<1x32xf32, #tpu.memory_space<hbm>> -> memref<32xf32, #tpu.memory_space<hbm>>
      %dma_start3A_218 = arith.constant 0 : i32
      %dma_start3A_219 = tpu.memref_slice %arg2[%run_scoped3A_6, %dma_start3A_218] : memref<16x32xf32, #tpu.memory_space<hbm>> -> memref<1x32xf32, #tpu.memory_space<hbm>>
      %dma_start3A_220 = tpu.memref_squeeze %dma_start3A_219 : memref<1x32xf32, #tpu.memory_space<hbm>> -> memref<32xf32, #tpu.memory_space<hbm>>
      tpu.enqueue_dma source(%dma_start3A_220 : memref<32xf32, #tpu.memory_space<hbm>>) target(%arg11 : memref<32xf32, #tpu.memory_space<vmem>>) target_semaphore(%run_scoped3A_214 : memref<!tpu.dma_semaphore, #tpu.memory_space<semaphore_mem>>)
      %dma_wait3A_221 = arith.constant 0 : i32
      %dma_wait3A_222 = tpu.memref_slice %arg2[%run_scoped3A_6, %dma_wait3A_221] : memref<16x32xf32, #tpu.memory_space<hbm>> -> memref<1x32xf32, #tpu.memory_space<hbm>>
      %dma_wait3A_223 = tpu.memref_squeeze %dma_wait3A_222 : memref<1x32xf32, #tpu.memory_space<hbm>> -> memref<32xf32, #tpu.memory_space<hbm>>
      %dma_wait3A_224 = arith.constant 0 : i32
      %dma_wait3A_225 = tpu.memref_slice %arg2[%run_scoped3A_6, %dma_wait3A_224] : memref<16x32xf32, #tpu.memory_space<hbm>> -> memref<1x32xf32, #tpu.memory_space<hbm>>
      %dma_wait3A_226 = tpu.memref_squeeze %dma_wait3A_225 : memref<1x32xf32, #tpu.memory_space<hbm>> -> memref<32xf32, #tpu.memory_space<hbm>>
      tpu.wait_dma2 semaphore(%run_scoped3A_214 : memref<!tpu.dma_semaphore, #tpu.memory_space<semaphore_mem>>) src(%dma_wait3A_226 : memref<32xf32, #tpu.memory_space<hbm>>) dst(%arg11 : memref<32xf32, #tpu.memory_space<vmem>>)
      tpu.yield
    }) : () -> ()
    %run_scoped3A_7 = arith.constant 7 : i32
    "tpu.region"() ({
      %run_scoped3A_214 = tpu.sem_alloc : memref<!tpu.dma_semaphore, #tpu.memory_space<semaphore_mem>>
      %dma_start3A_215 = arith.constant 0 : i32
      %dma_start3A_216 = tpu.memref_slice %arg2[%run_scoped3A_7, %dma_start3A_215] : memref<16x32xf32, #tpu.memory_space<hbm>> -> memref<1x32xf32, #tpu.memory_space<hbm>>
      %dma_start3A_217 = tpu.memref_squeeze %dma_start3A_216 : memref<1x32xf32, #tpu.memory_space<hbm>> -> memref<32xf32, #tpu.memory_space<hbm>>
      %dma_start3A_218 = arith.constant 0 : i32
      %dma_start3A_219 = tpu.memref_slice %arg2[%run_scoped3A_7, %dma_start3A_218] : memref<16x32xf32, #tpu.memory_space<hbm>> -> memref<1x32xf32, #tpu.memory_space<hbm>>
      %dma_start3A_220 = tpu.memref_squeeze %dma_start3A_219 : memref<1x32xf32, #tpu.memory_space<hbm>> -> memref<32xf32, #tpu.memory_space<hbm>>
      tpu.enqueue_dma source(%dma_start3A_220 : memref<32xf32, #tpu.memory_space<hbm>>) target(%arg12 : memref<32xf32, #tpu.memory_space<vmem>>) target_semaphore(%run_scoped3A_214 : memref<!tpu.dma_semaphore, #tpu.memory_space<semaphore_mem>>)
      %dma_wait3A_221 = arith.constant 0 : i32
      %dma_wait3A_222 = tpu.memref_slice %arg2[%run_scoped3A_7, %dma_wait3A_221] : memref<16x32xf32, #tpu.memory_space<hbm>> -> memref<1x32xf32, #tpu.memory_space<hbm>>
      %dma_wait3A_223 = tpu.memref_squeeze %dma_wait3A_222 : memref<1x32xf32, #tpu.memory_space<hbm>> -> memref<32xf32, #tpu.memory_space<hbm>>
      %dma_wait3A_224 = arith.constant 0 : i32
      %dma_wait3A_225 = tpu.memref_slice %arg2[%run_scoped3A_7, %dma_wait3A_224] : memref<16x32xf32, #tpu.memory_space<hbm>> -> memref<1x32xf32, #tpu.memory_space<hbm>>
      %dma_wait3A_226 = tpu.memref_squeeze %dma_wait3A_225 : memref<1x32xf32, #tpu.memory_space<hbm>> -> memref<32xf32, #tpu.memory_space<hbm>>
      tpu.wait_dma2 semaphore(%run_scoped3A_214 : memref<!tpu.dma_semaphore, #tpu.memory_space<semaphore_mem>>) src(%dma_wait3A_226 : memref<32xf32, #tpu.memory_space<hbm>>) dst(%arg12 : memref<32xf32, #tpu.memory_space<vmem>>)
      tpu.yield
    }) : () -> ()
    %run_scoped3A_8 = arith.constant 8 : i32
    "tpu.region"() ({
      %run_scoped3A_214 = tpu.sem_alloc : memref<!tpu.dma_semaphore, #tpu.memory_space<semaphore_mem>>
      %dma_start3A_215 = arith.constant 0 : i32
      %dma_start3A_216 = tpu.memref_slice %arg2[%run_scoped3A_8, %dma_start3A_215] : memref<16x32xf32, #tpu.memory_space<hbm>> -> memref<1x32xf32, #tpu.memory_space<hbm>>
      %dma_start3A_217 = tpu.memref_squeeze %dma_start3A_216 : memref<1x32xf32, #tpu.memory_space<hbm>> -> memref<32xf32, #tpu.memory_space<hbm>>
      %dma_start3A_218 = arith.constant 0 : i32
      %dma_start3A_219 = tpu.memref_slice %arg2[%run_scoped3A_8, %dma_start3A_218] : memref<16x32xf32, #tpu.memory_space<hbm>> -> memref<1x32xf32, #tpu.memory_space<hbm>>
      %dma_start3A_220 = tpu.memref_squeeze %dma_start3A_219 : memref<1x32xf32, #tpu.memory_space<hbm>> -> memref<32xf32, #tpu.memory_space<hbm>>
      tpu.enqueue_dma source(%dma_start3A_220 : memref<32xf32, #tpu.memory_space<hbm>>) target(%arg13 : memref<32xf32, #tpu.memory_space<vmem>>) target_semaphore(%run_scoped3A_214 : memref<!tpu.dma_semaphore, #tpu.memory_space<semaphore_mem>>)
      %dma_wait3A_221 = arith.constant 0 : i32
      %dma_wait3A_222 = tpu.memref_slice %arg2[%run_scoped3A_8, %dma_wait3A_221] : memref<16x32xf32, #tpu.memory_space<hbm>> -> memref<1x32xf32, #tpu.memory_space<hbm>>
      %dma_wait3A_223 = tpu.memref_squeeze %dma_wait3A_222 : memref<1x32xf32, #tpu.memory_space<hbm>> -> memref<32xf32, #tpu.memory_space<hbm>>
      %dma_wait3A_224 = arith.constant 0 : i32
      %dma_wait3A_225 = tpu.memref_slice %arg2[%run_scoped3A_8, %dma_wait3A_224] : memref<16x32xf32, #tpu.memory_space<hbm>> -> memref<1x32xf32, #tpu.memory_space<hbm>>
      %dma_wait3A_226 = tpu.memref_squeeze %dma_wait3A_225 : memref<1x32xf32, #tpu.memory_space<hbm>> -> memref<32xf32, #tpu.memory_space<hbm>>
      tpu.wait_dma2 semaphore(%run_scoped3A_214 : memref<!tpu.dma_semaphore, #tpu.memory_space<semaphore_mem>>) src(%dma_wait3A_226 : memref<32xf32, #tpu.memory_space<hbm>>) dst(%arg13 : memref<32xf32, #tpu.memory_space<vmem>>)
      tpu.yield
    }) : () -> ()
    %run_scoped3A_9 = arith.constant 9 : i32
    "tpu.region"() ({
      %run_scoped3A_214 = tpu.sem_alloc : memref<!tpu.dma_semaphore, #tpu.memory_space<semaphore_mem>>
      %dma_start3A_215 = arith.constant 0 : i32
      %dma_start3A_216 = tpu.memref_slice %arg2[%run_scoped3A_9, %dma_start3A_215] : memref<16x32xf32, #tpu.memory_space<hbm>> -> memref<1x32xf32, #tpu.memory_space<hbm>>
      %dma_start3A_217 = tpu.memref_squeeze %dma_start3A_216 : memref<1x32xf32, #tpu.memory_space<hbm>> -> memref<32xf32, #tpu.memory_space<hbm>>
      %dma_start3A_218 = arith.constant 0 : i32
      %dma_start3A_219 = tpu.memref_slice %arg2[%run_scoped3A_9, %dma_start3A_218] : memref<16x32xf32, #tpu.memory_space<hbm>> -> memref<1x32xf32, #tpu.memory_space<hbm>>
      %dma_start3A_220 = tpu.memref_squeeze %dma_start3A_219 : memref<1x32xf32, #tpu.memory_space<hbm>> -> memref<32xf32, #tpu.memory_space<hbm>>
      tpu.enqueue_dma source(%dma_start3A_220 : memref<32xf32, #tpu.memory_space<hbm>>) target(%arg14 : memref<32xf32, #tpu.memory_space<vmem>>) target_semaphore(%run_scoped3A_214 : memref<!tpu.dma_semaphore, #tpu.memory_space<semaphore_mem>>)
      %dma_wait3A_221 = arith.constant 0 : i32
      %dma_wait3A_222 = tpu.memref_slice %arg2[%run_scoped3A_9, %dma_wait3A_221] : memref<16x32xf32, #tpu.memory_space<hbm>> -> memref<1x32xf32, #tpu.memory_space<hbm>>
      %dma_wait3A_223 = tpu.memref_squeeze %dma_wait3A_222 : memref<1x32xf32, #tpu.memory_space<hbm>> -> memref<32xf32, #tpu.memory_space<hbm>>
      %dma_wait3A_224 = arith.constant 0 : i32
      %dma_wait3A_225 = tpu.memref_slice %arg2[%run_scoped3A_9, %dma_wait3A_224] : memref<16x32xf32, #tpu.memory_space<hbm>> -> memref<1x32xf32, #tpu.memory_space<hbm>>
      %dma_wait3A_226 = tpu.memref_squeeze %dma_wait3A_225 : memref<1x32xf32, #tpu.memory_space<hbm>> -> memref<32xf32, #tpu.memory_space<hbm>>
      tpu.wait_dma2 semaphore(%run_scoped3A_214 : memref<!tpu.dma_semaphore, #tpu.memory_space<semaphore_mem>>) src(%dma_wait3A_226 : memref<32xf32, #tpu.memory_space<hbm>>) dst(%arg14 : memref<32xf32, #tpu.memory_space<vmem>>)
      tpu.yield
    }) : () -> ()
    %run_scoped3A_10 = arith.constant 10 : i32
    "tpu.region"() ({
      %run_scoped3A_214 = tpu.sem_alloc : memref<!tpu.dma_semaphore, #tpu.memory_space<semaphore_mem>>
      %dma_start3A_215 = arith.constant 0 : i32
      %dma_start3A_216 = tpu.memref_slice %arg2[%run_scoped3A_10, %dma_start3A_215] : memref<16x32xf32, #tpu.memory_space<hbm>> -> memref<1x32xf32, #tpu.memory_space<hbm>>
      %dma_start3A_217 = tpu.memref_squeeze %dma_start3A_216 : memref<1x32xf32, #tpu.memory_space<hbm>> -> memref<32xf32, #tpu.memory_space<hbm>>
      %dma_start3A_218 = arith.constant 0 : i32
      %dma_start3A_219 = tpu.memref_slice %arg2[%run_scoped3A_10, %dma_start3A_218] : memref<16x32xf32, #tpu.memory_space<hbm>> -> memref<1x32xf32, #tpu.memory_space<hbm>>
      %dma_start3A_220 = tpu.memref_squeeze %dma_start3A_219 : memref<1x32xf32, #tpu.memory_space<hbm>> -> memref<32xf32, #tpu.memory_space<hbm>>
      tpu.enqueue_dma source(%dma_start3A_220 : memref<32xf32, #tpu.memory_space<hbm>>) target(%arg15 : memref<32xf32, #tpu.memory_space<vmem>>) target_semaphore(%run_scoped3A_214 : memref<!tpu.dma_semaphore, #tpu.memory_space<semaphore_mem>>)
      %dma_wait3A_221 = arith.constant 0 : i32
      %dma_wait3A_222 = tpu.memref_slice %arg2[%run_scoped3A_10, %dma_wait3A_221] : memref<16x32xf32, #tpu.memory_space<hbm>> -> memref<1x32xf32, #tpu.memory_space<hbm>>
      %dma_wait3A_223 = tpu.memref_squeeze %dma_wait3A_222 : memref<1x32xf32, #tpu.memory_space<hbm>> -> memref<32xf32, #tpu.memory_space<hbm>>
      %dma_wait3A_224 = arith.constant 0 : i32
      %dma_wait3A_225 = tpu.memref_slice %arg2[%run_scoped3A_10, %dma_wait3A_224] : memref<16x32xf32, #tpu.memory_space<hbm>> -> memref<1x32xf32, #tpu.memory_space<hbm>>
      %dma_wait3A_226 = tpu.memref_squeeze %dma_wait3A_225 : memref<1x32xf32, #tpu.memory_space<hbm>> -> memref<32xf32, #tpu.memory_space<hbm>>
      tpu.wait_dma2 semaphore(%run_scoped3A_214 : memref<!tpu.dma_semaphore, #tpu.memory_space<semaphore_mem>>) src(%dma_wait3A_226 : memref<32xf32, #tpu.memory_space<hbm>>) dst(%arg15 : memref<32xf32, #tpu.memory_space<vmem>>)
      tpu.yield
    }) : () -> ()
    %run_scoped3A_11 = arith.constant 11 : i32
    "tpu.region"() ({
      %run_scoped3A_214 = tpu.sem_alloc : memref<!tpu.dma_semaphore, #tpu.memory_space<semaphore_mem>>
      %dma_start3A_215 = arith.constant 0 : i32
      %dma_start3A_216 = tpu.memref_slice %arg2[%run_scoped3A_11, %dma_start3A_215] : memref<16x32xf32, #tpu.memory_space<hbm>> -> memref<1x32xf32, #tpu.memory_space<hbm>>
      %dma_start3A_217 = tpu.memref_squeeze %dma_start3A_216 : memref<1x32xf32, #tpu.memory_space<hbm>> -> memref<32xf32, #tpu.memory_space<hbm>>
      %dma_start3A_218 = arith.constant 0 : i32
      %dma_start3A_219 = tpu.memref_slice %arg2[%run_scoped3A_11, %dma_start3A_218] : memref<16x32xf32, #tpu.memory_space<hbm>> -> memref<1x32xf32, #tpu.memory_space<hbm>>
      %dma_start3A_220 = tpu.memref_squeeze %dma_start3A_219 : memref<1x32xf32, #tpu.memory_space<hbm>> -> memref<32xf32, #tpu.memory_space<hbm>>
      tpu.enqueue_dma source(%dma_start3A_220 : memref<32xf32, #tpu.memory_space<hbm>>) target(%arg16 : memref<32xf32, #tpu.memory_space<vmem>>) target_semaphore(%run_scoped3A_214 : memref<!tpu.dma_semaphore, #tpu.memory_space<semaphore_mem>>)
      %dma_wait3A_221 = arith.constant 0 : i32
      %dma_wait3A_222 = tpu.memref_slice %arg2[%run_scoped3A_11, %dma_wait3A_221] : memref<16x32xf32, #tpu.memory_space<hbm>> -> memref<1x32xf32, #tpu.memory_space<hbm>>
      %dma_wait3A_223 = tpu.memref_squeeze %dma_wait3A_222 : memref<1x32xf32, #tpu.memory_space<hbm>> -> memref<32xf32, #tpu.memory_space<hbm>>
      %dma_wait3A_224 = arith.constant 0 : i32
      %dma_wait3A_225 = tpu.memref_slice %arg2[%run_scoped3A_11, %dma_wait3A_224] : memref<16x32xf32, #tpu.memory_space<hbm>> -> memref<1x32xf32, #tpu.memory_space<hbm>>
      %dma_wait3A_226 = tpu.memref_squeeze %dma_wait3A_225 : memref<1x32xf32, #tpu.memory_space<hbm>> -> memref<32xf32, #tpu.memory_space<hbm>>
      tpu.wait_dma2 semaphore(%run_scoped3A_214 : memref<!tpu.dma_semaphore, #tpu.memory_space<semaphore_mem>>) src(%dma_wait3A_226 : memref<32xf32, #tpu.memory_space<hbm>>) dst(%arg16 : memref<32xf32, #tpu.memory_space<vmem>>)
      tpu.yield
    }) : () -> ()
    %run_scoped3A_12 = arith.constant 12 : i32
    "tpu.region"() ({
      %run_scoped3A_214 = tpu.sem_alloc : memref<!tpu.dma_semaphore, #tpu.memory_space<semaphore_mem>>
      %dma_start3A_215 = arith.constant 0 : i32
      %dma_start3A_216 = tpu.memref_slice %arg2[%run_scoped3A_12, %dma_start3A_215] : memref<16x32xf32, #tpu.memory_space<hbm>> -> memref<1x32xf32, #tpu.memory_space<hbm>>
      %dma_start3A_217 = tpu.memref_squeeze %dma_start3A_216 : memref<1x32xf32, #tpu.memory_space<hbm>> -> memref<32xf32, #tpu.memory_space<hbm>>
      %dma_start3A_218 = arith.constant 0 : i32
      %dma_start3A_219 = tpu.memref_slice %arg2[%run_scoped3A_12, %dma_start3A_218] : memref<16x32xf32, #tpu.memory_space<hbm>> -> memref<1x32xf32, #tpu.memory_space<hbm>>
      %dma_start3A_220 = tpu.memref_squeeze %dma_start3A_219 : memref<1x32xf32, #tpu.memory_space<hbm>> -> memref<32xf32, #tpu.memory_space<hbm>>
      tpu.enqueue_dma source(%dma_start3A_220 : memref<32xf32, #tpu.memory_space<hbm>>) target(%arg17 : memref<32xf32, #tpu.memory_space<vmem>>) target_semaphore(%run_scoped3A_214 : memref<!tpu.dma_semaphore, #tpu.memory_space<semaphore_mem>>)
      %dma_wait3A_221 = arith.constant 0 : i32
      %dma_wait3A_222 = tpu.memref_slice %arg2[%run_scoped3A_12, %dma_wait3A_221] : memref<16x32xf32, #tpu.memory_space<hbm>> -> memref<1x32xf32, #tpu.memory_space<hbm>>
      %dma_wait3A_223 = tpu.memref_squeeze %dma_wait3A_222 : memref<1x32xf32, #tpu.memory_space<hbm>> -> memref<32xf32, #tpu.memory_space<hbm>>
      %dma_wait3A_224 = arith.constant 0 : i32
      %dma_wait3A_225 = tpu.memref_slice %arg2[%run_scoped3A_12, %dma_wait3A_224] : memref<16x32xf32, #tpu.memory_space<hbm>> -> memref<1x32xf32, #tpu.memory_space<hbm>>
      %dma_wait3A_226 = tpu.memref_squeeze %dma_wait3A_225 : memref<1x32xf32, #tpu.memory_space<hbm>> -> memref<32xf32, #tpu.memory_space<hbm>>
      tpu.wait_dma2 semaphore(%run_scoped3A_214 : memref<!tpu.dma_semaphore, #tpu.memory_space<semaphore_mem>>) src(%dma_wait3A_226 : memref<32xf32, #tpu.memory_space<hbm>>) dst(%arg17 : memref<32xf32, #tpu.memory_space<vmem>>)
      tpu.yield
    }) : () -> ()
    %run_scoped3A_13 = arith.constant 13 : i32
    "tpu.region"() ({
      %run_scoped3A_214 = tpu.sem_alloc : memref<!tpu.dma_semaphore, #tpu.memory_space<semaphore_mem>>
      %dma_start3A_215 = arith.constant 0 : i32
      %dma_start3A_216 = tpu.memref_slice %arg2[%run_scoped3A_13, %dma_start3A_215] : memref<16x32xf32, #tpu.memory_space<hbm>> -> memref<1x32xf32, #tpu.memory_space<hbm>>
      %dma_start3A_217 = tpu.memref_squeeze %dma_start3A_216 : memref<1x32xf32, #tpu.memory_space<hbm>> -> memref<32xf32, #tpu.memory_space<hbm>>
      %dma_start3A_218 = arith.constant 0 : i32
      %dma_start3A_219 = tpu.memref_slice %arg2[%run_scoped3A_13, %dma_start3A_218] : memref<16x32xf32, #tpu.memory_space<hbm>> -> memref<1x32xf32, #tpu.memory_space<hbm>>
      %dma_start3A_220 = tpu.memref_squeeze %dma_start3A_219 : memref<1x32xf32, #tpu.memory_space<hbm>> -> memref<32xf32, #tpu.memory_space<hbm>>
      tpu.enqueue_dma source(%dma_start3A_220 : memref<32xf32, #tpu.memory_space<hbm>>) target(%arg18 : memref<32xf32, #tpu.memory_space<vmem>>) target_semaphore(%run_scoped3A_214 : memref<!tpu.dma_semaphore, #tpu.memory_space<semaphore_mem>>)
      %dma_wait3A_221 = arith.constant 0 : i32
      %dma_wait3A_222 = tpu.memref_slice %arg2[%run_scoped3A_13, %dma_wait3A_221] : memref<16x32xf32, #tpu.memory_space<hbm>> -> memref<1x32xf32, #tpu.memory_space<hbm>>
      %dma_wait3A_223 = tpu.memref_squeeze %dma_wait3A_222 : memref<1x32xf32, #tpu.memory_space<hbm>> -> memref<32xf32, #tpu.memory_space<hbm>>
      %dma_wait3A_224 = arith.constant 0 : i32
      %dma_wait3A_225 = tpu.memref_slice %arg2[%run_scoped3A_13, %dma_wait3A_224] : memref<16x32xf32, #tpu.memory_space<hbm>> -> memref<1x32xf32, #tpu.memory_space<hbm>>
      %dma_wait3A_226 = tpu.memref_squeeze %dma_wait3A_225 : memref<1x32xf32, #tpu.memory_space<hbm>> -> memref<32xf32, #tpu.memory_space<hbm>>
      tpu.wait_dma2 semaphore(%run_scoped3A_214 : memref<!tpu.dma_semaphore, #tpu.memory_space<semaphore_mem>>) src(%dma_wait3A_226 : memref<32xf32, #tpu.memory_space<hbm>>) dst(%arg18 : memref<32xf32, #tpu.memory_space<vmem>>)
      tpu.yield
    }) : () -> ()
    %run_scoped3A_14 = arith.constant 14 : i32
    "tpu.region"() ({
      %run_scoped3A_214 = tpu.sem_alloc : memref<!tpu.dma_semaphore, #tpu.memory_space<semaphore_mem>>
      %dma_start3A_215 = arith.constant 0 : i32
      %dma_start3A_216 = tpu.memref_slice %arg2[%run_scoped3A_14, %dma_start3A_215] : memref<16x32xf32, #tpu.memory_space<hbm>> -> memref<1x32xf32, #tpu.memory_space<hbm>>
      %dma_start3A_217 = tpu.memref_squeeze %dma_start3A_216 : memref<1x32xf32, #tpu.memory_space<hbm>> -> memref<32xf32, #tpu.memory_space<hbm>>
      %dma_start3A_218 = arith.constant 0 : i32
      %dma_start3A_219 = tpu.memref_slice %arg2[%run_scoped3A_14, %dma_start3A_218] : memref<16x32xf32, #tpu.memory_space<hbm>> -> memref<1x32xf32, #tpu.memory_space<hbm>>
      %dma_start3A_220 = tpu.memref_squeeze %dma_start3A_219 : memref<1x32xf32, #tpu.memory_space<hbm>> -> memref<32xf32, #tpu.memory_space<hbm>>
      tpu.enqueue_dma source(%dma_start3A_220 : memref<32xf32, #tpu.memory_space<hbm>>) target(%arg19 : memref<32xf32, #tpu.memory_space<vmem>>) target_semaphore(%run_scoped3A_214 : memref<!tpu.dma_semaphore, #tpu.memory_space<semaphore_mem>>)
      %dma_wait3A_221 = arith.constant 0 : i32
      %dma_wait3A_222 = tpu.memref_slice %arg2[%run_scoped3A_14, %dma_wait3A_221] : memref<16x32xf32, #tpu.memory_space<hbm>> -> memref<1x32xf32, #tpu.memory_space<hbm>>
      %dma_wait3A_223 = tpu.memref_squeeze %dma_wait3A_222 : memref<1x32xf32, #tpu.memory_space<hbm>> -> memref<32xf32, #tpu.memory_space<hbm>>
      %dma_wait3A_224 = arith.constant 0 : i32
      %dma_wait3A_225 = tpu.memref_slice %arg2[%run_scoped3A_14, %dma_wait3A_224] : memref<16x32xf32, #tpu.memory_space<hbm>> -> memref<1x32xf32, #tpu.memory_space<hbm>>
      %dma_wait3A_226 = tpu.memref_squeeze %dma_wait3A_225 : memref<1x32xf32, #tpu.memory_space<hbm>> -> memref<32xf32, #tpu.memory_space<hbm>>
      tpu.wait_dma2 semaphore(%run_scoped3A_214 : memref<!tpu.dma_semaphore, #tpu.memory_space<semaphore_mem>>) src(%dma_wait3A_226 : memref<32xf32, #tpu.memory_space<hbm>>) dst(%arg19 : memref<32xf32, #tpu.memory_space<vmem>>)
      tpu.yield
    }) : () -> ()
    %run_scoped3A_15 = arith.constant 15 : i32
    "tpu.region"() ({
      %run_scoped3A_214 = tpu.sem_alloc : memref<!tpu.dma_semaphore, #tpu.memory_space<semaphore_mem>>
      %dma_start3A_215 = arith.constant 0 : i32
      %dma_start3A_216 = tpu.memref_slice %arg2[%run_scoped3A_15, %dma_start3A_215] : memref<16x32xf32, #tpu.memory_space<hbm>> -> memref<1x32xf32, #tpu.memory_space<hbm>>
      %dma_start3A_217 = tpu.memref_squeeze %dma_start3A_216 : memref<1x32xf32, #tpu.memory_space<hbm>> -> memref<32xf32, #tpu.memory_space<hbm>>
      %dma_start3A_218 = arith.constant 0 : i32
      %dma_start3A_219 = tpu.memref_slice %arg2[%run_scoped3A_15, %dma_start3A_218] : memref<16x32xf32, #tpu.memory_space<hbm>> -> memref<1x32xf32, #tpu.memory_space<hbm>>
      %dma_start3A_220 = tpu.memref_squeeze %dma_start3A_219 : memref<1x32xf32, #tpu.memory_space<hbm>> -> memref<32xf32, #tpu.memory_space<hbm>>
      tpu.enqueue_dma source(%dma_start3A_220 : memref<32xf32, #tpu.memory_space<hbm>>) target(%arg20 : memref<32xf32, #tpu.memory_space<vmem>>) target_semaphore(%run_scoped3A_214 : memref<!tpu.dma_semaphore, #tpu.memory_space<semaphore_mem>>)
      %dma_wait3A_221 = arith.constant 0 : i32
      %dma_wait3A_222 = tpu.memref_slice %arg2[%run_scoped3A_15, %dma_wait3A_221] : memref<16x32xf32, #tpu.memory_space<hbm>> -> memref<1x32xf32, #tpu.memory_space<hbm>>
      %dma_wait3A_223 = tpu.memref_squeeze %dma_wait3A_222 : memref<1x32xf32, #tpu.memory_space<hbm>> -> memref<32xf32, #tpu.memory_space<hbm>>
      %dma_wait3A_224 = arith.constant 0 : i32
      %dma_wait3A_225 = tpu.memref_slice %arg2[%run_scoped3A_15, %dma_wait3A_224] : memref<16x32xf32, #tpu.memory_space<hbm>> -> memref<1x32xf32, #tpu.memory_space<hbm>>
      %dma_wait3A_226 = tpu.memref_squeeze %dma_wait3A_225 : memref<1x32xf32, #tpu.memory_space<hbm>> -> memref<32xf32, #tpu.memory_space<hbm>>
      tpu.wait_dma2 semaphore(%run_scoped3A_214 : memref<!tpu.dma_semaphore, #tpu.memory_space<semaphore_mem>>) src(%dma_wait3A_226 : memref<32xf32, #tpu.memory_space<hbm>>) dst(%arg20 : memref<32xf32, #tpu.memory_space<vmem>>)
      tpu.yield
    }) : () -> ()
    %mul3A_16 = arith.constant 512 : i32
    %mul3A_17 = arith.muli %add3A, %mul3A_16 : i32
    "tpu.region"() ({
      %run_scoped3A_214 = tpu.sem_alloc : memref<!tpu.dma_semaphore, #tpu.memory_space<semaphore_mem>>
      %dma_start3A_215 = arith.constant 0 : i32
      %dma_start3A_216 = tpu.memref_slice %arg3[%dma_start3A_215, %mul3A_17] : memref<50x16384xi32, #tpu.memory_space<hbm>> -> memref<50x512xi32, #tpu.memory_space<hbm>>
      %dma_start3A_217 = arith.constant 0 : i32
      %dma_start3A_218 = tpu.memref_slice %arg3[%dma_start3A_217, %mul3A_17] : memref<50x16384xi32, #tpu.memory_space<hbm>> -> memref<50x512xi32, #tpu.memory_space<hbm>>
      tpu.enqueue_dma source(%dma_start3A_218 : memref<50x512xi32, #tpu.memory_space<hbm>>) target(%arg21 : memref<50x512xi32, #tpu.memory_space<vmem>>) target_semaphore(%run_scoped3A_214 : memref<!tpu.dma_semaphore, #tpu.memory_space<semaphore_mem>>)
      %dma_wait3A_219 = arith.constant 0 : i32
      %dma_wait3A_220 = tpu.memref_slice %arg3[%dma_wait3A_219, %mul3A_17] : memref<50x16384xi32, #tpu.memory_space<hbm>> -> memref<50x512xi32, #tpu.memory_space<hbm>>
      %dma_wait3A_221 = arith.constant 0 : i32
      %dma_wait3A_222 = tpu.memref_slice %arg3[%dma_wait3A_221, %mul3A_17] : memref<50x16384xi32, #tpu.memory_space<hbm>> -> memref<50x512xi32, #tpu.memory_space<hbm>>
      tpu.wait_dma2 semaphore(%run_scoped3A_214 : memref<!tpu.dma_semaphore, #tpu.memory_space<semaphore_mem>>) src(%dma_wait3A_222 : memref<50x512xi32, #tpu.memory_space<hbm>>) dst(%arg21 : memref<50x512xi32, #tpu.memory_space<vmem>>)
      tpu.yield
    }) : () -> ()
    %scan3A = arith.constant 0 : i32
    %scan3A_18 = arith.constant 32 : i32
    %scan3A_19 = arith.addi %scan3A, %scan3A_18 : i32
    %scan3A_20 = arith.constant 4 : i32
    scf.for %scan3A_214 = %scan3A to %scan3A_19 step %scan3A_20  : i32 {
      %mul3A_215 = arith.constant 1 : i32
      %mul3A_216 = arith.muli %scan3A_214, %mul3A_215 : i32
      %add3A_217 = arith.constant 0 : i32
      %add3A_218 = arith.addi %add3A_217, %mul3A_216 : i32
      %jit3A = arith.constant 8 : i32
      %div3A = arith.divsi %add3A_218, %jit3A : i32
      %sign3A = arith.constant 0 : i32
      %sign3A_219 = arith.cmpi sgt, %add3A_218, %sign3A : i32
      %sign3A_220 = arith.extui %sign3A_219 : i1 to i32
      %sign3A_221 = arith.constant 0 : i32
      %sign3A_222 = arith.cmpi slt, %add3A_218, %sign3A_221 : i32
      %sign3A_223 = arith.extui %sign3A_222 : i1 to i32
      %sign3A_224 = arith.subi %sign3A_220, %sign3A_223 : i32
      %sign3A_225 = arith.constant 0 : i32
      %sign3A_226 = arith.cmpi sgt, %jit3A, %sign3A_225 : i32
      %sign3A_227 = arith.extui %sign3A_226 : i1 to i32
      %sign3A_228 = arith.constant 0 : i32
      %sign3A_229 = arith.cmpi slt, %jit3A, %sign3A_228 : i32
      %sign3A_230 = arith.extui %sign3A_229 : i1 to i32
      %sign3A_231 = arith.subi %sign3A_227, %sign3A_230 : i32
      %ne3A = arith.cmpi ne, %sign3A_224, %sign3A_231 : i32
      %rem3A = arith.remsi %add3A_218, %jit3A : i32
      %ne3A_232 = arith.constant 0 : i32
      %ne3A_233 = arith.cmpi ne, %rem3A, %ne3A_232 : i32
      %and3A = arith.andi %ne3A, %ne3A_233 : i1
      %sub3A = arith.constant 1 : i32
      %sub3A_234 = arith.subi %div3A, %sub3A : i32
      %select_n3A = arith.select %and3A, %sub3A_234, %div3A : i32
      %jit3A_235 = arith.constant 8 : i32
      %eq3A = arith.constant 0 : i32
      %eq3A_236 = arith.cmpi eq, %jit3A_235, %eq3A : i32
      %jit3A_237 = arith.constant 1 : i32
      %select_n3A_238 = arith.select %eq3A_236, %jit3A_237, %jit3A_235 : i32
      %rem3A_239 = arith.remsi %add3A_218, %select_n3A_238 : i32
      %ne3A_240 = arith.constant 0 : i32
      %ne3A_241 = arith.cmpi ne, %rem3A_239, %ne3A_240 : i32
      %lt3A = arith.constant 0 : i32
      %lt3A_242 = arith.cmpi slt, %rem3A_239, %lt3A : i32
      %lt3A_243 = arith.constant 0 : i32
      %lt3A_244 = arith.cmpi slt, %select_n3A_238, %lt3A_243 : i32
      %ne3A_245 = arith.xori %lt3A_242, %lt3A_244 : i1
      %and3A_246 = arith.andi %ne3A_245, %ne3A_241 : i1
      %add3A_247 = arith.addi %rem3A_239, %select_n3A_238 : i32
      %select_n3A_248 = arith.select %and3A_246, %add3A_247, %rem3A_239 : i32
      %mul3A_249 = arith.constant 16 : i32
      %mul3A_250 = arith.muli %select_n3A_248, %mul3A_249 : i32
      %mul3A_251 = arith.constant 16 : i32
      %mul3A_252 = arith.muli %add3A_218, %mul3A_251 : i32
      %get3A = arith.constant 0 : i32
      %get3A_253 = arith.index_cast %get3A : i32 to index
      %get3A_254 = arith.index_cast %mul3A_252 : i32 to index
      %get3A_255 = tpu.vector_load %arg21[%get3A_253, %get3A_254] {strides = array<i32>} : memref<50x512xi32, #tpu.memory_space<vmem>>, vector<16xi32>,
      %gather3A = tpu.vector_load_idx %arg5[%get3A_255] : memref<32xf32, #tpu.memory_space<vmem>>[vector<16xi32>], vector<16xf32>,
      %swap3A = arith.constant 0 : i32
      %swap3A_256 = arith.constant 0 : i32
      %swap3A_257 = arith.index_cast %swap3A : i32 to index
      %swap3A_258 = arith.index_cast %select_n3A : i32 to index
      %swap3A_259 = arith.index_cast %swap3A_256 : i32 to index
      %swap3A_260 = arith.index_cast %mul3A_250 : i32 to index
      %swap3A_261 = tpu.vector_load %arg22[%swap3A_257, %swap3A_258, %swap3A_259, %swap3A_260] {strides = array<i32>} : memref<2x4x8x128xf32, #tpu.memory_space<vmem>>, vector<16xf32>,
      tpu.vector_store %arg22[%swap3A_257, %swap3A_258, %swap3A_259, %swap3A_260], %gather3A {strides = array<i32>} : memref<2x4x8x128xf32, #tpu.memory_space<vmem>>, vector<16xf32>,
      %gather3A_262 = tpu.vector_load_idx %arg6[%get3A_255] : memref<32xf32, #tpu.memory_space<vmem>>[vector<16xi32>], vector<16xf32>,
      %swap3A_263 = arith.constant 0 : i32
      %swap3A_264 = arith.constant 1 : i32
      %swap3A_265 = arith.index_cast %swap3A_263 : i32 to index
      %swap3A_266 = arith.index_cast %select_n3A : i32 to index
      %swap3A_267 = arith.index_cast %swap3A_264 : i32 to index
      %swap3A_268 = arith.index_cast %mul3A_250 : i32 to index
      %swap3A_269 = tpu.vector_load %arg22[%swap3A_265, %swap3A_266, %swap3A_267, %swap3A_268] {strides = array<i32>} : memref<2x4x8x128xf32, #tpu.memory_space<vmem>>, vector<16xf32>,
      tpu.vector_store %arg22[%swap3A_265, %swap3A_266, %swap3A_267, %swap3A_268], %gather3A_262 {strides = array<i32>} : memref<2x4x8x128xf32, #tpu.memory_space<vmem>>, vector<16xf32>,
      %gather3A_270 = tpu.vector_load_idx %arg7[%get3A_255] : memref<32xf32, #tpu.memory_space<vmem>>[vector<16xi32>], vector<16xf32>,
      %swap3A_271 = arith.constant 0 : i32
      %swap3A_272 = arith.constant 2 : i32
      %swap3A_273 = arith.index_cast %swap3A_271 : i32 to index
      %swap3A_274 = arith.index_cast %select_n3A : i32 to index
      %swap3A_275 = arith.index_cast %swap3A_272 : i32 to index
      %swap3A_276 = arith.index_cast %mul3A_250 : i32 to index
      %swap3A_277 = tpu.vector_load %arg22[%swap3A_273, %swap3A_274, %swap3A_275, %swap3A_276] {strides = array<i32>} : memref<2x4x8x128xf32, #tpu.memory_space<vmem>>, vector<16xf32>,
      tpu.vector_store %arg22[%swap3A_273, %swap3A_274, %swap3A_275, %swap3A_276], %gather3A_270 {strides = array<i32>} : memref<2x4x8x128xf32, #tpu.memory_space<vmem>>, vector<16xf32>,
      %gather3A_278 = tpu.vector_load_idx %arg8[%get3A_255] : memref<32xf32, #tpu.memory_space<vmem>>[vector<16xi32>], vector<16xf32>,
      %swap3A_279 = arith.constant 0 : i32
      %swap3A_280 = arith.constant 3 : i32
      %swap3A_281 = arith.index_cast %swap3A_279 : i32 to index
      %swap3A_282 = arith.index_cast %select_n3A : i32 to index
      %swap3A_283 = arith.index_cast %swap3A_280 : i32 to index
      %swap3A_284 = arith.index_cast %mul3A_250 : i32 to index
      %swap3A_285 = tpu.vector_load %arg22[%swap3A_281, %swap3A_282, %swap3A_283, %swap3A_284] {strides = array<i32>} : memref<2x4x8x128xf32, #tpu.memory_space<vmem>>, vector<16xf32>,
      tpu.vector_store %arg22[%swap3A_281, %swap3A_282, %swap3A_283, %swap3A_284], %gather3A_278 {strides = array<i32>} : memref<2x4x8x128xf32, #tpu.memory_space<vmem>>, vector<16xf32>,
      %gather3A_286 = tpu.vector_load_idx %arg9[%get3A_255] : memref<32xf32, #tpu.memory_space<vmem>>[vector<16xi32>], vector<16xf32>,
      %swap3A_287 = arith.constant 0 : i32
      %swap3A_288 = arith.constant 4 : i32
      %swap3A_289 = arith.index_cast %swap3A_287 : i32 to index
      %swap3A_290 = arith.index_cast %select_n3A : i32 to index
      %swap3A_291 = arith.index_cast %swap3A_288 : i32 to index
      %swap3A_292 = arith.index_cast %mul3A_250 : i32 to index
      %swap3A_293 = tpu.vector_load %arg22[%swap3A_289, %swap3A_290, %swap3A_291, %swap3A_292] {strides = array<i32>} : memref<2x4x8x128xf32, #tpu.memory_space<vmem>>, vector<16xf32>,
      tpu.vector_store %arg22[%swap3A_289, %swap3A_290, %swap3A_291, %swap3A_292], %gather3A_286 {strides = array<i32>} : memref<2x4x8x128xf32, #tpu.memory_space<vmem>>, vector<16xf32>,
      %gather3A_294 = tpu.vector_load_idx %arg10[%get3A_255] : memref<32xf32, #tpu.memory_space<vmem>>[vector<16xi32>], vector<16xf32>,
      %swap3A_295 = arith.constant 0 : i32
      %swap3A_296 = arith.constant 5 : i32
      %swap3A_297 = arith.index_cast %swap3A_295 : i32 to index
      %swap3A_298 = arith.index_cast %select_n3A : i32 to index
      %swap3A_299 = arith.index_cast %swap3A_296 : i32 to index
      %swap3A_300 = arith.index_cast %mul3A_250 : i32 to index
      %swap3A_301 = tpu.vector_load %arg22[%swap3A_297, %swap3A_298, %swap3A_299, %swap3A_300] {strides = array<i32>} : memref<2x4x8x128xf32, #tpu.memory_space<vmem>>, vector<16xf32>,
      tpu.vector_store %arg22[%swap3A_297, %swap3A_298, %swap3A_299, %swap3A_300], %gather3A_294 {strides = array<i32>} : memref<2x4x8x128xf32, #tpu.memory_space<vmem>>, vector<16xf32>,
      %gather3A_302 = tpu.vector_load_idx %arg11[%get3A_255] : memref<32xf32, #tpu.memory_space<vmem>>[vector<16xi32>], vector<16xf32>,
      %swap3A_303 = arith.constant 0 : i32
      %swap3A_304 = arith.constant 6 : i32
      %swap3A_305 = arith.index_cast %swap3A_303 : i32 to index
      %swap3A_306 = arith.index_cast %select_n3A : i32 to index
      %swap3A_307 = arith.index_cast %swap3A_304 : i32 to index
      %swap3A_308 = arith.index_cast %mul3A_250 : i32 to index
      %swap3A_309 = tpu.vector_load %arg22[%swap3A_305, %swap3A_306, %swap3A_307, %swap3A_308] {strides = array<i32>} : memref<2x4x8x128xf32, #tpu.memory_space<vmem>>, vector<16xf32>,
      tpu.vector_store %arg22[%swap3A_305, %swap3A_306, %swap3A_307, %swap3A_308], %gather3A_302 {strides = array<i32>} : memref<2x4x8x128xf32, #tpu.memory_space<vmem>>, vector<16xf32>,
      %gather3A_310 = tpu.vector_load_idx %arg12[%get3A_255] : memref<32xf32, #tpu.memory_space<vmem>>[vector<16xi32>], vector<16xf32>,
      %swap3A_311 = arith.constant 0 : i32
      %swap3A_312 = arith.constant 7 : i32
      %swap3A_313 = arith.index_cast %swap3A_311 : i32 to index
      %swap3A_314 = arith.index_cast %select_n3A : i32 to index
      %swap3A_315 = arith.index_cast %swap3A_312 : i32 to index
      %swap3A_316 = arith.index_cast %mul3A_250 : i32 to index
      %swap3A_317 = tpu.vector_load %arg22[%swap3A_313, %swap3A_314, %swap3A_315, %swap3A_316] {strides = array<i32>} : memref<2x4x8x128xf32, #tpu.memory_space<vmem>>, vector<16xf32>,
      tpu.vector_store %arg22[%swap3A_313, %swap3A_314, %swap3A_315, %swap3A_316], %gather3A_310 {strides = array<i32>} : memref<2x4x8x128xf32, #tpu.memory_space<vmem>>, vector<16xf32>,
      %gather3A_318 = tpu.vector_load_idx %arg13[%get3A_255] : memref<32xf32, #tpu.memory_space<vmem>>[vector<16xi32>], vector<16xf32>,
      %swap3A_319 = arith.constant 1 : i32
      %swap3A_320 = arith.constant 0 : i32
      %swap3A_321 = arith.index_cast %swap3A_319 : i32 to index
      %swap3A_322 = arith.index_cast %select_n3A : i32 to index
      %swap3A_323 = arith.index_cast %swap3A_320 : i32 to index
      %swap3A_324 = arith.index_cast %mul3A_250 : i32 to index
      %swap3A_325 = tpu.vector_load %arg22[%swap3A_321, %swap3A_322, %swap3A_323, %swap3A_324] {strides = array<i32>} : memref<2x4x8x128xf32, #tpu.memory_space<vmem>>, vector<16xf32>,
      tpu.vector_store %arg22[%swap3A_321, %swap3A_322, %swap3A_323, %swap3A_324], %gather3A_318 {strides = array<i32>} : memref<2x4x8x128xf32, #tpu.memory_space<vmem>>, vector<16xf32>,
      %gather3A_326 = tpu.vector_load_idx %arg14[%get3A_255] : memref<32xf32, #tpu.memory_space<vmem>>[vector<16xi32>], vector<16xf32>,
      %swap3A_327 = arith.constant 1 : i32
      %swap3A_328 = arith.constant 1 : i32
      %swap3A_329 = arith.index_cast %swap3A_327 : i32 to index
      %swap3A_330 = arith.index_cast %select_n3A : i32 to index
      %swap3A_331 = arith.index_cast %swap3A_328 : i32 to index
      %swap3A_332 = arith.index_cast %mul3A_250 : i32 to index
      %swap3A_333 = tpu.vector_load %arg22[%swap3A_329, %swap3A_330, %swap3A_331, %swap3A_332] {strides = array<i32>} : memref<2x4x8x128xf32, #tpu.memory_space<vmem>>, vector<16xf32>,
      tpu.vector_store %arg22[%swap3A_329, %swap3A_330, %swap3A_331, %swap3A_332], %gather3A_326 {strides = array<i32>} : memref<2x4x8x128xf32, #tpu.memory_space<vmem>>, vector<16xf32>,
      %gather3A_334 = tpu.vector_load_idx %arg15[%get3A_255] : memref<32xf32, #tpu.memory_space<vmem>>[vector<16xi32>], vector<16xf32>,
      %swap3A_335 = arith.constant 1 : i32
      %swap3A_336 = arith.constant 2 : i32
      %swap3A_337 = arith.index_cast %swap3A_335 : i32 to index
      %swap3A_338 = arith.index_cast %select_n3A : i32 to index
      %swap3A_339 = arith.index_cast %swap3A_336 : i32 to index
      %swap3A_340 = arith.index_cast %mul3A_250 : i32 to index
      %swap3A_341 = tpu.vector_load %arg22[%swap3A_337, %swap3A_338, %swap3A_339, %swap3A_340] {strides = array<i32>} : memref<2x4x8x128xf32, #tpu.memory_space<vmem>>, vector<16xf32>,
      tpu.vector_store %arg22[%swap3A_337, %swap3A_338, %swap3A_339, %swap3A_340], %gather3A_334 {strides = array<i32>} : memref<2x4x8x128xf32, #tpu.memory_space<vmem>>, vector<16xf32>,
      %gather3A_342 = tpu.vector_load_idx %arg16[%get3A_255] : memref<32xf32, #tpu.memory_space<vmem>>[vector<16xi32>], vector<16xf32>,
      %swap3A_343 = arith.constant 1 : i32
      %swap3A_344 = arith.constant 3 : i32
      %swap3A_345 = arith.index_cast %swap3A_343 : i32 to index
      %swap3A_346 = arith.index_cast %select_n3A : i32 to index
      %swap3A_347 = arith.index_cast %swap3A_344 : i32 to index
      %swap3A_348 = arith.index_cast %mul3A_250 : i32 to index
      %swap3A_349 = tpu.vector_load %arg22[%swap3A_345, %swap3A_346, %swap3A_347, %swap3A_348] {strides = array<i32>} : memref<2x4x8x128xf32, #tpu.memory_space<vmem>>, vector<16xf32>,
      tpu.vector_store %arg22[%swap3A_345, %swap3A_346, %swap3A_347, %swap3A_348], %gather3A_342 {strides = array<i32>} : memref<2x4x8x128xf32, #tpu.memory_space<vmem>>, vector<16xf32>,
      %gather3A_350 = tpu.vector_load_idx %arg17[%get3A_255] : memref<32xf32, #tpu.memory_space<vmem>>[vector<16xi32>], vector<16xf32>,
      %swap3A_351 = arith.constant 1 : i32
      %swap3A_352 = arith.constant 4 : i32
      %swap3A_353 = arith.index_cast %swap3A_351 : i32 to index
      %swap3A_354 = arith.index_cast %select_n3A : i32 to index
      %swap3A_355 = arith.index_cast %swap3A_352 : i32 to index
      %swap3A_356 = arith.index_cast %mul3A_250 : i32 to index
      %swap3A_357 = tpu.vector_load %arg22[%swap3A_353, %swap3A_354, %swap3A_355, %swap3A_356] {strides = array<i32>} : memref<2x4x8x128xf32, #tpu.memory_space<vmem>>, vector<16xf32>,
      tpu.vector_store %arg22[%swap3A_353, %swap3A_354, %swap3A_355, %swap3A_356], %gather3A_350 {strides = array<i32>} : memref<2x4x8x128xf32, #tpu.memory_space<vmem>>, vector<16xf32>,
      %gather3A_358 = tpu.vector_load_idx %arg18[%get3A_255] : memref<32xf32, #tpu.memory_space<vmem>>[vector<16xi32>], vector<16xf32>,
      %swap3A_359 = arith.constant 1 : i32
      %swap3A_360 = arith.constant 5 : i32
      %swap3A_361 = arith.index_cast %swap3A_359 : i32 to index
      %swap3A_362 = arith.index_cast %select_n3A : i32 to index
      %swap3A_363 = arith.index_cast %swap3A_360 : i32 to index
      %swap3A_364 = arith.index_cast %mul3A_250 : i32 to index
      %swap3A_365 = tpu.vector_load %arg22[%swap3A_361, %swap3A_362, %swap3A_363, %swap3A_364] {strides = array<i32>} : memref<2x4x8x128xf32, #tpu.memory_space<vmem>>, vector<16xf32>,
      tpu.vector_store %arg22[%swap3A_361, %swap3A_362, %swap3A_363, %swap3A_364], %gather3A_358 {strides = array<i32>} : memref<2x4x8x128xf32, #tpu.memory_space<vmem>>, vector<16xf32>,
      %gather3A_366 = tpu.vector_load_idx %arg19[%get3A_255] : memref<32xf32, #tpu.memory_space<vmem>>[vector<16xi32>], vector<16xf32>,
      %swap3A_367 = arith.constant 1 : i32
      %swap3A_368 = arith.constant 6 : i32
      %swap3A_369 = arith.index_cast %swap3A_367 : i32 to index
      %swap3A_370 = arith.index_cast %select_n3A : i32 to index
      %swap3A_371 = arith.index_cast %swap3A_368 : i32 to index
      %swap3A_372 = arith.index_cast %mul3A_250 : i32 to index
      %swap3A_373 = tpu.vector_load %arg22[%swap3A_369, %swap3A_370, %swap3A_371, %swap3A_372] {strides = array<i32>} : memref<2x4x8x128xf32, #tpu.memory_space<vmem>>, vector<16xf32>,
      tpu.vector_store %arg22[%swap3A_369, %swap3A_370, %swap3A_371, %swap3A_372], %gather3A_366 {strides = array<i32>} : memref<2x4x8x128xf32, #tpu.memory_space<vmem>>, vector<16xf32>,
      %gather3A_374 = tpu.vector_load_idx %arg20[%get3A_255] : memref<32xf32, #tpu.memory_space<vmem>>[vector<16xi32>], vector<16xf32>,
      %swap3A_375 = arith.constant 1 : i32
      %swap3A_376 = arith.constant 7 : i32
      %swap3A_377 = arith.index_cast %swap3A_375 : i32 to index
      %swap3A_378 = arith.index_cast %select_n3A : i32 to index
      %swap3A_379 = arith.index_cast %swap3A_376 : i32 to index
      %swap3A_380 = arith.index_cast %mul3A_250 : i32 to index
      %swap3A_381 = tpu.vector_load %arg22[%swap3A_377, %swap3A_378, %swap3A_379, %swap3A_380] {strides = array<i32>} : memref<2x4x8x128xf32, #tpu.memory_space<vmem>>, vector<16xf32>,
      tpu.vector_store %arg22[%swap3A_377, %swap3A_378, %swap3A_379, %swap3A_380], %gather3A_374 {strides = array<i32>} : memref<2x4x8x128xf32, #tpu.memory_space<vmem>>, vector<16xf32>,
      %scan3A_382 = arith.constant 1 : i32
      %scan3A_383 = arith.addi %scan3A_214, %scan3A_382 : i32
      %mul3A_384 = arith.constant 1 : i32
      %mul3A_385 = arith.muli %scan3A_383, %mul3A_384 : i32
      %add3A_386 = arith.constant 0 : i32
      %add3A_387 = arith.addi %add3A_386, %mul3A_385 : i32
      %jit3A_388 = arith.constant 8 : i32
      %div3A_389 = arith.divsi %add3A_387, %jit3A_388 : i32
      %sign3A_390 = arith.constant 0 : i32
      %sign3A_391 = arith.cmpi sgt, %add3A_387, %sign3A_390 : i32
      %sign3A_392 = arith.extui %sign3A_391 : i1 to i32
      %sign3A_393 = arith.constant 0 : i32
      %sign3A_394 = arith.cmpi slt, %add3A_387, %sign3A_393 : i32
      %sign3A_395 = arith.extui %sign3A_394 : i1 to i32
      %sign3A_396 = arith.subi %sign3A_392, %sign3A_395 : i32
      %sign3A_397 = arith.constant 0 : i32
      %sign3A_398 = arith.cmpi sgt, %jit3A_388, %sign3A_397 : i32
      %sign3A_399 = arith.extui %sign3A_398 : i1 to i32
      %sign3A_400 = arith.constant 0 : i32
      %sign3A_401 = arith.cmpi slt, %jit3A_388, %sign3A_400 : i32
      %sign3A_402 = arith.extui %sign3A_401 : i1 to i32
      %sign3A_403 = arith.subi %sign3A_399, %sign3A_402 : i32
      %ne3A_404 = arith.cmpi ne, %sign3A_396, %sign3A_403 : i32
      %rem3A_405 = arith.remsi %add3A_387, %jit3A_388 : i32
      %ne3A_406 = arith.constant 0 : i32
      %ne3A_407 = arith.cmpi ne, %rem3A_405, %ne3A_406 : i32
      %and3A_408 = arith.andi %ne3A_404, %ne3A_407 : i1
      %sub3A_409 = arith.constant 1 : i32
      %sub3A_410 = arith.subi %div3A_389, %sub3A_409 : i32
      %select_n3A_411 = arith.select %and3A_408, %sub3A_410, %div3A_389 : i32
      %jit3A_412 = arith.constant 8 : i32
      %eq3A_413 = arith.constant 0 : i32
      %eq3A_414 = arith.cmpi eq, %jit3A_412, %eq3A_413 : i32
      %jit3A_415 = arith.constant 1 : i32
      %select_n3A_416 = arith.select %eq3A_414, %jit3A_415, %jit3A_412 : i32
      %rem3A_417 = arith.remsi %add3A_387, %select_n3A_416 : i32
      %ne3A_418 = arith.constant 0 : i32
      %ne3A_419 = arith.cmpi ne, %rem3A_417, %ne3A_418 : i32
      %lt3A_420 = arith.constant 0 : i32
      %lt3A_421 = arith.cmpi slt, %rem3A_417, %lt3A_420 : i32
      %lt3A_422 = arith.constant 0 : i32
      %lt3A_423 = arith.cmpi slt, %select_n3A_416, %lt3A_422 : i32
      %ne3A_424 = arith.xori %lt3A_421, %lt3A_423 : i1
      %and3A_425 = arith.andi %ne3A_424, %ne3A_419 : i1
      %add3A_426 = arith.addi %rem3A_417, %select_n3A_416 : i32
      %select_n3A_427 = arith.select %and3A_425, %add3A_426, %rem3A_417 : i32
      %mul3A_428 = arith.constant 16 : i32
      %mul3A_429 = arith.muli %select_n3A_427, %mul3A_428 : i32
      %mul3A_430 = arith.constant 16 : i32
      %mul3A_431 = arith.muli %add3A_387, %mul3A_430 : i32
      %get3A_432 = arith.constant 0 : i32
      %get3A_433 = arith.index_cast %get3A_432 : i32 to index
      %get3A_434 = arith.index_cast %mul3A_431 : i32 to index
      %get3A_435 = tpu.vector_load %arg21[%get3A_433, %get3A_434] {strides = array<i32>} : memref<50x512xi32, #tpu.memory_space<vmem>>, vector<16xi32>,
      %gather3A_436 = tpu.vector_load_idx %arg5[%get3A_435] : memref<32xf32, #tpu.memory_space<vmem>>[vector<16xi32>], vector<16xf32>,
      %swap3A_437 = arith.constant 0 : i32
      %swap3A_438 = arith.constant 0 : i32
      %swap3A_439 = arith.index_cast %swap3A_437 : i32 to index
      %swap3A_440 = arith.index_cast %select_n3A_411 : i32 to index
      %swap3A_441 = arith.index_cast %swap3A_438 : i32 to index
      %swap3A_442 = arith.index_cast %mul3A_429 : i32 to index
      %swap3A_443 = tpu.vector_load %arg22[%swap3A_439, %swap3A_440, %swap3A_441, %swap3A_442] {strides = array<i32>} : memref<2x4x8x128xf32, #tpu.memory_space<vmem>>, vector<16xf32>,
      tpu.vector_store %arg22[%swap3A_439, %swap3A_440, %swap3A_441, %swap3A_442], %gather3A_436 {strides = array<i32>} : memref<2x4x8x128xf32, #tpu.memory_space<vmem>>, vector<16xf32>,
      %gather3A_444 = tpu.vector_load_idx %arg6[%get3A_435] : memref<32xf32, #tpu.memory_space<vmem>>[vector<16xi32>], vector<16xf32>,
      %swap3A_445 = arith.constant 0 : i32
      %swap3A_446 = arith.constant 1 : i32
      %swap3A_447 = arith.index_cast %swap3A_445 : i32 to index
      %swap3A_448 = arith.index_cast %select_n3A_411 : i32 to index
      %swap3A_449 = arith.index_cast %swap3A_446 : i32 to index
      %swap3A_450 = arith.index_cast %mul3A_429 : i32 to index
      %swap3A_451 = tpu.vector_load %arg22[%swap3A_447, %swap3A_448, %swap3A_449, %swap3A_450] {strides = array<i32>} : memref<2x4x8x128xf32, #tpu.memory_space<vmem>>, vector<16xf32>,
      tpu.vector_store %arg22[%swap3A_447, %swap3A_448, %swap3A_449, %swap3A_450], %gather3A_444 {strides = array<i32>} : memref<2x4x8x128xf32, #tpu.memory_space<vmem>>, vector<16xf32>,
      %gather3A_452 = tpu.vector_load_idx %arg7[%get3A_435] : memref<32xf32, #tpu.memory_space<vmem>>[vector<16xi32>], vector<16xf32>,
      %swap3A_453 = arith.constant 0 : i32
      %swap3A_454 = arith.constant 2 : i32
      %swap3A_455 = arith.index_cast %swap3A_453 : i32 to index
      %swap3A_456 = arith.index_cast %select_n3A_411 : i32 to index
      %swap3A_457 = arith.index_cast %swap3A_454 : i32 to index
      %swap3A_458 = arith.index_cast %mul3A_429 : i32 to index
      %swap3A_459 = tpu.vector_load %arg22[%swap3A_455, %swap3A_456, %swap3A_457, %swap3A_458] {strides = array<i32>} : memref<2x4x8x128xf32, #tpu.memory_space<vmem>>, vector<16xf32>,
      tpu.vector_store %arg22[%swap3A_455, %swap3A_456, %swap3A_457, %swap3A_458], %gather3A_452 {strides = array<i32>} : memref<2x4x8x128xf32, #tpu.memory_space<vmem>>, vector<16xf32>,
      %gather3A_460 = tpu.vector_load_idx %arg8[%get3A_435] : memref<32xf32, #tpu.memory_space<vmem>>[vector<16xi32>], vector<16xf32>,
      %swap3A_461 = arith.constant 0 : i32
      %swap3A_462 = arith.constant 3 : i32
      %swap3A_463 = arith.index_cast %swap3A_461 : i32 to index
      %swap3A_464 = arith.index_cast %select_n3A_411 : i32 to index
      %swap3A_465 = arith.index_cast %swap3A_462 : i32 to index
      %swap3A_466 = arith.index_cast %mul3A_429 : i32 to index
      %swap3A_467 = tpu.vector_load %arg22[%swap3A_463, %swap3A_464, %swap3A_465, %swap3A_466] {strides = array<i32>} : memref<2x4x8x128xf32, #tpu.memory_space<vmem>>, vector<16xf32>,
      tpu.vector_store %arg22[%swap3A_463, %swap3A_464, %swap3A_465, %swap3A_466], %gather3A_460 {strides = array<i32>} : memref<2x4x8x128xf32, #tpu.memory_space<vmem>>, vector<16xf32>,
      %gather3A_468 = tpu.vector_load_idx %arg9[%get3A_435] : memref<32xf32, #tpu.memory_space<vmem>>[vector<16xi32>], vector<16xf32>,
      %swap3A_469 = arith.constant 0 : i32
      %swap3A_470 = arith.constant 4 : i32
      %swap3A_471 = arith.index_cast %swap3A_469 : i32 to index
      %swap3A_472 = arith.index_cast %select_n3A_411 : i32 to index
      %swap3A_473 = arith.index_cast %swap3A_470 : i32 to index
      %swap3A_474 = arith.index_cast %mul3A_429 : i32 to index
      %swap3A_475 = tpu.vector_load %arg22[%swap3A_471, %swap3A_472, %swap3A_473, %swap3A_474] {strides = array<i32>} : memref<2x4x8x128xf32, #tpu.memory_space<vmem>>, vector<16xf32>,
      tpu.vector_store %arg22[%swap3A_471, %swap3A_472, %swap3A_473, %swap3A_474], %gather3A_468 {strides = array<i32>} : memref<2x4x8x128xf32, #tpu.memory_space<vmem>>, vector<16xf32>,
      %gather3A_476 = tpu.vector_load_idx %arg10[%get3A_435] : memref<32xf32, #tpu.memory_space<vmem>>[vector<16xi32>], vector<16xf32>,
      %swap3A_477 = arith.constant 0 : i32
      %swap3A_478 = arith.constant 5 : i32
      %swap3A_479 = arith.index_cast %swap3A_477 : i32 to index
      %swap3A_480 = arith.index_cast %select_n3A_411 : i32 to index
      %swap3A_481 = arith.index_cast %swap3A_478 : i32 to index
      %swap3A_482 = arith.index_cast %mul3A_429 : i32 to index
      %swap3A_483 = tpu.vector_load %arg22[%swap3A_479, %swap3A_480, %swap3A_481, %swap3A_482] {strides = array<i32>} : memref<2x4x8x128xf32, #tpu.memory_space<vmem>>, vector<16xf32>,
      tpu.vector_store %arg22[%swap3A_479, %swap3A_480, %swap3A_481, %swap3A_482], %gather3A_476 {strides = array<i32>} : memref<2x4x8x128xf32, #tpu.memory_space<vmem>>, vector<16xf32>,
      %gather3A_484 = tpu.vector_load_idx %arg11[%get3A_435] : memref<32xf32, #tpu.memory_space<vmem>>[vector<16xi32>], vector<16xf32>,
      %swap3A_485 = arith.constant 0 : i32
      %swap3A_486 = arith.constant 6 : i32
      %swap3A_487 = arith.index_cast %swap3A_485 : i32 to index
      %swap3A_488 = arith.index_cast %select_n3A_411 : i32 to index
      %swap3A_489 = arith.index_cast %swap3A_486 : i32 to index
      %swap3A_490 = arith.index_cast %mul3A_429 : i32 to index
      %swap3A_491 = tpu.vector_load %arg22[%swap3A_487, %swap3A_488, %swap3A_489, %swap3A_490] {strides = array<i32>} : memref<2x4x8x128xf32, #tpu.memory_space<vmem>>, vector<16xf32>,
      tpu.vector_store %arg22[%swap3A_487, %swap3A_488, %swap3A_489, %swap3A_490], %gather3A_484 {strides = array<i32>} : memref<2x4x8x128xf32, #tpu.memory_space<vmem>>, vector<16xf32>,
      %gather3A_492 = tpu.vector_load_idx %arg12[%get3A_435] : memref<32xf32, #tpu.memory_space<vmem>>[vector<16xi32>], vector<16xf32>,
      %swap3A_493 = arith.constant 0 : i32
      %swap3A_494 = arith.constant 7 : i32
      %swap3A_495 = arith.index_cast %swap3A_493 : i32 to index
      %swap3A_496 = arith.index_cast %select_n3A_411 : i32 to index
      %swap3A_497 = arith.index_cast %swap3A_494 : i32 to index
      %swap3A_498 = arith.index_cast %mul3A_429 : i32 to index
      %swap3A_499 = tpu.vector_load %arg22[%swap3A_495, %swap3A_496, %swap3A_497, %swap3A_498] {strides = array<i32>} : memref<2x4x8x128xf32, #tpu.memory_space<vmem>>, vector<16xf32>,
      tpu.vector_store %arg22[%swap3A_495, %swap3A_496, %swap3A_497, %swap3A_498], %gather3A_492 {strides = array<i32>} : memref<2x4x8x128xf32, #tpu.memory_space<vmem>>, vector<16xf32>,
      %gather3A_500 = tpu.vector_load_idx %arg13[%get3A_435] : memref<32xf32, #tpu.memory_space<vmem>>[vector<16xi32>], vector<16xf32>,
      %swap3A_501 = arith.constant 1 : i32
      %swap3A_502 = arith.constant 0 : i32
      %swap3A_503 = arith.index_cast %swap3A_501 : i32 to index
      %swap3A_504 = arith.index_cast %select_n3A_411 : i32 to index
      %swap3A_505 = arith.index_cast %swap3A_502 : i32 to index
      %swap3A_506 = arith.index_cast %mul3A_429 : i32 to index
      %swap3A_507 = tpu.vector_load %arg22[%swap3A_503, %swap3A_504, %swap3A_505, %swap3A_506] {strides = array<i32>} : memref<2x4x8x128xf32, #tpu.memory_space<vmem>>, vector<16xf32>,
      tpu.vector_store %arg22[%swap3A_503, %swap3A_504, %swap3A_505, %swap3A_506], %gather3A_500 {strides = array<i32>} : memref<2x4x8x128xf32, #tpu.memory_space<vmem>>, vector<16xf32>,
      %gather3A_508 = tpu.vector_load_idx %arg14[%get3A_435] : memref<32xf32, #tpu.memory_space<vmem>>[vector<16xi32>], vector<16xf32>,
      %swap3A_509 = arith.constant 1 : i32
      %swap3A_510 = arith.constant 1 : i32
      %swap3A_511 = arith.index_cast %swap3A_509 : i32 to index
      %swap3A_512 = arith.index_cast %select_n3A_411 : i32 to index
      %swap3A_513 = arith.index_cast %swap3A_510 : i32 to index
      %swap3A_514 = arith.index_cast %mul3A_429 : i32 to index
      %swap3A_515 = tpu.vector_load %arg22[%swap3A_511, %swap3A_512, %swap3A_513, %swap3A_514] {strides = array<i32>} : memref<2x4x8x128xf32, #tpu.memory_space<vmem>>, vector<16xf32>,
      tpu.vector_store %arg22[%swap3A_511, %swap3A_512, %swap3A_513, %swap3A_514], %gather3A_508 {strides = array<i32>} : memref<2x4x8x128xf32, #tpu.memory_space<vmem>>, vector<16xf32>,
      %gather3A_516 = tpu.vector_load_idx %arg15[%get3A_435] : memref<32xf32, #tpu.memory_space<vmem>>[vector<16xi32>], vector<16xf32>,
      %swap3A_517 = arith.constant 1 : i32
      %swap3A_518 = arith.constant 2 : i32
      %swap3A_519 = arith.index_cast %swap3A_517 : i32 to index
      %swap3A_520 = arith.index_cast %select_n3A_411 : i32 to index
      %swap3A_521 = arith.index_cast %swap3A_518 : i32 to index
      %swap3A_522 = arith.index_cast %mul3A_429 : i32 to index
      %swap3A_523 = tpu.vector_load %arg22[%swap3A_519, %swap3A_520, %swap3A_521, %swap3A_522] {strides = array<i32>} : memref<2x4x8x128xf32, #tpu.memory_space<vmem>>, vector<16xf32>,
      tpu.vector_store %arg22[%swap3A_519, %swap3A_520, %swap3A_521, %swap3A_522], %gather3A_516 {strides = array<i32>} : memref<2x4x8x128xf32, #tpu.memory_space<vmem>>, vector<16xf32>,
      %gather3A_524 = tpu.vector_load_idx %arg16[%get3A_435] : memref<32xf32, #tpu.memory_space<vmem>>[vector<16xi32>], vector<16xf32>,
      %swap3A_525 = arith.constant 1 : i32
      %swap3A_526 = arith.constant 3 : i32
      %swap3A_527 = arith.index_cast %swap3A_525 : i32 to index
      %swap3A_528 = arith.index_cast %select_n3A_411 : i32 to index
      %swap3A_529 = arith.index_cast %swap3A_526 : i32 to index
      %swap3A_530 = arith.index_cast %mul3A_429 : i32 to index
      %swap3A_531 = tpu.vector_load %arg22[%swap3A_527, %swap3A_528, %swap3A_529, %swap3A_530] {strides = array<i32>} : memref<2x4x8x128xf32, #tpu.memory_space<vmem>>, vector<16xf32>,
      tpu.vector_store %arg22[%swap3A_527, %swap3A_528, %swap3A_529, %swap3A_530], %gather3A_524 {strides = array<i32>} : memref<2x4x8x128xf32, #tpu.memory_space<vmem>>, vector<16xf32>,
      %gather3A_532 = tpu.vector_load_idx %arg17[%get3A_435] : memref<32xf32, #tpu.memory_space<vmem>>[vector<16xi32>], vector<16xf32>,
      %swap3A_533 = arith.constant 1 : i32
      %swap3A_534 = arith.constant 4 : i32
      %swap3A_535 = arith.index_cast %swap3A_533 : i32 to index
      %swap3A_536 = arith.index_cast %select_n3A_411 : i32 to index
      %swap3A_537 = arith.index_cast %swap3A_534 : i32 to index
      %swap3A_538 = arith.index_cast %mul3A_429 : i32 to index
      %swap3A_539 = tpu.vector_load %arg22[%swap3A_535, %swap3A_536, %swap3A_537, %swap3A_538] {strides = array<i32>} : memref<2x4x8x128xf32, #tpu.memory_space<vmem>>, vector<16xf32>,
      tpu.vector_store %arg22[%swap3A_535, %swap3A_536, %swap3A_537, %swap3A_538], %gather3A_532 {strides = array<i32>} : memref<2x4x8x128xf32, #tpu.memory_space<vmem>>, vector<16xf32>,
      %gather3A_540 = tpu.vector_load_idx %arg18[%get3A_435] : memref<32xf32, #tpu.memory_space<vmem>>[vector<16xi32>], vector<16xf32>,
      %swap3A_541 = arith.constant 1 : i32
      %swap3A_542 = arith.constant 5 : i32
      %swap3A_543 = arith.index_cast %swap3A_541 : i32 to index
      %swap3A_544 = arith.index_cast %select_n3A_411 : i32 to index
      %swap3A_545 = arith.index_cast %swap3A_542 : i32 to index
      %swap3A_546 = arith.index_cast %mul3A_429 : i32 to index
      %swap3A_547 = tpu.vector_load %arg22[%swap3A_543, %swap3A_544, %swap3A_545, %swap3A_546] {strides = array<i32>} : memref<2x4x8x128xf32, #tpu.memory_space<vmem>>, vector<16xf32>,
      tpu.vector_store %arg22[%swap3A_543, %swap3A_544, %swap3A_545, %swap3A_546], %gather3A_540 {strides = array<i32>} : memref<2x4x8x128xf32, #tpu.memory_space<vmem>>, vector<16xf32>,
      %gather3A_548 = tpu.vector_load_idx %arg19[%get3A_435] : memref<32xf32, #tpu.memory_space<vmem>>[vector<16xi32>], vector<16xf32>,
      %swap3A_549 = arith.constant 1 : i32
      %swap3A_550 = arith.constant 6 : i32
      %swap3A_551 = arith.index_cast %swap3A_549 : i32 to index
      %swap3A_552 = arith.index_cast %select_n3A_411 : i32 to index
      %swap3A_553 = arith.index_cast %swap3A_550 : i32 to index
      %swap3A_554 = arith.index_cast %mul3A_429 : i32 to index
      %swap3A_555 = tpu.vector_load %arg22[%swap3A_551, %swap3A_552, %swap3A_553, %swap3A_554] {strides = array<i32>} : memref<2x4x8x128xf32, #tpu.memory_space<vmem>>, vector<16xf32>,
      tpu.vector_store %arg22[%swap3A_551, %swap3A_552, %swap3A_553, %swap3A_554], %gather3A_548 {strides = array<i32>} : memref<2x4x8x128xf32, #tpu.memory_space<vmem>>, vector<16xf32>,
      %gather3A_556 = tpu.vector_load_idx %arg20[%get3A_435] : memref<32xf32, #tpu.memory_space<vmem>>[vector<16xi32>], vector<16xf32>,
      %swap3A_557 = arith.constant 1 : i32
      %swap3A_558 = arith.constant 7 : i32
      %swap3A_559 = arith.index_cast %swap3A_557 : i32 to index
      %swap3A_560 = arith.index_cast %select_n3A_411 : i32 to index
      %swap3A_561 = arith.index_cast %swap3A_558 : i32 to index
      %swap3A_562 = arith.index_cast %mul3A_429 : i32 to index
      %swap3A_563 = tpu.vector_load %arg22[%swap3A_559, %swap3A_560, %swap3A_561, %swap3A_562] {strides = array<i32>} : memref<2x4x8x128xf32, #tpu.memory_space<vmem>>, vector<16xf32>,
      tpu.vector_store %arg22[%swap3A_559, %swap3A_560, %swap3A_561, %swap3A_562], %gather3A_556 {strides = array<i32>} : memref<2x4x8x128xf32, #tpu.memory_space<vmem>>, vector<16xf32>,
      %scan3A_564 = arith.constant 2 : i32
      %scan3A_565 = arith.addi %scan3A_214, %scan3A_564 : i32
      %mul3A_566 = arith.constant 1 : i32
      %mul3A_567 = arith.muli %scan3A_565, %mul3A_566 : i32
      %add3A_568 = arith.constant 0 : i32
      %add3A_569 = arith.addi %add3A_568, %mul3A_567 : i32
      %jit3A_570 = arith.constant 8 : i32
      %div3A_571 = arith.divsi %add3A_569, %jit3A_570 : i32
      %sign3A_572 = arith.constant 0 : i32
      %sign3A_573 = arith.cmpi sgt, %add3A_569, %sign3A_572 : i32
      %sign3A_574 = arith.extui %sign3A_573 : i1 to i32
      %sign3A_575 = arith.constant 0 : i32
      %sign3A_576 = arith.cmpi slt, %add3A_569, %sign3A_575 : i32
      %sign3A_577 = arith.extui %sign3A_576 : i1 to i32
      %sign3A_578 = arith.subi %sign3A_574, %sign3A_577 : i32
      %sign3A_579 = arith.constant 0 : i32
      %sign3A_580 = arith.cmpi sgt, %jit3A_570, %sign3A_579 : i32
      %sign3A_581 = arith.extui %sign3A_580 : i1 to i32
      %sign3A_582 = arith.constant 0 : i32
      %sign3A_583 = arith.cmpi slt, %jit3A_570, %sign3A_582 : i32
      %sign3A_584 = arith.extui %sign3A_583 : i1 to i32
      %sign3A_585 = arith.subi %sign3A_581, %sign3A_584 : i32
      %ne3A_586 = arith.cmpi ne, %sign3A_578, %sign3A_585 : i32
      %rem3A_587 = arith.remsi %add3A_569, %jit3A_570 : i32
      %ne3A_588 = arith.constant 0 : i32
      %ne3A_589 = arith.cmpi ne, %rem3A_587, %ne3A_588 : i32
      %and3A_590 = arith.andi %ne3A_586, %ne3A_589 : i1
      %sub3A_591 = arith.constant 1 : i32
      %sub3A_592 = arith.subi %div3A_571, %sub3A_591 : i32
      %select_n3A_593 = arith.select %and3A_590, %sub3A_592, %div3A_571 : i32
      %jit3A_594 = arith.constant 8 : i32
      %eq3A_595 = arith.constant 0 : i32
      %eq3A_596 = arith.cmpi eq, %jit3A_594, %eq3A_595 : i32
      %jit3A_597 = arith.constant 1 : i32
      %select_n3A_598 = arith.select %eq3A_596, %jit3A_597, %jit3A_594 : i32
      %rem3A_599 = arith.remsi %add3A_569, %select_n3A_598 : i32
      %ne3A_600 = arith.constant 0 : i32
      %ne3A_601 = arith.cmpi ne, %rem3A_599, %ne3A_600 : i32
      %lt3A_602 = arith.constant 0 : i32
      %lt3A_603 = arith.cmpi slt, %rem3A_599, %lt3A_602 : i32
      %lt3A_604 = arith.constant 0 : i32
      %lt3A_605 = arith.cmpi slt, %select_n3A_598, %lt3A_604 : i32
      %ne3A_606 = arith.xori %lt3A_603, %lt3A_605 : i1
      %and3A_607 = arith.andi %ne3A_606, %ne3A_601 : i1
      %add3A_608 = arith.addi %rem3A_599, %select_n3A_598 : i32
      %select_n3A_609 = arith.select %and3A_607, %add3A_608, %rem3A_599 : i32
      %mul3A_610 = arith.constant 16 : i32
      %mul3A_611 = arith.muli %select_n3A_609, %mul3A_610 : i32
      %mul3A_612 = arith.constant 16 : i32
      %mul3A_613 = arith.muli %add3A_569, %mul3A_612 : i32
      %get3A_614 = arith.constant 0 : i32
      %get3A_615 = arith.index_cast %get3A_614 : i32 to index
      %get3A_616 = arith.index_cast %mul3A_613 : i32 to index
      %get3A_617 = tpu.vector_load %arg21[%get3A_615, %get3A_616] {strides = array<i32>} : memref<50x512xi32, #tpu.memory_space<vmem>>, vector<16xi32>,
      %gather3A_618 = tpu.vector_load_idx %arg5[%get3A_617] : memref<32xf32, #tpu.memory_space<vmem>>[vector<16xi32>], vector<16xf32>,
      %swap3A_619 = arith.constant 0 : i32
      %swap3A_620 = arith.constant 0 : i32
      %swap3A_621 = arith.index_cast %swap3A_619 : i32 to index
      %swap3A_622 = arith.index_cast %select_n3A_593 : i32 to index
      %swap3A_623 = arith.index_cast %swap3A_620 : i32 to index
      %swap3A_624 = arith.index_cast %mul3A_611 : i32 to index
      %swap3A_625 = tpu.vector_load %arg22[%swap3A_621, %swap3A_622, %swap3A_623, %swap3A_624] {strides = array<i32>} : memref<2x4x8x128xf32, #tpu.memory_space<vmem>>, vector<16xf32>,
      tpu.vector_store %arg22[%swap3A_621, %swap3A_622, %swap3A_623, %swap3A_624], %gather3A_618 {strides = array<i32>} : memref<2x4x8x128xf32, #tpu.memory_space<vmem>>, vector<16xf32>,
      %gather3A_626 = tpu.vector_load_idx %arg6[%get3A_617] : memref<32xf32, #tpu.memory_space<vmem>>[vector<16xi32>], vector<16xf32>,
      %swap3A_627 = arith.constant 0 : i32
      %swap3A_628 = arith.constant 1 : i32
      %swap3A_629 = arith.index_cast %swap3A_627 : i32 to index
      %swap3A_630 = arith.index_cast %select_n3A_593 : i32 to index
      %swap3A_631 = arith.index_cast %swap3A_628 : i32 to index
      %swap3A_632 = arith.index_cast %mul3A_611 : i32 to index
      %swap3A_633 = tpu.vector_load %arg22[%swap3A_629, %swap3A_630, %swap3A_631, %swap3A_632] {strides = array<i32>} : memref<2x4x8x128xf32, #tpu.memory_space<vmem>>, vector<16xf32>,
      tpu.vector_store %arg22[%swap3A_629, %swap3A_630, %swap3A_631, %swap3A_632], %gather3A_626 {strides = array<i32>} : memref<2x4x8x128xf32, #tpu.memory_space<vmem>>, vector<16xf32>,
      %gather3A_634 = tpu.vector_load_idx %arg7[%get3A_617] : memref<32xf32, #tpu.memory_space<vmem>>[vector<16xi32>], vector<16xf32>,
      %swap3A_635 = arith.constant 0 : i32
      %swap3A_636 = arith.constant 2 : i32
      %swap3A_637 = arith.index_cast %swap3A_635 : i32 to index
      %swap3A_638 = arith.index_cast %select_n3A_593 : i32 to index
      %swap3A_639 = arith.index_cast %swap3A_636 : i32 to index
      %swap3A_640 = arith.index_cast %mul3A_611 : i32 to index
      %swap3A_641 = tpu.vector_load %arg22[%swap3A_637, %swap3A_638, %swap3A_639, %swap3A_640] {strides = array<i32>} : memref<2x4x8x128xf32, #tpu.memory_space<vmem>>, vector<16xf32>,
      tpu.vector_store %arg22[%swap3A_637, %swap3A_638, %swap3A_639, %swap3A_640], %gather3A_634 {strides = array<i32>} : memref<2x4x8x128xf32, #tpu.memory_space<vmem>>, vector<16xf32>,
      %gather3A_642 = tpu.vector_load_idx %arg8[%get3A_617] : memref<32xf32, #tpu.memory_space<vmem>>[vector<16xi32>], vector<16xf32>,
      %swap3A_643 = arith.constant 0 : i32
      %swap3A_644 = arith.constant 3 : i32
      %swap3A_645 = arith.index_cast %swap3A_643 : i32 to index
      %swap3A_646 = arith.index_cast %select_n3A_593 : i32 to index
      %swap3A_647 = arith.index_cast %swap3A_644 : i32 to index
      %swap3A_648 = arith.index_cast %mul3A_611 : i32 to index
      %swap3A_649 = tpu.vector_load %arg22[%swap3A_645, %swap3A_646, %swap3A_647, %swap3A_648] {strides = array<i32>} : memref<2x4x8x128xf32, #tpu.memory_space<vmem>>, vector<16xf32>,
      tpu.vector_store %arg22[%swap3A_645, %swap3A_646, %swap3A_647, %swap3A_648], %gather3A_642 {strides = array<i32>} : memref<2x4x8x128xf32, #tpu.memory_space<vmem>>, vector<16xf32>,
      %gather3A_650 = tpu.vector_load_idx %arg9[%get3A_617] : memref<32xf32, #tpu.memory_space<vmem>>[vector<16xi32>], vector<16xf32>,
      %swap3A_651 = arith.constant 0 : i32
      %swap3A_652 = arith.constant 4 : i32
      %swap3A_653 = arith.index_cast %swap3A_651 : i32 to index
      %swap3A_654 = arith.index_cast %select_n3A_593 : i32 to index
      %swap3A_655 = arith.index_cast %swap3A_652 : i32 to index
      %swap3A_656 = arith.index_cast %mul3A_611 : i32 to index
      %swap3A_657 = tpu.vector_load %arg22[%swap3A_653, %swap3A_654, %swap3A_655, %swap3A_656] {strides = array<i32>} : memref<2x4x8x128xf32, #tpu.memory_space<vmem>>, vector<16xf32>,
      tpu.vector_store %arg22[%swap3A_653, %swap3A_654, %swap3A_655, %swap3A_656], %gather3A_650 {strides = array<i32>} : memref<2x4x8x128xf32, #tpu.memory_space<vmem>>, vector<16xf32>,
      %gather3A_658 = tpu.vector_load_idx %arg10[%get3A_617] : memref<32xf32, #tpu.memory_space<vmem>>[vector<16xi32>], vector<16xf32>,
      %swap3A_659 = arith.constant 0 : i32
      %swap3A_660 = arith.constant 5 : i32
      %swap3A_661 = arith.index_cast %swap3A_659 : i32 to index
      %swap3A_662 = arith.index_cast %select_n3A_593 : i32 to index
      %swap3A_663 = arith.index_cast %swap3A_660 : i32 to index
      %swap3A_664 = arith.index_cast %mul3A_611 : i32 to index
      %swap3A_665 = tpu.vector_load %arg22[%swap3A_661, %swap3A_662, %swap3A_663, %swap3A_664] {strides = array<i32>} : memref<2x4x8x128xf32, #tpu.memory_space<vmem>>, vector<16xf32>,
      tpu.vector_store %arg22[%swap3A_661, %swap3A_662, %swap3A_663, %swap3A_664], %gather3A_658 {strides = array<i32>} : memref<2x4x8x128xf32, #tpu.memory_space<vmem>>, vector<16xf32>,
      %gather3A_666 = tpu.vector_load_idx %arg11[%get3A_617] : memref<32xf32, #tpu.memory_space<vmem>>[vector<16xi32>], vector<16xf32>,
      %swap3A_667 = arith.constant 0 : i32
      %swap3A_668 = arith.constant 6 : i32
      %swap3A_669 = arith.index_cast %swap3A_667 : i32 to index
      %swap3A_670 = arith.index_cast %select_n3A_593 : i32 to index
      %swap3A_671 = arith.index_cast %swap3A_668 : i32 to index
      %swap3A_672 = arith.index_cast %mul3A_611 : i32 to index
      %swap3A_673 = tpu.vector_load %arg22[%swap3A_669, %swap3A_670, %swap3A_671, %swap3A_672] {strides = array<i32>} : memref<2x4x8x128xf32, #tpu.memory_space<vmem>>, vector<16xf32>,
      tpu.vector_store %arg22[%swap3A_669, %swap3A_670, %swap3A_671, %swap3A_672], %gather3A_666 {strides = array<i32>} : memref<2x4x8x128xf32, #tpu.memory_space<vmem>>, vector<16xf32>,
      %gather3A_674 = tpu.vector_load_idx %arg12[%get3A_617] : memref<32xf32, #tpu.memory_space<vmem>>[vector<16xi32>], vector<16xf32>,
      %swap3A_675 = arith.constant 0 : i32
      %swap3A_676 = arith.constant 7 : i32
      %swap3A_677 = arith.index_cast %swap3A_675 : i32 to index
      %swap3A_678 = arith.index_cast %select_n3A_593 : i32 to index
      %swap3A_679 = arith.index_cast %swap3A_676 : i32 to index
      %swap3A_680 = arith.index_cast %mul3A_611 : i32 to index
      %swap3A_681 = tpu.vector_load %arg22[%swap3A_677, %swap3A_678, %swap3A_679, %swap3A_680] {strides = array<i32>} : memref<2x4x8x128xf32, #tpu.memory_space<vmem>>, vector<16xf32>,
      tpu.vector_store %arg22[%swap3A_677, %swap3A_678, %swap3A_679, %swap3A_680], %gather3A_674 {strides = array<i32>} : memref<2x4x8x128xf32, #tpu.memory_space<vmem>>, vector<16xf32>,
      %gather3A_682 = tpu.vector_load_idx %arg13[%get3A_617] : memref<32xf32, #tpu.memory_space<vmem>>[vector<16xi32>], vector<16xf32>,
      %swap3A_683 = arith.constant 1 : i32
      %swap3A_684 = arith.constant 0 : i32
      %swap3A_685 = arith.index_cast %swap3A_683 : i32 to index
      %swap3A_686 = arith.index_cast %select_n3A_593 : i32 to index
      %swap3A_687 = arith.index_cast %swap3A_684 : i32 to index
      %swap3A_688 = arith.index_cast %mul3A_611 : i32 to index
      %swap3A_689 = tpu.vector_load %arg22[%swap3A_685, %swap3A_686, %swap3A_687, %swap3A_688] {strides = array<i32>} : memref<2x4x8x128xf32, #tpu.memory_space<vmem>>, vector<16xf32>,
      tpu.vector_store %arg22[%swap3A_685, %swap3A_686, %swap3A_687, %swap3A_688], %gather3A_682 {strides = array<i32>} : memref<2x4x8x128xf32, #tpu.memory_space<vmem>>, vector<16xf32>,
      %gather3A_690 = tpu.vector_load_idx %arg14[%get3A_617] : memref<32xf32, #tpu.memory_space<vmem>>[vector<16xi32>], vector<16xf32>,
      %swap3A_691 = arith.constant 1 : i32
      %swap3A_692 = arith.constant 1 : i32
      %swap3A_693 = arith.index_cast %swap3A_691 : i32 to index
      %swap3A_694 = arith.index_cast %select_n3A_593 : i32 to index
      %swap3A_695 = arith.index_cast %swap3A_692 : i32 to index
      %swap3A_696 = arith.index_cast %mul3A_611 : i32 to index
      %swap3A_697 = tpu.vector_load %arg22[%swap3A_693, %swap3A_694, %swap3A_695, %swap3A_696] {strides = array<i32>} : memref<2x4x8x128xf32, #tpu.memory_space<vmem>>, vector<16xf32>,
      tpu.vector_store %arg22[%swap3A_693, %swap3A_694, %swap3A_695, %swap3A_696], %gather3A_690 {strides = array<i32>} : memref<2x4x8x128xf32, #tpu.memory_space<vmem>>, vector<16xf32>,
      %gather3A_698 = tpu.vector_load_idx %arg15[%get3A_617] : memref<32xf32, #tpu.memory_space<vmem>>[vector<16xi32>], vector<16xf32>,
      %swap3A_699 = arith.constant 1 : i32
      %swap3A_700 = arith.constant 2 : i32
      %swap3A_701 = arith.index_cast %swap3A_699 : i32 to index
      %swap3A_702 = arith.index_cast %select_n3A_593 : i32 to index
      %swap3A_703 = arith.index_cast %swap3A_700 : i32 to index
      %swap3A_704 = arith.index_cast %mul3A_611 : i32 to index
      %swap3A_705 = tpu.vector_load %arg22[%swap3A_701, %swap3A_702, %swap3A_703, %swap3A_704] {strides = array<i32>} : memref<2x4x8x128xf32, #tpu.memory_space<vmem>>, vector<16xf32>,
      tpu.vector_store %arg22[%swap3A_701, %swap3A_702, %swap3A_703, %swap3A_704], %gather3A_698 {strides = array<i32>} : memref<2x4x8x128xf32, #tpu.memory_space<vmem>>, vector<16xf32>,
      %gather3A_706 = tpu.vector_load_idx %arg16[%get3A_617] : memref<32xf32, #tpu.memory_space<vmem>>[vector<16xi32>], vector<16xf32>,
      %swap3A_707 = arith.constant 1 : i32
      %swap3A_708 = arith.constant 3 : i32
      %swap3A_709 = arith.index_cast %swap3A_707 : i32 to index
      %swap3A_710 = arith.index_cast %select_n3A_593 : i32 to index
      %swap3A_711 = arith.index_cast %swap3A_708 : i32 to index
      %swap3A_712 = arith.index_cast %mul3A_611 : i32 to index
      %swap3A_713 = tpu.vector_load %arg22[%swap3A_709, %swap3A_710, %swap3A_711, %swap3A_712] {strides = array<i32>} : memref<2x4x8x128xf32, #tpu.memory_space<vmem>>, vector<16xf32>,
      tpu.vector_store %arg22[%swap3A_709, %swap3A_710, %swap3A_711, %swap3A_712], %gather3A_706 {strides = array<i32>} : memref<2x4x8x128xf32, #tpu.memory_space<vmem>>, vector<16xf32>,
      %gather3A_714 = tpu.vector_load_idx %arg17[%get3A_617] : memref<32xf32, #tpu.memory_space<vmem>>[vector<16xi32>], vector<16xf32>,
      %swap3A_715 = arith.constant 1 : i32
      %swap3A_716 = arith.constant 4 : i32
      %swap3A_717 = arith.index_cast %swap3A_715 : i32 to index
      %swap3A_718 = arith.index_cast %select_n3A_593 : i32 to index
      %swap3A_719 = arith.index_cast %swap3A_716 : i32 to index
      %swap3A_720 = arith.index_cast %mul3A_611 : i32 to index
      %swap3A_721 = tpu.vector_load %arg22[%swap3A_717, %swap3A_718, %swap3A_719, %swap3A_720] {strides = array<i32>} : memref<2x4x8x128xf32, #tpu.memory_space<vmem>>, vector<16xf32>,
      tpu.vector_store %arg22[%swap3A_717, %swap3A_718, %swap3A_719, %swap3A_720], %gather3A_714 {strides = array<i32>} : memref<2x4x8x128xf32, #tpu.memory_space<vmem>>, vector<16xf32>,
      %gather3A_722 = tpu.vector_load_idx %arg18[%get3A_617] : memref<32xf32, #tpu.memory_space<vmem>>[vector<16xi32>], vector<16xf32>,
      %swap3A_723 = arith.constant 1 : i32
      %swap3A_724 = arith.constant 5 : i32
      %swap3A_725 = arith.index_cast %swap3A_723 : i32 to index
      %swap3A_726 = arith.index_cast %select_n3A_593 : i32 to index
      %swap3A_727 = arith.index_cast %swap3A_724 : i32 to index
      %swap3A_728 = arith.index_cast %mul3A_611 : i32 to index
      %swap3A_729 = tpu.vector_load %arg22[%swap3A_725, %swap3A_726, %swap3A_727, %swap3A_728] {strides = array<i32>} : memref<2x4x8x128xf32, #tpu.memory_space<vmem>>, vector<16xf32>,
      tpu.vector_store %arg22[%swap3A_725, %swap3A_726, %swap3A_727, %swap3A_728], %gather3A_722 {strides = array<i32>} : memref<2x4x8x128xf32, #tpu.memory_space<vmem>>, vector<16xf32>,
      %gather3A_730 = tpu.vector_load_idx %arg19[%get3A_617] : memref<32xf32, #tpu.memory_space<vmem>>[vector<16xi32>], vector<16xf32>,
      %swap3A_731 = arith.constant 1 : i32
      %swap3A_732 = arith.constant 6 : i32
      %swap3A_733 = arith.index_cast %swap3A_731 : i32 to index
      %swap3A_734 = arith.index_cast %select_n3A_593 : i32 to index
      %swap3A_735 = arith.index_cast %swap3A_732 : i32 to index
      %swap3A_736 = arith.index_cast %mul3A_611 : i32 to index
      %swap3A_737 = tpu.vector_load %arg22[%swap3A_733, %swap3A_734, %swap3A_735, %swap3A_736] {strides = array<i32>} : memref<2x4x8x128xf32, #tpu.memory_space<vmem>>, vector<16xf32>,
      tpu.vector_store %arg22[%swap3A_733, %swap3A_734, %swap3A_735, %swap3A_736], %gather3A_730 {strides = array<i32>} : memref<2x4x8x128xf32, #tpu.memory_space<vmem>>, vector<16xf32>,
      %gather3A_738 = tpu.vector_load_idx %arg20[%get3A_617] : memref<32xf32, #tpu.memory_space<vmem>>[vector<16xi32>], vector<16xf32>,
      %swap3A_739 = arith.constant 1 : i32
      %swap3A_740 = arith.constant 7 : i32
      %swap3A_741 = arith.index_cast %swap3A_739 : i32 to index
      %swap3A_742 = arith.index_cast %select_n3A_593 : i32 to index
      %swap3A_743 = arith.index_cast %swap3A_740 : i32 to index
      %swap3A_744 = arith.index_cast %mul3A_611 : i32 to index
      %swap3A_745 = tpu.vector_load %arg22[%swap3A_741, %swap3A_742, %swap3A_743, %swap3A_744] {strides = array<i32>} : memref<2x4x8x128xf32, #tpu.memory_space<vmem>>, vector<16xf32>,
      tpu.vector_store %arg22[%swap3A_741, %swap3A_742, %swap3A_743, %swap3A_744], %gather3A_738 {strides = array<i32>} : memref<2x4x8x128xf32, #tpu.memory_space<vmem>>, vector<16xf32>,
      %scan3A_746 = arith.constant 3 : i32
      %scan3A_747 = arith.addi %scan3A_214, %scan3A_746 : i32
      %mul3A_748 = arith.constant 1 : i32
      %mul3A_749 = arith.muli %scan3A_747, %mul3A_748 : i32
      %add3A_750 = arith.constant 0 : i32
      %add3A_751 = arith.addi %add3A_750, %mul3A_749 : i32
      %jit3A_752 = arith.constant 8 : i32
      %div3A_753 = arith.divsi %add3A_751, %jit3A_752 : i32
      %sign3A_754 = arith.constant 0 : i32
      %sign3A_755 = arith.cmpi sgt, %add3A_751, %sign3A_754 : i32
      %sign3A_756 = arith.extui %sign3A_755 : i1 to i32
      %sign3A_757 = arith.constant 0 : i32
      %sign3A_758 = arith.cmpi slt, %add3A_751, %sign3A_757 : i32
      %sign3A_759 = arith.extui %sign3A_758 : i1 to i32
      %sign3A_760 = arith.subi %sign3A_756, %sign3A_759 : i32
      %sign3A_761 = arith.constant 0 : i32
      %sign3A_762 = arith.cmpi sgt, %jit3A_752, %sign3A_761 : i32
      %sign3A_763 = arith.extui %sign3A_762 : i1 to i32
      %sign3A_764 = arith.constant 0 : i32
      %sign3A_765 = arith.cmpi slt, %jit3A_752, %sign3A_764 : i32
      %sign3A_766 = arith.extui %sign3A_765 : i1 to i32
      %sign3A_767 = arith.subi %sign3A_763, %sign3A_766 : i32
      %ne3A_768 = arith.cmpi ne, %sign3A_760, %sign3A_767 : i32
      %rem3A_769 = arith.remsi %add3A_751, %jit3A_752 : i32
      %ne3A_770 = arith.constant 0 : i32
      %ne3A_771 = arith.cmpi ne, %rem3A_769, %ne3A_770 : i32
      %and3A_772 = arith.andi %ne3A_768, %ne3A_771 : i1
      %sub3A_773 = arith.constant 1 : i32
      %sub3A_774 = arith.subi %div3A_753, %sub3A_773 : i32
      %select_n3A_775 = arith.select %and3A_772, %sub3A_774, %div3A_753 : i32
      %jit3A_776 = arith.constant 8 : i32
      %eq3A_777 = arith.constant 0 : i32
      %eq3A_778 = arith.cmpi eq, %jit3A_776, %eq3A_777 : i32
      %jit3A_779 = arith.constant 1 : i32
      %select_n3A_780 = arith.select %eq3A_778, %jit3A_779, %jit3A_776 : i32
      %rem3A_781 = arith.remsi %add3A_751, %select_n3A_780 : i32
      %ne3A_782 = arith.constant 0 : i32
      %ne3A_783 = arith.cmpi ne, %rem3A_781, %ne3A_782 : i32
      %lt3A_784 = arith.constant 0 : i32
      %lt3A_785 = arith.cmpi slt, %rem3A_781, %lt3A_784 : i32
      %lt3A_786 = arith.constant 0 : i32
      %lt3A_787 = arith.cmpi slt, %select_n3A_780, %lt3A_786 : i32
      %ne3A_788 = arith.xori %lt3A_785, %lt3A_787 : i1
      %and3A_789 = arith.andi %ne3A_788, %ne3A_783 : i1
      %add3A_790 = arith.addi %rem3A_781, %select_n3A_780 : i32
      %select_n3A_791 = arith.select %and3A_789, %add3A_790, %rem3A_781 : i32
      %mul3A_792 = arith.constant 16 : i32
      %mul3A_793 = arith.muli %select_n3A_791, %mul3A_792 : i32
      %mul3A_794 = arith.constant 16 : i32
      %mul3A_795 = arith.muli %add3A_751, %mul3A_794 : i32
      %get3A_796 = arith.constant 0 : i32
      %get3A_797 = arith.index_cast %get3A_796 : i32 to index
      %get3A_798 = arith.index_cast %mul3A_795 : i32 to index
      %get3A_799 = tpu.vector_load %arg21[%get3A_797, %get3A_798] {strides = array<i32>} : memref<50x512xi32, #tpu.memory_space<vmem>>, vector<16xi32>,
      %gather3A_800 = tpu.vector_load_idx %arg5[%get3A_799] : memref<32xf32, #tpu.memory_space<vmem>>[vector<16xi32>], vector<16xf32>,
      %swap3A_801 = arith.constant 0 : i32
      %swap3A_802 = arith.constant 0 : i32
      %swap3A_803 = arith.index_cast %swap3A_801 : i32 to index
      %swap3A_804 = arith.index_cast %select_n3A_775 : i32 to index
      %swap3A_805 = arith.index_cast %swap3A_802 : i32 to index
      %swap3A_806 = arith.index_cast %mul3A_793 : i32 to index
      %swap3A_807 = tpu.vector_load %arg22[%swap3A_803, %swap3A_804, %swap3A_805, %swap3A_806] {strides = array<i32>} : memref<2x4x8x128xf32, #tpu.memory_space<vmem>>, vector<16xf32>,
      tpu.vector_store %arg22[%swap3A_803, %swap3A_804, %swap3A_805, %swap3A_806], %gather3A_800 {strides = array<i32>} : memref<2x4x8x128xf32, #tpu.memory_space<vmem>>, vector<16xf32>,
      %gather3A_808 = tpu.vector_load_idx %arg6[%get3A_799] : memref<32xf32, #tpu.memory_space<vmem>>[vector<16xi32>], vector<16xf32>,
      %swap3A_809 = arith.constant 0 : i32
      %swap3A_810 = arith.constant 1 : i32
      %swap3A_811 = arith.index_cast %swap3A_809 : i32 to index
      %swap3A_812 = arith.index_cast %select_n3A_775 : i32 to index
      %swap3A_813 = arith.index_cast %swap3A_810 : i32 to index
      %swap3A_814 = arith.index_cast %mul3A_793 : i32 to index
      %swap3A_815 = tpu.vector_load %arg22[%swap3A_811, %swap3A_812, %swap3A_813, %swap3A_814] {strides = array<i32>} : memref<2x4x8x128xf32, #tpu.memory_space<vmem>>, vector<16xf32>,
      tpu.vector_store %arg22[%swap3A_811, %swap3A_812, %swap3A_813, %swap3A_814], %gather3A_808 {strides = array<i32>} : memref<2x4x8x128xf32, #tpu.memory_space<vmem>>, vector<16xf32>,
      %gather3A_816 = tpu.vector_load_idx %arg7[%get3A_799] : memref<32xf32, #tpu.memory_space<vmem>>[vector<16xi32>], vector<16xf32>,
      %swap3A_817 = arith.constant 0 : i32
      %swap3A_818 = arith.constant 2 : i32
      %swap3A_819 = arith.index_cast %swap3A_817 : i32 to index
      %swap3A_820 = arith.index_cast %select_n3A_775 : i32 to index
      %swap3A_821 = arith.index_cast %swap3A_818 : i32 to index
      %swap3A_822 = arith.index_cast %mul3A_793 : i32 to index
      %swap3A_823 = tpu.vector_load %arg22[%swap3A_819, %swap3A_820, %swap3A_821, %swap3A_822] {strides = array<i32>} : memref<2x4x8x128xf32, #tpu.memory_space<vmem>>, vector<16xf32>,
      tpu.vector_store %arg22[%swap3A_819, %swap3A_820, %swap3A_821, %swap3A_822], %gather3A_816 {strides = array<i32>} : memref<2x4x8x128xf32, #tpu.memory_space<vmem>>, vector<16xf32>,
      %gather3A_824 = tpu.vector_load_idx %arg8[%get3A_799] : memref<32xf32, #tpu.memory_space<vmem>>[vector<16xi32>], vector<16xf32>,
      %swap3A_825 = arith.constant 0 : i32
      %swap3A_826 = arith.constant 3 : i32
      %swap3A_827 = arith.index_cast %swap3A_825 : i32 to index
      %swap3A_828 = arith.index_cast %select_n3A_775 : i32 to index
      %swap3A_829 = arith.index_cast %swap3A_826 : i32 to index
      %swap3A_830 = arith.index_cast %mul3A_793 : i32 to index
      %swap3A_831 = tpu.vector_load %arg22[%swap3A_827, %swap3A_828, %swap3A_829, %swap3A_830] {strides = array<i32>} : memref<2x4x8x128xf32, #tpu.memory_space<vmem>>, vector<16xf32>,
      tpu.vector_store %arg22[%swap3A_827, %swap3A_828, %swap3A_829, %swap3A_830], %gather3A_824 {strides = array<i32>} : memref<2x4x8x128xf32, #tpu.memory_space<vmem>>, vector<16xf32>,
      %gather3A_832 = tpu.vector_load_idx %arg9[%get3A_799] : memref<32xf32, #tpu.memory_space<vmem>>[vector<16xi32>], vector<16xf32>,
      %swap3A_833 = arith.constant 0 : i32
      %swap3A_834 = arith.constant 4 : i32
      %swap3A_835 = arith.index_cast %swap3A_833 : i32 to index
      %swap3A_836 = arith.index_cast %select_n3A_775 : i32 to index
      %swap3A_837 = arith.index_cast %swap3A_834 : i32 to index
      %swap3A_838 = arith.index_cast %mul3A_793 : i32 to index
      %swap3A_839 = tpu.vector_load %arg22[%swap3A_835, %swap3A_836, %swap3A_837, %swap3A_838] {strides = array<i32>} : memref<2x4x8x128xf32, #tpu.memory_space<vmem>>, vector<16xf32>,
      tpu.vector_store %arg22[%swap3A_835, %swap3A_836, %swap3A_837, %swap3A_838], %gather3A_832 {strides = array<i32>} : memref<2x4x8x128xf32, #tpu.memory_space<vmem>>, vector<16xf32>,
      %gather3A_840 = tpu.vector_load_idx %arg10[%get3A_799] : memref<32xf32, #tpu.memory_space<vmem>>[vector<16xi32>], vector<16xf32>,
      %swap3A_841 = arith.constant 0 : i32
      %swap3A_842 = arith.constant 5 : i32
      %swap3A_843 = arith.index_cast %swap3A_841 : i32 to index
      %swap3A_844 = arith.index_cast %select_n3A_775 : i32 to index
      %swap3A_845 = arith.index_cast %swap3A_842 : i32 to index
      %swap3A_846 = arith.index_cast %mul3A_793 : i32 to index
      %swap3A_847 = tpu.vector_load %arg22[%swap3A_843, %swap3A_844, %swap3A_845, %swap3A_846] {strides = array<i32>} : memref<2x4x8x128xf32, #tpu.memory_space<vmem>>, vector<16xf32>,
      tpu.vector_store %arg22[%swap3A_843, %swap3A_844, %swap3A_845, %swap3A_846], %gather3A_840 {strides = array<i32>} : memref<2x4x8x128xf32, #tpu.memory_space<vmem>>, vector<16xf32>,
      %gather3A_848 = tpu.vector_load_idx %arg11[%get3A_799] : memref<32xf32, #tpu.memory_space<vmem>>[vector<16xi32>], vector<16xf32>,
      %swap3A_849 = arith.constant 0 : i32
      %swap3A_850 = arith.constant 6 : i32
      %swap3A_851 = arith.index_cast %swap3A_849 : i32 to index
      %swap3A_852 = arith.index_cast %select_n3A_775 : i32 to index
      %swap3A_853 = arith.index_cast %swap3A_850 : i32 to index
      %swap3A_854 = arith.index_cast %mul3A_793 : i32 to index
      %swap3A_855 = tpu.vector_load %arg22[%swap3A_851, %swap3A_852, %swap3A_853, %swap3A_854] {strides = array<i32>} : memref<2x4x8x128xf32, #tpu.memory_space<vmem>>, vector<16xf32>,
      tpu.vector_store %arg22[%swap3A_851, %swap3A_852, %swap3A_853, %swap3A_854], %gather3A_848 {strides = array<i32>} : memref<2x4x8x128xf32, #tpu.memory_space<vmem>>, vector<16xf32>,
      %gather3A_856 = tpu.vector_load_idx %arg12[%get3A_799] : memref<32xf32, #tpu.memory_space<vmem>>[vector<16xi32>], vector<16xf32>,
      %swap3A_857 = arith.constant 0 : i32
      %swap3A_858 = arith.constant 7 : i32
      %swap3A_859 = arith.index_cast %swap3A_857 : i32 to index
      %swap3A_860 = arith.index_cast %select_n3A_775 : i32 to index
      %swap3A_861 = arith.index_cast %swap3A_858 : i32 to index
      %swap3A_862 = arith.index_cast %mul3A_793 : i32 to index
      %swap3A_863 = tpu.vector_load %arg22[%swap3A_859, %swap3A_860, %swap3A_861, %swap3A_862] {strides = array<i32>} : memref<2x4x8x128xf32, #tpu.memory_space<vmem>>, vector<16xf32>,
      tpu.vector_store %arg22[%swap3A_859, %swap3A_860, %swap3A_861, %swap3A_862], %gather3A_856 {strides = array<i32>} : memref<2x4x8x128xf32, #tpu.memory_space<vmem>>, vector<16xf32>,
      %gather3A_864 = tpu.vector_load_idx %arg13[%get3A_799] : memref<32xf32, #tpu.memory_space<vmem>>[vector<16xi32>], vector<16xf32>,
      %swap3A_865 = arith.constant 1 : i32
      %swap3A_866 = arith.constant 0 : i32
      %swap3A_867 = arith.index_cast %swap3A_865 : i32 to index
      %swap3A_868 = arith.index_cast %select_n3A_775 : i32 to index
      %swap3A_869 = arith.index_cast %swap3A_866 : i32 to index
      %swap3A_870 = arith.index_cast %mul3A_793 : i32 to index
      %swap3A_871 = tpu.vector_load %arg22[%swap3A_867, %swap3A_868, %swap3A_869, %swap3A_870] {strides = array<i32>} : memref<2x4x8x128xf32, #tpu.memory_space<vmem>>, vector<16xf32>,
      tpu.vector_store %arg22[%swap3A_867, %swap3A_868, %swap3A_869, %swap3A_870], %gather3A_864 {strides = array<i32>} : memref<2x4x8x128xf32, #tpu.memory_space<vmem>>, vector<16xf32>,
      %gather3A_872 = tpu.vector_load_idx %arg14[%get3A_799] : memref<32xf32, #tpu.memory_space<vmem>>[vector<16xi32>], vector<16xf32>,
      %swap3A_873 = arith.constant 1 : i32
      %swap3A_874 = arith.constant 1 : i32
      %swap3A_875 = arith.index_cast %swap3A_873 : i32 to index
      %swap3A_876 = arith.index_cast %select_n3A_775 : i32 to index
      %swap3A_877 = arith.index_cast %swap3A_874 : i32 to index
      %swap3A_878 = arith.index_cast %mul3A_793 : i32 to index
      %swap3A_879 = tpu.vector_load %arg22[%swap3A_875, %swap3A_876, %swap3A_877, %swap3A_878] {strides = array<i32>} : memref<2x4x8x128xf32, #tpu.memory_space<vmem>>, vector<16xf32>,
      tpu.vector_store %arg22[%swap3A_875, %swap3A_876, %swap3A_877, %swap3A_878], %gather3A_872 {strides = array<i32>} : memref<2x4x8x128xf32, #tpu.memory_space<vmem>>, vector<16xf32>,
      %gather3A_880 = tpu.vector_load_idx %arg15[%get3A_799] : memref<32xf32, #tpu.memory_space<vmem>>[vector<16xi32>], vector<16xf32>,
      %swap3A_881 = arith.constant 1 : i32
      %swap3A_882 = arith.constant 2 : i32
      %swap3A_883 = arith.index_cast %swap3A_881 : i32 to index
      %swap3A_884 = arith.index_cast %select_n3A_775 : i32 to index
      %swap3A_885 = arith.index_cast %swap3A_882 : i32 to index
      %swap3A_886 = arith.index_cast %mul3A_793 : i32 to index
      %swap3A_887 = tpu.vector_load %arg22[%swap3A_883, %swap3A_884, %swap3A_885, %swap3A_886] {strides = array<i32>} : memref<2x4x8x128xf32, #tpu.memory_space<vmem>>, vector<16xf32>,
      tpu.vector_store %arg22[%swap3A_883, %swap3A_884, %swap3A_885, %swap3A_886], %gather3A_880 {strides = array<i32>} : memref<2x4x8x128xf32, #tpu.memory_space<vmem>>, vector<16xf32>,
      %gather3A_888 = tpu.vector_load_idx %arg16[%get3A_799] : memref<32xf32, #tpu.memory_space<vmem>>[vector<16xi32>], vector<16xf32>,
      %swap3A_889 = arith.constant 1 : i32
      %swap3A_890 = arith.constant 3 : i32
      %swap3A_891 = arith.index_cast %swap3A_889 : i32 to index
      %swap3A_892 = arith.index_cast %select_n3A_775 : i32 to index
      %swap3A_893 = arith.index_cast %swap3A_890 : i32 to index
      %swap3A_894 = arith.index_cast %mul3A_793 : i32 to index
      %swap3A_895 = tpu.vector_load %arg22[%swap3A_891, %swap3A_892, %swap3A_893, %swap3A_894] {strides = array<i32>} : memref<2x4x8x128xf32, #tpu.memory_space<vmem>>, vector<16xf32>,
      tpu.vector_store %arg22[%swap3A_891, %swap3A_892, %swap3A_893, %swap3A_894], %gather3A_888 {strides = array<i32>} : memref<2x4x8x128xf32, #tpu.memory_space<vmem>>, vector<16xf32>,
      %gather3A_896 = tpu.vector_load_idx %arg17[%get3A_799] : memref<32xf32, #tpu.memory_space<vmem>>[vector<16xi32>], vector<16xf32>,
      %swap3A_897 = arith.constant 1 : i32
      %swap3A_898 = arith.constant 4 : i32
      %swap3A_899 = arith.index_cast %swap3A_897 : i32 to index
      %swap3A_900 = arith.index_cast %select_n3A_775 : i32 to index
      %swap3A_901 = arith.index_cast %swap3A_898 : i32 to index
      %swap3A_902 = arith.index_cast %mul3A_793 : i32 to index
      %swap3A_903 = tpu.vector_load %arg22[%swap3A_899, %swap3A_900, %swap3A_901, %swap3A_902] {strides = array<i32>} : memref<2x4x8x128xf32, #tpu.memory_space<vmem>>, vector<16xf32>,
      tpu.vector_store %arg22[%swap3A_899, %swap3A_900, %swap3A_901, %swap3A_902], %gather3A_896 {strides = array<i32>} : memref<2x4x8x128xf32, #tpu.memory_space<vmem>>, vector<16xf32>,
      %gather3A_904 = tpu.vector_load_idx %arg18[%get3A_799] : memref<32xf32, #tpu.memory_space<vmem>>[vector<16xi32>], vector<16xf32>,
      %swap3A_905 = arith.constant 1 : i32
      %swap3A_906 = arith.constant 5 : i32
      %swap3A_907 = arith.index_cast %swap3A_905 : i32 to index
      %swap3A_908 = arith.index_cast %select_n3A_775 : i32 to index
      %swap3A_909 = arith.index_cast %swap3A_906 : i32 to index
      %swap3A_910 = arith.index_cast %mul3A_793 : i32 to index
      %swap3A_911 = tpu.vector_load %arg22[%swap3A_907, %swap3A_908, %swap3A_909, %swap3A_910] {strides = array<i32>} : memref<2x4x8x128xf32, #tpu.memory_space<vmem>>, vector<16xf32>,
      tpu.vector_store %arg22[%swap3A_907, %swap3A_908, %swap3A_909, %swap3A_910], %gather3A_904 {strides = array<i32>} : memref<2x4x8x128xf32, #tpu.memory_space<vmem>>, vector<16xf32>,
      %gather3A_912 = tpu.vector_load_idx %arg19[%get3A_799] : memref<32xf32, #tpu.memory_space<vmem>>[vector<16xi32>], vector<16xf32>,
      %swap3A_913 = arith.constant 1 : i32
      %swap3A_914 = arith.constant 6 : i32
      %swap3A_915 = arith.index_cast %swap3A_913 : i32 to index
      %swap3A_916 = arith.index_cast %select_n3A_775 : i32 to index
      %swap3A_917 = arith.index_cast %swap3A_914 : i32 to index
      %swap3A_918 = arith.index_cast %mul3A_793 : i32 to index
      %swap3A_919 = tpu.vector_load %arg22[%swap3A_915, %swap3A_916, %swap3A_917, %swap3A_918] {strides = array<i32>} : memref<2x4x8x128xf32, #tpu.memory_space<vmem>>, vector<16xf32>,
      tpu.vector_store %arg22[%swap3A_915, %swap3A_916, %swap3A_917, %swap3A_918], %gather3A_912 {strides = array<i32>} : memref<2x4x8x128xf32, #tpu.memory_space<vmem>>, vector<16xf32>,
      %gather3A_920 = tpu.vector_load_idx %arg20[%get3A_799] : memref<32xf32, #tpu.memory_space<vmem>>[vector<16xi32>], vector<16xf32>,
      %swap3A_921 = arith.constant 1 : i32
      %swap3A_922 = arith.constant 7 : i32
      %swap3A_923 = arith.index_cast %swap3A_921 : i32 to index
      %swap3A_924 = arith.index_cast %select_n3A_775 : i32 to index
      %swap3A_925 = arith.index_cast %swap3A_922 : i32 to index
      %swap3A_926 = arith.index_cast %mul3A_793 : i32 to index
      %swap3A_927 = tpu.vector_load %arg22[%swap3A_923, %swap3A_924, %swap3A_925, %swap3A_926] {strides = array<i32>} : memref<2x4x8x128xf32, #tpu.memory_space<vmem>>, vector<16xf32>,
      tpu.vector_store %arg22[%swap3A_923, %swap3A_924, %swap3A_925, %swap3A_926], %gather3A_920 {strides = array<i32>} : memref<2x4x8x128xf32, #tpu.memory_space<vmem>>, vector<16xf32>,
    }
    %scan3A_21 = arith.constant 32 : i32
    %mul3A_22 = arith.constant 4 : i32
    %mul3A_23 = arith.muli %add3A, %mul3A_22 : i32
    %dma_start3A = arith.constant 0 : i32
    %dma_start3A_24 = arith.constant 0 : i32
    %dma_start3A_25 = arith.constant 0 : i32
    %dma_start3A_26 = arith.constant 0 : i32
    %dma_start3A_27 = arith.constant 0 : i32
    %dma_start3A_28 = arith.constant 0 : i32
    %dma_start3A_29 = tpu.memref_slice %arg22[%dma_start3A, %dma_start3A_26, %dma_start3A_27, %dma_start3A_28] : memref<2x4x8x128xf32, #tpu.memory_space<vmem>> -> memref<1x4x8x128xf32, #tpu.memory_space<vmem>>
    %dma_start3A_30 = tpu.memref_squeeze %dma_start3A_29 : memref<1x4x8x128xf32, #tpu.memory_space<vmem>> -> memref<4x8x128xf32, #tpu.memory_space<vmem>>
    %dma_start3A_31 = arith.constant 0 : i32
    %dma_start3A_32 = arith.constant 0 : i32
    %dma_start3A_33 = tpu.memref_slice %arg4[%dma_start3A_24, %dma_start3A_25, %mul3A_23, %dma_start3A_31, %dma_start3A_32] : memref<50x2x128x8x128xf32, #tpu.memory_space<hbm>> -> memref<1x1x4x8x128xf32, #tpu.memory_space<hbm>>
    %dma_start3A_34 = tpu.memref_squeeze %dma_start3A_33 : memref<1x1x4x8x128xf32, #tpu.memory_space<hbm>> -> memref<4x8x128xf32, #tpu.memory_space<hbm>>
    %dma_start3A_35 = arith.constant 0 : i32
    %dma_start3A_36 = arith.constant 0 : i32
    %dma_start3A_37 = tpu.memref_slice %arg4[%dma_start3A_24, %dma_start3A_25, %mul3A_23, %dma_start3A_35, %dma_start3A_36] : memref<50x2x128x8x128xf32, #tpu.memory_space<hbm>> -> memref<1x1x4x8x128xf32, #tpu.memory_space<hbm>>
    %dma_start3A_38 = tpu.memref_squeeze %dma_start3A_37 : memref<1x1x4x8x128xf32, #tpu.memory_space<hbm>> -> memref<4x8x128xf32, #tpu.memory_space<hbm>>
    %dma_start3A_39 = arith.constant 0 : i32
    %dma_start3A_40 = arith.constant 0 : i32
    %dma_start3A_41 = arith.constant 0 : i32
    %dma_start3A_42 = tpu.memref_slice %arg22[%dma_start3A, %dma_start3A_39, %dma_start3A_40, %dma_start3A_41] : memref<2x4x8x128xf32, #tpu.memory_space<vmem>> -> memref<1x4x8x128xf32, #tpu.memory_space<vmem>>
    %dma_start3A_43 = tpu.memref_squeeze %dma_start3A_42 : memref<1x4x8x128xf32, #tpu.memory_space<vmem>> -> memref<4x8x128xf32, #tpu.memory_space<vmem>>
    tpu.enqueue_dma source(%dma_start3A_43 : memref<4x8x128xf32, #tpu.memory_space<vmem>>) target(%dma_start3A_38 : memref<4x8x128xf32, #tpu.memory_space<hbm>>) target_semaphore(%arg24 : memref<!tpu.dma_semaphore, #tpu.memory_space<semaphore_mem>>)
    %mul3A_44 = arith.constant 4 : i32
    %mul3A_45 = arith.muli %add3A, %mul3A_44 : i32
    %dma_start3A_46 = arith.constant 1 : i32
    %dma_start3A_47 = arith.constant 0 : i32
    %dma_start3A_48 = arith.constant 1 : i32
    %dma_start3A_49 = arith.constant 0 : i32
    %dma_start3A_50 = arith.constant 0 : i32
    %dma_start3A_51 = arith.constant 0 : i32
    %dma_start3A_52 = tpu.memref_slice %arg22[%dma_start3A_46, %dma_start3A_49, %dma_start3A_50, %dma_start3A_51] : memref<2x4x8x128xf32, #tpu.memory_space<vmem>> -> memref<1x4x8x128xf32, #tpu.memory_space<vmem>>
    %dma_start3A_53 = tpu.memref_squeeze %dma_start3A_52 : memref<1x4x8x128xf32, #tpu.memory_space<vmem>> -> memref<4x8x128xf32, #tpu.memory_space<vmem>>
    %dma_start3A_54 = arith.constant 0 : i32
    %dma_start3A_55 = arith.constant 0 : i32
    %dma_start3A_56 = tpu.memref_slice %arg4[%dma_start3A_47, %dma_start3A_48, %mul3A_45, %dma_start3A_54, %dma_start3A_55] : memref<50x2x128x8x128xf32, #tpu.memory_space<hbm>> -> memref<1x1x4x8x128xf32, #tpu.memory_space<hbm>>
    %dma_start3A_57 = tpu.memref_squeeze %dma_start3A_56 : memref<1x1x4x8x128xf32, #tpu.memory_space<hbm>> -> memref<4x8x128xf32, #tpu.memory_space<hbm>>
    %dma_start3A_58 = arith.constant 0 : i32
    %dma_start3A_59 = arith.constant 0 : i32
    %dma_start3A_60 = tpu.memref_slice %arg4[%dma_start3A_47, %dma_start3A_48, %mul3A_45, %dma_start3A_58, %dma_start3A_59] : memref<50x2x128x8x128xf32, #tpu.memory_space<hbm>> -> memref<1x1x4x8x128xf32, #tpu.memory_space<hbm>>
    %dma_start3A_61 = tpu.memref_squeeze %dma_start3A_60 : memref<1x1x4x8x128xf32, #tpu.memory_space<hbm>> -> memref<4x8x128xf32, #tpu.memory_space<hbm>>
    %dma_start3A_62 = arith.constant 0 : i32
    %dma_start3A_63 = arith.constant 0 : i32
    %dma_start3A_64 = arith.constant 0 : i32
    %dma_start3A_65 = tpu.memref_slice %arg22[%dma_start3A_46, %dma_start3A_62, %dma_start3A_63, %dma_start3A_64] : memref<2x4x8x128xf32, #tpu.memory_space<vmem>> -> memref<1x4x8x128xf32, #tpu.memory_space<vmem>>
    %dma_start3A_66 = tpu.memref_squeeze %dma_start3A_65 : memref<1x4x8x128xf32, #tpu.memory_space<vmem>> -> memref<4x8x128xf32, #tpu.memory_space<vmem>>
    tpu.enqueue_dma source(%dma_start3A_66 : memref<4x8x128xf32, #tpu.memory_space<vmem>>) target(%dma_start3A_61 : memref<4x8x128xf32, #tpu.memory_space<hbm>>) target_semaphore(%arg24 : memref<!tpu.dma_semaphore, #tpu.memory_space<semaphore_mem>>)
    %scan3A_67 = arith.constant 0 : i32
    %scan3A_68 = arith.constant 32 : i32
    %scan3A_69 = arith.addi %scan3A_67, %scan3A_68 : i32
    %scan3A_70 = arith.constant 4 : i32
    scf.for %scan3A_214 = %scan3A_67 to %scan3A_69 step %scan3A_70  : i32 {
      %mul3A_215 = arith.constant 1 : i32
      %mul3A_216 = arith.muli %scan3A_214, %mul3A_215 : i32
      %add3A_217 = arith.constant 0 : i32
      %add3A_218 = arith.addi %add3A_217, %mul3A_216 : i32
      %jit3A = arith.constant 8 : i32
      %div3A = arith.divsi %add3A_218, %jit3A : i32
      %sign3A = arith.constant 0 : i32
      %sign3A_219 = arith.cmpi sgt, %add3A_218, %sign3A : i32
      %sign3A_220 = arith.extui %sign3A_219 : i1 to i32
      %sign3A_221 = arith.constant 0 : i32
      %sign3A_222 = arith.cmpi slt, %add3A_218, %sign3A_221 : i32
      %sign3A_223 = arith.extui %sign3A_222 : i1 to i32
      %sign3A_224 = arith.subi %sign3A_220, %sign3A_223 : i32
      %sign3A_225 = arith.constant 0 : i32
      %sign3A_226 = arith.cmpi sgt, %jit3A, %sign3A_225 : i32
      %sign3A_227 = arith.extui %sign3A_226 : i1 to i32
      %sign3A_228 = arith.constant 0 : i32
      %sign3A_229 = arith.cmpi slt, %jit3A, %sign3A_228 : i32
      %sign3A_230 = arith.extui %sign3A_229 : i1 to i32
      %sign3A_231 = arith.subi %sign3A_227, %sign3A_230 : i32
      %ne3A = arith.cmpi ne, %sign3A_224, %sign3A_231 : i32
      %rem3A = arith.remsi %add3A_218, %jit3A : i32
      %ne3A_232 = arith.constant 0 : i32
      %ne3A_233 = arith.cmpi ne, %rem3A, %ne3A_232 : i32
      %and3A = arith.andi %ne3A, %ne3A_233 : i1
      %sub3A = arith.constant 1 : i32
      %sub3A_234 = arith.subi %div3A, %sub3A : i32
      %select_n3A = arith.select %and3A, %sub3A_234, %div3A : i32
      %jit3A_235 = arith.constant 8 : i32
      %eq3A = arith.constant 0 : i32
      %eq3A_236 = arith.cmpi eq, %jit3A_235, %eq3A : i32
      %jit3A_237 = arith.constant 1 : i32
      %select_n3A_238 = arith.select %eq3A_236, %jit3A_237, %jit3A_235 : i32
      %rem3A_239 = arith.remsi %add3A_218, %select_n3A_238 : i32
      %ne3A_240 = arith.constant 0 : i32
      %ne3A_241 = arith.cmpi ne, %rem3A_239, %ne3A_240 : i32
      %lt3A = arith.constant 0 : i32
      %lt3A_242 = arith.cmpi slt, %rem3A_239, %lt3A : i32
      %lt3A_243 = arith.constant 0 : i32
      %lt3A_244 = arith.cmpi slt, %select_n3A_238, %lt3A_243 : i32
      %ne3A_245 = arith.xori %lt3A_242, %lt3A_244 : i1
      %and3A_246 = arith.andi %ne3A_245, %ne3A_241 : i1
      %add3A_247 = arith.addi %rem3A_239, %select_n3A_238 : i32
      %select_n3A_248 = arith.select %and3A_246, %add3A_247, %rem3A_239 : i32
      %mul3A_249 = arith.constant 16 : i32
      %mul3A_250 = arith.muli %select_n3A_248, %mul3A_249 : i32
      %mul3A_251 = arith.constant 16 : i32
      %mul3A_252 = arith.muli %add3A_218, %mul3A_251 : i32
      %get3A = arith.constant 1 : i32
      %get3A_253 = arith.index_cast %get3A : i32 to index
      %get3A_254 = arith.index_cast %mul3A_252 : i32 to index
      %get3A_255 = tpu.vector_load %arg21[%get3A_253, %get3A_254] {strides = array<i32>} : memref<50x512xi32, #tpu.memory_space<vmem>>, vector<16xi32>,
      %gather3A = tpu.vector_load_idx %arg5[%get3A_255] : memref<32xf32, #tpu.memory_space<vmem>>[vector<16xi32>], vector<16xf32>,
      %swap3A = arith.constant 0 : i32
      %swap3A_256 = arith.constant 0 : i32
      %swap3A_257 = arith.index_cast %swap3A : i32 to index
      %swap3A_258 = arith.index_cast %select_n3A : i32 to index
      %swap3A_259 = arith.index_cast %swap3A_256 : i32 to index
      %swap3A_260 = arith.index_cast %mul3A_250 : i32 to index
      %swap3A_261 = tpu.vector_load %arg23[%swap3A_257, %swap3A_258, %swap3A_259, %swap3A_260] {strides = array<i32>} : memref<2x4x8x128xf32, #tpu.memory_space<vmem>>, vector<16xf32>,
      tpu.vector_store %arg23[%swap3A_257, %swap3A_258, %swap3A_259, %swap3A_260], %gather3A {strides = array<i32>} : memref<2x4x8x128xf32, #tpu.memory_space<vmem>>, vector<16xf32>,
      %gather3A_262 = tpu.vector_load_idx %arg6[%get3A_255] : memref<32xf32, #tpu.memory_space<vmem>>[vector<16xi32>], vector<16xf32>,
      %swap3A_263 = arith.constant 0 : i32
      %swap3A_264 = arith.constant 1 : i32
      %swap3A_265 = arith.index_cast %swap3A_263 : i32 to index
      %swap3A_266 = arith.index_cast %select_n3A : i32 to index
      %swap3A_267 = arith.index_cast %swap3A_264 : i32 to index
      %swap3A_268 = arith.index_cast %mul3A_250 : i32 to index
      %swap3A_269 = tpu.vector_load %arg23[%swap3A_265, %swap3A_266, %swap3A_267, %swap3A_268] {strides = array<i32>} : memref<2x4x8x128xf32, #tpu.memory_space<vmem>>, vector<16xf32>,
      tpu.vector_store %arg23[%swap3A_265, %swap3A_266, %swap3A_267, %swap3A_268], %gather3A_262 {strides = array<i32>} : memref<2x4x8x128xf32, #tpu.memory_space<vmem>>, vector<16xf32>,
      %gather3A_270 = tpu.vector_load_idx %arg7[%get3A_255] : memref<32xf32, #tpu.memory_space<vmem>>[vector<16xi32>], vector<16xf32>,
      %swap3A_271 = arith.constant 0 : i32
      %swap3A_272 = arith.constant 2 : i32
      %swap3A_273 = arith.index_cast %swap3A_271 : i32 to index
      %swap3A_274 = arith.index_cast %select_n3A : i32 to index
      %swap3A_275 = arith.index_cast %swap3A_272 : i32 to index
      %swap3A_276 = arith.index_cast %mul3A_250 : i32 to index
      %swap3A_277 = tpu.vector_load %arg23[%swap3A_273, %swap3A_274, %swap3A_275, %swap3A_276] {strides = array<i32>} : memref<2x4x8x128xf32, #tpu.memory_space<vmem>>, vector<16xf32>,
      tpu.vector_store %arg23[%swap3A_273, %swap3A_274, %swap3A_275, %swap3A_276], %gather3A_270 {strides = array<i32>} : memref<2x4x8x128xf32, #tpu.memory_space<vmem>>, vector<16xf32>,
      %gather3A_278 = tpu.vector_load_idx %arg8[%get3A_255] : memref<32xf32, #tpu.memory_space<vmem>>[vector<16xi32>], vector<16xf32>,
      %swap3A_279 = arith.constant 0 : i32
      %swap3A_280 = arith.constant 3 : i32
      %swap3A_281 = arith.index_cast %swap3A_279 : i32 to index
      %swap3A_282 = arith.index_cast %select_n3A : i32 to index
      %swap3A_283 = arith.index_cast %swap3A_280 : i32 to index
      %swap3A_284 = arith.index_cast %mul3A_250 : i32 to index
      %swap3A_285 = tpu.vector_load %arg23[%swap3A_281, %swap3A_282, %swap3A_283, %swap3A_284] {strides = array<i32>} : memref<2x4x8x128xf32, #tpu.memory_space<vmem>>, vector<16xf32>,
      tpu.vector_store %arg23[%swap3A_281, %swap3A_282, %swap3A_283, %swap3A_284], %gather3A_278 {strides = array<i32>} : memref<2x4x8x128xf32, #tpu.memory_space<vmem>>, vector<16xf32>,
      %gather3A_286 = tpu.vector_load_idx %arg9[%get3A_255] : memref<32xf32, #tpu.memory_space<vmem>>[vector<16xi32>], vector<16xf32>,
      %swap3A_287 = arith.constant 0 : i32
      %swap3A_288 = arith.constant 4 : i32
      %swap3A_289 = arith.index_cast %swap3A_287 : i32 to index
      %swap3A_290 = arith.index_cast %select_n3A : i32 to index
      %swap3A_291 = arith.index_cast %swap3A_288 : i32 to index
      %swap3A_292 = arith.index_cast %mul3A_250 : i32 to index
      %swap3A_293 = tpu.vector_load %arg23[%swap3A_289, %swap3A_290, %swap3A_291, %swap3A_292] {strides = array<i32>} : memref<2x4x8x128xf32, #tpu.memory_space<vmem>>, vector<16xf32>,
      tpu.vector_store %arg23[%swap3A_289, %swap3A_290, %swap3A_291, %swap3A_292], %gather3A_286 {strides = array<i32>} : memref<2x4x8x128xf32, #tpu.memory_space<vmem>>, vector<16xf32>,
      %gather3A_294 = tpu.vector_load_idx %arg10[%get3A_255] : memref<32xf32, #tpu.memory_space<vmem>>[vector<16xi32>], vector<16xf32>,
      %swap3A_295 = arith.constant 0 : i32
      %swap3A_296 = arith.constant 5 : i32
      %swap3A_297 = arith.index_cast %swap3A_295 : i32 to index
      %swap3A_298 = arith.index_cast %select_n3A : i32 to index
      %swap3A_299 = arith.index_cast %swap3A_296 : i32 to index
      %swap3A_300 = arith.index_cast %mul3A_250 : i32 to index
      %swap3A_301 = tpu.vector_load %arg23[%swap3A_297, %swap3A_298, %swap3A_299, %swap3A_300] {strides = array<i32>} : memref<2x4x8x128xf32, #tpu.memory_space<vmem>>, vector<16xf32>,
      tpu.vector_store %arg23[%swap3A_297, %swap3A_298, %swap3A_299, %swap3A_300], %gather3A_294 {strides = array<i32>} : memref<2x4x8x128xf32, #tpu.memory_space<vmem>>, vector<16xf32>,
      %gather3A_302 = tpu.vector_load_idx %arg11[%get3A_255] : memref<32xf32, #tpu.memory_space<vmem>>[vector<16xi32>], vector<16xf32>,
      %swap3A_303 = arith.constant 0 : i32
      %swap3A_304 = arith.constant 6 : i32
      %swap3A_305 = arith.index_cast %swap3A_303 : i32 to index
      %swap3A_306 = arith.index_cast %select_n3A : i32 to index
      %swap3A_307 = arith.index_cast %swap3A_304 : i32 to index
      %swap3A_308 = arith.index_cast %mul3A_250 : i32 to index
      %swap3A_309 = tpu.vector_load %arg23[%swap3A_305, %swap3A_306, %swap3A_307, %swap3A_308] {strides = array<i32>} : memref<2x4x8x128xf32, #tpu.memory_space<vmem>>, vector<16xf32>,
      tpu.vector_store %arg23[%swap3A_305, %swap3A_306, %swap3A_307, %swap3A_308], %gather3A_302 {strides = array<i32>} : memref<2x4x8x128xf32, #tpu.memory_space<vmem>>, vector<16xf32>,
      %gather3A_310 = tpu.vector_load_idx %arg12[%get3A_255] : memref<32xf32, #tpu.memory_space<vmem>>[vector<16xi32>], vector<16xf32>,
      %swap3A_311 = arith.constant 0 : i32
      %swap3A_312 = arith.constant 7 : i32
      %swap3A_313 = arith.index_cast %swap3A_311 : i32 to index
      %swap3A_314 = arith.index_cast %select_n3A : i32 to index
      %swap3A_315 = arith.index_cast %swap3A_312 : i32 to index
      %swap3A_316 = arith.index_cast %mul3A_250 : i32 to index
      %swap3A_317 = tpu.vector_load %arg23[%swap3A_313, %swap3A_314, %swap3A_315, %swap3A_316] {strides = array<i32>} : memref<2x4x8x128xf32, #tpu.memory_space<vmem>>, vector<16xf32>,
      tpu.vector_store %arg23[%swap3A_313, %swap3A_314, %swap3A_315, %swap3A_316], %gather3A_310 {strides = array<i32>} : memref<2x4x8x128xf32, #tpu.memory_space<vmem>>, vector<16xf32>,
      %gather3A_318 = tpu.vector_load_idx %arg13[%get3A_255] : memref<32xf32, #tpu.memory_space<vmem>>[vector<16xi32>], vector<16xf32>,
      %swap3A_319 = arith.constant 1 : i32
      %swap3A_320 = arith.constant 0 : i32
      %swap3A_321 = arith.index_cast %swap3A_319 : i32 to index
      %swap3A_322 = arith.index_cast %select_n3A : i32 to index
      %swap3A_323 = arith.index_cast %swap3A_320 : i32 to index
      %swap3A_324 = arith.index_cast %mul3A_250 : i32 to index
      %swap3A_325 = tpu.vector_load %arg23[%swap3A_321, %swap3A_322, %swap3A_323, %swap3A_324] {strides = array<i32>} : memref<2x4x8x128xf32, #tpu.memory_space<vmem>>, vector<16xf32>,
      tpu.vector_store %arg23[%swap3A_321, %swap3A_322, %swap3A_323, %swap3A_324], %gather3A_318 {strides = array<i32>} : memref<2x4x8x128xf32, #tpu.memory_space<vmem>>, vector<16xf32>,
      %gather3A_326 = tpu.vector_load_idx %arg14[%get3A_255] : memref<32xf32, #tpu.memory_space<vmem>>[vector<16xi32>], vector<16xf32>,
      %swap3A_327 = arith.constant 1 : i32
      %swap3A_328 = arith.constant 1 : i32
      %swap3A_329 = arith.index_cast %swap3A_327 : i32 to index
      %swap3A_330 = arith.index_cast %select_n3A : i32 to index
      %swap3A_331 = arith.index_cast %swap3A_328 : i32 to index
      %swap3A_332 = arith.index_cast %mul3A_250 : i32 to index
      %swap3A_333 = tpu.vector_load %arg23[%swap3A_329, %swap3A_330, %swap3A_331, %swap3A_332] {strides = array<i32>} : memref<2x4x8x128xf32, #tpu.memory_space<vmem>>, vector<16xf32>,
      tpu.vector_store %arg23[%swap3A_329, %swap3A_330, %swap3A_331, %swap3A_332], %gather3A_326 {strides = array<i32>} : memref<2x4x8x128xf32, #tpu.memory_space<vmem>>, vector<16xf32>,
      %gather3A_334 = tpu.vector_load_idx %arg15[%get3A_255] : memref<32xf32, #tpu.memory_space<vmem>>[vector<16xi32>], vector<16xf32>,
      %swap3A_335 = arith.constant 1 : i32
      %swap3A_336 = arith.constant 2 : i32
      %swap3A_337 = arith.index_cast %swap3A_335 : i32 to index
      %swap3A_338 = arith.index_cast %select_n3A : i32 to index
      %swap3A_339 = arith.index_cast %swap3A_336 : i32 to index
      %swap3A_340 = arith.index_cast %mul3A_250 : i32 to index
      %swap3A_341 = tpu.vector_load %arg23[%swap3A_337, %swap3A_338, %swap3A_339, %swap3A_340] {strides = array<i32>} : memref<2x4x8x128xf32, #tpu.memory_space<vmem>>, vector<16xf32>,
      tpu.vector_store %arg23[%swap3A_337, %swap3A_338, %swap3A_339, %swap3A_340], %gather3A_334 {strides = array<i32>} : memref<2x4x8x128xf32, #tpu.memory_space<vmem>>, vector<16xf32>,
      %gather3A_342 = tpu.vector_load_idx %arg16[%get3A_255] : memref<32xf32, #tpu.memory_space<vmem>>[vector<16xi32>], vector<16xf32>,
      %swap3A_343 = arith.constant 1 : i32
      %swap3A_344 = arith.constant 3 : i32
      %swap3A_345 = arith.index_cast %swap3A_343 : i32 to index
      %swap3A_346 = arith.index_cast %select_n3A : i32 to index
      %swap3A_347 = arith.index_cast %swap3A_344 : i32 to index
      %swap3A_348 = arith.index_cast %mul3A_250 : i32 to index
      %swap3A_349 = tpu.vector_load %arg23[%swap3A_345, %swap3A_346, %swap3A_347, %swap3A_348] {strides = array<i32>} : memref<2x4x8x128xf32, #tpu.memory_space<vmem>>, vector<16xf32>,
      tpu.vector_store %arg23[%swap3A_345, %swap3A_346, %swap3A_347, %swap3A_348], %gather3A_342 {strides = array<i32>} : memref<2x4x8x128xf32, #tpu.memory_space<vmem>>, vector<16xf32>,
      %gather3A_350 = tpu.vector_load_idx %arg17[%get3A_255] : memref<32xf32, #tpu.memory_space<vmem>>[vector<16xi32>], vector<16xf32>,
      %swap3A_351 = arith.constant 1 : i32
      %swap3A_352 = arith.constant 4 : i32
      %swap3A_353 = arith.index_cast %swap3A_351 : i32 to index
      %swap3A_354 = arith.index_cast %select_n3A : i32 to index
      %swap3A_355 = arith.index_cast %swap3A_352 : i32 to index
      %swap3A_356 = arith.index_cast %mul3A_250 : i32 to index
      %swap3A_357 = tpu.vector_load %arg23[%swap3A_353, %swap3A_354, %swap3A_355, %swap3A_356] {strides = array<i32>} : memref<2x4x8x128xf32, #tpu.memory_space<vmem>>, vector<16xf32>,
      tpu.vector_store %arg23[%swap3A_353, %swap3A_354, %swap3A_355, %swap3A_356], %gather3A_350 {strides = array<i32>} : memref<2x4x8x128xf32, #tpu.memory_space<vmem>>, vector<16xf32>,
      %gather3A_358 = tpu.vector_load_idx %arg18[%get3A_255] : memref<32xf32, #tpu.memory_space<vmem>>[vector<16xi32>], vector<16xf32>,
      %swap3A_359 = arith.constant 1 : i32
      %swap3A_360 = arith.constant 5 : i32
      %swap3A_361 = arith.index_cast %swap3A_359 : i32 to index
      %swap3A_362 = arith.index_cast %select_n3A : i32 to index
      %swap3A_363 = arith.index_cast %swap3A_360 : i32 to index
      %swap3A_364 = arith.index_cast %mul3A_250 : i32 to index
      %swap3A_365 = tpu.vector_load %arg23[%swap3A_361, %swap3A_362, %swap3A_363, %swap3A_364] {strides = array<i32>} : memref<2x4x8x128xf32, #tpu.memory_space<vmem>>, vector<16xf32>,
      tpu.vector_store %arg23[%swap3A_361, %swap3A_362, %swap3A_363, %swap3A_364], %gather3A_358 {strides = array<i32>} : memref<2x4x8x128xf32, #tpu.memory_space<vmem>>, vector<16xf32>,
      %gather3A_366 = tpu.vector_load_idx %arg19[%get3A_255] : memref<32xf32, #tpu.memory_space<vmem>>[vector<16xi32>], vector<16xf32>,
      %swap3A_367 = arith.constant 1 : i32
      %swap3A_368 = arith.constant 6 : i32
      %swap3A_369 = arith.index_cast %swap3A_367 : i32 to index
      %swap3A_370 = arith.index_cast %select_n3A : i32 to index
      %swap3A_371 = arith.index_cast %swap3A_368 : i32 to index
      %swap3A_372 = arith.index_cast %mul3A_250 : i32 to index
      %swap3A_373 = tpu.vector_load %arg23[%swap3A_369, %swap3A_370, %swap3A_371, %swap3A_372] {strides = array<i32>} : memref<2x4x8x128xf32, #tpu.memory_space<vmem>>, vector<16xf32>,
      tpu.vector_store %arg23[%swap3A_369, %swap3A_370, %swap3A_371, %swap3A_372], %gather3A_366 {strides = array<i32>} : memref<2x4x8x128xf32, #tpu.memory_space<vmem>>, vector<16xf32>,
      %gather3A_374 = tpu.vector_load_idx %arg20[%get3A_255] : memref<32xf32, #tpu.memory_space<vmem>>[vector<16xi32>], vector<16xf32>,
      %swap3A_375 = arith.constant 1 : i32
      %swap3A_376 = arith.constant 7 : i32
      %swap3A_377 = arith.index_cast %swap3A_375 : i32 to index
      %swap3A_378 = arith.index_cast %select_n3A : i32 to index
      %swap3A_379 = arith.index_cast %swap3A_376 : i32 to index
      %swap3A_380 = arith.index_cast %mul3A_250 : i32 to index
      %swap3A_381 = tpu.vector_load %arg23[%swap3A_377, %swap3A_378, %swap3A_379, %swap3A_380] {strides = array<i32>} : memref<2x4x8x128xf32, #tpu.memory_space<vmem>>, vector<16xf32>,
      tpu.vector_store %arg23[%swap3A_377, %swap3A_378, %swap3A_379, %swap3A_380], %gather3A_374 {strides = array<i32>} : memref<2x4x8x128xf32, #tpu.memory_space<vmem>>, vector<16xf32>,
      %scan3A_382 = arith.constant 1 : i32
      %scan3A_383 = arith.addi %scan3A_214, %scan3A_382 : i32
      %mul3A_384 = arith.constant 1 : i32
      %mul3A_385 = arith.muli %scan3A_383, %mul3A_384 : i32
      %add3A_386 = arith.constant 0 : i32
      %add3A_387 = arith.addi %add3A_386, %mul3A_385 : i32
      %jit3A_388 = arith.constant 8 : i32
      %div3A_389 = arith.divsi %add3A_387, %jit3A_388 : i32
      %sign3A_390 = arith.constant 0 : i32
      %sign3A_391 = arith.cmpi sgt, %add3A_387, %sign3A_390 : i32
      %sign3A_392 = arith.extui %sign3A_391 : i1 to i32
      %sign3A_393 = arith.constant 0 : i32
      %sign3A_394 = arith.cmpi slt, %add3A_387, %sign3A_393 : i32
      %sign3A_395 = arith.extui %sign3A_394 : i1 to i32
      %sign3A_396 = arith.subi %sign3A_392, %sign3A_395 : i32
      %sign3A_397 = arith.constant 0 : i32
      %sign3A_398 = arith.cmpi sgt, %jit3A_388, %sign3A_397 : i32
      %sign3A_399 = arith.extui %sign3A_398 : i1 to i32
      %sign3A_400 = arith.constant 0 : i32
      %sign3A_401 = arith.cmpi slt, %jit3A_388, %sign3A_400 : i32
      %sign3A_402 = arith.extui %sign3A_401 : i1 to i32
      %sign3A_403 = arith.subi %sign3A_399, %sign3A_402 : i32
      %ne3A_404 = arith.cmpi ne, %sign3A_396, %sign3A_403 : i32
      %rem3A_405 = arith.remsi %add3A_387, %jit3A_388 : i32
      %ne3A_406 = arith.constant 0 : i32
      %ne3A_407 = arith.cmpi ne, %rem3A_405, %ne3A_406 : i32
      %and3A_408 = arith.andi %ne3A_404, %ne3A_407 : i1
      %sub3A_409 = arith.constant 1 : i32
      %sub3A_410 = arith.subi %div3A_389, %sub3A_409 : i32
      %select_n3A_411 = arith.select %and3A_408, %sub3A_410, %div3A_389 : i32
      %jit3A_412 = arith.constant 8 : i32
      %eq3A_413 = arith.constant 0 : i32
      %eq3A_414 = arith.cmpi eq, %jit3A_412, %eq3A_413 : i32
      %jit3A_415 = arith.constant 1 : i32
      %select_n3A_416 = arith.select %eq3A_414, %jit3A_415, %jit3A_412 : i32
      %rem3A_417 = arith.remsi %add3A_387, %select_n3A_416 : i32
      %ne3A_418 = arith.constant 0 : i32
      %ne3A_419 = arith.cmpi ne, %rem3A_417, %ne3A_418 : i32
      %lt3A_420 = arith.constant 0 : i32
      %lt3A_421 = arith.cmpi slt, %rem3A_417, %lt3A_420 : i32
      %lt3A_422 = arith.constant 0 : i32
      %lt3A_423 = arith.cmpi slt, %select_n3A_416, %lt3A_422 : i32
      %ne3A_424 = arith.xori %lt3A_421, %lt3A_423 : i1
      %and3A_425 = arith.andi %ne3A_424, %ne3A_419 : i1
      %add3A_426 = arith.addi %rem3A_417, %select_n3A_416 : i32
      %select_n3A_427 = arith.select %and3A_425, %add3A_426, %rem3A_417 : i32
      %mul3A_428 = arith.constant 16 : i32
      %mul3A_429 = arith.muli %select_n3A_427, %mul3A_428 : i32
      %mul3A_430 = arith.constant 16 : i32
      %mul3A_431 = arith.muli %add3A_387, %mul3A_430 : i32
      %get3A_432 = arith.constant 1 : i32
      %get3A_433 = arith.index_cast %get3A_432 : i32 to index
      %get3A_434 = arith.index_cast %mul3A_431 : i32 to index
      %get3A_435 = tpu.vector_load %arg21[%get3A_433, %get3A_434] {strides = array<i32>} : memref<50x512xi32, #tpu.memory_space<vmem>>, vector<16xi32>,
      %gather3A_436 = tpu.vector_load_idx %arg5[%get3A_435] : memref<32xf32, #tpu.memory_space<vmem>>[vector<16xi32>], vector<16xf32>,
      %swap3A_437 = arith.constant 0 : i32
      %swap3A_438 = arith.constant 0 : i32
      %swap3A_439 = arith.index_cast %swap3A_437 : i32 to index
      %swap3A_440 = arith.index_cast %select_n3A_411 : i32 to index
      %swap3A_441 = arith.index_cast %swap3A_438 : i32 to index
      %swap3A_442 = arith.index_cast %mul3A_429 : i32 to index
      %swap3A_443 = tpu.vector_load %arg23[%swap3A_439, %swap3A_440, %swap3A_441, %swap3A_442] {strides = array<i32>} : memref<2x4x8x128xf32, #tpu.memory_space<vmem>>, vector<16xf32>,
      tpu.vector_store %arg23[%swap3A_439, %swap3A_440, %swap3A_441, %swap3A_442], %gather3A_436 {strides = array<i32>} : memref<2x4x8x128xf32, #tpu.memory_space<vmem>>, vector<16xf32>,
      %gather3A_444 = tpu.vector_load_idx %arg6[%get3A_435] : memref<32xf32, #tpu.memory_space<vmem>>[vector<16xi32>], vector<16xf32>,
      %swap3A_445 = arith.constant 0 : i32
      %swap3A_446 = arith.constant 1 : i32
      %swap3A_447 = arith.index_cast %swap3A_445 : i32 to index
      %swap3A_448 = arith.index_cast %select_n3A_411 : i32 to index
      %swap3A_449 = arith.index_cast %swap3A_446 : i32 to index
      %swap3A_450 = arith.index_cast %mul3A_429 : i32 to index
      %swap3A_451 = tpu.vector_load %arg23[%swap3A_447, %swap3A_448, %swap3A_449, %swap3A_450] {strides = array<i32>} : memref<2x4x8x128xf32, #tpu.memory_space<vmem>>, vector<16xf32>,
      tpu.vector_store %arg23[%swap3A_447, %swap3A_448, %swap3A_449, %swap3A_450], %gather3A_444 {strides = array<i32>} : memref<2x4x8x128xf32, #tpu.memory_space<vmem>>, vector<16xf32>,
      %gather3A_452 = tpu.vector_load_idx %arg7[%get3A_435] : memref<32xf32, #tpu.memory_space<vmem>>[vector<16xi32>], vector<16xf32>,
      %swap3A_453 = arith.constant 0 : i32
      %swap3A_454 = arith.constant 2 : i32
      %swap3A_455 = arith.index_cast %swap3A_453 : i32 to index
      %swap3A_456 = arith.index_cast %select_n3A_411 : i32 to index
      %swap3A_457 = arith.index_cast %swap3A_454 : i32 to index
      %swap3A_458 = arith.index_cast %mul3A_429 : i32 to index
      %swap3A_459 = tpu.vector_load %arg23[%swap3A_455, %swap3A_456, %swap3A_457, %swap3A_458] {strides = array<i32>} : memref<2x4x8x128xf32, #tpu.memory_space<vmem>>, vector<16xf32>,
      tpu.vector_store %arg23[%swap3A_455, %swap3A_456, %swap3A_457, %swap3A_458], %gather3A_452 {strides = array<i32>} : memref<2x4x8x128xf32, #tpu.memory_space<vmem>>, vector<16xf32>,
      %gather3A_460 = tpu.vector_load_idx %arg8[%get3A_435] : memref<32xf32, #tpu.memory_space<vmem>>[vector<16xi32>], vector<16xf32>,
      %swap3A_461 = arith.constant 0 : i32
      %swap3A_462 = arith.constant 3 : i32
      %swap3A_463 = arith.index_cast %swap3A_461 : i32 to index
      %swap3A_464 = arith.index_cast %select_n3A_411 : i32 to index
      %swap3A_465 = arith.index_cast %swap3A_462 : i32 to index
      %swap3A_466 = arith.index_cast %mul3A_429 : i32 to index
      %swap3A_467 = tpu.vector_load %arg23[%swap3A_463, %swap3A_464, %swap3A_465, %swap3A_466] {strides = array<i32>} : memref<2x4x8x128xf32, #tpu.memory_space<vmem>>, vector<16xf32>,
      tpu.vector_store %arg23[%swap3A_463, %swap3A_464, %swap3A_465, %swap3A_466], %gather3A_460 {strides = array<i32>} : memref<2x4x8x128xf32, #tpu.memory_space<vmem>>, vector<16xf32>,
      %gather3A_468 = tpu.vector_load_idx %arg9[%get3A_435] : memref<32xf32, #tpu.memory_space<vmem>>[vector<16xi32>], vector<16xf32>,
      %swap3A_469 = arith.constant 0 : i32
      %swap3A_470 = arith.constant 4 : i32
      %swap3A_471 = arith.index_cast %swap3A_469 : i32 to index
      %swap3A_472 = arith.index_cast %select_n3A_411 : i32 to index
      %swap3A_473 = arith.index_cast %swap3A_470 : i32 to index
      %swap3A_474 = arith.index_cast %mul3A_429 : i32 to index
      %swap3A_475 = tpu.vector_load %arg23[%swap3A_471, %swap3A_472, %swap3A_473, %swap3A_474] {strides = array<i32>} : memref<2x4x8x128xf32, #tpu.memory_space<vmem>>, vector<16xf32>,
      tpu.vector_store %arg23[%swap3A_471, %swap3A_472, %swap3A_473, %swap3A_474], %gather3A_468 {strides = array<i32>} : memref<2x4x8x128xf32, #tpu.memory_space<vmem>>, vector<16xf32>,
      %gather3A_476 = tpu.vector_load_idx %arg10[%get3A_435] : memref<32xf32, #tpu.memory_space<vmem>>[vector<16xi32>], vector<16xf32>,
      %swap3A_477 = arith.constant 0 : i32
      %swap3A_478 = arith.constant 5 : i32
      %swap3A_479 = arith.index_cast %swap3A_477 : i32 to index
      %swap3A_480 = arith.index_cast %select_n3A_411 : i32 to index
      %swap3A_481 = arith.index_cast %swap3A_478 : i32 to index
      %swap3A_482 = arith.index_cast %mul3A_429 : i32 to index
      %swap3A_483 = tpu.vector_load %arg23[%swap3A_479, %swap3A_480, %swap3A_481, %swap3A_482] {strides = array<i32>} : memref<2x4x8x128xf32, #tpu.memory_space<vmem>>, vector<16xf32>,
      tpu.vector_store %arg23[%swap3A_479, %swap3A_480, %swap3A_481, %swap3A_482], %gather3A_476 {strides = array<i32>} : memref<2x4x8x128xf32, #tpu.memory_space<vmem>>, vector<16xf32>,
      %gather3A_484 = tpu.vector_load_idx %arg11[%get3A_435] : memref<32xf32, #tpu.memory_space<vmem>>[vector<16xi32>], vector<16xf32>,
      %swap3A_485 = arith.constant 0 : i32
      %swap3A_486 = arith.constant 6 : i32
      %swap3A_487 = arith.index_cast %swap3A_485 : i32 to index
      %swap3A_488 = arith.index_cast %select_n3A_411 : i32 to index
      %swap3A_489 = arith.index_cast %swap3A_486 : i32 to index
      %swap3A_490 = arith.index_cast %mul3A_429 : i32 to index
      %swap3A_491 = tpu.vector_load %arg23[%swap3A_487, %swap3A_488, %swap3A_489, %swap3A_490] {strides = array<i32>} : memref<2x4x8x128xf32, #tpu.memory_space<vmem>>, vector<16xf32>,
      tpu.vector_store %arg23[%swap3A_487, %swap3A_488, %swap3A_489, %swap3A_490], %gather3A_484 {strides = array<i32>} : memref<2x4x8x128xf32, #tpu.memory_space<vmem>>, vector<16xf32>,
      %gather3A_492 = tpu.vector_load_idx %arg12[%get3A_435] : memref<32xf32, #tpu.memory_space<vmem>>[vector<16xi32>], vector<16xf32>,
      %swap3A_493 = arith.constant 0 : i32
      %swap3A_494 = arith.constant 7 : i32
      %swap3A_495 = arith.index_cast %swap3A_493 : i32 to index
      %swap3A_496 = arith.index_cast %select_n3A_411 : i32 to index
      %swap3A_497 = arith.index_cast %swap3A_494 : i32 to index
      %swap3A_498 = arith.index_cast %mul3A_429 : i32 to index
      %swap3A_499 = tpu.vector_load %arg23[%swap3A_495, %swap3A_496, %swap3A_497, %swap3A_498] {strides = array<i32>} : memref<2x4x8x128xf32, #tpu.memory_space<vmem>>, vector<16xf32>,
      tpu.vector_store %arg23[%swap3A_495, %swap3A_496, %swap3A_497, %swap3A_498], %gather3A_492 {strides = array<i32>} : memref<2x4x8x128xf32, #tpu.memory_space<vmem>>, vector<16xf32>,
      %gather3A_500 = tpu.vector_load_idx %arg13[%get3A_435] : memref<32xf32, #tpu.memory_space<vmem>>[vector<16xi32>], vector<16xf32>,
      %swap3A_501 = arith.constant 1 : i32
      %swap3A_502 = arith.constant 0 : i32
      %swap3A_503 = arith.index_cast %swap3A_501 : i32 to index
      %swap3A_504 = arith.index_cast %select_n3A_411 : i32 to index
      %swap3A_505 = arith.index_cast %swap3A_502 : i32 to index
      %swap3A_506 = arith.index_cast %mul3A_429 : i32 to index
      %swap3A_507 = tpu.vector_load %arg23[%swap3A_503, %swap3A_504, %swap3A_505, %swap3A_506] {strides = array<i32>} : memref<2x4x8x128xf32, #tpu.memory_space<vmem>>, vector<16xf32>,
      tpu.vector_store %arg23[%swap3A_503, %swap3A_504, %swap3A_505, %swap3A_506], %gather3A_500 {strides = array<i32>} : memref<2x4x8x128xf32, #tpu.memory_space<vmem>>, vector<16xf32>,
      %gather3A_508 = tpu.vector_load_idx %arg14[%get3A_435] : memref<32xf32, #tpu.memory_space<vmem>>[vector<16xi32>], vector<16xf32>,
      %swap3A_509 = arith.constant 1 : i32
      %swap3A_510 = arith.constant 1 : i32
      %swap3A_511 = arith.index_cast %swap3A_509 : i32 to index
      %swap3A_512 = arith.index_cast %select_n3A_411 : i32 to index
      %swap3A_513 = arith.index_cast %swap3A_510 : i32 to index
      %swap3A_514 = arith.index_cast %mul3A_429 : i32 to index
      %swap3A_515 = tpu.vector_load %arg23[%swap3A_511, %swap3A_512, %swap3A_513, %swap3A_514] {strides = array<i32>} : memref<2x4x8x128xf32, #tpu.memory_space<vmem>>, vector<16xf32>,
      tpu.vector_store %arg23[%swap3A_511, %swap3A_512, %swap3A_513, %swap3A_514], %gather3A_508 {strides = array<i32>} : memref<2x4x8x128xf32, #tpu.memory_space<vmem>>, vector<16xf32>,
      %gather3A_516 = tpu.vector_load_idx %arg15[%get3A_435] : memref<32xf32, #tpu.memory_space<vmem>>[vector<16xi32>], vector<16xf32>,
      %swap3A_517 = arith.constant 1 : i32
      %swap3A_518 = arith.constant 2 : i32
      %swap3A_519 = arith.index_cast %swap3A_517 : i32 to index
      %swap3A_520 = arith.index_cast %select_n3A_411 : i32 to index
      %swap3A_521 = arith.index_cast %swap3A_518 : i32 to index
      %swap3A_522 = arith.index_cast %mul3A_429 : i32 to index
      %swap3A_523 = tpu.vector_load %arg23[%swap3A_519, %swap3A_520, %swap3A_521, %swap3A_522] {strides = array<i32>} : memref<2x4x8x128xf32, #tpu.memory_space<vmem>>, vector<16xf32>,
      tpu.vector_store %arg23[%swap3A_519, %swap3A_520, %swap3A_521, %swap3A_522], %gather3A_516 {strides = array<i32>} : memref<2x4x8x128xf32, #tpu.memory_space<vmem>>, vector<16xf32>,
      %gather3A_524 = tpu.vector_load_idx %arg16[%get3A_435] : memref<32xf32, #tpu.memory_space<vmem>>[vector<16xi32>], vector<16xf32>,
      %swap3A_525 = arith.constant 1 : i32
      %swap3A_526 = arith.constant 3 : i32
      %swap3A_527 = arith.index_cast %swap3A_525 : i32 to index
      %swap3A_528 = arith.index_cast %select_n3A_411 : i32 to index
      %swap3A_529 = arith.index_cast %swap3A_526 : i32 to index
      %swap3A_530 = arith.index_cast %mul3A_429 : i32 to index
      %swap3A_531 = tpu.vector_load %arg23[%swap3A_527, %swap3A_528, %swap3A_529, %swap3A_530] {strides = array<i32>} : memref<2x4x8x128xf32, #tpu.memory_space<vmem>>, vector<16xf32>,
      tpu.vector_store %arg23[%swap3A_527, %swap3A_528, %swap3A_529, %swap3A_530], %gather3A_524 {strides = array<i32>} : memref<2x4x8x128xf32, #tpu.memory_space<vmem>>, vector<16xf32>,
      %gather3A_532 = tpu.vector_load_idx %arg17[%get3A_435] : memref<32xf32, #tpu.memory_space<vmem>>[vector<16xi32>], vector<16xf32>,
      %swap3A_533 = arith.constant 1 : i32
      %swap3A_534 = arith.constant 4 : i32
      %swap3A_535 = arith.index_cast %swap3A_533 : i32 to index
      %swap3A_536 = arith.index_cast %select_n3A_411 : i32 to index
      %swap3A_537 = arith.index_cast %swap3A_534 : i32 to index
      %swap3A_538 = arith.index_cast %mul3A_429 : i32 to index
      %swap3A_539 = tpu.vector_load %arg23[%swap3A_535, %swap3A_536, %swap3A_537, %swap3A_538] {strides = array<i32>} : memref<2x4x8x128xf32, #tpu.memory_space<vmem>>, vector<16xf32>,
      tpu.vector_store %arg23[%swap3A_535, %swap3A_536, %swap3A_537, %swap3A_538], %gather3A_532 {strides = array<i32>} : memref<2x4x8x128xf32, #tpu.memory_space<vmem>>, vector<16xf32>,
      %gather3A_540 = tpu.vector_load_idx %arg18[%get3A_435] : memref<32xf32, #tpu.memory_space<vmem>>[vector<16xi32>], vector<16xf32>,
      %swap3A_541 = arith.constant 1 : i32
      %swap3A_542 = arith.constant 5 : i32
      %swap3A_543 = arith.index_cast %swap3A_541 : i32 to index
      %swap3A_544 = arith.index_cast %select_n3A_411 : i32 to index
      %swap3A_545 = arith.index_cast %swap3A_542 : i32 to index
      %swap3A_546 = arith.index_cast %mul3A_429 : i32 to index
      %swap3A_547 = tpu.vector_load %arg23[%swap3A_543, %swap3A_544, %swap3A_545, %swap3A_546] {strides = array<i32>} : memref<2x4x8x128xf32, #tpu.memory_space<vmem>>, vector<16xf32>,
      tpu.vector_store %arg23[%swap3A_543, %swap3A_544, %swap3A_545, %swap3A_546], %gather3A_540 {strides = array<i32>} : memref<2x4x8x128xf32, #tpu.memory_space<vmem>>, vector<16xf32>,
      %gather3A_548 = tpu.vector_load_idx %arg19[%get3A_435] : memref<32xf32, #tpu.memory_space<vmem>>[vector<16xi32>], vector<16xf32>,
      %swap3A_549 = arith.constant 1 : i32
      %swap3A_550 = arith.constant 6 : i32
      %swap3A_551 = arith.index_cast %swap3A_549 : i32 to index
      %swap3A_552 = arith.index_cast %select_n3A_411 : i32 to index
      %swap3A_553 = arith.index_cast %swap3A_550 : i32 to index
      %swap3A_554 = arith.index_cast %mul3A_429 : i32 to index
      %swap3A_555 = tpu.vector_load %arg23[%swap3A_551, %swap3A_552, %swap3A_553, %swap3A_554] {strides = array<i32>} : memref<2x4x8x128xf32, #tpu.memory_space<vmem>>, vector<16xf32>,
      tpu.vector_store %arg23[%swap3A_551, %swap3A_552, %swap3A_553, %swap3A_554], %gather3A_548 {strides = array<i32>} : memref<2x4x8x128xf32, #tpu.memory_space<vmem>>, vector<16xf32>,
      %gather3A_556 = tpu.vector_load_idx %arg20[%get3A_435] : memref<32xf32, #tpu.memory_space<vmem>>[vector<16xi32>], vector<16xf32>,
      %swap3A_557 = arith.constant 1 : i32
      %swap3A_558 = arith.constant 7 : i32
      %swap3A_559 = arith.index_cast %swap3A_557 : i32 to index
      %swap3A_560 = arith.index_cast %select_n3A_411 : i32 to index
      %swap3A_561 = arith.index_cast %swap3A_558 : i32 to index
      %swap3A_562 = arith.index_cast %mul3A_429 : i32 to index
      %swap3A_563 = tpu.vector_load %arg23[%swap3A_559, %swap3A_560, %swap3A_561, %swap3A_562] {strides = array<i32>} : memref<2x4x8x128xf32, #tpu.memory_space<vmem>>, vector<16xf32>,
      tpu.vector_store %arg23[%swap3A_559, %swap3A_560, %swap3A_561, %swap3A_562], %gather3A_556 {strides = array<i32>} : memref<2x4x8x128xf32, #tpu.memory_space<vmem>>, vector<16xf32>,
      %scan3A_564 = arith.constant 2 : i32
      %scan3A_565 = arith.addi %scan3A_214, %scan3A_564 : i32
      %mul3A_566 = arith.constant 1 : i32
      %mul3A_567 = arith.muli %scan3A_565, %mul3A_566 : i32
      %add3A_568 = arith.constant 0 : i32
      %add3A_569 = arith.addi %add3A_568, %mul3A_567 : i32
      %jit3A_570 = arith.constant 8 : i32
      %div3A_571 = arith.divsi %add3A_569, %jit3A_570 : i32
      %sign3A_572 = arith.constant 0 : i32
      %sign3A_573 = arith.cmpi sgt, %add3A_569, %sign3A_572 : i32
      %sign3A_574 = arith.extui %sign3A_573 : i1 to i32
      %sign3A_575 = arith.constant 0 : i32
      %sign3A_576 = arith.cmpi slt, %add3A_569, %sign3A_575 : i32
      %sign3A_577 = arith.extui %sign3A_576 : i1 to i32
      %sign3A_578 = arith.subi %sign3A_574, %sign3A_577 : i32
      %sign3A_579 = arith.constant 0 : i32
      %sign3A_580 = arith.cmpi sgt, %jit3A_570, %sign3A_579 : i32
      %sign3A_581 = arith.extui %sign3A_580 : i1 to i32
      %sign3A_582 = arith.constant 0 : i32
      %sign3A_583 = arith.cmpi slt, %jit3A_570, %sign3A_582 : i32
      %sign3A_584 = arith.extui %sign3A_583 : i1 to i32
      %sign3A_585 = arith.subi %sign3A_581, %sign3A_584 : i32
      %ne3A_586 = arith.cmpi ne, %sign3A_578, %sign3A_585 : i32
      %rem3A_587 = arith.remsi %add3A_569, %jit3A_570 : i32
      %ne3A_588 = arith.constant 0 : i32
      %ne3A_589 = arith.cmpi ne, %rem3A_587, %ne3A_588 : i32
      %and3A_590 = arith.andi %ne3A_586, %ne3A_589 : i1
      %sub3A_591 = arith.constant 1 : i32
      %sub3A_592 = arith.subi %div3A_571, %sub3A_591 : i32
      %select_n3A_593 = arith.select %and3A_590, %sub3A_592, %div3A_571 : i32
      %jit3A_594 = arith.constant 8 : i32
      %eq3A_595 = arith.constant 0 : i32
      %eq3A_596 = arith.cmpi eq, %jit3A_594, %eq3A_595 : i32
      %jit3A_597 = arith.constant 1 : i32
      %select_n3A_598 = arith.select %eq3A_596, %jit3A_597, %jit3A_594 : i32
      %rem3A_599 = arith.remsi %add3A_569, %select_n3A_598 : i32
      %ne3A_600 = arith.constant 0 : i32
      %ne3A_601 = arith.cmpi ne, %rem3A_599, %ne3A_600 : i32
      %lt3A_602 = arith.constant 0 : i32
      %lt3A_603 = arith.cmpi slt, %rem3A_599, %lt3A_602 : i32
      %lt3A_604 = arith.constant 0 : i32
      %lt3A_605 = arith.cmpi slt, %select_n3A_598, %lt3A_604 : i32
      %ne3A_606 = arith.xori %lt3A_603, %lt3A_605 : i1
      %and3A_607 = arith.andi %ne3A_606, %ne3A_601 : i1
      %add3A_608 = arith.addi %rem3A_599, %select_n3A_598 : i32
      %select_n3A_609 = arith.select %and3A_607, %add3A_608, %rem3A_599 : i32
      %mul3A_610 = arith.constant 16 : i32
      %mul3A_611 = arith.muli %select_n3A_609, %mul3A_610 : i32
      %mul3A_612 = arith.constant 16 : i32
      %mul3A_613 = arith.muli %add3A_569, %mul3A_612 : i32
      %get3A_614 = arith.constant 1 : i32
      %get3A_615 = arith.index_cast %get3A_614 : i32 to index
      %get3A_616 = arith.index_cast %mul3A_613 : i32 to index
      %get3A_617 = tpu.vector_load %arg21[%get3A_615, %get3A_616] {strides = array<i32>} : memref<50x512xi32, #tpu.memory_space<vmem>>, vector<16xi32>,
      %gather3A_618 = tpu.vector_load_idx %arg5[%get3A_617] : memref<32xf32, #tpu.memory_space<vmem>>[vector<16xi32>], vector<16xf32>,
      %swap3A_619 = arith.constant 0 : i32
      %swap3A_620 = arith.constant 0 : i32
      %swap3A_621 = arith.index_cast %swap3A_619 : i32 to index
      %swap3A_622 = arith.index_cast %select_n3A_593 : i32 to index
      %swap3A_623 = arith.index_cast %swap3A_620 : i32 to index
      %swap3A_624 = arith.index_cast %mul3A_611 : i32 to index
      %swap3A_625 = tpu.vector_load %arg23[%swap3A_621, %swap3A_622, %swap3A_623, %swap3A_624] {strides = array<i32>} : memref<2x4x8x128xf32, #tpu.memory_space<vmem>>, vector<16xf32>,
      tpu.vector_store %arg23[%swap3A_621, %swap3A_622, %swap3A_623, %swap3A_624], %gather3A_618 {strides = array<i32>} : memref<2x4x8x128xf32, #tpu.memory_space<vmem>>, vector<16xf32>,
      %gather3A_626 = tpu.vector_load_idx %arg6[%get3A_617] : memref<32xf32, #tpu.memory_space<vmem>>[vector<16xi32>], vector<16xf32>,
      %swap3A_627 = arith.constant 0 : i32
      %swap3A_628 = arith.constant 1 : i32
      %swap3A_629 = arith.index_cast %swap3A_627 : i32 to index
      %swap3A_630 = arith.index_cast %select_n3A_593 : i32 to index
      %swap3A_631 = arith.index_cast %swap3A_628 : i32 to index
      %swap3A_632 = arith.index_cast %mul3A_611 : i32 to index
      %swap3A_633 = tpu.vector_load %arg23[%swap3A_629, %swap3A_630, %swap3A_631, %swap3A_632] {strides = array<i32>} : memref<2x4x8x128xf32, #tpu.memory_space<vmem>>, vector<16xf32>,
      tpu.vector_store %arg23[%swap3A_629, %swap3A_630, %swap3A_631, %swap3A_632], %gather3A_626 {strides = array<i32>} : memref<2x4x8x128xf32, #tpu.memory_space<vmem>>, vector<16xf32>,
      %gather3A_634 = tpu.vector_load_idx %arg7[%get3A_617] : memref<32xf32, #tpu.memory_space<vmem>>[vector<16xi32>], vector<16xf32>,
      %swap3A_635 = arith.constant 0 : i32
      %swap3A_636 = arith.constant 2 : i32
      %swap3A_637 = arith.index_cast %swap3A_635 : i32 to index
      %swap3A_638 = arith.index_cast %select_n3A_593 : i32 to index
      %swap3A_639 = arith.index_cast %swap3A_636 : i32 to index
      %swap3A_640 = arith.index_cast %mul3A_611 : i32 to index
      %swap3A_641 = tpu.vector_load %arg23[%swap3A_637, %swap3A_638, %swap3A_639, %swap3A_640] {strides = array<i32>} : memref<2x4x8x128xf32, #tpu.memory_space<vmem>>, vector<16xf32>,
      tpu.vector_store %arg23[%swap3A_637, %swap3A_638, %swap3A_639, %swap3A_640], %gather3A_634 {strides = array<i32>} : memref<2x4x8x128xf32, #tpu.memory_space<vmem>>, vector<16xf32>,
      %gather3A_642 = tpu.vector_load_idx %arg8[%get3A_617] : memref<32xf32, #tpu.memory_space<vmem>>[vector<16xi32>], vector<16xf32>,
      %swap3A_643 = arith.constant 0 : i32
      %swap3A_644 = arith.constant 3 : i32
      %swap3A_645 = arith.index_cast %swap3A_643 : i32 to index
      %swap3A_646 = arith.index_cast %select_n3A_593 : i32 to index
      %swap3A_647 = arith.index_cast %swap3A_644 : i32 to index
      %swap3A_648 = arith.index_cast %mul3A_611 : i32 to index
      %swap3A_649 = tpu.vector_load %arg23[%swap3A_645, %swap3A_646, %swap3A_647, %swap3A_648] {strides = array<i32>} : memref<2x4x8x128xf32, #tpu.memory_space<vmem>>, vector<16xf32>,
      tpu.vector_store %arg23[%swap3A_645, %swap3A_646, %swap3A_647, %swap3A_648], %gather3A_642 {strides = array<i32>} : memref<2x4x8x128xf32, #tpu.memory_space<vmem>>, vector<16xf32>,
      %gather3A_650 = tpu.vector_load_idx %arg9[%get3A_617] : memref<32xf32, #tpu.memory_space<vmem>>[vector<16xi32>], vector<16xf32>,
      %swap3A_651 = arith.constant 0 : i32
      %swap3A_652 = arith.constant 4 : i32
      %swap3A_653 = arith.index_cast %swap3A_651 : i32 to index
      %swap3A_654 = arith.index_cast %select_n3A_593 : i32 to index
      %swap3A_655 = arith.index_cast %swap3A_652 : i32 to index
      %swap3A_656 = arith.index_cast %mul3A_611 : i32 to index
      %swap3A_657 = tpu.vector_load %arg23[%swap3A_653, %swap3A_654, %swap3A_655, %swap3A_656] {strides = array<i32>} : memref<2x4x8x128xf32, #tpu.memory_space<vmem>>, vector<16xf32>,
      tpu.vector_store %arg23[%swap3A_653, %swap3A_654, %swap3A_655, %swap3A_656], %gather3A_650 {strides = array<i32>} : memref<2x4x8x128xf32, #tpu.memory_space<vmem>>, vector<16xf32>,
      %gather3A_658 = tpu.vector_load_idx %arg10[%get3A_617] : memref<32xf32, #tpu.memory_space<vmem>>[vector<16xi32>], vector<16xf32>,
      %swap3A_659 = arith.constant 0 : i32
      %swap3A_660 = arith.constant 5 : i32
      %swap3A_661 = arith.index_cast %swap3A_659 : i32 to index
      %swap3A_662 = arith.index_cast %select_n3A_593 : i32 to index
      %swap3A_663 = arith.index_cast %swap3A_660 : i32 to index
      %swap3A_664 = arith.index_cast %mul3A_611 : i32 to index
      %swap3A_665 = tpu.vector_load %arg23[%swap3A_661, %swap3A_662, %swap3A_663, %swap3A_664] {strides = array<i32>} : memref<2x4x8x128xf32, #tpu.memory_space<vmem>>, vector<16xf32>,
      tpu.vector_store %arg23[%swap3A_661, %swap3A_662, %swap3A_663, %swap3A_664], %gather3A_658 {strides = array<i32>} : memref<2x4x8x128xf32, #tpu.memory_space<vmem>>, vector<16xf32>,
      %gather3A_666 = tpu.vector_load_idx %arg11[%get3A_617] : memref<32xf32, #tpu.memory_space<vmem>>[vector<16xi32>], vector<16xf32>,
      %swap3A_667 = arith.constant 0 : i32
      %swap3A_668 = arith.constant 6 : i32
      %swap3A_669 = arith.index_cast %swap3A_667 : i32 to index
      %swap3A_670 = arith.index_cast %select_n3A_593 : i32 to index
      %swap3A_671 = arith.index_cast %swap3A_668 : i32 to index
      %swap3A_672 = arith.index_cast %mul3A_611 : i32 to index
      %swap3A_673 = tpu.vector_load %arg23[%swap3A_669, %swap3A_670, %swap3A_671, %swap3A_672] {strides = array<i32>} : memref<2x4x8x128xf32, #tpu.memory_space<vmem>>, vector<16xf32>,
      tpu.vector_store %arg23[%swap3A_669, %swap3A_670, %swap3A_671, %swap3A_672], %gather3A_666 {strides = array<i32>} : memref<2x4x8x128xf32, #tpu.memory_space<vmem>>, vector<16xf32>,
      %gather3A_674 = tpu.vector_load_idx %arg12[%get3A_617] : memref<32xf32, #tpu.memory_space<vmem>>[vector<16xi32>], vector<16xf32>,
      %swap3A_675 = arith.constant 0 : i32
      %swap3A_676 = arith.constant 7 : i32
      %swap3A_677 = arith.index_cast %swap3A_675 : i32 to index
      %swap3A_678 = arith.index_cast %select_n3A_593 : i32 to index
      %swap3A_679 = arith.index_cast %swap3A_676 : i32 to index
      %swap3A_680 = arith.index_cast %mul3A_611 : i32 to index
      %swap3A_681 = tpu.vector_load %arg23[%swap3A_677, %swap3A_678, %swap3A_679, %swap3A_680] {strides = array<i32>} : memref<2x4x8x128xf32, #tpu.memory_space<vmem>>, vector<16xf32>,
      tpu.vector_store %arg23[%swap3A_677, %swap3A_678, %swap3A_679, %swap3A_680], %gather3A_674 {strides = array<i32>} : memref<2x4x8x128xf32, #tpu.memory_space<vmem>>, vector<16xf32>,
      %gather3A_682 = tpu.vector_load_idx %arg13[%get3A_617] : memref<32xf32, #tpu.memory_space<vmem>>[vector<16xi32>], vector<16xf32>,
      %swap3A_683 = arith.constant 1 : i32
      %swap3A_684 = arith.constant 0 : i32
      %swap3A_685 = arith.index_cast %swap3A_683 : i32 to index
      %swap3A_686 = arith.index_cast %select_n3A_593 : i32 to index
      %swap3A_687 = arith.index_cast %swap3A_684 : i32 to index
      %swap3A_688 = arith.index_cast %mul3A_611 : i32 to index
      %swap3A_689 = tpu.vector_load %arg23[%swap3A_685, %swap3A_686, %swap3A_687, %swap3A_688] {strides = array<i32>} : memref<2x4x8x128xf32, #tpu.memory_space<vmem>>, vector<16xf32>,
      tpu.vector_store %arg23[%swap3A_685, %swap3A_686, %swap3A_687, %swap3A_688], %gather3A_682 {strides = array<i32>} : memref<2x4x8x128xf32, #tpu.memory_space<vmem>>, vector<16xf32>,
      %gather3A_690 = tpu.vector_load_idx %arg14[%get3A_617] : memref<32xf32, #tpu.memory_space<vmem>>[vector<16xi32>], vector<16xf32>,
      %swap3A_691 = arith.constant 1 : i32
      %swap3A_692 = arith.constant 1 : i32
      %swap3A_693 = arith.index_cast %swap3A_691 : i32 to index
      %swap3A_694 = arith.index_cast %select_n3A_593 : i32 to index
      %swap3A_695 = arith.index_cast %swap3A_692 : i32 to index
      %swap3A_696 = arith.index_cast %mul3A_611 : i32 to index
      %swap3A_697 = tpu.vector_load %arg23[%swap3A_693, %swap3A_694, %swap3A_695, %swap3A_696] {strides = array<i32>} : memref<2x4x8x128xf32, #tpu.memory_space<vmem>>, vector<16xf32>,
      tpu.vector_store %arg23[%swap3A_693, %swap3A_694, %swap3A_695, %swap3A_696], %gather3A_690 {strides = array<i32>} : memref<2x4x8x128xf32, #tpu.memory_space<vmem>>, vector<16xf32>,
      %gather3A_698 = tpu.vector_load_idx %arg15[%get3A_617] : memref<32xf32, #tpu.memory_space<vmem>>[vector<16xi32>], vector<16xf32>,
      %swap3A_699 = arith.constant 1 : i32
      %swap3A_700 = arith.constant 2 : i32
      %swap3A_701 = arith.index_cast %swap3A_699 : i32 to index
      %swap3A_702 = arith.index_cast %select_n3A_593 : i32 to index
      %swap3A_703 = arith.index_cast %swap3A_700 : i32 to index
      %swap3A_704 = arith.index_cast %mul3A_611 : i32 to index
      %swap3A_705 = tpu.vector_load %arg23[%swap3A_701, %swap3A_702, %swap3A_703, %swap3A_704] {strides = array<i32>} : memref<2x4x8x128xf32, #tpu.memory_space<vmem>>, vector<16xf32>,
      tpu.vector_store %arg23[%swap3A_701, %swap3A_702, %swap3A_703, %swap3A_704], %gather3A_698 {strides = array<i32>} : memref<2x4x8x128xf32, #tpu.memory_space<vmem>>, vector<16xf32>,
      %gather3A_706 = tpu.vector_load_idx %arg16[%get3A_617] : memref<32xf32, #tpu.memory_space<vmem>>[vector<16xi32>], vector<16xf32>,
      %swap3A_707 = arith.constant 1 : i32
      %swap3A_708 = arith.constant 3 : i32
      %swap3A_709 = arith.index_cast %swap3A_707 : i32 to index
      %swap3A_710 = arith.index_cast %select_n3A_593 : i32 to index
      %swap3A_711 = arith.index_cast %swap3A_708 : i32 to index
      %swap3A_712 = arith.index_cast %mul3A_611 : i32 to index
      %swap3A_713 = tpu.vector_load %arg23[%swap3A_709, %swap3A_710, %swap3A_711, %swap3A_712] {strides = array<i32>} : memref<2x4x8x128xf32, #tpu.memory_space<vmem>>, vector<16xf32>,
      tpu.vector_store %arg23[%swap3A_709, %swap3A_710, %swap3A_711, %swap3A_712], %gather3A_706 {strides = array<i32>} : memref<2x4x8x128xf32, #tpu.memory_space<vmem>>, vector<16xf32>,
      %gather3A_714 = tpu.vector_load_idx %arg17[%get3A_617] : memref<32xf32, #tpu.memory_space<vmem>>[vector<16xi32>], vector<16xf32>,
      %swap3A_715 = arith.constant 1 : i32
      %swap3A_716 = arith.constant 4 : i32
      %swap3A_717 = arith.index_cast %swap3A_715 : i32 to index
      %swap3A_718 = arith.index_cast %select_n3A_593 : i32 to index
      %swap3A_719 = arith.index_cast %swap3A_716 : i32 to index
      %swap3A_720 = arith.index_cast %mul3A_611 : i32 to index
      %swap3A_721 = tpu.vector_load %arg23[%swap3A_717, %swap3A_718, %swap3A_719, %swap3A_720] {strides = array<i32>} : memref<2x4x8x128xf32, #tpu.memory_space<vmem>>, vector<16xf32>,
      tpu.vector_store %arg23[%swap3A_717, %swap3A_718, %swap3A_719, %swap3A_720], %gather3A_714 {strides = array<i32>} : memref<2x4x8x128xf32, #tpu.memory_space<vmem>>, vector<16xf32>,
      %gather3A_722 = tpu.vector_load_idx %arg18[%get3A_617] : memref<32xf32, #tpu.memory_space<vmem>>[vector<16xi32>], vector<16xf32>,
      %swap3A_723 = arith.constant 1 : i32
      %swap3A_724 = arith.constant 5 : i32
      %swap3A_725 = arith.index_cast %swap3A_723 : i32 to index
      %swap3A_726 = arith.index_cast %select_n3A_593 : i32 to index
      %swap3A_727 = arith.index_cast %swap3A_724 : i32 to index
      %swap3A_728 = arith.index_cast %mul3A_611 : i32 to index
      %swap3A_729 = tpu.vector_load %arg23[%swap3A_725, %swap3A_726, %swap3A_727, %swap3A_728] {strides = array<i32>} : memref<2x4x8x128xf32, #tpu.memory_space<vmem>>, vector<16xf32>,
      tpu.vector_store %arg23[%swap3A_725, %swap3A_726, %swap3A_727, %swap3A_728], %gather3A_722 {strides = array<i32>} : memref<2x4x8x128xf32, #tpu.memory_space<vmem>>, vector<16xf32>,
      %gather3A_730 = tpu.vector_load_idx %arg19[%get3A_617] : memref<32xf32, #tpu.memory_space<vmem>>[vector<16xi32>], vector<16xf32>,
      %swap3A_731 = arith.constant 1 : i32
      %swap3A_732 = arith.constant 6 : i32
      %swap3A_733 = arith.index_cast %swap3A_731 : i32 to index
      %swap3A_734 = arith.index_cast %select_n3A_593 : i32 to index
      %swap3A_735 = arith.index_cast %swap3A_732 : i32 to index
      %swap3A_736 = arith.index_cast %mul3A_611 : i32 to index
      %swap3A_737 = tpu.vector_load %arg23[%swap3A_733, %swap3A_734, %swap3A_735, %swap3A_736] {strides = array<i32>} : memref<2x4x8x128xf32, #tpu.memory_space<vmem>>, vector<16xf32>,
      tpu.vector_store %arg23[%swap3A_733, %swap3A_734, %swap3A_735, %swap3A_736], %gather3A_730 {strides = array<i32>} : memref<2x4x8x128xf32, #tpu.memory_space<vmem>>, vector<16xf32>,
      %gather3A_738 = tpu.vector_load_idx %arg20[%get3A_617] : memref<32xf32, #tpu.memory_space<vmem>>[vector<16xi32>], vector<16xf32>,
      %swap3A_739 = arith.constant 1 : i32
      %swap3A_740 = arith.constant 7 : i32
      %swap3A_741 = arith.index_cast %swap3A_739 : i32 to index
      %swap3A_742 = arith.index_cast %select_n3A_593 : i32 to index
      %swap3A_743 = arith.index_cast %swap3A_740 : i32 to index
      %swap3A_744 = arith.index_cast %mul3A_611 : i32 to index
      %swap3A_745 = tpu.vector_load %arg23[%swap3A_741, %swap3A_742, %swap3A_743, %swap3A_744] {strides = array<i32>} : memref<2x4x8x128xf32, #tpu.memory_space<vmem>>, vector<16xf32>,
      tpu.vector_store %arg23[%swap3A_741, %swap3A_742, %swap3A_743, %swap3A_744], %gather3A_738 {strides = array<i32>} : memref<2x4x8x128xf32, #tpu.memory_space<vmem>>, vector<16xf32>,
      %scan3A_746 = arith.constant 3 : i32
      %scan3A_747 = arith.addi %scan3A_214, %scan3A_746 : i32
      %mul3A_748 = arith.constant 1 : i32
      %mul3A_749 = arith.muli %scan3A_747, %mul3A_748 : i32
      %add3A_750 = arith.constant 0 : i32
      %add3A_751 = arith.addi %add3A_750, %mul3A_749 : i32
      %jit3A_752 = arith.constant 8 : i32
      %div3A_753 = arith.divsi %add3A_751, %jit3A_752 : i32
      %sign3A_754 = arith.constant 0 : i32
      %sign3A_755 = arith.cmpi sgt, %add3A_751, %sign3A_754 : i32
      %sign3A_756 = arith.extui %sign3A_755 : i1 to i32
      %sign3A_757 = arith.constant 0 : i32
      %sign3A_758 = arith.cmpi slt, %add3A_751, %sign3A_757 : i32
      %sign3A_759 = arith.extui %sign3A_758 : i1 to i32
      %sign3A_760 = arith.subi %sign3A_756, %sign3A_759 : i32
      %sign3A_761 = arith.constant 0 : i32
      %sign3A_762 = arith.cmpi sgt, %jit3A_752, %sign3A_761 : i32
      %sign3A_763 = arith.extui %sign3A_762 : i1 to i32
      %sign3A_764 = arith.constant 0 : i32
      %sign3A_765 = arith.cmpi slt, %jit3A_752, %sign3A_764 : i32
      %sign3A_766 = arith.extui %sign3A_765 : i1 to i32
      %sign3A_767 = arith.subi %sign3A_763, %sign3A_766 : i32
      %ne3A_768 = arith.cmpi ne, %sign3A_760, %sign3A_767 : i32
      %rem3A_769 = arith.remsi %add3A_751, %jit3A_752 : i32
      %ne3A_770 = arith.constant 0 : i32
      %ne3A_771 = arith.cmpi ne, %rem3A_769, %ne3A_770 : i32
      %and3A_772 = arith.andi %ne3A_768, %ne3A_771 : i1
      %sub3A_773 = arith.constant 1 : i32
      %sub3A_774 = arith.subi %div3A_753, %sub3A_773 : i32
      %select_n3A_775 = arith.select %and3A_772, %sub3A_774, %div3A_753 : i32
      %jit3A_776 = arith.constant 8 : i32
      %eq3A_777 = arith.constant 0 : i32
      %eq3A_778 = arith.cmpi eq, %jit3A_776, %eq3A_777 : i32
      %jit3A_779 = arith.constant 1 : i32
      %select_n3A_780 = arith.select %eq3A_778, %jit3A_779, %jit3A_776 : i32
      %rem3A_781 = arith.remsi %add3A_751, %select_n3A_780 : i32
      %ne3A_782 = arith.constant 0 : i32
      %ne3A_783 = arith.cmpi ne, %rem3A_781, %ne3A_782 : i32
      %lt3A_784 = arith.constant 0 : i32
      %lt3A_785 = arith.cmpi slt, %rem3A_781, %lt3A_784 : i32
      %lt3A_786 = arith.constant 0 : i32
      %lt3A_787 = arith.cmpi slt, %select_n3A_780, %lt3A_786 : i32
      %ne3A_788 = arith.xori %lt3A_785, %lt3A_787 : i1
      %and3A_789 = arith.andi %ne3A_788, %ne3A_783 : i1
      %add3A_790 = arith.addi %rem3A_781, %select_n3A_780 : i32
      %select_n3A_791 = arith.select %and3A_789, %add3A_790, %rem3A_781 : i32
      %mul3A_792 = arith.constant 16 : i32
      %mul3A_793 = arith.muli %select_n3A_791, %mul3A_792 : i32
      %mul3A_794 = arith.constant 16 : i32
      %mul3A_795 = arith.muli %add3A_751, %mul3A_794 : i32
      %get3A_796 = arith.constant 1 : i32
      %get3A_797 = arith.index_cast %get3A_796 : i32 to index
      %get3A_798 = arith.index_cast %mul3A_795 : i32 to index
      %get3A_799 = tpu.vector_load %arg21[%get3A_797, %get3A_798] {strides = array<i32>} : memref<50x512xi32, #tpu.memory_space<vmem>>, vector<16xi32>,
      %gather3A_800 = tpu.vector_load_idx %arg5[%get3A_799] : memref<32xf32, #tpu.memory_space<vmem>>[vector<16xi32>], vector<16xf32>,
      %swap3A_801 = arith.constant 0 : i32
      %swap3A_802 = arith.constant 0 : i32
      %swap3A_803 = arith.index_cast %swap3A_801 : i32 to index
      %swap3A_804 = arith.index_cast %select_n3A_775 : i32 to index
      %swap3A_805 = arith.index_cast %swap3A_802 : i32 to index
      %swap3A_806 = arith.index_cast %mul3A_793 : i32 to index
      %swap3A_807 = tpu.vector_load %arg23[%swap3A_803, %swap3A_804, %swap3A_805, %swap3A_806] {strides = array<i32>} : memref<2x4x8x128xf32, #tpu.memory_space<vmem>>, vector<16xf32>,
      tpu.vector_store %arg23[%swap3A_803, %swap3A_804, %swap3A_805, %swap3A_806], %gather3A_800 {strides = array<i32>} : memref<2x4x8x128xf32, #tpu.memory_space<vmem>>, vector<16xf32>,
      %gather3A_808 = tpu.vector_load_idx %arg6[%get3A_799] : memref<32xf32, #tpu.memory_space<vmem>>[vector<16xi32>], vector<16xf32>,
      %swap3A_809 = arith.constant 0 : i32
      %swap3A_810 = arith.constant 1 : i32
      %swap3A_811 = arith.index_cast %swap3A_809 : i32 to index
      %swap3A_812 = arith.index_cast %select_n3A_775 : i32 to index
      %swap3A_813 = arith.index_cast %swap3A_810 : i32 to index
      %swap3A_814 = arith.index_cast %mul3A_793 : i32 to index
      %swap3A_815 = tpu.vector_load %arg23[%swap3A_811, %swap3A_812, %swap3A_813, %swap3A_814] {strides = array<i32>} : memref<2x4x8x128xf32, #tpu.memory_space<vmem>>, vector<16xf32>,
      tpu.vector_store %arg23[%swap3A_811, %swap3A_812, %swap3A_813, %swap3A_814], %gather3A_808 {strides = array<i32>} : memref<2x4x8x128xf32, #tpu.memory_space<vmem>>, vector<16xf32>,
      %gather3A_816 = tpu.vector_load_idx %arg7[%get3A_799] : memref<32xf32, #tpu.memory_space<vmem>>[vector<16xi32>], vector<16xf32>,
      %swap3A_817 = arith.constant 0 : i32
      %swap3A_818 = arith.constant 2 : i32
      %swap3A_819 = arith.index_cast %swap3A_817 : i32 to index
      %swap3A_820 = arith.index_cast %select_n3A_775 : i32 to index
      %swap3A_821 = arith.index_cast %swap3A_818 : i32 to index
      %swap3A_822 = arith.index_cast %mul3A_793 : i32 to index
      %swap3A_823 = tpu.vector_load %arg23[%swap3A_819, %swap3A_820, %swap3A_821, %swap3A_822] {strides = array<i32>} : memref<2x4x8x128xf32, #tpu.memory_space<vmem>>, vector<16xf32>,
      tpu.vector_store %arg23[%swap3A_819, %swap3A_820, %swap3A_821, %swap3A_822], %gather3A_816 {strides = array<i32>} : memref<2x4x8x128xf32, #tpu.memory_space<vmem>>, vector<16xf32>,
      %gather3A_824 = tpu.vector_load_idx %arg8[%get3A_799] : memref<32xf32, #tpu.memory_space<vmem>>[vector<16xi32>], vector<16xf32>,
      %swap3A_825 = arith.constant 0 : i32
      %swap3A_826 = arith.constant 3 : i32
      %swap3A_827 = arith.index_cast %swap3A_825 : i32 to index
      %swap3A_828 = arith.index_cast %select_n3A_775 : i32 to index
      %swap3A_829 = arith.index_cast %swap3A_826 : i32 to index
      %swap3A_830 = arith.index_cast %mul3A_793 : i32 to index
      %swap3A_831 = tpu.vector_load %arg23[%swap3A_827, %swap3A_828, %swap3A_829, %swap3A_830] {strides = array<i32>} : memref<2x4x8x128xf32, #tpu.memory_space<vmem>>, vector<16xf32>,
      tpu.vector_store %arg23[%swap3A_827, %swap3A_828, %swap3A_829, %swap3A_830], %gather3A_824 {strides = array<i32>} : memref<2x4x8x128xf32, #tpu.memory_space<vmem>>, vector<16xf32>,
      %gather3A_832 = tpu.vector_load_idx %arg9[%get3A_799] : memref<32xf32, #tpu.memory_space<vmem>>[vector<16xi32>], vector<16xf32>,
      %swap3A_833 = arith.constant 0 : i32
      %swap3A_834 = arith.constant 4 : i32
      %swap3A_835 = arith.index_cast %swap3A_833 : i32 to index
      %swap3A_836 = arith.index_cast %select_n3A_775 : i32 to index
      %swap3A_837 = arith.index_cast %swap3A_834 : i32 to index
      %swap3A_838 = arith.index_cast %mul3A_793 : i32 to index
      %swap3A_839 = tpu.vector_load %arg23[%swap3A_835, %swap3A_836, %swap3A_837, %swap3A_838] {strides = array<i32>} : memref<2x4x8x128xf32, #tpu.memory_space<vmem>>, vector<16xf32>,
      tpu.vector_store %arg23[%swap3A_835, %swap3A_836, %swap3A_837, %swap3A_838], %gather3A_832 {strides = array<i32>} : memref<2x4x8x128xf32, #tpu.memory_space<vmem>>, vector<16xf32>,
      %gather3A_840 = tpu.vector_load_idx %arg10[%get3A_799] : memref<32xf32, #tpu.memory_space<vmem>>[vector<16xi32>], vector<16xf32>,
      %swap3A_841 = arith.constant 0 : i32
      %swap3A_842 = arith.constant 5 : i32
      %swap3A_843 = arith.index_cast %swap3A_841 : i32 to index
      %swap3A_844 = arith.index_cast %select_n3A_775 : i32 to index
      %swap3A_845 = arith.index_cast %swap3A_842 : i32 to index
      %swap3A_846 = arith.index_cast %mul3A_793 : i32 to index
      %swap3A_847 = tpu.vector_load %arg23[%swap3A_843, %swap3A_844, %swap3A_845, %swap3A_846] {strides = array<i32>} : memref<2x4x8x128xf32, #tpu.memory_space<vmem>>, vector<16xf32>,
      tpu.vector_store %arg23[%swap3A_843, %swap3A_844, %swap3A_845, %swap3A_846], %gather3A_840 {strides = array<i32>} : memref<2x4x8x128xf32, #tpu.memory_space<vmem>>, vector<16xf32>,
      %gather3A_848 = tpu.vector_load_idx %arg11[%get3A_799] : memref<32xf32, #tpu.memory_space<vmem>>[vector<16xi32>], vector<16xf32>,
      %swap3A_849 = arith.constant 0 : i32
      %swap3A_850 = arith.constant 6 : i32
      %swap3A_851 = arith.index_cast %swap3A_849 : i32 to index
      %swap3A_852 = arith.index_cast %select_n3A_775 : i32 to index
      %swap3A_853 = arith.index_cast %swap3A_850 : i32 to index
      %swap3A_854 = arith.index_cast %mul3A_793 : i32 to index
      %swap3A_855 = tpu.vector_load %arg23[%swap3A_851, %swap3A_852, %swap3A_853, %swap3A_854] {strides = array<i32>} : memref<2x4x8x128xf32, #tpu.memory_space<vmem>>, vector<16xf32>,
      tpu.vector_store %arg23[%swap3A_851, %swap3A_852, %swap3A_853, %swap3A_854], %gather3A_848 {strides = array<i32>} : memref<2x4x8x128xf32, #tpu.memory_space<vmem>>, vector<16xf32>,
      %gather3A_856 = tpu.vector_load_idx %arg12[%get3A_799] : memref<32xf32, #tpu.memory_space<vmem>>[vector<16xi32>], vector<16xf32>,
      %swap3A_857 = arith.constant 0 : i32
      %swap3A_858 = arith.constant 7 : i32
      %swap3A_859 = arith.index_cast %swap3A_857 : i32 to index
      %swap3A_860 = arith.index_cast %select_n3A_775 : i32 to index
      %swap3A_861 = arith.index_cast %swap3A_858 : i32 to index
      %swap3A_862 = arith.index_cast %mul3A_793 : i32 to index
      %swap3A_863 = tpu.vector_load %arg23[%swap3A_859, %swap3A_860, %swap3A_861, %swap3A_862] {strides = array<i32>} : memref<2x4x8x128xf32, #tpu.memory_space<vmem>>, vector<16xf32>,
      tpu.vector_store %arg23[%swap3A_859, %swap3A_860, %swap3A_861, %swap3A_862], %gather3A_856 {strides = array<i32>} : memref<2x4x8x128xf32, #tpu.memory_space<vmem>>, vector<16xf32>,
      %gather3A_864 = tpu.vector_load_idx %arg13[%get3A_799] : memref<32xf32, #tpu.memory_space<vmem>>[vector<16xi32>], vector<16xf32>,
      %swap3A_865 = arith.constant 1 : i32
      %swap3A_866 = arith.constant 0 : i32
      %swap3A_867 = arith.index_cast %swap3A_865 : i32 to index
      %swap3A_868 = arith.index_cast %select_n3A_775 : i32 to index
      %swap3A_869 = arith.index_cast %swap3A_866 : i32 to index
      %swap3A_870 = arith.index_cast %mul3A_793 : i32 to index
      %swap3A_871 = tpu.vector_load %arg23[%swap3A_867, %swap3A_868, %swap3A_869, %swap3A_870] {strides = array<i32>} : memref<2x4x8x128xf32, #tpu.memory_space<vmem>>, vector<16xf32>,
      tpu.vector_store %arg23[%swap3A_867, %swap3A_868, %swap3A_869, %swap3A_870], %gather3A_864 {strides = array<i32>} : memref<2x4x8x128xf32, #tpu.memory_space<vmem>>, vector<16xf32>,
      %gather3A_872 = tpu.vector_load_idx %arg14[%get3A_799] : memref<32xf32, #tpu.memory_space<vmem>>[vector<16xi32>], vector<16xf32>,
      %swap3A_873 = arith.constant 1 : i32
      %swap3A_874 = arith.constant 1 : i32
      %swap3A_875 = arith.index_cast %swap3A_873 : i32 to index
      %swap3A_876 = arith.index_cast %select_n3A_775 : i32 to index
      %swap3A_877 = arith.index_cast %swap3A_874 : i32 to index
      %swap3A_878 = arith.index_cast %mul3A_793 : i32 to index
      %swap3A_879 = tpu.vector_load %arg23[%swap3A_875, %swap3A_876, %swap3A_877, %swap3A_878] {strides = array<i32>} : memref<2x4x8x128xf32, #tpu.memory_space<vmem>>, vector<16xf32>,
      tpu.vector_store %arg23[%swap3A_875, %swap3A_876, %swap3A_877, %swap3A_878], %gather3A_872 {strides = array<i32>} : memref<2x4x8x128xf32, #tpu.memory_space<vmem>>, vector<16xf32>,
      %gather3A_880 = tpu.vector_load_idx %arg15[%get3A_799] : memref<32xf32, #tpu.memory_space<vmem>>[vector<16xi32>], vector<16xf32>,
      %swap3A_881 = arith.constant 1 : i32
      %swap3A_882 = arith.constant 2 : i32
      %swap3A_883 = arith.index_cast %swap3A_881 : i32 to index
      %swap3A_884 = arith.index_cast %select_n3A_775 : i32 to index
      %swap3A_885 = arith.index_cast %swap3A_882 : i32 to index
      %swap3A_886 = arith.index_cast %mul3A_793 : i32 to index
      %swap3A_887 = tpu.vector_load %arg23[%swap3A_883, %swap3A_884, %swap3A_885, %swap3A_886] {strides = array<i32>} : memref<2x4x8x128xf32, #tpu.memory_space<vmem>>, vector<16xf32>,
      tpu.vector_store %arg23[%swap3A_883, %swap3A_884, %swap3A_885, %swap3A_886], %gather3A_880 {strides = array<i32>} : memref<2x4x8x128xf32, #tpu.memory_space<vmem>>, vector<16xf32>,
      %gather3A_888 = tpu.vector_load_idx %arg16[%get3A_799] : memref<32xf32, #tpu.memory_space<vmem>>[vector<16xi32>], vector<16xf32>,
      %swap3A_889 = arith.constant 1 : i32
      %swap3A_890 = arith.constant 3 : i32
      %swap3A_891 = arith.index_cast %swap3A_889 : i32 to index
      %swap3A_892 = arith.index_cast %select_n3A_775 : i32 to index
      %swap3A_893 = arith.index_cast %swap3A_890 : i32 to index
      %swap3A_894 = arith.index_cast %mul3A_793 : i32 to index
      %swap3A_895 = tpu.vector_load %arg23[%swap3A_891, %swap3A_892, %swap3A_893, %swap3A_894] {strides = array<i32>} : memref<2x4x8x128xf32, #tpu.memory_space<vmem>>, vector<16xf32>,
      tpu.vector_store %arg23[%swap3A_891, %swap3A_892, %swap3A_893, %swap3A_894], %gather3A_888 {strides = array<i32>} : memref<2x4x8x128xf32, #tpu.memory_space<vmem>>, vector<16xf32>,
      %gather3A_896 = tpu.vector_load_idx %arg17[%get3A_799] : memref<32xf32, #tpu.memory_space<vmem>>[vector<16xi32>], vector<16xf32>,
      %swap3A_897 = arith.constant 1 : i32
      %swap3A_898 = arith.constant 4 : i32
      %swap3A_899 = arith.index_cast %swap3A_897 : i32 to index
      %swap3A_900 = arith.index_cast %select_n3A_775 : i32 to index
      %swap3A_901 = arith.index_cast %swap3A_898 : i32 to index
      %swap3A_902 = arith.index_cast %mul3A_793 : i32 to index
      %swap3A_903 = tpu.vector_load %arg23[%swap3A_899, %swap3A_900, %swap3A_901, %swap3A_902] {strides = array<i32>} : memref<2x4x8x128xf32, #tpu.memory_space<vmem>>, vector<16xf32>,
      tpu.vector_store %arg23[%swap3A_899, %swap3A_900, %swap3A_901, %swap3A_902], %gather3A_896 {strides = array<i32>} : memref<2x4x8x128xf32, #tpu.memory_space<vmem>>, vector<16xf32>,
      %gather3A_904 = tpu.vector_load_idx %arg18[%get3A_799] : memref<32xf32, #tpu.memory_space<vmem>>[vector<16xi32>], vector<16xf32>,
      %swap3A_905 = arith.constant 1 : i32
      %swap3A_906 = arith.constant 5 : i32
      %swap3A_907 = arith.index_cast %swap3A_905 : i32 to index
      %swap3A_908 = arith.index_cast %select_n3A_775 : i32 to index
      %swap3A_909 = arith.index_cast %swap3A_906 : i32 to index
      %swap3A_910 = arith.index_cast %mul3A_793 : i32 to index
      %swap3A_911 = tpu.vector_load %arg23[%swap3A_907, %swap3A_908, %swap3A_909, %swap3A_910] {strides = array<i32>} : memref<2x4x8x128xf32, #tpu.memory_space<vmem>>, vector<16xf32>,
      tpu.vector_store %arg23[%swap3A_907, %swap3A_908, %swap3A_909, %swap3A_910], %gather3A_904 {strides = array<i32>} : memref<2x4x8x128xf32, #tpu.memory_space<vmem>>, vector<16xf32>,
      %gather3A_912 = tpu.vector_load_idx %arg19[%get3A_799] : memref<32xf32, #tpu.memory_space<vmem>>[vector<16xi32>], vector<16xf32>,
      %swap3A_913 = arith.constant 1 : i32
      %swap3A_914 = arith.constant 6 : i32
      %swap3A_915 = arith.index_cast %swap3A_913 : i32 to index
      %swap3A_916 = arith.index_cast %select_n3A_775 : i32 to index
      %swap3A_917 = arith.index_cast %swap3A_914 : i32 to index
      %swap3A_918 = arith.index_cast %mul3A_793 : i32 to index
      %swap3A_919 = tpu.vector_load %arg23[%swap3A_915, %swap3A_916, %swap3A_917, %swap3A_918] {strides = array<i32>} : memref<2x4x8x128xf32, #tpu.memory_space<vmem>>, vector<16xf32>,
      tpu.vector_store %arg23[%swap3A_915, %swap3A_916, %swap3A_917, %swap3A_918], %gather3A_912 {strides = array<i32>} : memref<2x4x8x128xf32, #tpu.memory_space<vmem>>, vector<16xf32>,
      %gather3A_920 = tpu.vector_load_idx %arg20[%get3A_799] : memref<32xf32, #tpu.memory_space<vmem>>[vector<16xi32>], vector<16xf32>,
      %swap3A_921 = arith.constant 1 : i32
      %swap3A_922 = arith.constant 7 : i32
      %swap3A_923 = arith.index_cast %swap3A_921 : i32 to index
      %swap3A_924 = arith.index_cast %select_n3A_775 : i32 to index
      %swap3A_925 = arith.index_cast %swap3A_922 : i32 to index
      %swap3A_926 = arith.index_cast %mul3A_793 : i32 to index
      %swap3A_927 = tpu.vector_load %arg23[%swap3A_923, %swap3A_924, %swap3A_925, %swap3A_926] {strides = array<i32>} : memref<2x4x8x128xf32, #tpu.memory_space<vmem>>, vector<16xf32>,
      tpu.vector_store %arg23[%swap3A_923, %swap3A_924, %swap3A_925, %swap3A_926], %gather3A_920 {strides = array<i32>} : memref<2x4x8x128xf32, #tpu.memory_space<vmem>>, vector<16xf32>,
    }
    %scan3A_71 = arith.constant 32 : i32
    %mul3A_72 = arith.constant 4 : i32
    %mul3A_73 = arith.muli %add3A, %mul3A_72 : i32
    %dma_start3A_74 = arith.constant 0 : i32
    %dma_start3A_75 = arith.constant 1 : i32
    %dma_start3A_76 = arith.constant 0 : i32
    %dma_start3A_77 = arith.constant 0 : i32
    %dma_start3A_78 = arith.constant 0 : i32
    %dma_start3A_79 = arith.constant 0 : i32
    %dma_start3A_80 = tpu.memref_slice %arg23[%dma_start3A_74, %dma_start3A_77, %dma_start3A_78, %dma_start3A_79] : memref<2x4x8x128xf32, #tpu.memory_space<vmem>> -> memref<1x4x8x128xf32, #tpu.memory_space<vmem>>
    %dma_start3A_81 = tpu.memref_squeeze %dma_start3A_80 : memref<1x4x8x128xf32, #tpu.memory_space<vmem>> -> memref<4x8x128xf32, #tpu.memory_space<vmem>>
    %dma_start3A_82 = arith.constant 0 : i32
    %dma_start3A_83 = arith.constant 0 : i32
    %dma_start3A_84 = tpu.memref_slice %arg4[%dma_start3A_75, %dma_start3A_76, %mul3A_73, %dma_start3A_82, %dma_start3A_83] : memref<50x2x128x8x128xf32, #tpu.memory_space<hbm>> -> memref<1x1x4x8x128xf32, #tpu.memory_space<hbm>>
    %dma_start3A_85 = tpu.memref_squeeze %dma_start3A_84 : memref<1x1x4x8x128xf32, #tpu.memory_space<hbm>> -> memref<4x8x128xf32, #tpu.memory_space<hbm>>
    %dma_start3A_86 = arith.constant 0 : i32
    %dma_start3A_87 = arith.constant 0 : i32
    %dma_start3A_88 = tpu.memref_slice %arg4[%dma_start3A_75, %dma_start3A_76, %mul3A_73, %dma_start3A_86, %dma_start3A_87] : memref<50x2x128x8x128xf32, #tpu.memory_space<hbm>> -> memref<1x1x4x8x128xf32, #tpu.memory_space<hbm>>
    %dma_start3A_89 = tpu.memref_squeeze %dma_start3A_88 : memref<1x1x4x8x128xf32, #tpu.memory_space<hbm>> -> memref<4x8x128xf32, #tpu.memory_space<hbm>>
    %dma_start3A_90 = arith.constant 0 : i32
    %dma_start3A_91 = arith.constant 0 : i32
    %dma_start3A_92 = arith.constant 0 : i32
    %dma_start3A_93 = tpu.memref_slice %arg23[%dma_start3A_74, %dma_start3A_90, %dma_start3A_91, %dma_start3A_92] : memref<2x4x8x128xf32, #tpu.memory_space<vmem>> -> memref<1x4x8x128xf32, #tpu.memory_space<vmem>>
    %dma_start3A_94 = tpu.memref_squeeze %dma_start3A_93 : memref<1x4x8x128xf32, #tpu.memory_space<vmem>> -> memref<4x8x128xf32, #tpu.memory_space<vmem>>
    tpu.enqueue_dma source(%dma_start3A_94 : memref<4x8x128xf32, #tpu.memory_space<vmem>>) target(%dma_start3A_89 : memref<4x8x128xf32, #tpu.memory_space<hbm>>) target_semaphore(%arg25 : memref<!tpu.dma_semaphore, #tpu.memory_space<semaphore_mem>>)
    %mul3A_95 = arith.constant 4 : i32
    %mul3A_96 = arith.muli %add3A, %mul3A_95 : i32
    %dma_start3A_97 = arith.constant 1 : i32
    %dma_start3A_98 = arith.constant 1 : i32
    %dma_start3A_99 = arith.constant 1 : i32
    %dma_start3A_100 = arith.constant 0 : i32
    %dma_start3A_101 = arith.constant 0 : i32
    %dma_start3A_102 = arith.constant 0 : i32
    %dma_start3A_103 = tpu.memref_slice %arg23[%dma_start3A_97, %dma_start3A_100, %dma_start3A_101, %dma_start3A_102] : memref<2x4x8x128xf32, #tpu.memory_space<vmem>> -> memref<1x4x8x128xf32, #tpu.memory_space<vmem>>
    %dma_start3A_104 = tpu.memref_squeeze %dma_start3A_103 : memref<1x4x8x128xf32, #tpu.memory_space<vmem>> -> memref<4x8x128xf32, #tpu.memory_space<vmem>>
    %dma_start3A_105 = arith.constant 0 : i32
    %dma_start3A_106 = arith.constant 0 : i32
    %dma_start3A_107 = tpu.memref_slice %arg4[%dma_start3A_98, %dma_start3A_99, %mul3A_96, %dma_start3A_105, %dma_start3A_106] : memref<50x2x128x8x128xf32, #tpu.memory_space<hbm>> -> memref<1x1x4x8x128xf32, #tpu.memory_space<hbm>>
    %dma_start3A_108 = tpu.memref_squeeze %dma_start3A_107 : memref<1x1x4x8x128xf32, #tpu.memory_space<hbm>> -> memref<4x8x128xf32, #tpu.memory_space<hbm>>
    %dma_start3A_109 = arith.constant 0 : i32
    %dma_start3A_110 = arith.constant 0 : i32
    %dma_start3A_111 = tpu.memref_slice %arg4[%dma_start3A_98, %dma_start3A_99, %mul3A_96, %dma_start3A_109, %dma_start3A_110] : memref<50x2x128x8x128xf32, #tpu.memory_space<hbm>> -> memref<1x1x4x8x128xf32, #tpu.memory_space<hbm>>
    %dma_start3A_112 = tpu.memref_squeeze %dma_start3A_111 : memref<1x1x4x8x128xf32, #tpu.memory_space<hbm>> -> memref<4x8x128xf32, #tpu.memory_space<hbm>>
    %dma_start3A_113 = arith.constant 0 : i32
    %dma_start3A_114 = arith.constant 0 : i32
    %dma_start3A_115 = arith.constant 0 : i32
    %dma_start3A_116 = tpu.memref_slice %arg23[%dma_start3A_97, %dma_start3A_113, %dma_start3A_114, %dma_start3A_115] : memref<2x4x8x128xf32, #tpu.memory_space<vmem>> -> memref<1x4x8x128xf32, #tpu.memory_space<vmem>>
    %dma_start3A_117 = tpu.memref_squeeze %dma_start3A_116 : memref<1x4x8x128xf32, #tpu.memory_space<vmem>> -> memref<4x8x128xf32, #tpu.memory_space<vmem>>
    tpu.enqueue_dma source(%dma_start3A_117 : memref<4x8x128xf32, #tpu.memory_space<vmem>>) target(%dma_start3A_112 : memref<4x8x128xf32, #tpu.memory_space<hbm>>) target_semaphore(%arg25 : memref<!tpu.dma_semaphore, #tpu.memory_space<semaphore_mem>>)
    %scan3A_118 = arith.constant 0 : i32
    %scan3A_119 = arith.constant 24 : i32
    %scan3A_120 = arith.addi %scan3A_118, %scan3A_119 : i32
    %scan3A_121 = arith.constant 1 : i32
    scf.for %scan3A_214 = %scan3A_118 to %scan3A_120 step %scan3A_121  : i32 {
      %mul3A_215 = arith.constant 2 : i32
      %mul3A_216 = arith.muli %scan3A_214, %mul3A_215 : i32
      %add3A_217 = arith.constant 2 : i32
      %add3A_218 = arith.addi %add3A_217, %mul3A_216 : i32
      %sub3A = arith.constant 2 : i32
      %sub3A_219 = arith.subi %add3A_218, %sub3A : i32
      %mul3A_220 = arith.constant 4 : i32
      %mul3A_221 = arith.muli %add3A, %mul3A_220 : i32
      %dma_wait3A_222 = arith.constant 0 : i32
      %dma_wait3A_223 = arith.constant 0 : i32
      %dma_wait3A_224 = arith.constant 0 : i32
      %dma_wait3A_225 = arith.constant 0 : i32
      %dma_wait3A_226 = arith.constant 0 : i32
      %dma_wait3A_227 = tpu.memref_slice %arg22[%dma_wait3A_222, %dma_wait3A_224, %dma_wait3A_225, %dma_wait3A_226] : memref<2x4x8x128xf32, #tpu.memory_space<vmem>> -> memref<1x4x8x128xf32, #tpu.memory_space<vmem>>
      %dma_wait3A_228 = tpu.memref_squeeze %dma_wait3A_227 : memref<1x4x8x128xf32, #tpu.memory_space<vmem>> -> memref<4x8x128xf32, #tpu.memory_space<vmem>>
      %dma_wait3A_229 = arith.constant 0 : i32
      %dma_wait3A_230 = arith.constant 0 : i32
      %dma_wait3A_231 = tpu.memref_slice %arg4[%sub3A_219, %dma_wait3A_223, %mul3A_221, %dma_wait3A_229, %dma_wait3A_230] : memref<50x2x128x8x128xf32, #tpu.memory_space<hbm>> -> memref<1x1x4x8x128xf32, #tpu.memory_space<hbm>>
      %dma_wait3A_232 = tpu.memref_squeeze %dma_wait3A_231 : memref<1x1x4x8x128xf32, #tpu.memory_space<hbm>> -> memref<4x8x128xf32, #tpu.memory_space<hbm>>
      %dma_wait3A_233 = arith.constant 0 : i32
      %dma_wait3A_234 = arith.constant 0 : i32
      %dma_wait3A_235 = tpu.memref_slice %arg4[%sub3A_219, %dma_wait3A_223, %mul3A_221, %dma_wait3A_233, %dma_wait3A_234] : memref<50x2x128x8x128xf32, #tpu.memory_space<hbm>> -> memref<1x1x4x8x128xf32, #tpu.memory_space<hbm>>
      %dma_wait3A_236 = tpu.memref_squeeze %dma_wait3A_235 : memref<1x1x4x8x128xf32, #tpu.memory_space<hbm>> -> memref<4x8x128xf32, #tpu.memory_space<hbm>>
      %dma_wait3A_237 = arith.constant 0 : i32
      %dma_wait3A_238 = arith.constant 0 : i32
      %dma_wait3A_239 = arith.constant 0 : i32
      %dma_wait3A_240 = tpu.memref_slice %arg22[%dma_wait3A_222, %dma_wait3A_237, %dma_wait3A_238, %dma_wait3A_239] : memref<2x4x8x128xf32, #tpu.memory_space<vmem>> -> memref<1x4x8x128xf32, #tpu.memory_space<vmem>>
      %dma_wait3A_241 = tpu.memref_squeeze %dma_wait3A_240 : memref<1x4x8x128xf32, #tpu.memory_space<vmem>> -> memref<4x8x128xf32, #tpu.memory_space<vmem>>
      tpu.wait_dma2 semaphore(%arg24 : memref<!tpu.dma_semaphore, #tpu.memory_space<semaphore_mem>>) src(%dma_wait3A_241 : memref<4x8x128xf32, #tpu.memory_space<vmem>>) dst(%dma_wait3A_236 : memref<4x8x128xf32, #tpu.memory_space<hbm>>)
      %mul3A_242 = arith.constant 4 : i32
      %mul3A_243 = arith.muli %add3A, %mul3A_242 : i32
      %dma_wait3A_244 = arith.constant 1 : i32
      %dma_wait3A_245 = arith.constant 1 : i32
      %dma_wait3A_246 = arith.constant 0 : i32
      %dma_wait3A_247 = arith.constant 0 : i32
      %dma_wait3A_248 = arith.constant 0 : i32
      %dma_wait3A_249 = tpu.memref_slice %arg22[%dma_wait3A_244, %dma_wait3A_246, %dma_wait3A_247, %dma_wait3A_248] : memref<2x4x8x128xf32, #tpu.memory_space<vmem>> -> memref<1x4x8x128xf32, #tpu.memory_space<vmem>>
      %dma_wait3A_250 = tpu.memref_squeeze %dma_wait3A_249 : memref<1x4x8x128xf32, #tpu.memory_space<vmem>> -> memref<4x8x128xf32, #tpu.memory_space<vmem>>
      %dma_wait3A_251 = arith.constant 0 : i32
      %dma_wait3A_252 = arith.constant 0 : i32
      %dma_wait3A_253 = tpu.memref_slice %arg4[%sub3A_219, %dma_wait3A_245, %mul3A_243, %dma_wait3A_251, %dma_wait3A_252] : memref<50x2x128x8x128xf32, #tpu.memory_space<hbm>> -> memref<1x1x4x8x128xf32, #tpu.memory_space<hbm>>
      %dma_wait3A_254 = tpu.memref_squeeze %dma_wait3A_253 : memref<1x1x4x8x128xf32, #tpu.memory_space<hbm>> -> memref<4x8x128xf32, #tpu.memory_space<hbm>>
      %dma_wait3A_255 = arith.constant 0 : i32
      %dma_wait3A_256 = arith.constant 0 : i32
      %dma_wait3A_257 = tpu.memref_slice %arg4[%sub3A_219, %dma_wait3A_245, %mul3A_243, %dma_wait3A_255, %dma_wait3A_256] : memref<50x2x128x8x128xf32, #tpu.memory_space<hbm>> -> memref<1x1x4x8x128xf32, #tpu.memory_space<hbm>>
      %dma_wait3A_258 = tpu.memref_squeeze %dma_wait3A_257 : memref<1x1x4x8x128xf32, #tpu.memory_space<hbm>> -> memref<4x8x128xf32, #tpu.memory_space<hbm>>
      %dma_wait3A_259 = arith.constant 0 : i32
      %dma_wait3A_260 = arith.constant 0 : i32
      %dma_wait3A_261 = arith.constant 0 : i32
      %dma_wait3A_262 = tpu.memref_slice %arg22[%dma_wait3A_244, %dma_wait3A_259, %dma_wait3A_260, %dma_wait3A_261] : memref<2x4x8x128xf32, #tpu.memory_space<vmem>> -> memref<1x4x8x128xf32, #tpu.memory_space<vmem>>
      %dma_wait3A_263 = tpu.memref_squeeze %dma_wait3A_262 : memref<1x4x8x128xf32, #tpu.memory_space<vmem>> -> memref<4x8x128xf32, #tpu.memory_space<vmem>>
      tpu.wait_dma2 semaphore(%arg24 : memref<!tpu.dma_semaphore, #tpu.memory_space<semaphore_mem>>) src(%dma_wait3A_263 : memref<4x8x128xf32, #tpu.memory_space<vmem>>) dst(%dma_wait3A_258 : memref<4x8x128xf32, #tpu.memory_space<hbm>>)
      %scan3A_264 = arith.constant 0 : i32
      %scan3A_265 = arith.constant 32 : i32
      %scan3A_266 = arith.addi %scan3A_264, %scan3A_265 : i32
      %scan3A_267 = arith.constant 4 : i32
      scf.for %scan3A_412 = %scan3A_264 to %scan3A_266 step %scan3A_267  : i32 {
        %mul3A_413 = arith.constant 1 : i32
        %mul3A_414 = arith.muli %scan3A_412, %mul3A_413 : i32
        %add3A_415 = arith.constant 0 : i32
        %add3A_416 = arith.addi %add3A_415, %mul3A_414 : i32
        %jit3A = arith.constant 8 : i32
        %div3A = arith.divsi %add3A_416, %jit3A : i32
        %sign3A = arith.constant 0 : i32
        %sign3A_417 = arith.cmpi sgt, %add3A_416, %sign3A : i32
        %sign3A_418 = arith.extui %sign3A_417 : i1 to i32
        %sign3A_419 = arith.constant 0 : i32
        %sign3A_420 = arith.cmpi slt, %add3A_416, %sign3A_419 : i32
        %sign3A_421 = arith.extui %sign3A_420 : i1 to i32
        %sign3A_422 = arith.subi %sign3A_418, %sign3A_421 : i32
        %sign3A_423 = arith.constant 0 : i32
        %sign3A_424 = arith.cmpi sgt, %jit3A, %sign3A_423 : i32
        %sign3A_425 = arith.extui %sign3A_424 : i1 to i32
        %sign3A_426 = arith.constant 0 : i32
        %sign3A_427 = arith.cmpi slt, %jit3A, %sign3A_426 : i32
        %sign3A_428 = arith.extui %sign3A_427 : i1 to i32
        %sign3A_429 = arith.subi %sign3A_425, %sign3A_428 : i32
        %ne3A = arith.cmpi ne, %sign3A_422, %sign3A_429 : i32
        %rem3A = arith.remsi %add3A_416, %jit3A : i32
        %ne3A_430 = arith.constant 0 : i32
        %ne3A_431 = arith.cmpi ne, %rem3A, %ne3A_430 : i32
        %and3A = arith.andi %ne3A, %ne3A_431 : i1
        %sub3A_432 = arith.constant 1 : i32
        %sub3A_433 = arith.subi %div3A, %sub3A_432 : i32
        %select_n3A = arith.select %and3A, %sub3A_433, %div3A : i32
        %jit3A_434 = arith.constant 8 : i32
        %eq3A = arith.constant 0 : i32
        %eq3A_435 = arith.cmpi eq, %jit3A_434, %eq3A : i32
        %jit3A_436 = arith.constant 1 : i32
        %select_n3A_437 = arith.select %eq3A_435, %jit3A_436, %jit3A_434 : i32
        %rem3A_438 = arith.remsi %add3A_416, %select_n3A_437 : i32
        %ne3A_439 = arith.constant 0 : i32
        %ne3A_440 = arith.cmpi ne, %rem3A_438, %ne3A_439 : i32
        %lt3A = arith.constant 0 : i32
        %lt3A_441 = arith.cmpi slt, %rem3A_438, %lt3A : i32
        %lt3A_442 = arith.constant 0 : i32
        %lt3A_443 = arith.cmpi slt, %select_n3A_437, %lt3A_442 : i32
        %ne3A_444 = arith.xori %lt3A_441, %lt3A_443 : i1
        %and3A_445 = arith.andi %ne3A_444, %ne3A_440 : i1
        %add3A_446 = arith.addi %rem3A_438, %select_n3A_437 : i32
        %select_n3A_447 = arith.select %and3A_445, %add3A_446, %rem3A_438 : i32
        %mul3A_448 = arith.constant 16 : i32
        %mul3A_449 = arith.muli %select_n3A_447, %mul3A_448 : i32
        %mul3A_450 = arith.constant 16 : i32
        %mul3A_451 = arith.muli %add3A_416, %mul3A_450 : i32
        %get3A = arith.index_cast %add3A_218 : i32 to index
        %get3A_452 = arith.index_cast %mul3A_451 : i32 to index
        %get3A_453 = tpu.vector_load %arg21[%get3A, %get3A_452] {strides = array<i32>} : memref<50x512xi32, #tpu.memory_space<vmem>>, vector<16xi32>,
        %gather3A = tpu.vector_load_idx %arg5[%get3A_453] : memref<32xf32, #tpu.memory_space<vmem>>[vector<16xi32>], vector<16xf32>,
        %swap3A = arith.constant 0 : i32
        %swap3A_454 = arith.constant 0 : i32
        %swap3A_455 = arith.index_cast %swap3A : i32 to index
        %swap3A_456 = arith.index_cast %select_n3A : i32 to index
        %swap3A_457 = arith.index_cast %swap3A_454 : i32 to index
        %swap3A_458 = arith.index_cast %mul3A_449 : i32 to index
        %swap3A_459 = tpu.vector_load %arg22[%swap3A_455, %swap3A_456, %swap3A_457, %swap3A_458] {strides = array<i32>} : memref<2x4x8x128xf32, #tpu.memory_space<vmem>>, vector<16xf32>,
        tpu.vector_store %arg22[%swap3A_455, %swap3A_456, %swap3A_457, %swap3A_458], %gather3A {strides = array<i32>} : memref<2x4x8x128xf32, #tpu.memory_space<vmem>>, vector<16xf32>,
        %gather3A_460 = tpu.vector_load_idx %arg6[%get3A_453] : memref<32xf32, #tpu.memory_space<vmem>>[vector<16xi32>], vector<16xf32>,
        %swap3A_461 = arith.constant 0 : i32
        %swap3A_462 = arith.constant 1 : i32
        %swap3A_463 = arith.index_cast %swap3A_461 : i32 to index
        %swap3A_464 = arith.index_cast %select_n3A : i32 to index
        %swap3A_465 = arith.index_cast %swap3A_462 : i32 to index
        %swap3A_466 = arith.index_cast %mul3A_449 : i32 to index
        %swap3A_467 = tpu.vector_load %arg22[%swap3A_463, %swap3A_464, %swap3A_465, %swap3A_466] {strides = array<i32>} : memref<2x4x8x128xf32, #tpu.memory_space<vmem>>, vector<16xf32>,
        tpu.vector_store %arg22[%swap3A_463, %swap3A_464, %swap3A_465, %swap3A_466], %gather3A_460 {strides = array<i32>} : memref<2x4x8x128xf32, #tpu.memory_space<vmem>>, vector<16xf32>,
        %gather3A_468 = tpu.vector_load_idx %arg7[%get3A_453] : memref<32xf32, #tpu.memory_space<vmem>>[vector<16xi32>], vector<16xf32>,
        %swap3A_469 = arith.constant 0 : i32
        %swap3A_470 = arith.constant 2 : i32
        %swap3A_471 = arith.index_cast %swap3A_469 : i32 to index
        %swap3A_472 = arith.index_cast %select_n3A : i32 to index
        %swap3A_473 = arith.index_cast %swap3A_470 : i32 to index
        %swap3A_474 = arith.index_cast %mul3A_449 : i32 to index
        %swap3A_475 = tpu.vector_load %arg22[%swap3A_471, %swap3A_472, %swap3A_473, %swap3A_474] {strides = array<i32>} : memref<2x4x8x128xf32, #tpu.memory_space<vmem>>, vector<16xf32>,
        tpu.vector_store %arg22[%swap3A_471, %swap3A_472, %swap3A_473, %swap3A_474], %gather3A_468 {strides = array<i32>} : memref<2x4x8x128xf32, #tpu.memory_space<vmem>>, vector<16xf32>,
        %gather3A_476 = tpu.vector_load_idx %arg8[%get3A_453] : memref<32xf32, #tpu.memory_space<vmem>>[vector<16xi32>], vector<16xf32>,
        %swap3A_477 = arith.constant 0 : i32
        %swap3A_478 = arith.constant 3 : i32
        %swap3A_479 = arith.index_cast %swap3A_477 : i32 to index
        %swap3A_480 = arith.index_cast %select_n3A : i32 to index
        %swap3A_481 = arith.index_cast %swap3A_478 : i32 to index
        %swap3A_482 = arith.index_cast %mul3A_449 : i32 to index
        %swap3A_483 = tpu.vector_load %arg22[%swap3A_479, %swap3A_480, %swap3A_481, %swap3A_482] {strides = array<i32>} : memref<2x4x8x128xf32, #tpu.memory_space<vmem>>, vector<16xf32>,
        tpu.vector_store %arg22[%swap3A_479, %swap3A_480, %swap3A_481, %swap3A_482], %gather3A_476 {strides = array<i32>} : memref<2x4x8x128xf32, #tpu.memory_space<vmem>>, vector<16xf32>,
        %gather3A_484 = tpu.vector_load_idx %arg9[%get3A_453] : memref<32xf32, #tpu.memory_space<vmem>>[vector<16xi32>], vector<16xf32>,
        %swap3A_485 = arith.constant 0 : i32
        %swap3A_486 = arith.constant 4 : i32
        %swap3A_487 = arith.index_cast %swap3A_485 : i32 to index
        %swap3A_488 = arith.index_cast %select_n3A : i32 to index
        %swap3A_489 = arith.index_cast %swap3A_486 : i32 to index
        %swap3A_490 = arith.index_cast %mul3A_449 : i32 to index
        %swap3A_491 = tpu.vector_load %arg22[%swap3A_487, %swap3A_488, %swap3A_489, %swap3A_490] {strides = array<i32>} : memref<2x4x8x128xf32, #tpu.memory_space<vmem>>, vector<16xf32>,
        tpu.vector_store %arg22[%swap3A_487, %swap3A_488, %swap3A_489, %swap3A_490], %gather3A_484 {strides = array<i32>} : memref<2x4x8x128xf32, #tpu.memory_space<vmem>>, vector<16xf32>,
        %gather3A_492 = tpu.vector_load_idx %arg10[%get3A_453] : memref<32xf32, #tpu.memory_space<vmem>>[vector<16xi32>], vector<16xf32>,
        %swap3A_493 = arith.constant 0 : i32
        %swap3A_494 = arith.constant 5 : i32
        %swap3A_495 = arith.index_cast %swap3A_493 : i32 to index
        %swap3A_496 = arith.index_cast %select_n3A : i32 to index
        %swap3A_497 = arith.index_cast %swap3A_494 : i32 to index
        %swap3A_498 = arith.index_cast %mul3A_449 : i32 to index
        %swap3A_499 = tpu.vector_load %arg22[%swap3A_495, %swap3A_496, %swap3A_497, %swap3A_498] {strides = array<i32>} : memref<2x4x8x128xf32, #tpu.memory_space<vmem>>, vector<16xf32>,
        tpu.vector_store %arg22[%swap3A_495, %swap3A_496, %swap3A_497, %swap3A_498], %gather3A_492 {strides = array<i32>} : memref<2x4x8x128xf32, #tpu.memory_space<vmem>>, vector<16xf32>,
        %gather3A_500 = tpu.vector_load_idx %arg11[%get3A_453] : memref<32xf32, #tpu.memory_space<vmem>>[vector<16xi32>], vector<16xf32>,
        %swap3A_501 = arith.constant 0 : i32
        %swap3A_502 = arith.constant 6 : i32
        %swap3A_503 = arith.index_cast %swap3A_501 : i32 to index
        %swap3A_504 = arith.index_cast %select_n3A : i32 to index
        %swap3A_505 = arith.index_cast %swap3A_502 : i32 to index
        %swap3A_506 = arith.index_cast %mul3A_449 : i32 to index
        %swap3A_507 = tpu.vector_load %arg22[%swap3A_503, %swap3A_504, %swap3A_505, %swap3A_506] {strides = array<i32>} : memref<2x4x8x128xf32, #tpu.memory_space<vmem>>, vector<16xf32>,
        tpu.vector_store %arg22[%swap3A_503, %swap3A_504, %swap3A_505, %swap3A_506], %gather3A_500 {strides = array<i32>} : memref<2x4x8x128xf32, #tpu.memory_space<vmem>>, vector<16xf32>,
        %gather3A_508 = tpu.vector_load_idx %arg12[%get3A_453] : memref<32xf32, #tpu.memory_space<vmem>>[vector<16xi32>], vector<16xf32>,
        %swap3A_509 = arith.constant 0 : i32
        %swap3A_510 = arith.constant 7 : i32
        %swap3A_511 = arith.index_cast %swap3A_509 : i32 to index
        %swap3A_512 = arith.index_cast %select_n3A : i32 to index
        %swap3A_513 = arith.index_cast %swap3A_510 : i32 to index
        %swap3A_514 = arith.index_cast %mul3A_449 : i32 to index
        %swap3A_515 = tpu.vector_load %arg22[%swap3A_511, %swap3A_512, %swap3A_513, %swap3A_514] {strides = array<i32>} : memref<2x4x8x128xf32, #tpu.memory_space<vmem>>, vector<16xf32>,
        tpu.vector_store %arg22[%swap3A_511, %swap3A_512, %swap3A_513, %swap3A_514], %gather3A_508 {strides = array<i32>} : memref<2x4x8x128xf32, #tpu.memory_space<vmem>>, vector<16xf32>,
        %gather3A_516 = tpu.vector_load_idx %arg13[%get3A_453] : memref<32xf32, #tpu.memory_space<vmem>>[vector<16xi32>], vector<16xf32>,
        %swap3A_517 = arith.constant 1 : i32
        %swap3A_518 = arith.constant 0 : i32
        %swap3A_519 = arith.index_cast %swap3A_517 : i32 to index
        %swap3A_520 = arith.index_cast %select_n3A : i32 to index
        %swap3A_521 = arith.index_cast %swap3A_518 : i32 to index
        %swap3A_522 = arith.index_cast %mul3A_449 : i32 to index
        %swap3A_523 = tpu.vector_load %arg22[%swap3A_519, %swap3A_520, %swap3A_521, %swap3A_522] {strides = array<i32>} : memref<2x4x8x128xf32, #tpu.memory_space<vmem>>, vector<16xf32>,
        tpu.vector_store %arg22[%swap3A_519, %swap3A_520, %swap3A_521, %swap3A_522], %gather3A_516 {strides = array<i32>} : memref<2x4x8x128xf32, #tpu.memory_space<vmem>>, vector<16xf32>,
        %gather3A_524 = tpu.vector_load_idx %arg14[%get3A_453] : memref<32xf32, #tpu.memory_space<vmem>>[vector<16xi32>], vector<16xf32>,
        %swap3A_525 = arith.constant 1 : i32
        %swap3A_526 = arith.constant 1 : i32
        %swap3A_527 = arith.index_cast %swap3A_525 : i32 to index
        %swap3A_528 = arith.index_cast %select_n3A : i32 to index
        %swap3A_529 = arith.index_cast %swap3A_526 : i32 to index
        %swap3A_530 = arith.index_cast %mul3A_449 : i32 to index
        %swap3A_531 = tpu.vector_load %arg22[%swap3A_527, %swap3A_528, %swap3A_529, %swap3A_530] {strides = array<i32>} : memref<2x4x8x128xf32, #tpu.memory_space<vmem>>, vector<16xf32>,
        tpu.vector_store %arg22[%swap3A_527, %swap3A_528, %swap3A_529, %swap3A_530], %gather3A_524 {strides = array<i32>} : memref<2x4x8x128xf32, #tpu.memory_space<vmem>>, vector<16xf32>,
        %gather3A_532 = tpu.vector_load_idx %arg15[%get3A_453] : memref<32xf32, #tpu.memory_space<vmem>>[vector<16xi32>], vector<16xf32>,
        %swap3A_533 = arith.constant 1 : i32
        %swap3A_534 = arith.constant 2 : i32
        %swap3A_535 = arith.index_cast %swap3A_533 : i32 to index
        %swap3A_536 = arith.index_cast %select_n3A : i32 to index
        %swap3A_537 = arith.index_cast %swap3A_534 : i32 to index
        %swap3A_538 = arith.index_cast %mul3A_449 : i32 to index
        %swap3A_539 = tpu.vector_load %arg22[%swap3A_535, %swap3A_536, %swap3A_537, %swap3A_538] {strides = array<i32>} : memref<2x4x8x128xf32, #tpu.memory_space<vmem>>, vector<16xf32>,
        tpu.vector_store %arg22[%swap3A_535, %swap3A_536, %swap3A_537, %swap3A_538], %gather3A_532 {strides = array<i32>} : memref<2x4x8x128xf32, #tpu.memory_space<vmem>>, vector<16xf32>,
        %gather3A_540 = tpu.vector_load_idx %arg16[%get3A_453] : memref<32xf32, #tpu.memory_space<vmem>>[vector<16xi32>], vector<16xf32>,
        %swap3A_541 = arith.constant 1 : i32
        %swap3A_542 = arith.constant 3 : i32
        %swap3A_543 = arith.index_cast %swap3A_541 : i32 to index
        %swap3A_544 = arith.index_cast %select_n3A : i32 to index
        %swap3A_545 = arith.index_cast %swap3A_542 : i32 to index
        %swap3A_546 = arith.index_cast %mul3A_449 : i32 to index
        %swap3A_547 = tpu.vector_load %arg22[%swap3A_543, %swap3A_544, %swap3A_545, %swap3A_546] {strides = array<i32>} : memref<2x4x8x128xf32, #tpu.memory_space<vmem>>, vector<16xf32>,
        tpu.vector_store %arg22[%swap3A_543, %swap3A_544, %swap3A_545, %swap3A_546], %gather3A_540 {strides = array<i32>} : memref<2x4x8x128xf32, #tpu.memory_space<vmem>>, vector<16xf32>,
        %gather3A_548 = tpu.vector_load_idx %arg17[%get3A_453] : memref<32xf32, #tpu.memory_space<vmem>>[vector<16xi32>], vector<16xf32>,
        %swap3A_549 = arith.constant 1 : i32
        %swap3A_550 = arith.constant 4 : i32
        %swap3A_551 = arith.index_cast %swap3A_549 : i32 to index
        %swap3A_552 = arith.index_cast %select_n3A : i32 to index
        %swap3A_553 = arith.index_cast %swap3A_550 : i32 to index
        %swap3A_554 = arith.index_cast %mul3A_449 : i32 to index
        %swap3A_555 = tpu.vector_load %arg22[%swap3A_551, %swap3A_552, %swap3A_553, %swap3A_554] {strides = array<i32>} : memref<2x4x8x128xf32, #tpu.memory_space<vmem>>, vector<16xf32>,
        tpu.vector_store %arg22[%swap3A_551, %swap3A_552, %swap3A_553, %swap3A_554], %gather3A_548 {strides = array<i32>} : memref<2x4x8x128xf32, #tpu.memory_space<vmem>>, vector<16xf32>,
        %gather3A_556 = tpu.vector_load_idx %arg18[%get3A_453] : memref<32xf32, #tpu.memory_space<vmem>>[vector<16xi32>], vector<16xf32>,
        %swap3A_557 = arith.constant 1 : i32
        %swap3A_558 = arith.constant 5 : i32
        %swap3A_559 = arith.index_cast %swap3A_557 : i32 to index
        %swap3A_560 = arith.index_cast %select_n3A : i32 to index
        %swap3A_561 = arith.index_cast %swap3A_558 : i32 to index
        %swap3A_562 = arith.index_cast %mul3A_449 : i32 to index
        %swap3A_563 = tpu.vector_load %arg22[%swap3A_559, %swap3A_560, %swap3A_561, %swap3A_562] {strides = array<i32>} : memref<2x4x8x128xf32, #tpu.memory_space<vmem>>, vector<16xf32>,
        tpu.vector_store %arg22[%swap3A_559, %swap3A_560, %swap3A_561, %swap3A_562], %gather3A_556 {strides = array<i32>} : memref<2x4x8x128xf32, #tpu.memory_space<vmem>>, vector<16xf32>,
        %gather3A_564 = tpu.vector_load_idx %arg19[%get3A_453] : memref<32xf32, #tpu.memory_space<vmem>>[vector<16xi32>], vector<16xf32>,
        %swap3A_565 = arith.constant 1 : i32
        %swap3A_566 = arith.constant 6 : i32
        %swap3A_567 = arith.index_cast %swap3A_565 : i32 to index
        %swap3A_568 = arith.index_cast %select_n3A : i32 to index
        %swap3A_569 = arith.index_cast %swap3A_566 : i32 to index
        %swap3A_570 = arith.index_cast %mul3A_449 : i32 to index
        %swap3A_571 = tpu.vector_load %arg22[%swap3A_567, %swap3A_568, %swap3A_569, %swap3A_570] {strides = array<i32>} : memref<2x4x8x128xf32, #tpu.memory_space<vmem>>, vector<16xf32>,
        tpu.vector_store %arg22[%swap3A_567, %swap3A_568, %swap3A_569, %swap3A_570], %gather3A_564 {strides = array<i32>} : memref<2x4x8x128xf32, #tpu.memory_space<vmem>>, vector<16xf32>,
        %gather3A_572 = tpu.vector_load_idx %arg20[%get3A_453] : memref<32xf32, #tpu.memory_space<vmem>>[vector<16xi32>], vector<16xf32>,
        %swap3A_573 = arith.constant 1 : i32
        %swap3A_574 = arith.constant 7 : i32
        %swap3A_575 = arith.index_cast %swap3A_573 : i32 to index
        %swap3A_576 = arith.index_cast %select_n3A : i32 to index
        %swap3A_577 = arith.index_cast %swap3A_574 : i32 to index
        %swap3A_578 = arith.index_cast %mul3A_449 : i32 to index
        %swap3A_579 = tpu.vector_load %arg22[%swap3A_575, %swap3A_576, %swap3A_577, %swap3A_578] {strides = array<i32>} : memref<2x4x8x128xf32, #tpu.memory_space<vmem>>, vector<16xf32>,
        tpu.vector_store %arg22[%swap3A_575, %swap3A_576, %swap3A_577, %swap3A_578], %gather3A_572 {strides = array<i32>} : memref<2x4x8x128xf32, #tpu.memory_space<vmem>>, vector<16xf32>,
        %scan3A_580 = arith.constant 1 : i32
        %scan3A_581 = arith.addi %scan3A_412, %scan3A_580 : i32
        %mul3A_582 = arith.constant 1 : i32
        %mul3A_583 = arith.muli %scan3A_581, %mul3A_582 : i32
        %add3A_584 = arith.constant 0 : i32
        %add3A_585 = arith.addi %add3A_584, %mul3A_583 : i32
        %jit3A_586 = arith.constant 8 : i32
        %div3A_587 = arith.divsi %add3A_585, %jit3A_586 : i32
        %sign3A_588 = arith.constant 0 : i32
        %sign3A_589 = arith.cmpi sgt, %add3A_585, %sign3A_588 : i32
        %sign3A_590 = arith.extui %sign3A_589 : i1 to i32
        %sign3A_591 = arith.constant 0 : i32
        %sign3A_592 = arith.cmpi slt, %add3A_585, %sign3A_591 : i32
        %sign3A_593 = arith.extui %sign3A_592 : i1 to i32
        %sign3A_594 = arith.subi %sign3A_590, %sign3A_593 : i32
        %sign3A_595 = arith.constant 0 : i32
        %sign3A_596 = arith.cmpi sgt, %jit3A_586, %sign3A_595 : i32
        %sign3A_597 = arith.extui %sign3A_596 : i1 to i32
        %sign3A_598 = arith.constant 0 : i32
        %sign3A_599 = arith.cmpi slt, %jit3A_586, %sign3A_598 : i32
        %sign3A_600 = arith.extui %sign3A_599 : i1 to i32
        %sign3A_601 = arith.subi %sign3A_597, %sign3A_600 : i32
        %ne3A_602 = arith.cmpi ne, %sign3A_594, %sign3A_601 : i32
        %rem3A_603 = arith.remsi %add3A_585, %jit3A_586 : i32
        %ne3A_604 = arith.constant 0 : i32
        %ne3A_605 = arith.cmpi ne, %rem3A_603, %ne3A_604 : i32
        %and3A_606 = arith.andi %ne3A_602, %ne3A_605 : i1
        %sub3A_607 = arith.constant 1 : i32
        %sub3A_608 = arith.subi %div3A_587, %sub3A_607 : i32
        %select_n3A_609 = arith.select %and3A_606, %sub3A_608, %div3A_587 : i32
        %jit3A_610 = arith.constant 8 : i32
        %eq3A_611 = arith.constant 0 : i32
        %eq3A_612 = arith.cmpi eq, %jit3A_610, %eq3A_611 : i32
        %jit3A_613 = arith.constant 1 : i32
        %select_n3A_614 = arith.select %eq3A_612, %jit3A_613, %jit3A_610 : i32
        %rem3A_615 = arith.remsi %add3A_585, %select_n3A_614 : i32
        %ne3A_616 = arith.constant 0 : i32
        %ne3A_617 = arith.cmpi ne, %rem3A_615, %ne3A_616 : i32
        %lt3A_618 = arith.constant 0 : i32
        %lt3A_619 = arith.cmpi slt, %rem3A_615, %lt3A_618 : i32
        %lt3A_620 = arith.constant 0 : i32
        %lt3A_621 = arith.cmpi slt, %select_n3A_614, %lt3A_620 : i32
        %ne3A_622 = arith.xori %lt3A_619, %lt3A_621 : i1
        %and3A_623 = arith.andi %ne3A_622, %ne3A_617 : i1
        %add3A_624 = arith.addi %rem3A_615, %select_n3A_614 : i32
        %select_n3A_625 = arith.select %and3A_623, %add3A_624, %rem3A_615 : i32
        %mul3A_626 = arith.constant 16 : i32
        %mul3A_627 = arith.muli %select_n3A_625, %mul3A_626 : i32
        %mul3A_628 = arith.constant 16 : i32
        %mul3A_629 = arith.muli %add3A_585, %mul3A_628 : i32
        %get3A_630 = arith.index_cast %add3A_218 : i32 to index
        %get3A_631 = arith.index_cast %mul3A_629 : i32 to index
        %get3A_632 = tpu.vector_load %arg21[%get3A_630, %get3A_631] {strides = array<i32>} : memref<50x512xi32, #tpu.memory_space<vmem>>, vector<16xi32>,
        %gather3A_633 = tpu.vector_load_idx %arg5[%get3A_632] : memref<32xf32, #tpu.memory_space<vmem>>[vector<16xi32>], vector<16xf32>,
        %swap3A_634 = arith.constant 0 : i32
        %swap3A_635 = arith.constant 0 : i32
        %swap3A_636 = arith.index_cast %swap3A_634 : i32 to index
        %swap3A_637 = arith.index_cast %select_n3A_609 : i32 to index
        %swap3A_638 = arith.index_cast %swap3A_635 : i32 to index
        %swap3A_639 = arith.index_cast %mul3A_627 : i32 to index
        %swap3A_640 = tpu.vector_load %arg22[%swap3A_636, %swap3A_637, %swap3A_638, %swap3A_639] {strides = array<i32>} : memref<2x4x8x128xf32, #tpu.memory_space<vmem>>, vector<16xf32>,
        tpu.vector_store %arg22[%swap3A_636, %swap3A_637, %swap3A_638, %swap3A_639], %gather3A_633 {strides = array<i32>} : memref<2x4x8x128xf32, #tpu.memory_space<vmem>>, vector<16xf32>,
        %gather3A_641 = tpu.vector_load_idx %arg6[%get3A_632] : memref<32xf32, #tpu.memory_space<vmem>>[vector<16xi32>], vector<16xf32>,
        %swap3A_642 = arith.constant 0 : i32
        %swap3A_643 = arith.constant 1 : i32
        %swap3A_644 = arith.index_cast %swap3A_642 : i32 to index
        %swap3A_645 = arith.index_cast %select_n3A_609 : i32 to index
        %swap3A_646 = arith.index_cast %swap3A_643 : i32 to index
        %swap3A_647 = arith.index_cast %mul3A_627 : i32 to index
        %swap3A_648 = tpu.vector_load %arg22[%swap3A_644, %swap3A_645, %swap3A_646, %swap3A_647] {strides = array<i32>} : memref<2x4x8x128xf32, #tpu.memory_space<vmem>>, vector<16xf32>,
        tpu.vector_store %arg22[%swap3A_644, %swap3A_645, %swap3A_646, %swap3A_647], %gather3A_641 {strides = array<i32>} : memref<2x4x8x128xf32, #tpu.memory_space<vmem>>, vector<16xf32>,
        %gather3A_649 = tpu.vector_load_idx %arg7[%get3A_632] : memref<32xf32, #tpu.memory_space<vmem>>[vector<16xi32>], vector<16xf32>,
        %swap3A_650 = arith.constant 0 : i32
        %swap3A_651 = arith.constant 2 : i32
        %swap3A_652 = arith.index_cast %swap3A_650 : i32 to index
        %swap3A_653 = arith.index_cast %select_n3A_609 : i32 to index
        %swap3A_654 = arith.index_cast %swap3A_651 : i32 to index
        %swap3A_655 = arith.index_cast %mul3A_627 : i32 to index
        %swap3A_656 = tpu.vector_load %arg22[%swap3A_652, %swap3A_653, %swap3A_654, %swap3A_655] {strides = array<i32>} : memref<2x4x8x128xf32, #tpu.memory_space<vmem>>, vector<16xf32>,
        tpu.vector_store %arg22[%swap3A_652, %swap3A_653, %swap3A_654, %swap3A_655], %gather3A_649 {strides = array<i32>} : memref<2x4x8x128xf32, #tpu.memory_space<vmem>>, vector<16xf32>,
        %gather3A_657 = tpu.vector_load_idx %arg8[%get3A_632] : memref<32xf32, #tpu.memory_space<vmem>>[vector<16xi32>], vector<16xf32>,
        %swap3A_658 = arith.constant 0 : i32
        %swap3A_659 = arith.constant 3 : i32
        %swap3A_660 = arith.index_cast %swap3A_658 : i32 to index
        %swap3A_661 = arith.index_cast %select_n3A_609 : i32 to index
        %swap3A_662 = arith.index_cast %swap3A_659 : i32 to index
        %swap3A_663 = arith.index_cast %mul3A_627 : i32 to index
        %swap3A_664 = tpu.vector_load %arg22[%swap3A_660, %swap3A_661, %swap3A_662, %swap3A_663] {strides = array<i32>} : memref<2x4x8x128xf32, #tpu.memory_space<vmem>>, vector<16xf32>,
        tpu.vector_store %arg22[%swap3A_660, %swap3A_661, %swap3A_662, %swap3A_663], %gather3A_657 {strides = array<i32>} : memref<2x4x8x128xf32, #tpu.memory_space<vmem>>, vector<16xf32>,
        %gather3A_665 = tpu.vector_load_idx %arg9[%get3A_632] : memref<32xf32, #tpu.memory_space<vmem>>[vector<16xi32>], vector<16xf32>,
        %swap3A_666 = arith.constant 0 : i32
        %swap3A_667 = arith.constant 4 : i32
        %swap3A_668 = arith.index_cast %swap3A_666 : i32 to index
        %swap3A_669 = arith.index_cast %select_n3A_609 : i32 to index
        %swap3A_670 = arith.index_cast %swap3A_667 : i32 to index
        %swap3A_671 = arith.index_cast %mul3A_627 : i32 to index
        %swap3A_672 = tpu.vector_load %arg22[%swap3A_668, %swap3A_669, %swap3A_670, %swap3A_671] {strides = array<i32>} : memref<2x4x8x128xf32, #tpu.memory_space<vmem>>, vector<16xf32>,
        tpu.vector_store %arg22[%swap3A_668, %swap3A_669, %swap3A_670, %swap3A_671], %gather3A_665 {strides = array<i32>} : memref<2x4x8x128xf32, #tpu.memory_space<vmem>>, vector<16xf32>,
        %gather3A_673 = tpu.vector_load_idx %arg10[%get3A_632] : memref<32xf32, #tpu.memory_space<vmem>>[vector<16xi32>], vector<16xf32>,
        %swap3A_674 = arith.constant 0 : i32
        %swap3A_675 = arith.constant 5 : i32
        %swap3A_676 = arith.index_cast %swap3A_674 : i32 to index
        %swap3A_677 = arith.index_cast %select_n3A_609 : i32 to index
        %swap3A_678 = arith.index_cast %swap3A_675 : i32 to index
        %swap3A_679 = arith.index_cast %mul3A_627 : i32 to index
        %swap3A_680 = tpu.vector_load %arg22[%swap3A_676, %swap3A_677, %swap3A_678, %swap3A_679] {strides = array<i32>} : memref<2x4x8x128xf32, #tpu.memory_space<vmem>>, vector<16xf32>,
        tpu.vector_store %arg22[%swap3A_676, %swap3A_677, %swap3A_678, %swap3A_679], %gather3A_673 {strides = array<i32>} : memref<2x4x8x128xf32, #tpu.memory_space<vmem>>, vector<16xf32>,
        %gather3A_681 = tpu.vector_load_idx %arg11[%get3A_632] : memref<32xf32, #tpu.memory_space<vmem>>[vector<16xi32>], vector<16xf32>,
        %swap3A_682 = arith.constant 0 : i32
        %swap3A_683 = arith.constant 6 : i32
        %swap3A_684 = arith.index_cast %swap3A_682 : i32 to index
        %swap3A_685 = arith.index_cast %select_n3A_609 : i32 to index
        %swap3A_686 = arith.index_cast %swap3A_683 : i32 to index
        %swap3A_687 = arith.index_cast %mul3A_627 : i32 to index
        %swap3A_688 = tpu.vector_load %arg22[%swap3A_684, %swap3A_685, %swap3A_686, %swap3A_687] {strides = array<i32>} : memref<2x4x8x128xf32, #tpu.memory_space<vmem>>, vector<16xf32>,
        tpu.vector_store %arg22[%swap3A_684, %swap3A_685, %swap3A_686, %swap3A_687], %gather3A_681 {strides = array<i32>} : memref<2x4x8x128xf32, #tpu.memory_space<vmem>>, vector<16xf32>,
        %gather3A_689 = tpu.vector_load_idx %arg12[%get3A_632] : memref<32xf32, #tpu.memory_space<vmem>>[vector<16xi32>], vector<16xf32>,
        %swap3A_690 = arith.constant 0 : i32
        %swap3A_691 = arith.constant 7 : i32
        %swap3A_692 = arith.index_cast %swap3A_690 : i32 to index
        %swap3A_693 = arith.index_cast %select_n3A_609 : i32 to index
        %swap3A_694 = arith.index_cast %swap3A_691 : i32 to index
        %swap3A_695 = arith.index_cast %mul3A_627 : i32 to index
        %swap3A_696 = tpu.vector_load %arg22[%swap3A_692, %swap3A_693, %swap3A_694, %swap3A_695] {strides = array<i32>} : memref<2x4x8x128xf32, #tpu.memory_space<vmem>>, vector<16xf32>,
        tpu.vector_store %arg22[%swap3A_692, %swap3A_693, %swap3A_694, %swap3A_695], %gather3A_689 {strides = array<i32>} : memref<2x4x8x128xf32, #tpu.memory_space<vmem>>, vector<16xf32>,
        %gather3A_697 = tpu.vector_load_idx %arg13[%get3A_632] : memref<32xf32, #tpu.memory_space<vmem>>[vector<16xi32>], vector<16xf32>,
        %swap3A_698 = arith.constant 1 : i32
        %swap3A_699 = arith.constant 0 : i32
        %swap3A_700 = arith.index_cast %swap3A_698 : i32 to index
        %swap3A_701 = arith.index_cast %select_n3A_609 : i32 to index
        %swap3A_702 = arith.index_cast %swap3A_699 : i32 to index
        %swap3A_703 = arith.index_cast %mul3A_627 : i32 to index
        %swap3A_704 = tpu.vector_load %arg22[%swap3A_700, %swap3A_701, %swap3A_702, %swap3A_703] {strides = array<i32>} : memref<2x4x8x128xf32, #tpu.memory_space<vmem>>, vector<16xf32>,
        tpu.vector_store %arg22[%swap3A_700, %swap3A_701, %swap3A_702, %swap3A_703], %gather3A_697 {strides = array<i32>} : memref<2x4x8x128xf32, #tpu.memory_space<vmem>>, vector<16xf32>,
        %gather3A_705 = tpu.vector_load_idx %arg14[%get3A_632] : memref<32xf32, #tpu.memory_space<vmem>>[vector<16xi32>], vector<16xf32>,
        %swap3A_706 = arith.constant 1 : i32
        %swap3A_707 = arith.constant 1 : i32
        %swap3A_708 = arith.index_cast %swap3A_706 : i32 to index
        %swap3A_709 = arith.index_cast %select_n3A_609 : i32 to index
        %swap3A_710 = arith.index_cast %swap3A_707 : i32 to index
        %swap3A_711 = arith.index_cast %mul3A_627 : i32 to index
        %swap3A_712 = tpu.vector_load %arg22[%swap3A_708, %swap3A_709, %swap3A_710, %swap3A_711] {strides = array<i32>} : memref<2x4x8x128xf32, #tpu.memory_space<vmem>>, vector<16xf32>,
        tpu.vector_store %arg22[%swap3A_708, %swap3A_709, %swap3A_710, %swap3A_711], %gather3A_705 {strides = array<i32>} : memref<2x4x8x128xf32, #tpu.memory_space<vmem>>, vector<16xf32>,
        %gather3A_713 = tpu.vector_load_idx %arg15[%get3A_632] : memref<32xf32, #tpu.memory_space<vmem>>[vector<16xi32>], vector<16xf32>,
        %swap3A_714 = arith.constant 1 : i32
        %swap3A_715 = arith.constant 2 : i32
        %swap3A_716 = arith.index_cast %swap3A_714 : i32 to index
        %swap3A_717 = arith.index_cast %select_n3A_609 : i32 to index
        %swap3A_718 = arith.index_cast %swap3A_715 : i32 to index
        %swap3A_719 = arith.index_cast %mul3A_627 : i32 to index
        %swap3A_720 = tpu.vector_load %arg22[%swap3A_716, %swap3A_717, %swap3A_718, %swap3A_719] {strides = array<i32>} : memref<2x4x8x128xf32, #tpu.memory_space<vmem>>, vector<16xf32>,
        tpu.vector_store %arg22[%swap3A_716, %swap3A_717, %swap3A_718, %swap3A_719], %gather3A_713 {strides = array<i32>} : memref<2x4x8x128xf32, #tpu.memory_space<vmem>>, vector<16xf32>,
        %gather3A_721 = tpu.vector_load_idx %arg16[%get3A_632] : memref<32xf32, #tpu.memory_space<vmem>>[vector<16xi32>], vector<16xf32>,
        %swap3A_722 = arith.constant 1 : i32
        %swap3A_723 = arith.constant 3 : i32
        %swap3A_724 = arith.index_cast %swap3A_722 : i32 to index
        %swap3A_725 = arith.index_cast %select_n3A_609 : i32 to index
        %swap3A_726 = arith.index_cast %swap3A_723 : i32 to index
        %swap3A_727 = arith.index_cast %mul3A_627 : i32 to index
        %swap3A_728 = tpu.vector_load %arg22[%swap3A_724, %swap3A_725, %swap3A_726, %swap3A_727] {strides = array<i32>} : memref<2x4x8x128xf32, #tpu.memory_space<vmem>>, vector<16xf32>,
        tpu.vector_store %arg22[%swap3A_724, %swap3A_725, %swap3A_726, %swap3A_727], %gather3A_721 {strides = array<i32>} : memref<2x4x8x128xf32, #tpu.memory_space<vmem>>, vector<16xf32>,
        %gather3A_729 = tpu.vector_load_idx %arg17[%get3A_632] : memref<32xf32, #tpu.memory_space<vmem>>[vector<16xi32>], vector<16xf32>,
        %swap3A_730 = arith.constant 1 : i32
        %swap3A_731 = arith.constant 4 : i32
        %swap3A_732 = arith.index_cast %swap3A_730 : i32 to index
        %swap3A_733 = arith.index_cast %select_n3A_609 : i32 to index
        %swap3A_734 = arith.index_cast %swap3A_731 : i32 to index
        %swap3A_735 = arith.index_cast %mul3A_627 : i32 to index
        %swap3A_736 = tpu.vector_load %arg22[%swap3A_732, %swap3A_733, %swap3A_734, %swap3A_735] {strides = array<i32>} : memref<2x4x8x128xf32, #tpu.memory_space<vmem>>, vector<16xf32>,
        tpu.vector_store %arg22[%swap3A_732, %swap3A_733, %swap3A_734, %swap3A_735], %gather3A_729 {strides = array<i32>} : memref<2x4x8x128xf32, #tpu.memory_space<vmem>>, vector<16xf32>,
        %gather3A_737 = tpu.vector_load_idx %arg18[%get3A_632] : memref<32xf32, #tpu.memory_space<vmem>>[vector<16xi32>], vector<16xf32>,
        %swap3A_738 = arith.constant 1 : i32
        %swap3A_739 = arith.constant 5 : i32
        %swap3A_740 = arith.index_cast %swap3A_738 : i32 to index
        %swap3A_741 = arith.index_cast %select_n3A_609 : i32 to index
        %swap3A_742 = arith.index_cast %swap3A_739 : i32 to index
        %swap3A_743 = arith.index_cast %mul3A_627 : i32 to index
        %swap3A_744 = tpu.vector_load %arg22[%swap3A_740, %swap3A_741, %swap3A_742, %swap3A_743] {strides = array<i32>} : memref<2x4x8x128xf32, #tpu.memory_space<vmem>>, vector<16xf32>,
        tpu.vector_store %arg22[%swap3A_740, %swap3A_741, %swap3A_742, %swap3A_743], %gather3A_737 {strides = array<i32>} : memref<2x4x8x128xf32, #tpu.memory_space<vmem>>, vector<16xf32>,
        %gather3A_745 = tpu.vector_load_idx %arg19[%get3A_632] : memref<32xf32, #tpu.memory_space<vmem>>[vector<16xi32>], vector<16xf32>,
        %swap3A_746 = arith.constant 1 : i32
        %swap3A_747 = arith.constant 6 : i32
        %swap3A_748 = arith.index_cast %swap3A_746 : i32 to index
        %swap3A_749 = arith.index_cast %select_n3A_609 : i32 to index
        %swap3A_750 = arith.index_cast %swap3A_747 : i32 to index
        %swap3A_751 = arith.index_cast %mul3A_627 : i32 to index
        %swap3A_752 = tpu.vector_load %arg22[%swap3A_748, %swap3A_749, %swap3A_750, %swap3A_751] {strides = array<i32>} : memref<2x4x8x128xf32, #tpu.memory_space<vmem>>, vector<16xf32>,
        tpu.vector_store %arg22[%swap3A_748, %swap3A_749, %swap3A_750, %swap3A_751], %gather3A_745 {strides = array<i32>} : memref<2x4x8x128xf32, #tpu.memory_space<vmem>>, vector<16xf32>,
        %gather3A_753 = tpu.vector_load_idx %arg20[%get3A_632] : memref<32xf32, #tpu.memory_space<vmem>>[vector<16xi32>], vector<16xf32>,
        %swap3A_754 = arith.constant 1 : i32
        %swap3A_755 = arith.constant 7 : i32
        %swap3A_756 = arith.index_cast %swap3A_754 : i32 to index
        %swap3A_757 = arith.index_cast %select_n3A_609 : i32 to index
        %swap3A_758 = arith.index_cast %swap3A_755 : i32 to index
        %swap3A_759 = arith.index_cast %mul3A_627 : i32 to index
        %swap3A_760 = tpu.vector_load %arg22[%swap3A_756, %swap3A_757, %swap3A_758, %swap3A_759] {strides = array<i32>} : memref<2x4x8x128xf32, #tpu.memory_space<vmem>>, vector<16xf32>,
        tpu.vector_store %arg22[%swap3A_756, %swap3A_757, %swap3A_758, %swap3A_759], %gather3A_753 {strides = array<i32>} : memref<2x4x8x128xf32, #tpu.memory_space<vmem>>, vector<16xf32>,
        %scan3A_761 = arith.constant 2 : i32
        %scan3A_762 = arith.addi %scan3A_412, %scan3A_761 : i32
        %mul3A_763 = arith.constant 1 : i32
        %mul3A_764 = arith.muli %scan3A_762, %mul3A_763 : i32
        %add3A_765 = arith.constant 0 : i32
        %add3A_766 = arith.addi %add3A_765, %mul3A_764 : i32
        %jit3A_767 = arith.constant 8 : i32
        %div3A_768 = arith.divsi %add3A_766, %jit3A_767 : i32
        %sign3A_769 = arith.constant 0 : i32
        %sign3A_770 = arith.cmpi sgt, %add3A_766, %sign3A_769 : i32
        %sign3A_771 = arith.extui %sign3A_770 : i1 to i32
        %sign3A_772 = arith.constant 0 : i32
        %sign3A_773 = arith.cmpi slt, %add3A_766, %sign3A_772 : i32
        %sign3A_774 = arith.extui %sign3A_773 : i1 to i32
        %sign3A_775 = arith.subi %sign3A_771, %sign3A_774 : i32
        %sign3A_776 = arith.constant 0 : i32
        %sign3A_777 = arith.cmpi sgt, %jit3A_767, %sign3A_776 : i32
        %sign3A_778 = arith.extui %sign3A_777 : i1 to i32
        %sign3A_779 = arith.constant 0 : i32
        %sign3A_780 = arith.cmpi slt, %jit3A_767, %sign3A_779 : i32
        %sign3A_781 = arith.extui %sign3A_780 : i1 to i32
        %sign3A_782 = arith.subi %sign3A_778, %sign3A_781 : i32
        %ne3A_783 = arith.cmpi ne, %sign3A_775, %sign3A_782 : i32
        %rem3A_784 = arith.remsi %add3A_766, %jit3A_767 : i32
        %ne3A_785 = arith.constant 0 : i32
        %ne3A_786 = arith.cmpi ne, %rem3A_784, %ne3A_785 : i32
        %and3A_787 = arith.andi %ne3A_783, %ne3A_786 : i1
        %sub3A_788 = arith.constant 1 : i32
        %sub3A_789 = arith.subi %div3A_768, %sub3A_788 : i32
        %select_n3A_790 = arith.select %and3A_787, %sub3A_789, %div3A_768 : i32
        %jit3A_791 = arith.constant 8 : i32
        %eq3A_792 = arith.constant 0 : i32
        %eq3A_793 = arith.cmpi eq, %jit3A_791, %eq3A_792 : i32
        %jit3A_794 = arith.constant 1 : i32
        %select_n3A_795 = arith.select %eq3A_793, %jit3A_794, %jit3A_791 : i32
        %rem3A_796 = arith.remsi %add3A_766, %select_n3A_795 : i32
        %ne3A_797 = arith.constant 0 : i32
        %ne3A_798 = arith.cmpi ne, %rem3A_796, %ne3A_797 : i32
        %lt3A_799 = arith.constant 0 : i32
        %lt3A_800 = arith.cmpi slt, %rem3A_796, %lt3A_799 : i32
        %lt3A_801 = arith.constant 0 : i32
        %lt3A_802 = arith.cmpi slt, %select_n3A_795, %lt3A_801 : i32
        %ne3A_803 = arith.xori %lt3A_800, %lt3A_802 : i1
        %and3A_804 = arith.andi %ne3A_803, %ne3A_798 : i1
        %add3A_805 = arith.addi %rem3A_796, %select_n3A_795 : i32
        %select_n3A_806 = arith.select %and3A_804, %add3A_805, %rem3A_796 : i32
        %mul3A_807 = arith.constant 16 : i32
        %mul3A_808 = arith.muli %select_n3A_806, %mul3A_807 : i32
        %mul3A_809 = arith.constant 16 : i32
        %mul3A_810 = arith.muli %add3A_766, %mul3A_809 : i32
        %get3A_811 = arith.index_cast %add3A_218 : i32 to index
        %get3A_812 = arith.index_cast %mul3A_810 : i32 to index
        %get3A_813 = tpu.vector_load %arg21[%get3A_811, %get3A_812] {strides = array<i32>} : memref<50x512xi32, #tpu.memory_space<vmem>>, vector<16xi32>,
        %gather3A_814 = tpu.vector_load_idx %arg5[%get3A_813] : memref<32xf32, #tpu.memory_space<vmem>>[vector<16xi32>], vector<16xf32>,
        %swap3A_815 = arith.constant 0 : i32
        %swap3A_816 = arith.constant 0 : i32
        %swap3A_817 = arith.index_cast %swap3A_815 : i32 to index
        %swap3A_818 = arith.index_cast %select_n3A_790 : i32 to index
        %swap3A_819 = arith.index_cast %swap3A_816 : i32 to index
        %swap3A_820 = arith.index_cast %mul3A_808 : i32 to index
        %swap3A_821 = tpu.vector_load %arg22[%swap3A_817, %swap3A_818, %swap3A_819, %swap3A_820] {strides = array<i32>} : memref<2x4x8x128xf32, #tpu.memory_space<vmem>>, vector<16xf32>,
        tpu.vector_store %arg22[%swap3A_817, %swap3A_818, %swap3A_819, %swap3A_820], %gather3A_814 {strides = array<i32>} : memref<2x4x8x128xf32, #tpu.memory_space<vmem>>, vector<16xf32>,
        %gather3A_822 = tpu.vector_load_idx %arg6[%get3A_813] : memref<32xf32, #tpu.memory_space<vmem>>[vector<16xi32>], vector<16xf32>,
        %swap3A_823 = arith.constant 0 : i32
        %swap3A_824 = arith.constant 1 : i32
        %swap3A_825 = arith.index_cast %swap3A_823 : i32 to index
        %swap3A_826 = arith.index_cast %select_n3A_790 : i32 to index
        %swap3A_827 = arith.index_cast %swap3A_824 : i32 to index
        %swap3A_828 = arith.index_cast %mul3A_808 : i32 to index
        %swap3A_829 = tpu.vector_load %arg22[%swap3A_825, %swap3A_826, %swap3A_827, %swap3A_828] {strides = array<i32>} : memref<2x4x8x128xf32, #tpu.memory_space<vmem>>, vector<16xf32>,
        tpu.vector_store %arg22[%swap3A_825, %swap3A_826, %swap3A_827, %swap3A_828], %gather3A_822 {strides = array<i32>} : memref<2x4x8x128xf32, #tpu.memory_space<vmem>>, vector<16xf32>,
        %gather3A_830 = tpu.vector_load_idx %arg7[%get3A_813] : memref<32xf32, #tpu.memory_space<vmem>>[vector<16xi32>], vector<16xf32>,
        %swap3A_831 = arith.constant 0 : i32
        %swap3A_832 = arith.constant 2 : i32
        %swap3A_833 = arith.index_cast %swap3A_831 : i32 to index
        %swap3A_834 = arith.index_cast %select_n3A_790 : i32 to index
        %swap3A_835 = arith.index_cast %swap3A_832 : i32 to index
        %swap3A_836 = arith.index_cast %mul3A_808 : i32 to index
        %swap3A_837 = tpu.vector_load %arg22[%swap3A_833, %swap3A_834, %swap3A_835, %swap3A_836] {strides = array<i32>} : memref<2x4x8x128xf32, #tpu.memory_space<vmem>>, vector<16xf32>,
        tpu.vector_store %arg22[%swap3A_833, %swap3A_834, %swap3A_835, %swap3A_836], %gather3A_830 {strides = array<i32>} : memref<2x4x8x128xf32, #tpu.memory_space<vmem>>, vector<16xf32>,
        %gather3A_838 = tpu.vector_load_idx %arg8[%get3A_813] : memref<32xf32, #tpu.memory_space<vmem>>[vector<16xi32>], vector<16xf32>,
        %swap3A_839 = arith.constant 0 : i32
        %swap3A_840 = arith.constant 3 : i32
        %swap3A_841 = arith.index_cast %swap3A_839 : i32 to index
        %swap3A_842 = arith.index_cast %select_n3A_790 : i32 to index
        %swap3A_843 = arith.index_cast %swap3A_840 : i32 to index
        %swap3A_844 = arith.index_cast %mul3A_808 : i32 to index
        %swap3A_845 = tpu.vector_load %arg22[%swap3A_841, %swap3A_842, %swap3A_843, %swap3A_844] {strides = array<i32>} : memref<2x4x8x128xf32, #tpu.memory_space<vmem>>, vector<16xf32>,
        tpu.vector_store %arg22[%swap3A_841, %swap3A_842, %swap3A_843, %swap3A_844], %gather3A_838 {strides = array<i32>} : memref<2x4x8x128xf32, #tpu.memory_space<vmem>>, vector<16xf32>,
        %gather3A_846 = tpu.vector_load_idx %arg9[%get3A_813] : memref<32xf32, #tpu.memory_space<vmem>>[vector<16xi32>], vector<16xf32>,
        %swap3A_847 = arith.constant 0 : i32
        %swap3A_848 = arith.constant 4 : i32
        %swap3A_849 = arith.index_cast %swap3A_847 : i32 to index
        %swap3A_850 = arith.index_cast %select_n3A_790 : i32 to index
        %swap3A_851 = arith.index_cast %swap3A_848 : i32 to index
        %swap3A_852 = arith.index_cast %mul3A_808 : i32 to index
        %swap3A_853 = tpu.vector_load %arg22[%swap3A_849, %swap3A_850, %swap3A_851, %swap3A_852] {strides = array<i32>} : memref<2x4x8x128xf32, #tpu.memory_space<vmem>>, vector<16xf32>,
        tpu.vector_store %arg22[%swap3A_849, %swap3A_850, %swap3A_851, %swap3A_852], %gather3A_846 {strides = array<i32>} : memref<2x4x8x128xf32, #tpu.memory_space<vmem>>, vector<16xf32>,
        %gather3A_854 = tpu.vector_load_idx %arg10[%get3A_813] : memref<32xf32, #tpu.memory_space<vmem>>[vector<16xi32>], vector<16xf32>,
        %swap3A_855 = arith.constant 0 : i32
        %swap3A_856 = arith.constant 5 : i32
        %swap3A_857 = arith.index_cast %swap3A_855 : i32 to index
        %swap3A_858 = arith.index_cast %select_n3A_790 : i32 to index
        %swap3A_859 = arith.index_cast %swap3A_856 : i32 to index
        %swap3A_860 = arith.index_cast %mul3A_808 : i32 to index
        %swap3A_861 = tpu.vector_load %arg22[%swap3A_857, %swap3A_858, %swap3A_859, %swap3A_860] {strides = array<i32>} : memref<2x4x8x128xf32, #tpu.memory_space<vmem>>, vector<16xf32>,
        tpu.vector_store %arg22[%swap3A_857, %swap3A_858, %swap3A_859, %swap3A_860], %gather3A_854 {strides = array<i32>} : memref<2x4x8x128xf32, #tpu.memory_space<vmem>>, vector<16xf32>,
        %gather3A_862 = tpu.vector_load_idx %arg11[%get3A_813] : memref<32xf32, #tpu.memory_space<vmem>>[vector<16xi32>], vector<16xf32>,
        %swap3A_863 = arith.constant 0 : i32
        %swap3A_864 = arith.constant 6 : i32
        %swap3A_865 = arith.index_cast %swap3A_863 : i32 to index
        %swap3A_866 = arith.index_cast %select_n3A_790 : i32 to index
        %swap3A_867 = arith.index_cast %swap3A_864 : i32 to index
        %swap3A_868 = arith.index_cast %mul3A_808 : i32 to index
        %swap3A_869 = tpu.vector_load %arg22[%swap3A_865, %swap3A_866, %swap3A_867, %swap3A_868] {strides = array<i32>} : memref<2x4x8x128xf32, #tpu.memory_space<vmem>>, vector<16xf32>,
        tpu.vector_store %arg22[%swap3A_865, %swap3A_866, %swap3A_867, %swap3A_868], %gather3A_862 {strides = array<i32>} : memref<2x4x8x128xf32, #tpu.memory_space<vmem>>, vector<16xf32>,
        %gather3A_870 = tpu.vector_load_idx %arg12[%get3A_813] : memref<32xf32, #tpu.memory_space<vmem>>[vector<16xi32>], vector<16xf32>,
        %swap3A_871 = arith.constant 0 : i32
        %swap3A_872 = arith.constant 7 : i32
        %swap3A_873 = arith.index_cast %swap3A_871 : i32 to index
        %swap3A_874 = arith.index_cast %select_n3A_790 : i32 to index
        %swap3A_875 = arith.index_cast %swap3A_872 : i32 to index
        %swap3A_876 = arith.index_cast %mul3A_808 : i32 to index
        %swap3A_877 = tpu.vector_load %arg22[%swap3A_873, %swap3A_874, %swap3A_875, %swap3A_876] {strides = array<i32>} : memref<2x4x8x128xf32, #tpu.memory_space<vmem>>, vector<16xf32>,
        tpu.vector_store %arg22[%swap3A_873, %swap3A_874, %swap3A_875, %swap3A_876], %gather3A_870 {strides = array<i32>} : memref<2x4x8x128xf32, #tpu.memory_space<vmem>>, vector<16xf32>,
        %gather3A_878 = tpu.vector_load_idx %arg13[%get3A_813] : memref<32xf32, #tpu.memory_space<vmem>>[vector<16xi32>], vector<16xf32>,
        %swap3A_879 = arith.constant 1 : i32
        %swap3A_880 = arith.constant 0 : i32
        %swap3A_881 = arith.index_cast %swap3A_879 : i32 to index
        %swap3A_882 = arith.index_cast %select_n3A_790 : i32 to index
        %swap3A_883 = arith.index_cast %swap3A_880 : i32 to index
        %swap3A_884 = arith.index_cast %mul3A_808 : i32 to index
        %swap3A_885 = tpu.vector_load %arg22[%swap3A_881, %swap3A_882, %swap3A_883, %swap3A_884] {strides = array<i32>} : memref<2x4x8x128xf32, #tpu.memory_space<vmem>>, vector<16xf32>,
        tpu.vector_store %arg22[%swap3A_881, %swap3A_882, %swap3A_883, %swap3A_884], %gather3A_878 {strides = array<i32>} : memref<2x4x8x128xf32, #tpu.memory_space<vmem>>, vector<16xf32>,
        %gather3A_886 = tpu.vector_load_idx %arg14[%get3A_813] : memref<32xf32, #tpu.memory_space<vmem>>[vector<16xi32>], vector<16xf32>,
        %swap3A_887 = arith.constant 1 : i32
        %swap3A_888 = arith.constant 1 : i32
        %swap3A_889 = arith.index_cast %swap3A_887 : i32 to index
        %swap3A_890 = arith.index_cast %select_n3A_790 : i32 to index
        %swap3A_891 = arith.index_cast %swap3A_888 : i32 to index
        %swap3A_892 = arith.index_cast %mul3A_808 : i32 to index
        %swap3A_893 = tpu.vector_load %arg22[%swap3A_889, %swap3A_890, %swap3A_891, %swap3A_892] {strides = array<i32>} : memref<2x4x8x128xf32, #tpu.memory_space<vmem>>, vector<16xf32>,
        tpu.vector_store %arg22[%swap3A_889, %swap3A_890, %swap3A_891, %swap3A_892], %gather3A_886 {strides = array<i32>} : memref<2x4x8x128xf32, #tpu.memory_space<vmem>>, vector<16xf32>,
        %gather3A_894 = tpu.vector_load_idx %arg15[%get3A_813] : memref<32xf32, #tpu.memory_space<vmem>>[vector<16xi32>], vector<16xf32>,
        %swap3A_895 = arith.constant 1 : i32
        %swap3A_896 = arith.constant 2 : i32
        %swap3A_897 = arith.index_cast %swap3A_895 : i32 to index
        %swap3A_898 = arith.index_cast %select_n3A_790 : i32 to index
        %swap3A_899 = arith.index_cast %swap3A_896 : i32 to index
        %swap3A_900 = arith.index_cast %mul3A_808 : i32 to index
        %swap3A_901 = tpu.vector_load %arg22[%swap3A_897, %swap3A_898, %swap3A_899, %swap3A_900] {strides = array<i32>} : memref<2x4x8x128xf32, #tpu.memory_space<vmem>>, vector<16xf32>,
        tpu.vector_store %arg22[%swap3A_897, %swap3A_898, %swap3A_899, %swap3A_900], %gather3A_894 {strides = array<i32>} : memref<2x4x8x128xf32, #tpu.memory_space<vmem>>, vector<16xf32>,
        %gather3A_902 = tpu.vector_load_idx %arg16[%get3A_813] : memref<32xf32, #tpu.memory_space<vmem>>[vector<16xi32>], vector<16xf32>,
        %swap3A_903 = arith.constant 1 : i32
        %swap3A_904 = arith.constant 3 : i32
        %swap3A_905 = arith.index_cast %swap3A_903 : i32 to index
        %swap3A_906 = arith.index_cast %select_n3A_790 : i32 to index
        %swap3A_907 = arith.index_cast %swap3A_904 : i32 to index
        %swap3A_908 = arith.index_cast %mul3A_808 : i32 to index
        %swap3A_909 = tpu.vector_load %arg22[%swap3A_905, %swap3A_906, %swap3A_907, %swap3A_908] {strides = array<i32>} : memref<2x4x8x128xf32, #tpu.memory_space<vmem>>, vector<16xf32>,
        tpu.vector_store %arg22[%swap3A_905, %swap3A_906, %swap3A_907, %swap3A_908], %gather3A_902 {strides = array<i32>} : memref<2x4x8x128xf32, #tpu.memory_space<vmem>>, vector<16xf32>,
        %gather3A_910 = tpu.vector_load_idx %arg17[%get3A_813] : memref<32xf32, #tpu.memory_space<vmem>>[vector<16xi32>], vector<16xf32>,
        %swap3A_911 = arith.constant 1 : i32
        %swap3A_912 = arith.constant 4 : i32
        %swap3A_913 = arith.index_cast %swap3A_911 : i32 to index
        %swap3A_914 = arith.index_cast %select_n3A_790 : i32 to index
        %swap3A_915 = arith.index_cast %swap3A_912 : i32 to index
        %swap3A_916 = arith.index_cast %mul3A_808 : i32 to index
        %swap3A_917 = tpu.vector_load %arg22[%swap3A_913, %swap3A_914, %swap3A_915, %swap3A_916] {strides = array<i32>} : memref<2x4x8x128xf32, #tpu.memory_space<vmem>>, vector<16xf32>,
        tpu.vector_store %arg22[%swap3A_913, %swap3A_914, %swap3A_915, %swap3A_916], %gather3A_910 {strides = array<i32>} : memref<2x4x8x128xf32, #tpu.memory_space<vmem>>, vector<16xf32>,
        %gather3A_918 = tpu.vector_load_idx %arg18[%get3A_813] : memref<32xf32, #tpu.memory_space<vmem>>[vector<16xi32>], vector<16xf32>,
        %swap3A_919 = arith.constant 1 : i32
        %swap3A_920 = arith.constant 5 : i32
        %swap3A_921 = arith.index_cast %swap3A_919 : i32 to index
        %swap3A_922 = arith.index_cast %select_n3A_790 : i32 to index
        %swap3A_923 = arith.index_cast %swap3A_920 : i32 to index
        %swap3A_924 = arith.index_cast %mul3A_808 : i32 to index
        %swap3A_925 = tpu.vector_load %arg22[%swap3A_921, %swap3A_922, %swap3A_923, %swap3A_924] {strides = array<i32>} : memref<2x4x8x128xf32, #tpu.memory_space<vmem>>, vector<16xf32>,
        tpu.vector_store %arg22[%swap3A_921, %swap3A_922, %swap3A_923, %swap3A_924], %gather3A_918 {strides = array<i32>} : memref<2x4x8x128xf32, #tpu.memory_space<vmem>>, vector<16xf32>,
        %gather3A_926 = tpu.vector_load_idx %arg19[%get3A_813] : memref<32xf32, #tpu.memory_space<vmem>>[vector<16xi32>], vector<16xf32>,
        %swap3A_927 = arith.constant 1 : i32
        %swap3A_928 = arith.constant 6 : i32
        %swap3A_929 = arith.index_cast %swap3A_927 : i32 to index
        %swap3A_930 = arith.index_cast %select_n3A_790 : i32 to index
        %swap3A_931 = arith.index_cast %swap3A_928 : i32 to index
        %swap3A_932 = arith.index_cast %mul3A_808 : i32 to index
        %swap3A_933 = tpu.vector_load %arg22[%swap3A_929, %swap3A_930, %swap3A_931, %swap3A_932] {strides = array<i32>} : memref<2x4x8x128xf32, #tpu.memory_space<vmem>>, vector<16xf32>,
        tpu.vector_store %arg22[%swap3A_929, %swap3A_930, %swap3A_931, %swap3A_932], %gather3A_926 {strides = array<i32>} : memref<2x4x8x128xf32, #tpu.memory_space<vmem>>, vector<16xf32>,
        %gather3A_934 = tpu.vector_load_idx %arg20[%get3A_813] : memref<32xf32, #tpu.memory_space<vmem>>[vector<16xi32>], vector<16xf32>,
        %swap3A_935 = arith.constant 1 : i32
        %swap3A_936 = arith.constant 7 : i32
        %swap3A_937 = arith.index_cast %swap3A_935 : i32 to index
        %swap3A_938 = arith.index_cast %select_n3A_790 : i32 to index
        %swap3A_939 = arith.index_cast %swap3A_936 : i32 to index
        %swap3A_940 = arith.index_cast %mul3A_808 : i32 to index
        %swap3A_941 = tpu.vector_load %arg22[%swap3A_937, %swap3A_938, %swap3A_939, %swap3A_940] {strides = array<i32>} : memref<2x4x8x128xf32, #tpu.memory_space<vmem>>, vector<16xf32>,
        tpu.vector_store %arg22[%swap3A_937, %swap3A_938, %swap3A_939, %swap3A_940], %gather3A_934 {strides = array<i32>} : memref<2x4x8x128xf32, #tpu.memory_space<vmem>>, vector<16xf32>,
        %scan3A_942 = arith.constant 3 : i32
        %scan3A_943 = arith.addi %scan3A_412, %scan3A_942 : i32
        %mul3A_944 = arith.constant 1 : i32
        %mul3A_945 = arith.muli %scan3A_943, %mul3A_944 : i32
        %add3A_946 = arith.constant 0 : i32
        %add3A_947 = arith.addi %add3A_946, %mul3A_945 : i32
        %jit3A_948 = arith.constant 8 : i32
        %div3A_949 = arith.divsi %add3A_947, %jit3A_948 : i32
        %sign3A_950 = arith.constant 0 : i32
        %sign3A_951 = arith.cmpi sgt, %add3A_947, %sign3A_950 : i32
        %sign3A_952 = arith.extui %sign3A_951 : i1 to i32
        %sign3A_953 = arith.constant 0 : i32
        %sign3A_954 = arith.cmpi slt, %add3A_947, %sign3A_953 : i32
        %sign3A_955 = arith.extui %sign3A_954 : i1 to i32
        %sign3A_956 = arith.subi %sign3A_952, %sign3A_955 : i32
        %sign3A_957 = arith.constant 0 : i32
        %sign3A_958 = arith.cmpi sgt, %jit3A_948, %sign3A_957 : i32
        %sign3A_959 = arith.extui %sign3A_958 : i1 to i32
        %sign3A_960 = arith.constant 0 : i32
        %sign3A_961 = arith.cmpi slt, %jit3A_948, %sign3A_960 : i32
        %sign3A_962 = arith.extui %sign3A_961 : i1 to i32
        %sign3A_963 = arith.subi %sign3A_959, %sign3A_962 : i32
        %ne3A_964 = arith.cmpi ne, %sign3A_956, %sign3A_963 : i32
        %rem3A_965 = arith.remsi %add3A_947, %jit3A_948 : i32
        %ne3A_966 = arith.constant 0 : i32
        %ne3A_967 = arith.cmpi ne, %rem3A_965, %ne3A_966 : i32
        %and3A_968 = arith.andi %ne3A_964, %ne3A_967 : i1
        %sub3A_969 = arith.constant 1 : i32
        %sub3A_970 = arith.subi %div3A_949, %sub3A_969 : i32
        %select_n3A_971 = arith.select %and3A_968, %sub3A_970, %div3A_949 : i32
        %jit3A_972 = arith.constant 8 : i32
        %eq3A_973 = arith.constant 0 : i32
        %eq3A_974 = arith.cmpi eq, %jit3A_972, %eq3A_973 : i32
        %jit3A_975 = arith.constant 1 : i32
        %select_n3A_976 = arith.select %eq3A_974, %jit3A_975, %jit3A_972 : i32
        %rem3A_977 = arith.remsi %add3A_947, %select_n3A_976 : i32
        %ne3A_978 = arith.constant 0 : i32
        %ne3A_979 = arith.cmpi ne, %rem3A_977, %ne3A_978 : i32
        %lt3A_980 = arith.constant 0 : i32
        %lt3A_981 = arith.cmpi slt, %rem3A_977, %lt3A_980 : i32
        %lt3A_982 = arith.constant 0 : i32
        %lt3A_983 = arith.cmpi slt, %select_n3A_976, %lt3A_982 : i32
        %ne3A_984 = arith.xori %lt3A_981, %lt3A_983 : i1
        %and3A_985 = arith.andi %ne3A_984, %ne3A_979 : i1
        %add3A_986 = arith.addi %rem3A_977, %select_n3A_976 : i32
        %select_n3A_987 = arith.select %and3A_985, %add3A_986, %rem3A_977 : i32
        %mul3A_988 = arith.constant 16 : i32
        %mul3A_989 = arith.muli %select_n3A_987, %mul3A_988 : i32
        %mul3A_990 = arith.constant 16 : i32
        %mul3A_991 = arith.muli %add3A_947, %mul3A_990 : i32
        %get3A_992 = arith.index_cast %add3A_218 : i32 to index
        %get3A_993 = arith.index_cast %mul3A_991 : i32 to index
        %get3A_994 = tpu.vector_load %arg21[%get3A_992, %get3A_993] {strides = array<i32>} : memref<50x512xi32, #tpu.memory_space<vmem>>, vector<16xi32>,
        %gather3A_995 = tpu.vector_load_idx %arg5[%get3A_994] : memref<32xf32, #tpu.memory_space<vmem>>[vector<16xi32>], vector<16xf32>,
        %swap3A_996 = arith.constant 0 : i32
        %swap3A_997 = arith.constant 0 : i32
        %swap3A_998 = arith.index_cast %swap3A_996 : i32 to index
        %swap3A_999 = arith.index_cast %select_n3A_971 : i32 to index
        %swap3A_1000 = arith.index_cast %swap3A_997 : i32 to index
        %swap3A_1001 = arith.index_cast %mul3A_989 : i32 to index
        %swap3A_1002 = tpu.vector_load %arg22[%swap3A_998, %swap3A_999, %swap3A_1000, %swap3A_1001] {strides = array<i32>} : memref<2x4x8x128xf32, #tpu.memory_space<vmem>>, vector<16xf32>,
        tpu.vector_store %arg22[%swap3A_998, %swap3A_999, %swap3A_1000, %swap3A_1001], %gather3A_995 {strides = array<i32>} : memref<2x4x8x128xf32, #tpu.memory_space<vmem>>, vector<16xf32>,
        %gather3A_1003 = tpu.vector_load_idx %arg6[%get3A_994] : memref<32xf32, #tpu.memory_space<vmem>>[vector<16xi32>], vector<16xf32>,
        %swap3A_1004 = arith.constant 0 : i32
        %swap3A_1005 = arith.constant 1 : i32
        %swap3A_1006 = arith.index_cast %swap3A_1004 : i32 to index
        %swap3A_1007 = arith.index_cast %select_n3A_971 : i32 to index
        %swap3A_1008 = arith.index_cast %swap3A_1005 : i32 to index
        %swap3A_1009 = arith.index_cast %mul3A_989 : i32 to index
        %swap3A_1010 = tpu.vector_load %arg22[%swap3A_1006, %swap3A_1007, %swap3A_1008, %swap3A_1009] {strides = array<i32>} : memref<2x4x8x128xf32, #tpu.memory_space<vmem>>, vector<16xf32>,
        tpu.vector_store %arg22[%swap3A_1006, %swap3A_1007, %swap3A_1008, %swap3A_1009], %gather3A_1003 {strides = array<i32>} : memref<2x4x8x128xf32, #tpu.memory_space<vmem>>, vector<16xf32>,
        %gather3A_1011 = tpu.vector_load_idx %arg7[%get3A_994] : memref<32xf32, #tpu.memory_space<vmem>>[vector<16xi32>], vector<16xf32>,
        %swap3A_1012 = arith.constant 0 : i32
        %swap3A_1013 = arith.constant 2 : i32
        %swap3A_1014 = arith.index_cast %swap3A_1012 : i32 to index
        %swap3A_1015 = arith.index_cast %select_n3A_971 : i32 to index
        %swap3A_1016 = arith.index_cast %swap3A_1013 : i32 to index
        %swap3A_1017 = arith.index_cast %mul3A_989 : i32 to index
        %swap3A_1018 = tpu.vector_load %arg22[%swap3A_1014, %swap3A_1015, %swap3A_1016, %swap3A_1017] {strides = array<i32>} : memref<2x4x8x128xf32, #tpu.memory_space<vmem>>, vector<16xf32>,
        tpu.vector_store %arg22[%swap3A_1014, %swap3A_1015, %swap3A_1016, %swap3A_1017], %gather3A_1011 {strides = array<i32>} : memref<2x4x8x128xf32, #tpu.memory_space<vmem>>, vector<16xf32>,
        %gather3A_1019 = tpu.vector_load_idx %arg8[%get3A_994] : memref<32xf32, #tpu.memory_space<vmem>>[vector<16xi32>], vector<16xf32>,
        %swap3A_1020 = arith.constant 0 : i32
        %swap3A_1021 = arith.constant 3 : i32
        %swap3A_1022 = arith.index_cast %swap3A_1020 : i32 to index
        %swap3A_1023 = arith.index_cast %select_n3A_971 : i32 to index
        %swap3A_1024 = arith.index_cast %swap3A_1021 : i32 to index
        %swap3A_1025 = arith.index_cast %mul3A_989 : i32 to index
        %swap3A_1026 = tpu.vector_load %arg22[%swap3A_1022, %swap3A_1023, %swap3A_1024, %swap3A_1025] {strides = array<i32>} : memref<2x4x8x128xf32, #tpu.memory_space<vmem>>, vector<16xf32>,
        tpu.vector_store %arg22[%swap3A_1022, %swap3A_1023, %swap3A_1024, %swap3A_1025], %gather3A_1019 {strides = array<i32>} : memref<2x4x8x128xf32, #tpu.memory_space<vmem>>, vector<16xf32>,
        %gather3A_1027 = tpu.vector_load_idx %arg9[%get3A_994] : memref<32xf32, #tpu.memory_space<vmem>>[vector<16xi32>], vector<16xf32>,
        %swap3A_1028 = arith.constant 0 : i32
        %swap3A_1029 = arith.constant 4 : i32
        %swap3A_1030 = arith.index_cast %swap3A_1028 : i32 to index
        %swap3A_1031 = arith.index_cast %select_n3A_971 : i32 to index
        %swap3A_1032 = arith.index_cast %swap3A_1029 : i32 to index
        %swap3A_1033 = arith.index_cast %mul3A_989 : i32 to index
        %swap3A_1034 = tpu.vector_load %arg22[%swap3A_1030, %swap3A_1031, %swap3A_1032, %swap3A_1033] {strides = array<i32>} : memref<2x4x8x128xf32, #tpu.memory_space<vmem>>, vector<16xf32>,
        tpu.vector_store %arg22[%swap3A_1030, %swap3A_1031, %swap3A_1032, %swap3A_1033], %gather3A_1027 {strides = array<i32>} : memref<2x4x8x128xf32, #tpu.memory_space<vmem>>, vector<16xf32>,
        %gather3A_1035 = tpu.vector_load_idx %arg10[%get3A_994] : memref<32xf32, #tpu.memory_space<vmem>>[vector<16xi32>], vector<16xf32>,
        %swap3A_1036 = arith.constant 0 : i32
        %swap3A_1037 = arith.constant 5 : i32
        %swap3A_1038 = arith.index_cast %swap3A_1036 : i32 to index
        %swap3A_1039 = arith.index_cast %select_n3A_971 : i32 to index
        %swap3A_1040 = arith.index_cast %swap3A_1037 : i32 to index
        %swap3A_1041 = arith.index_cast %mul3A_989 : i32 to index
        %swap3A_1042 = tpu.vector_load %arg22[%swap3A_1038, %swap3A_1039, %swap3A_1040, %swap3A_1041] {strides = array<i32>} : memref<2x4x8x128xf32, #tpu.memory_space<vmem>>, vector<16xf32>,
        tpu.vector_store %arg22[%swap3A_1038, %swap3A_1039, %swap3A_1040, %swap3A_1041], %gather3A_1035 {strides = array<i32>} : memref<2x4x8x128xf32, #tpu.memory_space<vmem>>, vector<16xf32>,
        %gather3A_1043 = tpu.vector_load_idx %arg11[%get3A_994] : memref<32xf32, #tpu.memory_space<vmem>>[vector<16xi32>], vector<16xf32>,
        %swap3A_1044 = arith.constant 0 : i32
        %swap3A_1045 = arith.constant 6 : i32
        %swap3A_1046 = arith.index_cast %swap3A_1044 : i32 to index
        %swap3A_1047 = arith.index_cast %select_n3A_971 : i32 to index
        %swap3A_1048 = arith.index_cast %swap3A_1045 : i32 to index
        %swap3A_1049 = arith.index_cast %mul3A_989 : i32 to index
        %swap3A_1050 = tpu.vector_load %arg22[%swap3A_1046, %swap3A_1047, %swap3A_1048, %swap3A_1049] {strides = array<i32>} : memref<2x4x8x128xf32, #tpu.memory_space<vmem>>, vector<16xf32>,
        tpu.vector_store %arg22[%swap3A_1046, %swap3A_1047, %swap3A_1048, %swap3A_1049], %gather3A_1043 {strides = array<i32>} : memref<2x4x8x128xf32, #tpu.memory_space<vmem>>, vector<16xf32>,
        %gather3A_1051 = tpu.vector_load_idx %arg12[%get3A_994] : memref<32xf32, #tpu.memory_space<vmem>>[vector<16xi32>], vector<16xf32>,
        %swap3A_1052 = arith.constant 0 : i32
        %swap3A_1053 = arith.constant 7 : i32
        %swap3A_1054 = arith.index_cast %swap3A_1052 : i32 to index
        %swap3A_1055 = arith.index_cast %select_n3A_971 : i32 to index
        %swap3A_1056 = arith.index_cast %swap3A_1053 : i32 to index
        %swap3A_1057 = arith.index_cast %mul3A_989 : i32 to index
        %swap3A_1058 = tpu.vector_load %arg22[%swap3A_1054, %swap3A_1055, %swap3A_1056, %swap3A_1057] {strides = array<i32>} : memref<2x4x8x128xf32, #tpu.memory_space<vmem>>, vector<16xf32>,
        tpu.vector_store %arg22[%swap3A_1054, %swap3A_1055, %swap3A_1056, %swap3A_1057], %gather3A_1051 {strides = array<i32>} : memref<2x4x8x128xf32, #tpu.memory_space<vmem>>, vector<16xf32>,
        %gather3A_1059 = tpu.vector_load_idx %arg13[%get3A_994] : memref<32xf32, #tpu.memory_space<vmem>>[vector<16xi32>], vector<16xf32>,
        %swap3A_1060 = arith.constant 1 : i32
        %swap3A_1061 = arith.constant 0 : i32
        %swap3A_1062 = arith.index_cast %swap3A_1060 : i32 to index
        %swap3A_1063 = arith.index_cast %select_n3A_971 : i32 to index
        %swap3A_1064 = arith.index_cast %swap3A_1061 : i32 to index
        %swap3A_1065 = arith.index_cast %mul3A_989 : i32 to index
        %swap3A_1066 = tpu.vector_load %arg22[%swap3A_1062, %swap3A_1063, %swap3A_1064, %swap3A_1065] {strides = array<i32>} : memref<2x4x8x128xf32, #tpu.memory_space<vmem>>, vector<16xf32>,
        tpu.vector_store %arg22[%swap3A_1062, %swap3A_1063, %swap3A_1064, %swap3A_1065], %gather3A_1059 {strides = array<i32>} : memref<2x4x8x128xf32, #tpu.memory_space<vmem>>, vector<16xf32>,
        %gather3A_1067 = tpu.vector_load_idx %arg14[%get3A_994] : memref<32xf32, #tpu.memory_space<vmem>>[vector<16xi32>], vector<16xf32>,
        %swap3A_1068 = arith.constant 1 : i32
        %swap3A_1069 = arith.constant 1 : i32
        %swap3A_1070 = arith.index_cast %swap3A_1068 : i32 to index
        %swap3A_1071 = arith.index_cast %select_n3A_971 : i32 to index
        %swap3A_1072 = arith.index_cast %swap3A_1069 : i32 to index
        %swap3A_1073 = arith.index_cast %mul3A_989 : i32 to index
        %swap3A_1074 = tpu.vector_load %arg22[%swap3A_1070, %swap3A_1071, %swap3A_1072, %swap3A_1073] {strides = array<i32>} : memref<2x4x8x128xf32, #tpu.memory_space<vmem>>, vector<16xf32>,
        tpu.vector_store %arg22[%swap3A_1070, %swap3A_1071, %swap3A_1072, %swap3A_1073], %gather3A_1067 {strides = array<i32>} : memref<2x4x8x128xf32, #tpu.memory_space<vmem>>, vector<16xf32>,
        %gather3A_1075 = tpu.vector_load_idx %arg15[%get3A_994] : memref<32xf32, #tpu.memory_space<vmem>>[vector<16xi32>], vector<16xf32>,
        %swap3A_1076 = arith.constant 1 : i32
        %swap3A_1077 = arith.constant 2 : i32
        %swap3A_1078 = arith.index_cast %swap3A_1076 : i32 to index
        %swap3A_1079 = arith.index_cast %select_n3A_971 : i32 to index
        %swap3A_1080 = arith.index_cast %swap3A_1077 : i32 to index
        %swap3A_1081 = arith.index_cast %mul3A_989 : i32 to index
        %swap3A_1082 = tpu.vector_load %arg22[%swap3A_1078, %swap3A_1079, %swap3A_1080, %swap3A_1081] {strides = array<i32>} : memref<2x4x8x128xf32, #tpu.memory_space<vmem>>, vector<16xf32>,
        tpu.vector_store %arg22[%swap3A_1078, %swap3A_1079, %swap3A_1080, %swap3A_1081], %gather3A_1075 {strides = array<i32>} : memref<2x4x8x128xf32, #tpu.memory_space<vmem>>, vector<16xf32>,
        %gather3A_1083 = tpu.vector_load_idx %arg16[%get3A_994] : memref<32xf32, #tpu.memory_space<vmem>>[vector<16xi32>], vector<16xf32>,
        %swap3A_1084 = arith.constant 1 : i32
        %swap3A_1085 = arith.constant 3 : i32
        %swap3A_1086 = arith.index_cast %swap3A_1084 : i32 to index
        %swap3A_1087 = arith.index_cast %select_n3A_971 : i32 to index
        %swap3A_1088 = arith.index_cast %swap3A_1085 : i32 to index
        %swap3A_1089 = arith.index_cast %mul3A_989 : i32 to index
        %swap3A_1090 = tpu.vector_load %arg22[%swap3A_1086, %swap3A_1087, %swap3A_1088, %swap3A_1089] {strides = array<i32>} : memref<2x4x8x128xf32, #tpu.memory_space<vmem>>, vector<16xf32>,
        tpu.vector_store %arg22[%swap3A_1086, %swap3A_1087, %swap3A_1088, %swap3A_1089], %gather3A_1083 {strides = array<i32>} : memref<2x4x8x128xf32, #tpu.memory_space<vmem>>, vector<16xf32>,
        %gather3A_1091 = tpu.vector_load_idx %arg17[%get3A_994] : memref<32xf32, #tpu.memory_space<vmem>>[vector<16xi32>], vector<16xf32>,
        %swap3A_1092 = arith.constant 1 : i32
        %swap3A_1093 = arith.constant 4 : i32
        %swap3A_1094 = arith.index_cast %swap3A_1092 : i32 to index
        %swap3A_1095 = arith.index_cast %select_n3A_971 : i32 to index
        %swap3A_1096 = arith.index_cast %swap3A_1093 : i32 to index
        %swap3A_1097 = arith.index_cast %mul3A_989 : i32 to index
        %swap3A_1098 = tpu.vector_load %arg22[%swap3A_1094, %swap3A_1095, %swap3A_1096, %swap3A_1097] {strides = array<i32>} : memref<2x4x8x128xf32, #tpu.memory_space<vmem>>, vector<16xf32>,
        tpu.vector_store %arg22[%swap3A_1094, %swap3A_1095, %swap3A_1096, %swap3A_1097], %gather3A_1091 {strides = array<i32>} : memref<2x4x8x128xf32, #tpu.memory_space<vmem>>, vector<16xf32>,
        %gather3A_1099 = tpu.vector_load_idx %arg18[%get3A_994] : memref<32xf32, #tpu.memory_space<vmem>>[vector<16xi32>], vector<16xf32>,
        %swap3A_1100 = arith.constant 1 : i32
        %swap3A_1101 = arith.constant 5 : i32
        %swap3A_1102 = arith.index_cast %swap3A_1100 : i32 to index
        %swap3A_1103 = arith.index_cast %select_n3A_971 : i32 to index
        %swap3A_1104 = arith.index_cast %swap3A_1101 : i32 to index
        %swap3A_1105 = arith.index_cast %mul3A_989 : i32 to index
        %swap3A_1106 = tpu.vector_load %arg22[%swap3A_1102, %swap3A_1103, %swap3A_1104, %swap3A_1105] {strides = array<i32>} : memref<2x4x8x128xf32, #tpu.memory_space<vmem>>, vector<16xf32>,
        tpu.vector_store %arg22[%swap3A_1102, %swap3A_1103, %swap3A_1104, %swap3A_1105], %gather3A_1099 {strides = array<i32>} : memref<2x4x8x128xf32, #tpu.memory_space<vmem>>, vector<16xf32>,
        %gather3A_1107 = tpu.vector_load_idx %arg19[%get3A_994] : memref<32xf32, #tpu.memory_space<vmem>>[vector<16xi32>], vector<16xf32>,
        %swap3A_1108 = arith.constant 1 : i32
        %swap3A_1109 = arith.constant 6 : i32
        %swap3A_1110 = arith.index_cast %swap3A_1108 : i32 to index
        %swap3A_1111 = arith.index_cast %select_n3A_971 : i32 to index
        %swap3A_1112 = arith.index_cast %swap3A_1109 : i32 to index
        %swap3A_1113 = arith.index_cast %mul3A_989 : i32 to index
        %swap3A_1114 = tpu.vector_load %arg22[%swap3A_1110, %swap3A_1111, %swap3A_1112, %swap3A_1113] {strides = array<i32>} : memref<2x4x8x128xf32, #tpu.memory_space<vmem>>, vector<16xf32>,
        tpu.vector_store %arg22[%swap3A_1110, %swap3A_1111, %swap3A_1112, %swap3A_1113], %gather3A_1107 {strides = array<i32>} : memref<2x4x8x128xf32, #tpu.memory_space<vmem>>, vector<16xf32>,
        %gather3A_1115 = tpu.vector_load_idx %arg20[%get3A_994] : memref<32xf32, #tpu.memory_space<vmem>>[vector<16xi32>], vector<16xf32>,
        %swap3A_1116 = arith.constant 1 : i32
        %swap3A_1117 = arith.constant 7 : i32
        %swap3A_1118 = arith.index_cast %swap3A_1116 : i32 to index
        %swap3A_1119 = arith.index_cast %select_n3A_971 : i32 to index
        %swap3A_1120 = arith.index_cast %swap3A_1117 : i32 to index
        %swap3A_1121 = arith.index_cast %mul3A_989 : i32 to index
        %swap3A_1122 = tpu.vector_load %arg22[%swap3A_1118, %swap3A_1119, %swap3A_1120, %swap3A_1121] {strides = array<i32>} : memref<2x4x8x128xf32, #tpu.memory_space<vmem>>, vector<16xf32>,
        tpu.vector_store %arg22[%swap3A_1118, %swap3A_1119, %swap3A_1120, %swap3A_1121], %gather3A_1115 {strides = array<i32>} : memref<2x4x8x128xf32, #tpu.memory_space<vmem>>, vector<16xf32>,
      }
      %scan3A_268 = arith.constant 32 : i32
      %mul3A_269 = arith.constant 4 : i32
      %mul3A_270 = arith.muli %add3A, %mul3A_269 : i32
      %dma_start3A_271 = arith.constant 0 : i32
      %dma_start3A_272 = arith.constant 0 : i32
      %dma_start3A_273 = arith.constant 0 : i32
      %dma_start3A_274 = arith.constant 0 : i32
      %dma_start3A_275 = arith.constant 0 : i32
      %dma_start3A_276 = tpu.memref_slice %arg22[%dma_start3A_271, %dma_start3A_273, %dma_start3A_274, %dma_start3A_275] : memref<2x4x8x128xf32, #tpu.memory_space<vmem>> -> memref<1x4x8x128xf32, #tpu.memory_space<vmem>>
      %dma_start3A_277 = tpu.memref_squeeze %dma_start3A_276 : memref<1x4x8x128xf32, #tpu.memory_space<vmem>> -> memref<4x8x128xf32, #tpu.memory_space<vmem>>
      %dma_start3A_278 = arith.constant 0 : i32
      %dma_start3A_279 = arith.constant 0 : i32
      %dma_start3A_280 = tpu.memref_slice %arg4[%add3A_218, %dma_start3A_272, %mul3A_270, %dma_start3A_278, %dma_start3A_279] : memref<50x2x128x8x128xf32, #tpu.memory_space<hbm>> -> memref<1x1x4x8x128xf32, #tpu.memory_space<hbm>>
      %dma_start3A_281 = tpu.memref_squeeze %dma_start3A_280 : memref<1x1x4x8x128xf32, #tpu.memory_space<hbm>> -> memref<4x8x128xf32, #tpu.memory_space<hbm>>
      %dma_start3A_282 = arith.constant 0 : i32
      %dma_start3A_283 = arith.constant 0 : i32
      %dma_start3A_284 = tpu.memref_slice %arg4[%add3A_218, %dma_start3A_272, %mul3A_270, %dma_start3A_282, %dma_start3A_283] : memref<50x2x128x8x128xf32, #tpu.memory_space<hbm>> -> memref<1x1x4x8x128xf32, #tpu.memory_space<hbm>>
      %dma_start3A_285 = tpu.memref_squeeze %dma_start3A_284 : memref<1x1x4x8x128xf32, #tpu.memory_space<hbm>> -> memref<4x8x128xf32, #tpu.memory_space<hbm>>
      %dma_start3A_286 = arith.constant 0 : i32
      %dma_start3A_287 = arith.constant 0 : i32
      %dma_start3A_288 = arith.constant 0 : i32
      %dma_start3A_289 = tpu.memref_slice %arg22[%dma_start3A_271, %dma_start3A_286, %dma_start3A_287, %dma_start3A_288] : memref<2x4x8x128xf32, #tpu.memory_space<vmem>> -> memref<1x4x8x128xf32, #tpu.memory_space<vmem>>
      %dma_start3A_290 = tpu.memref_squeeze %dma_start3A_289 : memref<1x4x8x128xf32, #tpu.memory_space<vmem>> -> memref<4x8x128xf32, #tpu.memory_space<vmem>>
      tpu.enqueue_dma source(%dma_start3A_290 : memref<4x8x128xf32, #tpu.memory_space<vmem>>) target(%dma_start3A_285 : memref<4x8x128xf32, #tpu.memory_space<hbm>>) target_semaphore(%arg24 : memref<!tpu.dma_semaphore, #tpu.memory_space<semaphore_mem>>)
      %mul3A_291 = arith.constant 4 : i32
      %mul3A_292 = arith.muli %add3A, %mul3A_291 : i32
      %dma_start3A_293 = arith.constant 1 : i32
      %dma_start3A_294 = arith.constant 1 : i32
      %dma_start3A_295 = arith.constant 0 : i32
      %dma_start3A_296 = arith.constant 0 : i32
      %dma_start3A_297 = arith.constant 0 : i32
      %dma_start3A_298 = tpu.memref_slice %arg22[%dma_start3A_293, %dma_start3A_295, %dma_start3A_296, %dma_start3A_297] : memref<2x4x8x128xf32, #tpu.memory_space<vmem>> -> memref<1x4x8x128xf32, #tpu.memory_space<vmem>>
      %dma_start3A_299 = tpu.memref_squeeze %dma_start3A_298 : memref<1x4x8x128xf32, #tpu.memory_space<vmem>> -> memref<4x8x128xf32, #tpu.memory_space<vmem>>
      %dma_start3A_300 = arith.constant 0 : i32
      %dma_start3A_301 = arith.constant 0 : i32
      %dma_start3A_302 = tpu.memref_slice %arg4[%add3A_218, %dma_start3A_294, %mul3A_292, %dma_start3A_300, %dma_start3A_301] : memref<50x2x128x8x128xf32, #tpu.memory_space<hbm>> -> memref<1x1x4x8x128xf32, #tpu.memory_space<hbm>>
      %dma_start3A_303 = tpu.memref_squeeze %dma_start3A_302 : memref<1x1x4x8x128xf32, #tpu.memory_space<hbm>> -> memref<4x8x128xf32, #tpu.memory_space<hbm>>
      %dma_start3A_304 = arith.constant 0 : i32
      %dma_start3A_305 = arith.constant 0 : i32
      %dma_start3A_306 = tpu.memref_slice %arg4[%add3A_218, %dma_start3A_294, %mul3A_292, %dma_start3A_304, %dma_start3A_305] : memref<50x2x128x8x128xf32, #tpu.memory_space<hbm>> -> memref<1x1x4x8x128xf32, #tpu.memory_space<hbm>>
      %dma_start3A_307 = tpu.memref_squeeze %dma_start3A_306 : memref<1x1x4x8x128xf32, #tpu.memory_space<hbm>> -> memref<4x8x128xf32, #tpu.memory_space<hbm>>
      %dma_start3A_308 = arith.constant 0 : i32
      %dma_start3A_309 = arith.constant 0 : i32
      %dma_start3A_310 = arith.constant 0 : i32
      %dma_start3A_311 = tpu.memref_slice %arg22[%dma_start3A_293, %dma_start3A_308, %dma_start3A_309, %dma_start3A_310] : memref<2x4x8x128xf32, #tpu.memory_space<vmem>> -> memref<1x4x8x128xf32, #tpu.memory_space<vmem>>
      %dma_start3A_312 = tpu.memref_squeeze %dma_start3A_311 : memref<1x4x8x128xf32, #tpu.memory_space<vmem>> -> memref<4x8x128xf32, #tpu.memory_space<vmem>>
      tpu.enqueue_dma source(%dma_start3A_312 : memref<4x8x128xf32, #tpu.memory_space<vmem>>) target(%dma_start3A_307 : memref<4x8x128xf32, #tpu.memory_space<hbm>>) target_semaphore(%arg24 : memref<!tpu.dma_semaphore, #tpu.memory_space<semaphore_mem>>)
      %sub3A_313 = arith.constant 1 : i32
      %sub3A_314 = arith.subi %add3A_218, %sub3A_313 : i32
      %mul3A_315 = arith.constant 4 : i32
      %mul3A_316 = arith.muli %add3A, %mul3A_315 : i32
      %dma_wait3A_317 = arith.constant 0 : i32
      %dma_wait3A_318 = arith.constant 0 : i32
      %dma_wait3A_319 = arith.constant 0 : i32
      %dma_wait3A_320 = arith.constant 0 : i32
      %dma_wait3A_321 = arith.constant 0 : i32
      %dma_wait3A_322 = tpu.memref_slice %arg23[%dma_wait3A_317, %dma_wait3A_319, %dma_wait3A_320, %dma_wait3A_321] : memref<2x4x8x128xf32, #tpu.memory_space<vmem>> -> memref<1x4x8x128xf32, #tpu.memory_space<vmem>>
      %dma_wait3A_323 = tpu.memref_squeeze %dma_wait3A_322 : memref<1x4x8x128xf32, #tpu.memory_space<vmem>> -> memref<4x8x128xf32, #tpu.memory_space<vmem>>
      %dma_wait3A_324 = arith.constant 0 : i32
      %dma_wait3A_325 = arith.constant 0 : i32
      %dma_wait3A_326 = tpu.memref_slice %arg4[%sub3A_314, %dma_wait3A_318, %mul3A_316, %dma_wait3A_324, %dma_wait3A_325] : memref<50x2x128x8x128xf32, #tpu.memory_space<hbm>> -> memref<1x1x4x8x128xf32, #tpu.memory_space<hbm>>
      %dma_wait3A_327 = tpu.memref_squeeze %dma_wait3A_326 : memref<1x1x4x8x128xf32, #tpu.memory_space<hbm>> -> memref<4x8x128xf32, #tpu.memory_space<hbm>>
      %dma_wait3A_328 = arith.constant 0 : i32
      %dma_wait3A_329 = arith.constant 0 : i32
      %dma_wait3A_330 = tpu.memref_slice %arg4[%sub3A_314, %dma_wait3A_318, %mul3A_316, %dma_wait3A_328, %dma_wait3A_329] : memref<50x2x128x8x128xf32, #tpu.memory_space<hbm>> -> memref<1x1x4x8x128xf32, #tpu.memory_space<hbm>>
      %dma_wait3A_331 = tpu.memref_squeeze %dma_wait3A_330 : memref<1x1x4x8x128xf32, #tpu.memory_space<hbm>> -> memref<4x8x128xf32, #tpu.memory_space<hbm>>
      %dma_wait3A_332 = arith.constant 0 : i32
      %dma_wait3A_333 = arith.constant 0 : i32
      %dma_wait3A_334 = arith.constant 0 : i32
      %dma_wait3A_335 = tpu.memref_slice %arg23[%dma_wait3A_317, %dma_wait3A_332, %dma_wait3A_333, %dma_wait3A_334] : memref<2x4x8x128xf32, #tpu.memory_space<vmem>> -> memref<1x4x8x128xf32, #tpu.memory_space<vmem>>
      %dma_wait3A_336 = tpu.memref_squeeze %dma_wait3A_335 : memref<1x4x8x128xf32, #tpu.memory_space<vmem>> -> memref<4x8x128xf32, #tpu.memory_space<vmem>>
      tpu.wait_dma2 semaphore(%arg25 : memref<!tpu.dma_semaphore, #tpu.memory_space<semaphore_mem>>) src(%dma_wait3A_336 : memref<4x8x128xf32, #tpu.memory_space<vmem>>) dst(%dma_wait3A_331 : memref<4x8x128xf32, #tpu.memory_space<hbm>>)
      %mul3A_337 = arith.constant 4 : i32
      %mul3A_338 = arith.muli %add3A, %mul3A_337 : i32
      %dma_wait3A_339 = arith.constant 1 : i32
      %dma_wait3A_340 = arith.constant 1 : i32
      %dma_wait3A_341 = arith.constant 0 : i32
      %dma_wait3A_342 = arith.constant 0 : i32
      %dma_wait3A_343 = arith.constant 0 : i32
      %dma_wait3A_344 = tpu.memref_slice %arg23[%dma_wait3A_339, %dma_wait3A_341, %dma_wait3A_342, %dma_wait3A_343] : memref<2x4x8x128xf32, #tpu.memory_space<vmem>> -> memref<1x4x8x128xf32, #tpu.memory_space<vmem>>
      %dma_wait3A_345 = tpu.memref_squeeze %dma_wait3A_344 : memref<1x4x8x128xf32, #tpu.memory_space<vmem>> -> memref<4x8x128xf32, #tpu.memory_space<vmem>>
      %dma_wait3A_346 = arith.constant 0 : i32
      %dma_wait3A_347 = arith.constant 0 : i32
      %dma_wait3A_348 = tpu.memref_slice %arg4[%sub3A_314, %dma_wait3A_340, %mul3A_338, %dma_wait3A_346, %dma_wait3A_347] : memref<50x2x128x8x128xf32, #tpu.memory_space<hbm>> -> memref<1x1x4x8x128xf32, #tpu.memory_space<hbm>>
      %dma_wait3A_349 = tpu.memref_squeeze %dma_wait3A_348 : memref<1x1x4x8x128xf32, #tpu.memory_space<hbm>> -> memref<4x8x128xf32, #tpu.memory_space<hbm>>
      %dma_wait3A_350 = arith.constant 0 : i32
      %dma_wait3A_351 = arith.constant 0 : i32
      %dma_wait3A_352 = tpu.memref_slice %arg4[%sub3A_314, %dma_wait3A_340, %mul3A_338, %dma_wait3A_350, %dma_wait3A_351] : memref<50x2x128x8x128xf32, #tpu.memory_space<hbm>> -> memref<1x1x4x8x128xf32, #tpu.memory_space<hbm>>
      %dma_wait3A_353 = tpu.memref_squeeze %dma_wait3A_352 : memref<1x1x4x8x128xf32, #tpu.memory_space<hbm>> -> memref<4x8x128xf32, #tpu.memory_space<hbm>>
      %dma_wait3A_354 = arith.constant 0 : i32
      %dma_wait3A_355 = arith.constant 0 : i32
      %dma_wait3A_356 = arith.constant 0 : i32
      %dma_wait3A_357 = tpu.memref_slice %arg23[%dma_wait3A_339, %dma_wait3A_354, %dma_wait3A_355, %dma_wait3A_356] : memref<2x4x8x128xf32, #tpu.memory_space<vmem>> -> memref<1x4x8x128xf32, #tpu.memory_space<vmem>>
      %dma_wait3A_358 = tpu.memref_squeeze %dma_wait3A_357 : memref<1x4x8x128xf32, #tpu.memory_space<vmem>> -> memref<4x8x128xf32, #tpu.memory_space<vmem>>
      tpu.wait_dma2 semaphore(%arg25 : memref<!tpu.dma_semaphore, #tpu.memory_space<semaphore_mem>>) src(%dma_wait3A_358 : memref<4x8x128xf32, #tpu.memory_space<vmem>>) dst(%dma_wait3A_353 : memref<4x8x128xf32, #tpu.memory_space<hbm>>)
      %add3A_359 = arith.constant 1 : i32
      %add3A_360 = arith.addi %add3A_218, %add3A_359 : i32
      %scan3A_361 = arith.constant 0 : i32
      %scan3A_362 = arith.constant 32 : i32
      %scan3A_363 = arith.addi %scan3A_361, %scan3A_362 : i32
      %scan3A_364 = arith.constant 4 : i32
      scf.for %scan3A_412 = %scan3A_361 to %scan3A_363 step %scan3A_364  : i32 {
        %mul3A_413 = arith.constant 1 : i32
        %mul3A_414 = arith.muli %scan3A_412, %mul3A_413 : i32
        %add3A_415 = arith.constant 0 : i32
        %add3A_416 = arith.addi %add3A_415, %mul3A_414 : i32
        %jit3A = arith.constant 8 : i32
        %div3A = arith.divsi %add3A_416, %jit3A : i32
        %sign3A = arith.constant 0 : i32
        %sign3A_417 = arith.cmpi sgt, %add3A_416, %sign3A : i32
        %sign3A_418 = arith.extui %sign3A_417 : i1 to i32
        %sign3A_419 = arith.constant 0 : i32
        %sign3A_420 = arith.cmpi slt, %add3A_416, %sign3A_419 : i32
        %sign3A_421 = arith.extui %sign3A_420 : i1 to i32
        %sign3A_422 = arith.subi %sign3A_418, %sign3A_421 : i32
        %sign3A_423 = arith.constant 0 : i32
        %sign3A_424 = arith.cmpi sgt, %jit3A, %sign3A_423 : i32
        %sign3A_425 = arith.extui %sign3A_424 : i1 to i32
        %sign3A_426 = arith.constant 0 : i32
        %sign3A_427 = arith.cmpi slt, %jit3A, %sign3A_426 : i32
        %sign3A_428 = arith.extui %sign3A_427 : i1 to i32
        %sign3A_429 = arith.subi %sign3A_425, %sign3A_428 : i32
        %ne3A = arith.cmpi ne, %sign3A_422, %sign3A_429 : i32
        %rem3A = arith.remsi %add3A_416, %jit3A : i32
        %ne3A_430 = arith.constant 0 : i32
        %ne3A_431 = arith.cmpi ne, %rem3A, %ne3A_430 : i32
        %and3A = arith.andi %ne3A, %ne3A_431 : i1
        %sub3A_432 = arith.constant 1 : i32
        %sub3A_433 = arith.subi %div3A, %sub3A_432 : i32
        %select_n3A = arith.select %and3A, %sub3A_433, %div3A : i32
        %jit3A_434 = arith.constant 8 : i32
        %eq3A = arith.constant 0 : i32
        %eq3A_435 = arith.cmpi eq, %jit3A_434, %eq3A : i32
        %jit3A_436 = arith.constant 1 : i32
        %select_n3A_437 = arith.select %eq3A_435, %jit3A_436, %jit3A_434 : i32
        %rem3A_438 = arith.remsi %add3A_416, %select_n3A_437 : i32
        %ne3A_439 = arith.constant 0 : i32
        %ne3A_440 = arith.cmpi ne, %rem3A_438, %ne3A_439 : i32
        %lt3A = arith.constant 0 : i32
        %lt3A_441 = arith.cmpi slt, %rem3A_438, %lt3A : i32
        %lt3A_442 = arith.constant 0 : i32
        %lt3A_443 = arith.cmpi slt, %select_n3A_437, %lt3A_442 : i32
        %ne3A_444 = arith.xori %lt3A_441, %lt3A_443 : i1
        %and3A_445 = arith.andi %ne3A_444, %ne3A_440 : i1
        %add3A_446 = arith.addi %rem3A_438, %select_n3A_437 : i32
        %select_n3A_447 = arith.select %and3A_445, %add3A_446, %rem3A_438 : i32
        %mul3A_448 = arith.constant 16 : i32
        %mul3A_449 = arith.muli %select_n3A_447, %mul3A_448 : i32
        %mul3A_450 = arith.constant 16 : i32
        %mul3A_451 = arith.muli %add3A_416, %mul3A_450 : i32
        %get3A = arith.index_cast %add3A_360 : i32 to index
        %get3A_452 = arith.index_cast %mul3A_451 : i32 to index
        %get3A_453 = tpu.vector_load %arg21[%get3A, %get3A_452] {strides = array<i32>} : memref<50x512xi32, #tpu.memory_space<vmem>>, vector<16xi32>,
        %gather3A = tpu.vector_load_idx %arg5[%get3A_453] : memref<32xf32, #tpu.memory_space<vmem>>[vector<16xi32>], vector<16xf32>,
        %swap3A = arith.constant 0 : i32
        %swap3A_454 = arith.constant 0 : i32
        %swap3A_455 = arith.index_cast %swap3A : i32 to index
        %swap3A_456 = arith.index_cast %select_n3A : i32 to index
        %swap3A_457 = arith.index_cast %swap3A_454 : i32 to index
        %swap3A_458 = arith.index_cast %mul3A_449 : i32 to index
        %swap3A_459 = tpu.vector_load %arg23[%swap3A_455, %swap3A_456, %swap3A_457, %swap3A_458] {strides = array<i32>} : memref<2x4x8x128xf32, #tpu.memory_space<vmem>>, vector<16xf32>,
        tpu.vector_store %arg23[%swap3A_455, %swap3A_456, %swap3A_457, %swap3A_458], %gather3A {strides = array<i32>} : memref<2x4x8x128xf32, #tpu.memory_space<vmem>>, vector<16xf32>,
        %gather3A_460 = tpu.vector_load_idx %arg6[%get3A_453] : memref<32xf32, #tpu.memory_space<vmem>>[vector<16xi32>], vector<16xf32>,
        %swap3A_461 = arith.constant 0 : i32
        %swap3A_462 = arith.constant 1 : i32
        %swap3A_463 = arith.index_cast %swap3A_461 : i32 to index
        %swap3A_464 = arith.index_cast %select_n3A : i32 to index
        %swap3A_465 = arith.index_cast %swap3A_462 : i32 to index
        %swap3A_466 = arith.index_cast %mul3A_449 : i32 to index
        %swap3A_467 = tpu.vector_load %arg23[%swap3A_463, %swap3A_464, %swap3A_465, %swap3A_466] {strides = array<i32>} : memref<2x4x8x128xf32, #tpu.memory_space<vmem>>, vector<16xf32>,
        tpu.vector_store %arg23[%swap3A_463, %swap3A_464, %swap3A_465, %swap3A_466], %gather3A_460 {strides = array<i32>} : memref<2x4x8x128xf32, #tpu.memory_space<vmem>>, vector<16xf32>,
        %gather3A_468 = tpu.vector_load_idx %arg7[%get3A_453] : memref<32xf32, #tpu.memory_space<vmem>>[vector<16xi32>], vector<16xf32>,
        %swap3A_469 = arith.constant 0 : i32
        %swap3A_470 = arith.constant 2 : i32
        %swap3A_471 = arith.index_cast %swap3A_469 : i32 to index
        %swap3A_472 = arith.index_cast %select_n3A : i32 to index
        %swap3A_473 = arith.index_cast %swap3A_470 : i32 to index
        %swap3A_474 = arith.index_cast %mul3A_449 : i32 to index
        %swap3A_475 = tpu.vector_load %arg23[%swap3A_471, %swap3A_472, %swap3A_473, %swap3A_474] {strides = array<i32>} : memref<2x4x8x128xf32, #tpu.memory_space<vmem>>, vector<16xf32>,
        tpu.vector_store %arg23[%swap3A_471, %swap3A_472, %swap3A_473, %swap3A_474], %gather3A_468 {strides = array<i32>} : memref<2x4x8x128xf32, #tpu.memory_space<vmem>>, vector<16xf32>,
        %gather3A_476 = tpu.vector_load_idx %arg8[%get3A_453] : memref<32xf32, #tpu.memory_space<vmem>>[vector<16xi32>], vector<16xf32>,
        %swap3A_477 = arith.constant 0 : i32
        %swap3A_478 = arith.constant 3 : i32
        %swap3A_479 = arith.index_cast %swap3A_477 : i32 to index
        %swap3A_480 = arith.index_cast %select_n3A : i32 to index
        %swap3A_481 = arith.index_cast %swap3A_478 : i32 to index
        %swap3A_482 = arith.index_cast %mul3A_449 : i32 to index
        %swap3A_483 = tpu.vector_load %arg23[%swap3A_479, %swap3A_480, %swap3A_481, %swap3A_482] {strides = array<i32>} : memref<2x4x8x128xf32, #tpu.memory_space<vmem>>, vector<16xf32>,
        tpu.vector_store %arg23[%swap3A_479, %swap3A_480, %swap3A_481, %swap3A_482], %gather3A_476 {strides = array<i32>} : memref<2x4x8x128xf32, #tpu.memory_space<vmem>>, vector<16xf32>,
        %gather3A_484 = tpu.vector_load_idx %arg9[%get3A_453] : memref<32xf32, #tpu.memory_space<vmem>>[vector<16xi32>], vector<16xf32>,
        %swap3A_485 = arith.constant 0 : i32
        %swap3A_486 = arith.constant 4 : i32
        %swap3A_487 = arith.index_cast %swap3A_485 : i32 to index
        %swap3A_488 = arith.index_cast %select_n3A : i32 to index
        %swap3A_489 = arith.index_cast %swap3A_486 : i32 to index
        %swap3A_490 = arith.index_cast %mul3A_449 : i32 to index
        %swap3A_491 = tpu.vector_load %arg23[%swap3A_487, %swap3A_488, %swap3A_489, %swap3A_490] {strides = array<i32>} : memref<2x4x8x128xf32, #tpu.memory_space<vmem>>, vector<16xf32>,
        tpu.vector_store %arg23[%swap3A_487, %swap3A_488, %swap3A_489, %swap3A_490], %gather3A_484 {strides = array<i32>} : memref<2x4x8x128xf32, #tpu.memory_space<vmem>>, vector<16xf32>,
        %gather3A_492 = tpu.vector_load_idx %arg10[%get3A_453] : memref<32xf32, #tpu.memory_space<vmem>>[vector<16xi32>], vector<16xf32>,
        %swap3A_493 = arith.constant 0 : i32
        %swap3A_494 = arith.constant 5 : i32
        %swap3A_495 = arith.index_cast %swap3A_493 : i32 to index
        %swap3A_496 = arith.index_cast %select_n3A : i32 to index
        %swap3A_497 = arith.index_cast %swap3A_494 : i32 to index
        %swap3A_498 = arith.index_cast %mul3A_449 : i32 to index
        %swap3A_499 = tpu.vector_load %arg23[%swap3A_495, %swap3A_496, %swap3A_497, %swap3A_498] {strides = array<i32>} : memref<2x4x8x128xf32, #tpu.memory_space<vmem>>, vector<16xf32>,
        tpu.vector_store %arg23[%swap3A_495, %swap3A_496, %swap3A_497, %swap3A_498], %gather3A_492 {strides = array<i32>} : memref<2x4x8x128xf32, #tpu.memory_space<vmem>>, vector<16xf32>,
        %gather3A_500 = tpu.vector_load_idx %arg11[%get3A_453] : memref<32xf32, #tpu.memory_space<vmem>>[vector<16xi32>], vector<16xf32>,
        %swap3A_501 = arith.constant 0 : i32
        %swap3A_502 = arith.constant 6 : i32
        %swap3A_503 = arith.index_cast %swap3A_501 : i32 to index
        %swap3A_504 = arith.index_cast %select_n3A : i32 to index
        %swap3A_505 = arith.index_cast %swap3A_502 : i32 to index
        %swap3A_506 = arith.index_cast %mul3A_449 : i32 to index
        %swap3A_507 = tpu.vector_load %arg23[%swap3A_503, %swap3A_504, %swap3A_505, %swap3A_506] {strides = array<i32>} : memref<2x4x8x128xf32, #tpu.memory_space<vmem>>, vector<16xf32>,
        tpu.vector_store %arg23[%swap3A_503, %swap3A_504, %swap3A_505, %swap3A_506], %gather3A_500 {strides = array<i32>} : memref<2x4x8x128xf32, #tpu.memory_space<vmem>>, vector<16xf32>,
        %gather3A_508 = tpu.vector_load_idx %arg12[%get3A_453] : memref<32xf32, #tpu.memory_space<vmem>>[vector<16xi32>], vector<16xf32>,
        %swap3A_509 = arith.constant 0 : i32
        %swap3A_510 = arith.constant 7 : i32
        %swap3A_511 = arith.index_cast %swap3A_509 : i32 to index
        %swap3A_512 = arith.index_cast %select_n3A : i32 to index
        %swap3A_513 = arith.index_cast %swap3A_510 : i32 to index
        %swap3A_514 = arith.index_cast %mul3A_449 : i32 to index
        %swap3A_515 = tpu.vector_load %arg23[%swap3A_511, %swap3A_512, %swap3A_513, %swap3A_514] {strides = array<i32>} : memref<2x4x8x128xf32, #tpu.memory_space<vmem>>, vector<16xf32>,
        tpu.vector_store %arg23[%swap3A_511, %swap3A_512, %swap3A_513, %swap3A_514], %gather3A_508 {strides = array<i32>} : memref<2x4x8x128xf32, #tpu.memory_space<vmem>>, vector<16xf32>,
        %gather3A_516 = tpu.vector_load_idx %arg13[%get3A_453] : memref<32xf32, #tpu.memory_space<vmem>>[vector<16xi32>], vector<16xf32>,
        %swap3A_517 = arith.constant 1 : i32
        %swap3A_518 = arith.constant 0 : i32
        %swap3A_519 = arith.index_cast %swap3A_517 : i32 to index
        %swap3A_520 = arith.index_cast %select_n3A : i32 to index
        %swap3A_521 = arith.index_cast %swap3A_518 : i32 to index
        %swap3A_522 = arith.index_cast %mul3A_449 : i32 to index
        %swap3A_523 = tpu.vector_load %arg23[%swap3A_519, %swap3A_520, %swap3A_521, %swap3A_522] {strides = array<i32>} : memref<2x4x8x128xf32, #tpu.memory_space<vmem>>, vector<16xf32>,
        tpu.vector_store %arg23[%swap3A_519, %swap3A_520, %swap3A_521, %swap3A_522], %gather3A_516 {strides = array<i32>} : memref<2x4x8x128xf32, #tpu.memory_space<vmem>>, vector<16xf32>,
        %gather3A_524 = tpu.vector_load_idx %arg14[%get3A_453] : memref<32xf32, #tpu.memory_space<vmem>>[vector<16xi32>], vector<16xf32>,
        %swap3A_525 = arith.constant 1 : i32
        %swap3A_526 = arith.constant 1 : i32
        %swap3A_527 = arith.index_cast %swap3A_525 : i32 to index
        %swap3A_528 = arith.index_cast %select_n3A : i32 to index
        %swap3A_529 = arith.index_cast %swap3A_526 : i32 to index
        %swap3A_530 = arith.index_cast %mul3A_449 : i32 to index
        %swap3A_531 = tpu.vector_load %arg23[%swap3A_527, %swap3A_528, %swap3A_529, %swap3A_530] {strides = array<i32>} : memref<2x4x8x128xf32, #tpu.memory_space<vmem>>, vector<16xf32>,
        tpu.vector_store %arg23[%swap3A_527, %swap3A_528, %swap3A_529, %swap3A_530], %gather3A_524 {strides = array<i32>} : memref<2x4x8x128xf32, #tpu.memory_space<vmem>>, vector<16xf32>,
        %gather3A_532 = tpu.vector_load_idx %arg15[%get3A_453] : memref<32xf32, #tpu.memory_space<vmem>>[vector<16xi32>], vector<16xf32>,
        %swap3A_533 = arith.constant 1 : i32
        %swap3A_534 = arith.constant 2 : i32
        %swap3A_535 = arith.index_cast %swap3A_533 : i32 to index
        %swap3A_536 = arith.index_cast %select_n3A : i32 to index
        %swap3A_537 = arith.index_cast %swap3A_534 : i32 to index
        %swap3A_538 = arith.index_cast %mul3A_449 : i32 to index
        %swap3A_539 = tpu.vector_load %arg23[%swap3A_535, %swap3A_536, %swap3A_537, %swap3A_538] {strides = array<i32>} : memref<2x4x8x128xf32, #tpu.memory_space<vmem>>, vector<16xf32>,
        tpu.vector_store %arg23[%swap3A_535, %swap3A_536, %swap3A_537, %swap3A_538], %gather3A_532 {strides = array<i32>} : memref<2x4x8x128xf32, #tpu.memory_space<vmem>>, vector<16xf32>,
        %gather3A_540 = tpu.vector_load_idx %arg16[%get3A_453] : memref<32xf32, #tpu.memory_space<vmem>>[vector<16xi32>], vector<16xf32>,
        %swap3A_541 = arith.constant 1 : i32
        %swap3A_542 = arith.constant 3 : i32
        %swap3A_543 = arith.index_cast %swap3A_541 : i32 to index
        %swap3A_544 = arith.index_cast %select_n3A : i32 to index
        %swap3A_545 = arith.index_cast %swap3A_542 : i32 to index
        %swap3A_546 = arith.index_cast %mul3A_449 : i32 to index
        %swap3A_547 = tpu.vector_load %arg23[%swap3A_543, %swap3A_544, %swap3A_545, %swap3A_546] {strides = array<i32>} : memref<2x4x8x128xf32, #tpu.memory_space<vmem>>, vector<16xf32>,
        tpu.vector_store %arg23[%swap3A_543, %swap3A_544, %swap3A_545, %swap3A_546], %gather3A_540 {strides = array<i32>} : memref<2x4x8x128xf32, #tpu.memory_space<vmem>>, vector<16xf32>,
        %gather3A_548 = tpu.vector_load_idx %arg17[%get3A_453] : memref<32xf32, #tpu.memory_space<vmem>>[vector<16xi32>], vector<16xf32>,
        %swap3A_549 = arith.constant 1 : i32
        %swap3A_550 = arith.constant 4 : i32
        %swap3A_551 = arith.index_cast %swap3A_549 : i32 to index
        %swap3A_552 = arith.index_cast %select_n3A : i32 to index
        %swap3A_553 = arith.index_cast %swap3A_550 : i32 to index
        %swap3A_554 = arith.index_cast %mul3A_449 : i32 to index
        %swap3A_555 = tpu.vector_load %arg23[%swap3A_551, %swap3A_552, %swap3A_553, %swap3A_554] {strides = array<i32>} : memref<2x4x8x128xf32, #tpu.memory_space<vmem>>, vector<16xf32>,
        tpu.vector_store %arg23[%swap3A_551, %swap3A_552, %swap3A_553, %swap3A_554], %gather3A_548 {strides = array<i32>} : memref<2x4x8x128xf32, #tpu.memory_space<vmem>>, vector<16xf32>,
        %gather3A_556 = tpu.vector_load_idx %arg18[%get3A_453] : memref<32xf32, #tpu.memory_space<vmem>>[vector<16xi32>], vector<16xf32>,
        %swap3A_557 = arith.constant 1 : i32
        %swap3A_558 = arith.constant 5 : i32
        %swap3A_559 = arith.index_cast %swap3A_557 : i32 to index
        %swap3A_560 = arith.index_cast %select_n3A : i32 to index
        %swap3A_561 = arith.index_cast %swap3A_558 : i32 to index
        %swap3A_562 = arith.index_cast %mul3A_449 : i32 to index
        %swap3A_563 = tpu.vector_load %arg23[%swap3A_559, %swap3A_560, %swap3A_561, %swap3A_562] {strides = array<i32>} : memref<2x4x8x128xf32, #tpu.memory_space<vmem>>, vector<16xf32>,
        tpu.vector_store %arg23[%swap3A_559, %swap3A_560, %swap3A_561, %swap3A_562], %gather3A_556 {strides = array<i32>} : memref<2x4x8x128xf32, #tpu.memory_space<vmem>>, vector<16xf32>,
        %gather3A_564 = tpu.vector_load_idx %arg19[%get3A_453] : memref<32xf32, #tpu.memory_space<vmem>>[vector<16xi32>], vector<16xf32>,
        %swap3A_565 = arith.constant 1 : i32
        %swap3A_566 = arith.constant 6 : i32
        %swap3A_567 = arith.index_cast %swap3A_565 : i32 to index
        %swap3A_568 = arith.index_cast %select_n3A : i32 to index
        %swap3A_569 = arith.index_cast %swap3A_566 : i32 to index
        %swap3A_570 = arith.index_cast %mul3A_449 : i32 to index
        %swap3A_571 = tpu.vector_load %arg23[%swap3A_567, %swap3A_568, %swap3A_569, %swap3A_570] {strides = array<i32>} : memref<2x4x8x128xf32, #tpu.memory_space<vmem>>, vector<16xf32>,
        tpu.vector_store %arg23[%swap3A_567, %swap3A_568, %swap3A_569, %swap3A_570], %gather3A_564 {strides = array<i32>} : memref<2x4x8x128xf32, #tpu.memory_space<vmem>>, vector<16xf32>,
        %gather3A_572 = tpu.vector_load_idx %arg20[%get3A_453] : memref<32xf32, #tpu.memory_space<vmem>>[vector<16xi32>], vector<16xf32>,
        %swap3A_573 = arith.constant 1 : i32
        %swap3A_574 = arith.constant 7 : i32
        %swap3A_575 = arith.index_cast %swap3A_573 : i32 to index
        %swap3A_576 = arith.index_cast %select_n3A : i32 to index
        %swap3A_577 = arith.index_cast %swap3A_574 : i32 to index
        %swap3A_578 = arith.index_cast %mul3A_449 : i32 to index
        %swap3A_579 = tpu.vector_load %arg23[%swap3A_575, %swap3A_576, %swap3A_577, %swap3A_578] {strides = array<i32>} : memref<2x4x8x128xf32, #tpu.memory_space<vmem>>, vector<16xf32>,
        tpu.vector_store %arg23[%swap3A_575, %swap3A_576, %swap3A_577, %swap3A_578], %gather3A_572 {strides = array<i32>} : memref<2x4x8x128xf32, #tpu.memory_space<vmem>>, vector<16xf32>,
        %scan3A_580 = arith.constant 1 : i32
        %scan3A_581 = arith.addi %scan3A_412, %scan3A_580 : i32
        %mul3A_582 = arith.constant 1 : i32
        %mul3A_583 = arith.muli %scan3A_581, %mul3A_582 : i32
        %add3A_584 = arith.constant 0 : i32
        %add3A_585 = arith.addi %add3A_584, %mul3A_583 : i32
        %jit3A_586 = arith.constant 8 : i32
        %div3A_587 = arith.divsi %add3A_585, %jit3A_586 : i32
        %sign3A_588 = arith.constant 0 : i32
        %sign3A_589 = arith.cmpi sgt, %add3A_585, %sign3A_588 : i32
        %sign3A_590 = arith.extui %sign3A_589 : i1 to i32
        %sign3A_591 = arith.constant 0 : i32
        %sign3A_592 = arith.cmpi slt, %add3A_585, %sign3A_591 : i32
        %sign3A_593 = arith.extui %sign3A_592 : i1 to i32
        %sign3A_594 = arith.subi %sign3A_590, %sign3A_593 : i32
        %sign3A_595 = arith.constant 0 : i32
        %sign3A_596 = arith.cmpi sgt, %jit3A_586, %sign3A_595 : i32
        %sign3A_597 = arith.extui %sign3A_596 : i1 to i32
        %sign3A_598 = arith.constant 0 : i32
        %sign3A_599 = arith.cmpi slt, %jit3A_586, %sign3A_598 : i32
        %sign3A_600 = arith.extui %sign3A_599 : i1 to i32
        %sign3A_601 = arith.subi %sign3A_597, %sign3A_600 : i32
        %ne3A_602 = arith.cmpi ne, %sign3A_594, %sign3A_601 : i32
        %rem3A_603 = arith.remsi %add3A_585, %jit3A_586 : i32
        %ne3A_604 = arith.constant 0 : i32
        %ne3A_605 = arith.cmpi ne, %rem3A_603, %ne3A_604 : i32
        %and3A_606 = arith.andi %ne3A_602, %ne3A_605 : i1
        %sub3A_607 = arith.constant 1 : i32
        %sub3A_608 = arith.subi %div3A_587, %sub3A_607 : i32
        %select_n3A_609 = arith.select %and3A_606, %sub3A_608, %div3A_587 : i32
        %jit3A_610 = arith.constant 8 : i32
        %eq3A_611 = arith.constant 0 : i32
        %eq3A_612 = arith.cmpi eq, %jit3A_610, %eq3A_611 : i32
        %jit3A_613 = arith.constant 1 : i32
        %select_n3A_614 = arith.select %eq3A_612, %jit3A_613, %jit3A_610 : i32
        %rem3A_615 = arith.remsi %add3A_585, %select_n3A_614 : i32
        %ne3A_616 = arith.constant 0 : i32
        %ne3A_617 = arith.cmpi ne, %rem3A_615, %ne3A_616 : i32
        %lt3A_618 = arith.constant 0 : i32
        %lt3A_619 = arith.cmpi slt, %rem3A_615, %lt3A_618 : i32
        %lt3A_620 = arith.constant 0 : i32
        %lt3A_621 = arith.cmpi slt, %select_n3A_614, %lt3A_620 : i32
        %ne3A_622 = arith.xori %lt3A_619, %lt3A_621 : i1
        %and3A_623 = arith.andi %ne3A_622, %ne3A_617 : i1
        %add3A_624 = arith.addi %rem3A_615, %select_n3A_614 : i32
        %select_n3A_625 = arith.select %and3A_623, %add3A_624, %rem3A_615 : i32
        %mul3A_626 = arith.constant 16 : i32
        %mul3A_627 = arith.muli %select_n3A_625, %mul3A_626 : i32
        %mul3A_628 = arith.constant 16 : i32
        %mul3A_629 = arith.muli %add3A_585, %mul3A_628 : i32
        %get3A_630 = arith.index_cast %add3A_360 : i32 to index
        %get3A_631 = arith.index_cast %mul3A_629 : i32 to index
        %get3A_632 = tpu.vector_load %arg21[%get3A_630, %get3A_631] {strides = array<i32>} : memref<50x512xi32, #tpu.memory_space<vmem>>, vector<16xi32>,
        %gather3A_633 = tpu.vector_load_idx %arg5[%get3A_632] : memref<32xf32, #tpu.memory_space<vmem>>[vector<16xi32>], vector<16xf32>,
        %swap3A_634 = arith.constant 0 : i32
        %swap3A_635 = arith.constant 0 : i32
        %swap3A_636 = arith.index_cast %swap3A_634 : i32 to index
        %swap3A_637 = arith.index_cast %select_n3A_609 : i32 to index
        %swap3A_638 = arith.index_cast %swap3A_635 : i32 to index
        %swap3A_639 = arith.index_cast %mul3A_627 : i32 to index
        %swap3A_640 = tpu.vector_load %arg23[%swap3A_636, %swap3A_637, %swap3A_638, %swap3A_639] {strides = array<i32>} : memref<2x4x8x128xf32, #tpu.memory_space<vmem>>, vector<16xf32>,
        tpu.vector_store %arg23[%swap3A_636, %swap3A_637, %swap3A_638, %swap3A_639], %gather3A_633 {strides = array<i32>} : memref<2x4x8x128xf32, #tpu.memory_space<vmem>>, vector<16xf32>,
        %gather3A_641 = tpu.vector_load_idx %arg6[%get3A_632] : memref<32xf32, #tpu.memory_space<vmem>>[vector<16xi32>], vector<16xf32>,
        %swap3A_642 = arith.constant 0 : i32
        %swap3A_643 = arith.constant 1 : i32
        %swap3A_644 = arith.index_cast %swap3A_642 : i32 to index
        %swap3A_645 = arith.index_cast %select_n3A_609 : i32 to index
        %swap3A_646 = arith.index_cast %swap3A_643 : i32 to index
        %swap3A_647 = arith.index_cast %mul3A_627 : i32 to index
        %swap3A_648 = tpu.vector_load %arg23[%swap3A_644, %swap3A_645, %swap3A_646, %swap3A_647] {strides = array<i32>} : memref<2x4x8x128xf32, #tpu.memory_space<vmem>>, vector<16xf32>,
        tpu.vector_store %arg23[%swap3A_644, %swap3A_645, %swap3A_646, %swap3A_647], %gather3A_641 {strides = array<i32>} : memref<2x4x8x128xf32, #tpu.memory_space<vmem>>, vector<16xf32>,
        %gather3A_649 = tpu.vector_load_idx %arg7[%get3A_632] : memref<32xf32, #tpu.memory_space<vmem>>[vector<16xi32>], vector<16xf32>,
        %swap3A_650 = arith.constant 0 : i32
        %swap3A_651 = arith.constant 2 : i32
        %swap3A_652 = arith.index_cast %swap3A_650 : i32 to index
        %swap3A_653 = arith.index_cast %select_n3A_609 : i32 to index
        %swap3A_654 = arith.index_cast %swap3A_651 : i32 to index
        %swap3A_655 = arith.index_cast %mul3A_627 : i32 to index
        %swap3A_656 = tpu.vector_load %arg23[%swap3A_652, %swap3A_653, %swap3A_654, %swap3A_655] {strides = array<i32>} : memref<2x4x8x128xf32, #tpu.memory_space<vmem>>, vector<16xf32>,
        tpu.vector_store %arg23[%swap3A_652, %swap3A_653, %swap3A_654, %swap3A_655], %gather3A_649 {strides = array<i32>} : memref<2x4x8x128xf32, #tpu.memory_space<vmem>>, vector<16xf32>,
        %gather3A_657 = tpu.vector_load_idx %arg8[%get3A_632] : memref<32xf32, #tpu.memory_space<vmem>>[vector<16xi32>], vector<16xf32>,
        %swap3A_658 = arith.constant 0 : i32
        %swap3A_659 = arith.constant 3 : i32
        %swap3A_660 = arith.index_cast %swap3A_658 : i32 to index
        %swap3A_661 = arith.index_cast %select_n3A_609 : i32 to index
        %swap3A_662 = arith.index_cast %swap3A_659 : i32 to index
        %swap3A_663 = arith.index_cast %mul3A_627 : i32 to index
        %swap3A_664 = tpu.vector_load %arg23[%swap3A_660, %swap3A_661, %swap3A_662, %swap3A_663] {strides = array<i32>} : memref<2x4x8x128xf32, #tpu.memory_space<vmem>>, vector<16xf32>,
        tpu.vector_store %arg23[%swap3A_660, %swap3A_661, %swap3A_662, %swap3A_663], %gather3A_657 {strides = array<i32>} : memref<2x4x8x128xf32, #tpu.memory_space<vmem>>, vector<16xf32>,
        %gather3A_665 = tpu.vector_load_idx %arg9[%get3A_632] : memref<32xf32, #tpu.memory_space<vmem>>[vector<16xi32>], vector<16xf32>,
        %swap3A_666 = arith.constant 0 : i32
        %swap3A_667 = arith.constant 4 : i32
        %swap3A_668 = arith.index_cast %swap3A_666 : i32 to index
        %swap3A_669 = arith.index_cast %select_n3A_609 : i32 to index
        %swap3A_670 = arith.index_cast %swap3A_667 : i32 to index
        %swap3A_671 = arith.index_cast %mul3A_627 : i32 to index
        %swap3A_672 = tpu.vector_load %arg23[%swap3A_668, %swap3A_669, %swap3A_670, %swap3A_671] {strides = array<i32>} : memref<2x4x8x128xf32, #tpu.memory_space<vmem>>, vector<16xf32>,
        tpu.vector_store %arg23[%swap3A_668, %swap3A_669, %swap3A_670, %swap3A_671], %gather3A_665 {strides = array<i32>} : memref<2x4x8x128xf32, #tpu.memory_space<vmem>>, vector<16xf32>,
        %gather3A_673 = tpu.vector_load_idx %arg10[%get3A_632] : memref<32xf32, #tpu.memory_space<vmem>>[vector<16xi32>], vector<16xf32>,
        %swap3A_674 = arith.constant 0 : i32
        %swap3A_675 = arith.constant 5 : i32
        %swap3A_676 = arith.index_cast %swap3A_674 : i32 to index
        %swap3A_677 = arith.index_cast %select_n3A_609 : i32 to index
        %swap3A_678 = arith.index_cast %swap3A_675 : i32 to index
        %swap3A_679 = arith.index_cast %mul3A_627 : i32 to index
        %swap3A_680 = tpu.vector_load %arg23[%swap3A_676, %swap3A_677, %swap3A_678, %swap3A_679] {strides = array<i32>} : memref<2x4x8x128xf32, #tpu.memory_space<vmem>>, vector<16xf32>,
        tpu.vector_store %arg23[%swap3A_676, %swap3A_677, %swap3A_678, %swap3A_679], %gather3A_673 {strides = array<i32>} : memref<2x4x8x128xf32, #tpu.memory_space<vmem>>, vector<16xf32>,
        %gather3A_681 = tpu.vector_load_idx %arg11[%get3A_632] : memref<32xf32, #tpu.memory_space<vmem>>[vector<16xi32>], vector<16xf32>,
        %swap3A_682 = arith.constant 0 : i32
        %swap3A_683 = arith.constant 6 : i32
        %swap3A_684 = arith.index_cast %swap3A_682 : i32 to index
        %swap3A_685 = arith.index_cast %select_n3A_609 : i32 to index
        %swap3A_686 = arith.index_cast %swap3A_683 : i32 to index
        %swap3A_687 = arith.index_cast %mul3A_627 : i32 to index
        %swap3A_688 = tpu.vector_load %arg23[%swap3A_684, %swap3A_685, %swap3A_686, %swap3A_687] {strides = array<i32>} : memref<2x4x8x128xf32, #tpu.memory_space<vmem>>, vector<16xf32>,
        tpu.vector_store %arg23[%swap3A_684, %swap3A_685, %swap3A_686, %swap3A_687], %gather3A_681 {strides = array<i32>} : memref<2x4x8x128xf32, #tpu.memory_space<vmem>>, vector<16xf32>,
        %gather3A_689 = tpu.vector_load_idx %arg12[%get3A_632] : memref<32xf32, #tpu.memory_space<vmem>>[vector<16xi32>], vector<16xf32>,
        %swap3A_690 = arith.constant 0 : i32
        %swap3A_691 = arith.constant 7 : i32
        %swap3A_692 = arith.index_cast %swap3A_690 : i32 to index
        %swap3A_693 = arith.index_cast %select_n3A_609 : i32 to index
        %swap3A_694 = arith.index_cast %swap3A_691 : i32 to index
        %swap3A_695 = arith.index_cast %mul3A_627 : i32 to index
        %swap3A_696 = tpu.vector_load %arg23[%swap3A_692, %swap3A_693, %swap3A_694, %swap3A_695] {strides = array<i32>} : memref<2x4x8x128xf32, #tpu.memory_space<vmem>>, vector<16xf32>,
        tpu.vector_store %arg23[%swap3A_692, %swap3A_693, %swap3A_694, %swap3A_695], %gather3A_689 {strides = array<i32>} : memref<2x4x8x128xf32, #tpu.memory_space<vmem>>, vector<16xf32>,
        %gather3A_697 = tpu.vector_load_idx %arg13[%get3A_632] : memref<32xf32, #tpu.memory_space<vmem>>[vector<16xi32>], vector<16xf32>,
        %swap3A_698 = arith.constant 1 : i32
        %swap3A_699 = arith.constant 0 : i32
        %swap3A_700 = arith.index_cast %swap3A_698 : i32 to index
        %swap3A_701 = arith.index_cast %select_n3A_609 : i32 to index
        %swap3A_702 = arith.index_cast %swap3A_699 : i32 to index
        %swap3A_703 = arith.index_cast %mul3A_627 : i32 to index
        %swap3A_704 = tpu.vector_load %arg23[%swap3A_700, %swap3A_701, %swap3A_702, %swap3A_703] {strides = array<i32>} : memref<2x4x8x128xf32, #tpu.memory_space<vmem>>, vector<16xf32>,
        tpu.vector_store %arg23[%swap3A_700, %swap3A_701, %swap3A_702, %swap3A_703], %gather3A_697 {strides = array<i32>} : memref<2x4x8x128xf32, #tpu.memory_space<vmem>>, vector<16xf32>,
        %gather3A_705 = tpu.vector_load_idx %arg14[%get3A_632] : memref<32xf32, #tpu.memory_space<vmem>>[vector<16xi32>], vector<16xf32>,
        %swap3A_706 = arith.constant 1 : i32
        %swap3A_707 = arith.constant 1 : i32
        %swap3A_708 = arith.index_cast %swap3A_706 : i32 to index
        %swap3A_709 = arith.index_cast %select_n3A_609 : i32 to index
        %swap3A_710 = arith.index_cast %swap3A_707 : i32 to index
        %swap3A_711 = arith.index_cast %mul3A_627 : i32 to index
        %swap3A_712 = tpu.vector_load %arg23[%swap3A_708, %swap3A_709, %swap3A_710, %swap3A_711] {strides = array<i32>} : memref<2x4x8x128xf32, #tpu.memory_space<vmem>>, vector<16xf32>,
        tpu.vector_store %arg23[%swap3A_708, %swap3A_709, %swap3A_710, %swap3A_711], %gather3A_705 {strides = array<i32>} : memref<2x4x8x128xf32, #tpu.memory_space<vmem>>, vector<16xf32>,
        %gather3A_713 = tpu.vector_load_idx %arg15[%get3A_632] : memref<32xf32, #tpu.memory_space<vmem>>[vector<16xi32>], vector<16xf32>,
        %swap3A_714 = arith.constant 1 : i32
        %swap3A_715 = arith.constant 2 : i32
        %swap3A_716 = arith.index_cast %swap3A_714 : i32 to index
        %swap3A_717 = arith.index_cast %select_n3A_609 : i32 to index
        %swap3A_718 = arith.index_cast %swap3A_715 : i32 to index
        %swap3A_719 = arith.index_cast %mul3A_627 : i32 to index
        %swap3A_720 = tpu.vector_load %arg23[%swap3A_716, %swap3A_717, %swap3A_718, %swap3A_719] {strides = array<i32>} : memref<2x4x8x128xf32, #tpu.memory_space<vmem>>, vector<16xf32>,
        tpu.vector_store %arg23[%swap3A_716, %swap3A_717, %swap3A_718, %swap3A_719], %gather3A_713 {strides = array<i32>} : memref<2x4x8x128xf32, #tpu.memory_space<vmem>>, vector<16xf32>,
        %gather3A_721 = tpu.vector_load_idx %arg16[%get3A_632] : memref<32xf32, #tpu.memory_space<vmem>>[vector<16xi32>], vector<16xf32>,
        %swap3A_722 = arith.constant 1 : i32
        %swap3A_723 = arith.constant 3 : i32
        %swap3A_724 = arith.index_cast %swap3A_722 : i32 to index
        %swap3A_725 = arith.index_cast %select_n3A_609 : i32 to index
        %swap3A_726 = arith.index_cast %swap3A_723 : i32 to index
        %swap3A_727 = arith.index_cast %mul3A_627 : i32 to index
        %swap3A_728 = tpu.vector_load %arg23[%swap3A_724, %swap3A_725, %swap3A_726, %swap3A_727] {strides = array<i32>} : memref<2x4x8x128xf32, #tpu.memory_space<vmem>>, vector<16xf32>,
        tpu.vector_store %arg23[%swap3A_724, %swap3A_725, %swap3A_726, %swap3A_727], %gather3A_721 {strides = array<i32>} : memref<2x4x8x128xf32, #tpu.memory_space<vmem>>, vector<16xf32>,
        %gather3A_729 = tpu.vector_load_idx %arg17[%get3A_632] : memref<32xf32, #tpu.memory_space<vmem>>[vector<16xi32>], vector<16xf32>,
        %swap3A_730 = arith.constant 1 : i32
        %swap3A_731 = arith.constant 4 : i32
        %swap3A_732 = arith.index_cast %swap3A_730 : i32 to index
        %swap3A_733 = arith.index_cast %select_n3A_609 : i32 to index
        %swap3A_734 = arith.index_cast %swap3A_731 : i32 to index
        %swap3A_735 = arith.index_cast %mul3A_627 : i32 to index
        %swap3A_736 = tpu.vector_load %arg23[%swap3A_732, %swap3A_733, %swap3A_734, %swap3A_735] {strides = array<i32>} : memref<2x4x8x128xf32, #tpu.memory_space<vmem>>, vector<16xf32>,
        tpu.vector_store %arg23[%swap3A_732, %swap3A_733, %swap3A_734, %swap3A_735], %gather3A_729 {strides = array<i32>} : memref<2x4x8x128xf32, #tpu.memory_space<vmem>>, vector<16xf32>,
        %gather3A_737 = tpu.vector_load_idx %arg18[%get3A_632] : memref<32xf32, #tpu.memory_space<vmem>>[vector<16xi32>], vector<16xf32>,
        %swap3A_738 = arith.constant 1 : i32
        %swap3A_739 = arith.constant 5 : i32
        %swap3A_740 = arith.index_cast %swap3A_738 : i32 to index
        %swap3A_741 = arith.index_cast %select_n3A_609 : i32 to index
        %swap3A_742 = arith.index_cast %swap3A_739 : i32 to index
        %swap3A_743 = arith.index_cast %mul3A_627 : i32 to index
        %swap3A_744 = tpu.vector_load %arg23[%swap3A_740, %swap3A_741, %swap3A_742, %swap3A_743] {strides = array<i32>} : memref<2x4x8x128xf32, #tpu.memory_space<vmem>>, vector<16xf32>,
        tpu.vector_store %arg23[%swap3A_740, %swap3A_741, %swap3A_742, %swap3A_743], %gather3A_737 {strides = array<i32>} : memref<2x4x8x128xf32, #tpu.memory_space<vmem>>, vector<16xf32>,
        %gather3A_745 = tpu.vector_load_idx %arg19[%get3A_632] : memref<32xf32, #tpu.memory_space<vmem>>[vector<16xi32>], vector<16xf32>,
        %swap3A_746 = arith.constant 1 : i32
        %swap3A_747 = arith.constant 6 : i32
        %swap3A_748 = arith.index_cast %swap3A_746 : i32 to index
        %swap3A_749 = arith.index_cast %select_n3A_609 : i32 to index
        %swap3A_750 = arith.index_cast %swap3A_747 : i32 to index
        %swap3A_751 = arith.index_cast %mul3A_627 : i32 to index
        %swap3A_752 = tpu.vector_load %arg23[%swap3A_748, %swap3A_749, %swap3A_750, %swap3A_751] {strides = array<i32>} : memref<2x4x8x128xf32, #tpu.memory_space<vmem>>, vector<16xf32>,
        tpu.vector_store %arg23[%swap3A_748, %swap3A_749, %swap3A_750, %swap3A_751], %gather3A_745 {strides = array<i32>} : memref<2x4x8x128xf32, #tpu.memory_space<vmem>>, vector<16xf32>,
        %gather3A_753 = tpu.vector_load_idx %arg20[%get3A_632] : memref<32xf32, #tpu.memory_space<vmem>>[vector<16xi32>], vector<16xf32>,
        %swap3A_754 = arith.constant 1 : i32
        %swap3A_755 = arith.constant 7 : i32
        %swap3A_756 = arith.index_cast %swap3A_754 : i32 to index
        %swap3A_757 = arith.index_cast %select_n3A_609 : i32 to index
        %swap3A_758 = arith.index_cast %swap3A_755 : i32 to index
        %swap3A_759 = arith.index_cast %mul3A_627 : i32 to index
        %swap3A_760 = tpu.vector_load %arg23[%swap3A_756, %swap3A_757, %swap3A_758, %swap3A_759] {strides = array<i32>} : memref<2x4x8x128xf32, #tpu.memory_space<vmem>>, vector<16xf32>,
        tpu.vector_store %arg23[%swap3A_756, %swap3A_757, %swap3A_758, %swap3A_759], %gather3A_753 {strides = array<i32>} : memref<2x4x8x128xf32, #tpu.memory_space<vmem>>, vector<16xf32>,
        %scan3A_761 = arith.constant 2 : i32
        %scan3A_762 = arith.addi %scan3A_412, %scan3A_761 : i32
        %mul3A_763 = arith.constant 1 : i32
        %mul3A_764 = arith.muli %scan3A_762, %mul3A_763 : i32
        %add3A_765 = arith.constant 0 : i32
        %add3A_766 = arith.addi %add3A_765, %mul3A_764 : i32
        %jit3A_767 = arith.constant 8 : i32
        %div3A_768 = arith.divsi %add3A_766, %jit3A_767 : i32
        %sign3A_769 = arith.constant 0 : i32
        %sign3A_770 = arith.cmpi sgt, %add3A_766, %sign3A_769 : i32
        %sign3A_771 = arith.extui %sign3A_770 : i1 to i32
        %sign3A_772 = arith.constant 0 : i32
        %sign3A_773 = arith.cmpi slt, %add3A_766, %sign3A_772 : i32
        %sign3A_774 = arith.extui %sign3A_773 : i1 to i32
        %sign3A_775 = arith.subi %sign3A_771, %sign3A_774 : i32
        %sign3A_776 = arith.constant 0 : i32
        %sign3A_777 = arith.cmpi sgt, %jit3A_767, %sign3A_776 : i32
        %sign3A_778 = arith.extui %sign3A_777 : i1 to i32
        %sign3A_779 = arith.constant 0 : i32
        %sign3A_780 = arith.cmpi slt, %jit3A_767, %sign3A_779 : i32
        %sign3A_781 = arith.extui %sign3A_780 : i1 to i32
        %sign3A_782 = arith.subi %sign3A_778, %sign3A_781 : i32
        %ne3A_783 = arith.cmpi ne, %sign3A_775, %sign3A_782 : i32
        %rem3A_784 = arith.remsi %add3A_766, %jit3A_767 : i32
        %ne3A_785 = arith.constant 0 : i32
        %ne3A_786 = arith.cmpi ne, %rem3A_784, %ne3A_785 : i32
        %and3A_787 = arith.andi %ne3A_783, %ne3A_786 : i1
        %sub3A_788 = arith.constant 1 : i32
        %sub3A_789 = arith.subi %div3A_768, %sub3A_788 : i32
        %select_n3A_790 = arith.select %and3A_787, %sub3A_789, %div3A_768 : i32
        %jit3A_791 = arith.constant 8 : i32
        %eq3A_792 = arith.constant 0 : i32
        %eq3A_793 = arith.cmpi eq, %jit3A_791, %eq3A_792 : i32
        %jit3A_794 = arith.constant 1 : i32
        %select_n3A_795 = arith.select %eq3A_793, %jit3A_794, %jit3A_791 : i32
        %rem3A_796 = arith.remsi %add3A_766, %select_n3A_795 : i32
        %ne3A_797 = arith.constant 0 : i32
        %ne3A_798 = arith.cmpi ne, %rem3A_796, %ne3A_797 : i32
        %lt3A_799 = arith.constant 0 : i32
        %lt3A_800 = arith.cmpi slt, %rem3A_796, %lt3A_799 : i32
        %lt3A_801 = arith.constant 0 : i32
        %lt3A_802 = arith.cmpi slt, %select_n3A_795, %lt3A_801 : i32
        %ne3A_803 = arith.xori %lt3A_800, %lt3A_802 : i1
        %and3A_804 = arith.andi %ne3A_803, %ne3A_798 : i1
        %add3A_805 = arith.addi %rem3A_796, %select_n3A_795 : i32
        %select_n3A_806 = arith.select %and3A_804, %add3A_805, %rem3A_796 : i32
        %mul3A_807 = arith.constant 16 : i32
        %mul3A_808 = arith.muli %select_n3A_806, %mul3A_807 : i32
        %mul3A_809 = arith.constant 16 : i32
        %mul3A_810 = arith.muli %add3A_766, %mul3A_809 : i32
        %get3A_811 = arith.index_cast %add3A_360 : i32 to index
        %get3A_812 = arith.index_cast %mul3A_810 : i32 to index
        %get3A_813 = tpu.vector_load %arg21[%get3A_811, %get3A_812] {strides = array<i32>} : memref<50x512xi32, #tpu.memory_space<vmem>>, vector<16xi32>,
        %gather3A_814 = tpu.vector_load_idx %arg5[%get3A_813] : memref<32xf32, #tpu.memory_space<vmem>>[vector<16xi32>], vector<16xf32>,
        %swap3A_815 = arith.constant 0 : i32
        %swap3A_816 = arith.constant 0 : i32
        %swap3A_817 = arith.index_cast %swap3A_815 : i32 to index
        %swap3A_818 = arith.index_cast %select_n3A_790 : i32 to index
        %swap3A_819 = arith.index_cast %swap3A_816 : i32 to index
        %swap3A_820 = arith.index_cast %mul3A_808 : i32 to index
        %swap3A_821 = tpu.vector_load %arg23[%swap3A_817, %swap3A_818, %swap3A_819, %swap3A_820] {strides = array<i32>} : memref<2x4x8x128xf32, #tpu.memory_space<vmem>>, vector<16xf32>,
        tpu.vector_store %arg23[%swap3A_817, %swap3A_818, %swap3A_819, %swap3A_820], %gather3A_814 {strides = array<i32>} : memref<2x4x8x128xf32, #tpu.memory_space<vmem>>, vector<16xf32>,
        %gather3A_822 = tpu.vector_load_idx %arg6[%get3A_813] : memref<32xf32, #tpu.memory_space<vmem>>[vector<16xi32>], vector<16xf32>,
        %swap3A_823 = arith.constant 0 : i32
        %swap3A_824 = arith.constant 1 : i32
        %swap3A_825 = arith.index_cast %swap3A_823 : i32 to index
        %swap3A_826 = arith.index_cast %select_n3A_790 : i32 to index
        %swap3A_827 = arith.index_cast %swap3A_824 : i32 to index
        %swap3A_828 = arith.index_cast %mul3A_808 : i32 to index
        %swap3A_829 = tpu.vector_load %arg23[%swap3A_825, %swap3A_826, %swap3A_827, %swap3A_828] {strides = array<i32>} : memref<2x4x8x128xf32, #tpu.memory_space<vmem>>, vector<16xf32>,
        tpu.vector_store %arg23[%swap3A_825, %swap3A_826, %swap3A_827, %swap3A_828], %gather3A_822 {strides = array<i32>} : memref<2x4x8x128xf32, #tpu.memory_space<vmem>>, vector<16xf32>,
        %gather3A_830 = tpu.vector_load_idx %arg7[%get3A_813] : memref<32xf32, #tpu.memory_space<vmem>>[vector<16xi32>], vector<16xf32>,
        %swap3A_831 = arith.constant 0 : i32
        %swap3A_832 = arith.constant 2 : i32
        %swap3A_833 = arith.index_cast %swap3A_831 : i32 to index
        %swap3A_834 = arith.index_cast %select_n3A_790 : i32 to index
        %swap3A_835 = arith.index_cast %swap3A_832 : i32 to index
        %swap3A_836 = arith.index_cast %mul3A_808 : i32 to index
        %swap3A_837 = tpu.vector_load %arg23[%swap3A_833, %swap3A_834, %swap3A_835, %swap3A_836] {strides = array<i32>} : memref<2x4x8x128xf32, #tpu.memory_space<vmem>>, vector<16xf32>,
        tpu.vector_store %arg23[%swap3A_833, %swap3A_834, %swap3A_835, %swap3A_836], %gather3A_830 {strides = array<i32>} : memref<2x4x8x128xf32, #tpu.memory_space<vmem>>, vector<16xf32>,
        %gather3A_838 = tpu.vector_load_idx %arg8[%get3A_813] : memref<32xf32, #tpu.memory_space<vmem>>[vector<16xi32>], vector<16xf32>,
        %swap3A_839 = arith.constant 0 : i32
        %swap3A_840 = arith.constant 3 : i32
        %swap3A_841 = arith.index_cast %swap3A_839 : i32 to index
        %swap3A_842 = arith.index_cast %select_n3A_790 : i32 to index
        %swap3A_843 = arith.index_cast %swap3A_840 : i32 to index
        %swap3A_844 = arith.index_cast %mul3A_808 : i32 to index
        %swap3A_845 = tpu.vector_load %arg23[%swap3A_841, %swap3A_842, %swap3A_843, %swap3A_844] {strides = array<i32>} : memref<2x4x8x128xf32, #tpu.memory_space<vmem>>, vector<16xf32>,
        tpu.vector_store %arg23[%swap3A_841, %swap3A_842, %swap3A_843, %swap3A_844], %gather3A_838 {strides = array<i32>} : memref<2x4x8x128xf32, #tpu.memory_space<vmem>>, vector<16xf32>,
        %gather3A_846 = tpu.vector_load_idx %arg9[%get3A_813] : memref<32xf32, #tpu.memory_space<vmem>>[vector<16xi32>], vector<16xf32>,
        %swap3A_847 = arith.constant 0 : i32
        %swap3A_848 = arith.constant 4 : i32
        %swap3A_849 = arith.index_cast %swap3A_847 : i32 to index
        %swap3A_850 = arith.index_cast %select_n3A_790 : i32 to index
        %swap3A_851 = arith.index_cast %swap3A_848 : i32 to index
        %swap3A_852 = arith.index_cast %mul3A_808 : i32 to index
        %swap3A_853 = tpu.vector_load %arg23[%swap3A_849, %swap3A_850, %swap3A_851, %swap3A_852] {strides = array<i32>} : memref<2x4x8x128xf32, #tpu.memory_space<vmem>>, vector<16xf32>,
        tpu.vector_store %arg23[%swap3A_849, %swap3A_850, %swap3A_851, %swap3A_852], %gather3A_846 {strides = array<i32>} : memref<2x4x8x128xf32, #tpu.memory_space<vmem>>, vector<16xf32>,
        %gather3A_854 = tpu.vector_load_idx %arg10[%get3A_813] : memref<32xf32, #tpu.memory_space<vmem>>[vector<16xi32>], vector<16xf32>,
        %swap3A_855 = arith.constant 0 : i32
        %swap3A_856 = arith.constant 5 : i32
        %swap3A_857 = arith.index_cast %swap3A_855 : i32 to index
        %swap3A_858 = arith.index_cast %select_n3A_790 : i32 to index
        %swap3A_859 = arith.index_cast %swap3A_856 : i32 to index
        %swap3A_860 = arith.index_cast %mul3A_808 : i32 to index
        %swap3A_861 = tpu.vector_load %arg23[%swap3A_857, %swap3A_858, %swap3A_859, %swap3A_860] {strides = array<i32>} : memref<2x4x8x128xf32, #tpu.memory_space<vmem>>, vector<16xf32>,
        tpu.vector_store %arg23[%swap3A_857, %swap3A_858, %swap3A_859, %swap3A_860], %gather3A_854 {strides = array<i32>} : memref<2x4x8x128xf32, #tpu.memory_space<vmem>>, vector<16xf32>,
        %gather3A_862 = tpu.vector_load_idx %arg11[%get3A_813] : memref<32xf32, #tpu.memory_space<vmem>>[vector<16xi32>], vector<16xf32>,
        %swap3A_863 = arith.constant 0 : i32
        %swap3A_864 = arith.constant 6 : i32
        %swap3A_865 = arith.index_cast %swap3A_863 : i32 to index
        %swap3A_866 = arith.index_cast %select_n3A_790 : i32 to index
        %swap3A_867 = arith.index_cast %swap3A_864 : i32 to index
        %swap3A_868 = arith.index_cast %mul3A_808 : i32 to index
        %swap3A_869 = tpu.vector_load %arg23[%swap3A_865, %swap3A_866, %swap3A_867, %swap3A_868] {strides = array<i32>} : memref<2x4x8x128xf32, #tpu.memory_space<vmem>>, vector<16xf32>,
        tpu.vector_store %arg23[%swap3A_865, %swap3A_866, %swap3A_867, %swap3A_868], %gather3A_862 {strides = array<i32>} : memref<2x4x8x128xf32, #tpu.memory_space<vmem>>, vector<16xf32>,
        %gather3A_870 = tpu.vector_load_idx %arg12[%get3A_813] : memref<32xf32, #tpu.memory_space<vmem>>[vector<16xi32>], vector<16xf32>,
        %swap3A_871 = arith.constant 0 : i32
        %swap3A_872 = arith.constant 7 : i32
        %swap3A_873 = arith.index_cast %swap3A_871 : i32 to index
        %swap3A_874 = arith.index_cast %select_n3A_790 : i32 to index
        %swap3A_875 = arith.index_cast %swap3A_872 : i32 to index
        %swap3A_876 = arith.index_cast %mul3A_808 : i32 to index
        %swap3A_877 = tpu.vector_load %arg23[%swap3A_873, %swap3A_874, %swap3A_875, %swap3A_876] {strides = array<i32>} : memref<2x4x8x128xf32, #tpu.memory_space<vmem>>, vector<16xf32>,
        tpu.vector_store %arg23[%swap3A_873, %swap3A_874, %swap3A_875, %swap3A_876], %gather3A_870 {strides = array<i32>} : memref<2x4x8x128xf32, #tpu.memory_space<vmem>>, vector<16xf32>,
        %gather3A_878 = tpu.vector_load_idx %arg13[%get3A_813] : memref<32xf32, #tpu.memory_space<vmem>>[vector<16xi32>], vector<16xf32>,
        %swap3A_879 = arith.constant 1 : i32
        %swap3A_880 = arith.constant 0 : i32
        %swap3A_881 = arith.index_cast %swap3A_879 : i32 to index
        %swap3A_882 = arith.index_cast %select_n3A_790 : i32 to index
        %swap3A_883 = arith.index_cast %swap3A_880 : i32 to index
        %swap3A_884 = arith.index_cast %mul3A_808 : i32 to index
        %swap3A_885 = tpu.vector_load %arg23[%swap3A_881, %swap3A_882, %swap3A_883, %swap3A_884] {strides = array<i32>} : memref<2x4x8x128xf32, #tpu.memory_space<vmem>>, vector<16xf32>,
        tpu.vector_store %arg23[%swap3A_881, %swap3A_882, %swap3A_883, %swap3A_884], %gather3A_878 {strides = array<i32>} : memref<2x4x8x128xf32, #tpu.memory_space<vmem>>, vector<16xf32>,
        %gather3A_886 = tpu.vector_load_idx %arg14[%get3A_813] : memref<32xf32, #tpu.memory_space<vmem>>[vector<16xi32>], vector<16xf32>,
        %swap3A_887 = arith.constant 1 : i32
        %swap3A_888 = arith.constant 1 : i32
        %swap3A_889 = arith.index_cast %swap3A_887 : i32 to index
        %swap3A_890 = arith.index_cast %select_n3A_790 : i32 to index
        %swap3A_891 = arith.index_cast %swap3A_888 : i32 to index
        %swap3A_892 = arith.index_cast %mul3A_808 : i32 to index
        %swap3A_893 = tpu.vector_load %arg23[%swap3A_889, %swap3A_890, %swap3A_891, %swap3A_892] {strides = array<i32>} : memref<2x4x8x128xf32, #tpu.memory_space<vmem>>, vector<16xf32>,
        tpu.vector_store %arg23[%swap3A_889, %swap3A_890, %swap3A_891, %swap3A_892], %gather3A_886 {strides = array<i32>} : memref<2x4x8x128xf32, #tpu.memory_space<vmem>>, vector<16xf32>,
        %gather3A_894 = tpu.vector_load_idx %arg15[%get3A_813] : memref<32xf32, #tpu.memory_space<vmem>>[vector<16xi32>], vector<16xf32>,
        %swap3A_895 = arith.constant 1 : i32
        %swap3A_896 = arith.constant 2 : i32
        %swap3A_897 = arith.index_cast %swap3A_895 : i32 to index
        %swap3A_898 = arith.index_cast %select_n3A_790 : i32 to index
        %swap3A_899 = arith.index_cast %swap3A_896 : i32 to index
        %swap3A_900 = arith.index_cast %mul3A_808 : i32 to index
        %swap3A_901 = tpu.vector_load %arg23[%swap3A_897, %swap3A_898, %swap3A_899, %swap3A_900] {strides = array<i32>} : memref<2x4x8x128xf32, #tpu.memory_space<vmem>>, vector<16xf32>,
        tpu.vector_store %arg23[%swap3A_897, %swap3A_898, %swap3A_899, %swap3A_900], %gather3A_894 {strides = array<i32>} : memref<2x4x8x128xf32, #tpu.memory_space<vmem>>, vector<16xf32>,
        %gather3A_902 = tpu.vector_load_idx %arg16[%get3A_813] : memref<32xf32, #tpu.memory_space<vmem>>[vector<16xi32>], vector<16xf32>,
        %swap3A_903 = arith.constant 1 : i32
        %swap3A_904 = arith.constant 3 : i32
        %swap3A_905 = arith.index_cast %swap3A_903 : i32 to index
        %swap3A_906 = arith.index_cast %select_n3A_790 : i32 to index
        %swap3A_907 = arith.index_cast %swap3A_904 : i32 to index
        %swap3A_908 = arith.index_cast %mul3A_808 : i32 to index
        %swap3A_909 = tpu.vector_load %arg23[%swap3A_905, %swap3A_906, %swap3A_907, %swap3A_908] {strides = array<i32>} : memref<2x4x8x128xf32, #tpu.memory_space<vmem>>, vector<16xf32>,
        tpu.vector_store %arg23[%swap3A_905, %swap3A_906, %swap3A_907, %swap3A_908], %gather3A_902 {strides = array<i32>} : memref<2x4x8x128xf32, #tpu.memory_space<vmem>>, vector<16xf32>,
        %gather3A_910 = tpu.vector_load_idx %arg17[%get3A_813] : memref<32xf32, #tpu.memory_space<vmem>>[vector<16xi32>], vector<16xf32>,
        %swap3A_911 = arith.constant 1 : i32
        %swap3A_912 = arith.constant 4 : i32
        %swap3A_913 = arith.index_cast %swap3A_911 : i32 to index
        %swap3A_914 = arith.index_cast %select_n3A_790 : i32 to index
        %swap3A_915 = arith.index_cast %swap3A_912 : i32 to index
        %swap3A_916 = arith.index_cast %mul3A_808 : i32 to index
        %swap3A_917 = tpu.vector_load %arg23[%swap3A_913, %swap3A_914, %swap3A_915, %swap3A_916] {strides = array<i32>} : memref<2x4x8x128xf32, #tpu.memory_space<vmem>>, vector<16xf32>,
        tpu.vector_store %arg23[%swap3A_913, %swap3A_914, %swap3A_915, %swap3A_916], %gather3A_910 {strides = array<i32>} : memref<2x4x8x128xf32, #tpu.memory_space<vmem>>, vector<16xf32>,
        %gather3A_918 = tpu.vector_load_idx %arg18[%get3A_813] : memref<32xf32, #tpu.memory_space<vmem>>[vector<16xi32>], vector<16xf32>,
        %swap3A_919 = arith.constant 1 : i32
        %swap3A_920 = arith.constant 5 : i32
        %swap3A_921 = arith.index_cast %swap3A_919 : i32 to index
        %swap3A_922 = arith.index_cast %select_n3A_790 : i32 to index
        %swap3A_923 = arith.index_cast %swap3A_920 : i32 to index
        %swap3A_924 = arith.index_cast %mul3A_808 : i32 to index
        %swap3A_925 = tpu.vector_load %arg23[%swap3A_921, %swap3A_922, %swap3A_923, %swap3A_924] {strides = array<i32>} : memref<2x4x8x128xf32, #tpu.memory_space<vmem>>, vector<16xf32>,
        tpu.vector_store %arg23[%swap3A_921, %swap3A_922, %swap3A_923, %swap3A_924], %gather3A_918 {strides = array<i32>} : memref<2x4x8x128xf32, #tpu.memory_space<vmem>>, vector<16xf32>,
        %gather3A_926 = tpu.vector_load_idx %arg19[%get3A_813] : memref<32xf32, #tpu.memory_space<vmem>>[vector<16xi32>], vector<16xf32>,
        %swap3A_927 = arith.constant 1 : i32
        %swap3A_928 = arith.constant 6 : i32
        %swap3A_929 = arith.index_cast %swap3A_927 : i32 to index
        %swap3A_930 = arith.index_cast %select_n3A_790 : i32 to index
        %swap3A_931 = arith.index_cast %swap3A_928 : i32 to index
        %swap3A_932 = arith.index_cast %mul3A_808 : i32 to index
        %swap3A_933 = tpu.vector_load %arg23[%swap3A_929, %swap3A_930, %swap3A_931, %swap3A_932] {strides = array<i32>} : memref<2x4x8x128xf32, #tpu.memory_space<vmem>>, vector<16xf32>,
        tpu.vector_store %arg23[%swap3A_929, %swap3A_930, %swap3A_931, %swap3A_932], %gather3A_926 {strides = array<i32>} : memref<2x4x8x128xf32, #tpu.memory_space<vmem>>, vector<16xf32>,
        %gather3A_934 = tpu.vector_load_idx %arg20[%get3A_813] : memref<32xf32, #tpu.memory_space<vmem>>[vector<16xi32>], vector<16xf32>,
        %swap3A_935 = arith.constant 1 : i32
        %swap3A_936 = arith.constant 7 : i32
        %swap3A_937 = arith.index_cast %swap3A_935 : i32 to index
        %swap3A_938 = arith.index_cast %select_n3A_790 : i32 to index
        %swap3A_939 = arith.index_cast %swap3A_936 : i32 to index
        %swap3A_940 = arith.index_cast %mul3A_808 : i32 to index
        %swap3A_941 = tpu.vector_load %arg23[%swap3A_937, %swap3A_938, %swap3A_939, %swap3A_940] {strides = array<i32>} : memref<2x4x8x128xf32, #tpu.memory_space<vmem>>, vector<16xf32>,
        tpu.vector_store %arg23[%swap3A_937, %swap3A_938, %swap3A_939, %swap3A_940], %gather3A_934 {strides = array<i32>} : memref<2x4x8x128xf32, #tpu.memory_space<vmem>>, vector<16xf32>,
        %scan3A_942 = arith.constant 3 : i32
        %scan3A_943 = arith.addi %scan3A_412, %scan3A_942 : i32
        %mul3A_944 = arith.constant 1 : i32
        %mul3A_945 = arith.muli %scan3A_943, %mul3A_944 : i32
        %add3A_946 = arith.constant 0 : i32
        %add3A_947 = arith.addi %add3A_946, %mul3A_945 : i32
        %jit3A_948 = arith.constant 8 : i32
        %div3A_949 = arith.divsi %add3A_947, %jit3A_948 : i32
        %sign3A_950 = arith.constant 0 : i32
        %sign3A_951 = arith.cmpi sgt, %add3A_947, %sign3A_950 : i32
        %sign3A_952 = arith.extui %sign3A_951 : i1 to i32
        %sign3A_953 = arith.constant 0 : i32
        %sign3A_954 = arith.cmpi slt, %add3A_947, %sign3A_953 : i32
        %sign3A_955 = arith.extui %sign3A_954 : i1 to i32
        %sign3A_956 = arith.subi %sign3A_952, %sign3A_955 : i32
        %sign3A_957 = arith.constant 0 : i32
        %sign3A_958 = arith.cmpi sgt, %jit3A_948, %sign3A_957 : i32
        %sign3A_959 = arith.extui %sign3A_958 : i1 to i32
        %sign3A_960 = arith.constant 0 : i32
        %sign3A_961 = arith.cmpi slt, %jit3A_948, %sign3A_960 : i32
        %sign3A_962 = arith.extui %sign3A_961 : i1 to i32
        %sign3A_963 = arith.subi %sign3A_959, %sign3A_962 : i32
        %ne3A_964 = arith.cmpi ne, %sign3A_956, %sign3A_963 : i32
        %rem3A_965 = arith.remsi %add3A_947, %jit3A_948 : i32
        %ne3A_966 = arith.constant 0 : i32
        %ne3A_967 = arith.cmpi ne, %rem3A_965, %ne3A_966 : i32
        %and3A_968 = arith.andi %ne3A_964, %ne3A_967 : i1
        %sub3A_969 = arith.constant 1 : i32
        %sub3A_970 = arith.subi %div3A_949, %sub3A_969 : i32
        %select_n3A_971 = arith.select %and3A_968, %sub3A_970, %div3A_949 : i32
        %jit3A_972 = arith.constant 8 : i32
        %eq3A_973 = arith.constant 0 : i32
        %eq3A_974 = arith.cmpi eq, %jit3A_972, %eq3A_973 : i32
        %jit3A_975 = arith.constant 1 : i32
        %select_n3A_976 = arith.select %eq3A_974, %jit3A_975, %jit3A_972 : i32
        %rem3A_977 = arith.remsi %add3A_947, %select_n3A_976 : i32
        %ne3A_978 = arith.constant 0 : i32
        %ne3A_979 = arith.cmpi ne, %rem3A_977, %ne3A_978 : i32
        %lt3A_980 = arith.constant 0 : i32
        %lt3A_981 = arith.cmpi slt, %rem3A_977, %lt3A_980 : i32
        %lt3A_982 = arith.constant 0 : i32
        %lt3A_983 = arith.cmpi slt, %select_n3A_976, %lt3A_982 : i32
        %ne3A_984 = arith.xori %lt3A_981, %lt3A_983 : i1
        %and3A_985 = arith.andi %ne3A_984, %ne3A_979 : i1
        %add3A_986 = arith.addi %rem3A_977, %select_n3A_976 : i32
        %select_n3A_987 = arith.select %and3A_985, %add3A_986, %rem3A_977 : i32
        %mul3A_988 = arith.constant 16 : i32
        %mul3A_989 = arith.muli %select_n3A_987, %mul3A_988 : i32
        %mul3A_990 = arith.constant 16 : i32
        %mul3A_991 = arith.muli %add3A_947, %mul3A_990 : i32
        %get3A_992 = arith.index_cast %add3A_360 : i32 to index
        %get3A_993 = arith.index_cast %mul3A_991 : i32 to index
        %get3A_994 = tpu.vector_load %arg21[%get3A_992, %get3A_993] {strides = array<i32>} : memref<50x512xi32, #tpu.memory_space<vmem>>, vector<16xi32>,
        %gather3A_995 = tpu.vector_load_idx %arg5[%get3A_994] : memref<32xf32, #tpu.memory_space<vmem>>[vector<16xi32>], vector<16xf32>,
        %swap3A_996 = arith.constant 0 : i32
        %swap3A_997 = arith.constant 0 : i32
        %swap3A_998 = arith.index_cast %swap3A_996 : i32 to index
        %swap3A_999 = arith.index_cast %select_n3A_971 : i32 to index
        %swap3A_1000 = arith.index_cast %swap3A_997 : i32 to index
        %swap3A_1001 = arith.index_cast %mul3A_989 : i32 to index
        %swap3A_1002 = tpu.vector_load %arg23[%swap3A_998, %swap3A_999, %swap3A_1000, %swap3A_1001] {strides = array<i32>} : memref<2x4x8x128xf32, #tpu.memory_space<vmem>>, vector<16xf32>,
        tpu.vector_store %arg23[%swap3A_998, %swap3A_999, %swap3A_1000, %swap3A_1001], %gather3A_995 {strides = array<i32>} : memref<2x4x8x128xf32, #tpu.memory_space<vmem>>, vector<16xf32>,
        %gather3A_1003 = tpu.vector_load_idx %arg6[%get3A_994] : memref<32xf32, #tpu.memory_space<vmem>>[vector<16xi32>], vector<16xf32>,
        %swap3A_1004 = arith.constant 0 : i32
        %swap3A_1005 = arith.constant 1 : i32
        %swap3A_1006 = arith.index_cast %swap3A_1004 : i32 to index
        %swap3A_1007 = arith.index_cast %select_n3A_971 : i32 to index
        %swap3A_1008 = arith.index_cast %swap3A_1005 : i32 to index
        %swap3A_1009 = arith.index_cast %mul3A_989 : i32 to index
        %swap3A_1010 = tpu.vector_load %arg23[%swap3A_1006, %swap3A_1007, %swap3A_1008, %swap3A_1009] {strides = array<i32>} : memref<2x4x8x128xf32, #tpu.memory_space<vmem>>, vector<16xf32>,
        tpu.vector_store %arg23[%swap3A_1006, %swap3A_1007, %swap3A_1008, %swap3A_1009], %gather3A_1003 {strides = array<i32>} : memref<2x4x8x128xf32, #tpu.memory_space<vmem>>, vector<16xf32>,
        %gather3A_1011 = tpu.vector_load_idx %arg7[%get3A_994] : memref<32xf32, #tpu.memory_space<vmem>>[vector<16xi32>], vector<16xf32>,
        %swap3A_1012 = arith.constant 0 : i32
        %swap3A_1013 = arith.constant 2 : i32
        %swap3A_1014 = arith.index_cast %swap3A_1012 : i32 to index
        %swap3A_1015 = arith.index_cast %select_n3A_971 : i32 to index
        %swap3A_1016 = arith.index_cast %swap3A_1013 : i32 to index
        %swap3A_1017 = arith.index_cast %mul3A_989 : i32 to index
        %swap3A_1018 = tpu.vector_load %arg23[%swap3A_1014, %swap3A_1015, %swap3A_1016, %swap3A_1017] {strides = array<i32>} : memref<2x4x8x128xf32, #tpu.memory_space<vmem>>, vector<16xf32>,
        tpu.vector_store %arg23[%swap3A_1014, %swap3A_1015, %swap3A_1016, %swap3A_1017], %gather3A_1011 {strides = array<i32>} : memref<2x4x8x128xf32, #tpu.memory_space<vmem>>, vector<16xf32>,
        %gather3A_1019 = tpu.vector_load_idx %arg8[%get3A_994] : memref<32xf32, #tpu.memory_space<vmem>>[vector<16xi32>], vector<16xf32>,
        %swap3A_1020 = arith.constant 0 : i32
        %swap3A_1021 = arith.constant 3 : i32
        %swap3A_1022 = arith.index_cast %swap3A_1020 : i32 to index
        %swap3A_1023 = arith.index_cast %select_n3A_971 : i32 to index
        %swap3A_1024 = arith.index_cast %swap3A_1021 : i32 to index
        %swap3A_1025 = arith.index_cast %mul3A_989 : i32 to index
        %swap3A_1026 = tpu.vector_load %arg23[%swap3A_1022, %swap3A_1023, %swap3A_1024, %swap3A_1025] {strides = array<i32>} : memref<2x4x8x128xf32, #tpu.memory_space<vmem>>, vector<16xf32>,
        tpu.vector_store %arg23[%swap3A_1022, %swap3A_1023, %swap3A_1024, %swap3A_1025], %gather3A_1019 {strides = array<i32>} : memref<2x4x8x128xf32, #tpu.memory_space<vmem>>, vector<16xf32>,
        %gather3A_1027 = tpu.vector_load_idx %arg9[%get3A_994] : memref<32xf32, #tpu.memory_space<vmem>>[vector<16xi32>], vector<16xf32>,
        %swap3A_1028 = arith.constant 0 : i32
        %swap3A_1029 = arith.constant 4 : i32
        %swap3A_1030 = arith.index_cast %swap3A_1028 : i32 to index
        %swap3A_1031 = arith.index_cast %select_n3A_971 : i32 to index
        %swap3A_1032 = arith.index_cast %swap3A_1029 : i32 to index
        %swap3A_1033 = arith.index_cast %mul3A_989 : i32 to index
        %swap3A_1034 = tpu.vector_load %arg23[%swap3A_1030, %swap3A_1031, %swap3A_1032, %swap3A_1033] {strides = array<i32>} : memref<2x4x8x128xf32, #tpu.memory_space<vmem>>, vector<16xf32>,
        tpu.vector_store %arg23[%swap3A_1030, %swap3A_1031, %swap3A_1032, %swap3A_1033], %gather3A_1027 {strides = array<i32>} : memref<2x4x8x128xf32, #tpu.memory_space<vmem>>, vector<16xf32>,
        %gather3A_1035 = tpu.vector_load_idx %arg10[%get3A_994] : memref<32xf32, #tpu.memory_space<vmem>>[vector<16xi32>], vector<16xf32>,
        %swap3A_1036 = arith.constant 0 : i32
        %swap3A_1037 = arith.constant 5 : i32
        %swap3A_1038 = arith.index_cast %swap3A_1036 : i32 to index
        %swap3A_1039 = arith.index_cast %select_n3A_971 : i32 to index
        %swap3A_1040 = arith.index_cast %swap3A_1037 : i32 to index
        %swap3A_1041 = arith.index_cast %mul3A_989 : i32 to index
        %swap3A_1042 = tpu.vector_load %arg23[%swap3A_1038, %swap3A_1039, %swap3A_1040, %swap3A_1041] {strides = array<i32>} : memref<2x4x8x128xf32, #tpu.memory_space<vmem>>, vector<16xf32>,
        tpu.vector_store %arg23[%swap3A_1038, %swap3A_1039, %swap3A_1040, %swap3A_1041], %gather3A_1035 {strides = array<i32>} : memref<2x4x8x128xf32, #tpu.memory_space<vmem>>, vector<16xf32>,
        %gather3A_1043 = tpu.vector_load_idx %arg11[%get3A_994] : memref<32xf32, #tpu.memory_space<vmem>>[vector<16xi32>], vector<16xf32>,
        %swap3A_1044 = arith.constant 0 : i32
        %swap3A_1045 = arith.constant 6 : i32
        %swap3A_1046 = arith.index_cast %swap3A_1044 : i32 to index
        %swap3A_1047 = arith.index_cast %select_n3A_971 : i32 to index
        %swap3A_1048 = arith.index_cast %swap3A_1045 : i32 to index
        %swap3A_1049 = arith.index_cast %mul3A_989 : i32 to index
        %swap3A_1050 = tpu.vector_load %arg23[%swap3A_1046, %swap3A_1047, %swap3A_1048, %swap3A_1049] {strides = array<i32>} : memref<2x4x8x128xf32, #tpu.memory_space<vmem>>, vector<16xf32>,
        tpu.vector_store %arg23[%swap3A_1046, %swap3A_1047, %swap3A_1048, %swap3A_1049], %gather3A_1043 {strides = array<i32>} : memref<2x4x8x128xf32, #tpu.memory_space<vmem>>, vector<16xf32>,
        %gather3A_1051 = tpu.vector_load_idx %arg12[%get3A_994] : memref<32xf32, #tpu.memory_space<vmem>>[vector<16xi32>], vector<16xf32>,
        %swap3A_1052 = arith.constant 0 : i32
        %swap3A_1053 = arith.constant 7 : i32
        %swap3A_1054 = arith.index_cast %swap3A_1052 : i32 to index
        %swap3A_1055 = arith.index_cast %select_n3A_971 : i32 to index
        %swap3A_1056 = arith.index_cast %swap3A_1053 : i32 to index
        %swap3A_1057 = arith.index_cast %mul3A_989 : i32 to index
        %swap3A_1058 = tpu.vector_load %arg23[%swap3A_1054, %swap3A_1055, %swap3A_1056, %swap3A_1057] {strides = array<i32>} : memref<2x4x8x128xf32, #tpu.memory_space<vmem>>, vector<16xf32>,
        tpu.vector_store %arg23[%swap3A_1054, %swap3A_1055, %swap3A_1056, %swap3A_1057], %gather3A_1051 {strides = array<i32>} : memref<2x4x8x128xf32, #tpu.memory_space<vmem>>, vector<16xf32>,
        %gather3A_1059 = tpu.vector_load_idx %arg13[%get3A_994] : memref<32xf32, #tpu.memory_space<vmem>>[vector<16xi32>], vector<16xf32>,
        %swap3A_1060 = arith.constant 1 : i32
        %swap3A_1061 = arith.constant 0 : i32
        %swap3A_1062 = arith.index_cast %swap3A_1060 : i32 to index
        %swap3A_1063 = arith.index_cast %select_n3A_971 : i32 to index
        %swap3A_1064 = arith.index_cast %swap3A_1061 : i32 to index
        %swap3A_1065 = arith.index_cast %mul3A_989 : i32 to index
        %swap3A_1066 = tpu.vector_load %arg23[%swap3A_1062, %swap3A_1063, %swap3A_1064, %swap3A_1065] {strides = array<i32>} : memref<2x4x8x128xf32, #tpu.memory_space<vmem>>, vector<16xf32>,
        tpu.vector_store %arg23[%swap3A_1062, %swap3A_1063, %swap3A_1064, %swap3A_1065], %gather3A_1059 {strides = array<i32>} : memref<2x4x8x128xf32, #tpu.memory_space<vmem>>, vector<16xf32>,
        %gather3A_1067 = tpu.vector_load_idx %arg14[%get3A_994] : memref<32xf32, #tpu.memory_space<vmem>>[vector<16xi32>], vector<16xf32>,
        %swap3A_1068 = arith.constant 1 : i32
        %swap3A_1069 = arith.constant 1 : i32
        %swap3A_1070 = arith.index_cast %swap3A_1068 : i32 to index
        %swap3A_1071 = arith.index_cast %select_n3A_971 : i32 to index
        %swap3A_1072 = arith.index_cast %swap3A_1069 : i32 to index
        %swap3A_1073 = arith.index_cast %mul3A_989 : i32 to index
        %swap3A_1074 = tpu.vector_load %arg23[%swap3A_1070, %swap3A_1071, %swap3A_1072, %swap3A_1073] {strides = array<i32>} : memref<2x4x8x128xf32, #tpu.memory_space<vmem>>, vector<16xf32>,
        tpu.vector_store %arg23[%swap3A_1070, %swap3A_1071, %swap3A_1072, %swap3A_1073], %gather3A_1067 {strides = array<i32>} : memref<2x4x8x128xf32, #tpu.memory_space<vmem>>, vector<16xf32>,
        %gather3A_1075 = tpu.vector_load_idx %arg15[%get3A_994] : memref<32xf32, #tpu.memory_space<vmem>>[vector<16xi32>], vector<16xf32>,
        %swap3A_1076 = arith.constant 1 : i32
        %swap3A_1077 = arith.constant 2 : i32
        %swap3A_1078 = arith.index_cast %swap3A_1076 : i32 to index
        %swap3A_1079 = arith.index_cast %select_n3A_971 : i32 to index
        %swap3A_1080 = arith.index_cast %swap3A_1077 : i32 to index
        %swap3A_1081 = arith.index_cast %mul3A_989 : i32 to index
        %swap3A_1082 = tpu.vector_load %arg23[%swap3A_1078, %swap3A_1079, %swap3A_1080, %swap3A_1081] {strides = array<i32>} : memref<2x4x8x128xf32, #tpu.memory_space<vmem>>, vector<16xf32>,
        tpu.vector_store %arg23[%swap3A_1078, %swap3A_1079, %swap3A_1080, %swap3A_1081], %gather3A_1075 {strides = array<i32>} : memref<2x4x8x128xf32, #tpu.memory_space<vmem>>, vector<16xf32>,
        %gather3A_1083 = tpu.vector_load_idx %arg16[%get3A_994] : memref<32xf32, #tpu.memory_space<vmem>>[vector<16xi32>], vector<16xf32>,
        %swap3A_1084 = arith.constant 1 : i32
        %swap3A_1085 = arith.constant 3 : i32
        %swap3A_1086 = arith.index_cast %swap3A_1084 : i32 to index
        %swap3A_1087 = arith.index_cast %select_n3A_971 : i32 to index
        %swap3A_1088 = arith.index_cast %swap3A_1085 : i32 to index
        %swap3A_1089 = arith.index_cast %mul3A_989 : i32 to index
        %swap3A_1090 = tpu.vector_load %arg23[%swap3A_1086, %swap3A_1087, %swap3A_1088, %swap3A_1089] {strides = array<i32>} : memref<2x4x8x128xf32, #tpu.memory_space<vmem>>, vector<16xf32>,
        tpu.vector_store %arg23[%swap3A_1086, %swap3A_1087, %swap3A_1088, %swap3A_1089], %gather3A_1083 {strides = array<i32>} : memref<2x4x8x128xf32, #tpu.memory_space<vmem>>, vector<16xf32>,
        %gather3A_1091 = tpu.vector_load_idx %arg17[%get3A_994] : memref<32xf32, #tpu.memory_space<vmem>>[vector<16xi32>], vector<16xf32>,
        %swap3A_1092 = arith.constant 1 : i32
        %swap3A_1093 = arith.constant 4 : i32
        %swap3A_1094 = arith.index_cast %swap3A_1092 : i32 to index
        %swap3A_1095 = arith.index_cast %select_n3A_971 : i32 to index
        %swap3A_1096 = arith.index_cast %swap3A_1093 : i32 to index
        %swap3A_1097 = arith.index_cast %mul3A_989 : i32 to index
        %swap3A_1098 = tpu.vector_load %arg23[%swap3A_1094, %swap3A_1095, %swap3A_1096, %swap3A_1097] {strides = array<i32>} : memref<2x4x8x128xf32, #tpu.memory_space<vmem>>, vector<16xf32>,
        tpu.vector_store %arg23[%swap3A_1094, %swap3A_1095, %swap3A_1096, %swap3A_1097], %gather3A_1091 {strides = array<i32>} : memref<2x4x8x128xf32, #tpu.memory_space<vmem>>, vector<16xf32>,
        %gather3A_1099 = tpu.vector_load_idx %arg18[%get3A_994] : memref<32xf32, #tpu.memory_space<vmem>>[vector<16xi32>], vector<16xf32>,
        %swap3A_1100 = arith.constant 1 : i32
        %swap3A_1101 = arith.constant 5 : i32
        %swap3A_1102 = arith.index_cast %swap3A_1100 : i32 to index
        %swap3A_1103 = arith.index_cast %select_n3A_971 : i32 to index
        %swap3A_1104 = arith.index_cast %swap3A_1101 : i32 to index
        %swap3A_1105 = arith.index_cast %mul3A_989 : i32 to index
        %swap3A_1106 = tpu.vector_load %arg23[%swap3A_1102, %swap3A_1103, %swap3A_1104, %swap3A_1105] {strides = array<i32>} : memref<2x4x8x128xf32, #tpu.memory_space<vmem>>, vector<16xf32>,
        tpu.vector_store %arg23[%swap3A_1102, %swap3A_1103, %swap3A_1104, %swap3A_1105], %gather3A_1099 {strides = array<i32>} : memref<2x4x8x128xf32, #tpu.memory_space<vmem>>, vector<16xf32>,
        %gather3A_1107 = tpu.vector_load_idx %arg19[%get3A_994] : memref<32xf32, #tpu.memory_space<vmem>>[vector<16xi32>], vector<16xf32>,
        %swap3A_1108 = arith.constant 1 : i32
        %swap3A_1109 = arith.constant 6 : i32
        %swap3A_1110 = arith.index_cast %swap3A_1108 : i32 to index
        %swap3A_1111 = arith.index_cast %select_n3A_971 : i32 to index
        %swap3A_1112 = arith.index_cast %swap3A_1109 : i32 to index
        %swap3A_1113 = arith.index_cast %mul3A_989 : i32 to index
        %swap3A_1114 = tpu.vector_load %arg23[%swap3A_1110, %swap3A_1111, %swap3A_1112, %swap3A_1113] {strides = array<i32>} : memref<2x4x8x128xf32, #tpu.memory_space<vmem>>, vector<16xf32>,
        tpu.vector_store %arg23[%swap3A_1110, %swap3A_1111, %swap3A_1112, %swap3A_1113], %gather3A_1107 {strides = array<i32>} : memref<2x4x8x128xf32, #tpu.memory_space<vmem>>, vector<16xf32>,
        %gather3A_1115 = tpu.vector_load_idx %arg20[%get3A_994] : memref<32xf32, #tpu.memory_space<vmem>>[vector<16xi32>], vector<16xf32>,
        %swap3A_1116 = arith.constant 1 : i32
        %swap3A_1117 = arith.constant 7 : i32
        %swap3A_1118 = arith.index_cast %swap3A_1116 : i32 to index
        %swap3A_1119 = arith.index_cast %select_n3A_971 : i32 to index
        %swap3A_1120 = arith.index_cast %swap3A_1117 : i32 to index
        %swap3A_1121 = arith.index_cast %mul3A_989 : i32 to index
        %swap3A_1122 = tpu.vector_load %arg23[%swap3A_1118, %swap3A_1119, %swap3A_1120, %swap3A_1121] {strides = array<i32>} : memref<2x4x8x128xf32, #tpu.memory_space<vmem>>, vector<16xf32>,
        tpu.vector_store %arg23[%swap3A_1118, %swap3A_1119, %swap3A_1120, %swap3A_1121], %gather3A_1115 {strides = array<i32>} : memref<2x4x8x128xf32, #tpu.memory_space<vmem>>, vector<16xf32>,
      }
      %scan3A_365 = arith.constant 32 : i32
      %add3A_366 = arith.constant 1 : i32
      %add3A_367 = arith.addi %add3A_218, %add3A_366 : i32
      %mul3A_368 = arith.constant 4 : i32
      %mul3A_369 = arith.muli %add3A, %mul3A_368 : i32
      %dma_start3A_370 = arith.constant 0 : i32
      %dma_start3A_371 = arith.constant 0 : i32
      %dma_start3A_372 = arith.constant 0 : i32
      %dma_start3A_373 = arith.constant 0 : i32
      %dma_start3A_374 = arith.constant 0 : i32
      %dma_start3A_375 = tpu.memref_slice %arg23[%dma_start3A_370, %dma_start3A_372, %dma_start3A_373, %dma_start3A_374] : memref<2x4x8x128xf32, #tpu.memory_space<vmem>> -> memref<1x4x8x128xf32, #tpu.memory_space<vmem>>
      %dma_start3A_376 = tpu.memref_squeeze %dma_start3A_375 : memref<1x4x8x128xf32, #tpu.memory_space<vmem>> -> memref<4x8x128xf32, #tpu.memory_space<vmem>>
      %dma_start3A_377 = arith.constant 0 : i32
      %dma_start3A_378 = arith.constant 0 : i32
      %dma_start3A_379 = tpu.memref_slice %arg4[%add3A_367, %dma_start3A_371, %mul3A_369, %dma_start3A_377, %dma_start3A_378] : memref<50x2x128x8x128xf32, #tpu.memory_space<hbm>> -> memref<1x1x4x8x128xf32, #tpu.memory_space<hbm>>
      %dma_start3A_380 = tpu.memref_squeeze %dma_start3A_379 : memref<1x1x4x8x128xf32, #tpu.memory_space<hbm>> -> memref<4x8x128xf32, #tpu.memory_space<hbm>>
      %dma_start3A_381 = arith.constant 0 : i32
      %dma_start3A_382 = arith.constant 0 : i32
      %dma_start3A_383 = tpu.memref_slice %arg4[%add3A_367, %dma_start3A_371, %mul3A_369, %dma_start3A_381, %dma_start3A_382] : memref<50x2x128x8x128xf32, #tpu.memory_space<hbm>> -> memref<1x1x4x8x128xf32, #tpu.memory_space<hbm>>
      %dma_start3A_384 = tpu.memref_squeeze %dma_start3A_383 : memref<1x1x4x8x128xf32, #tpu.memory_space<hbm>> -> memref<4x8x128xf32, #tpu.memory_space<hbm>>
      %dma_start3A_385 = arith.constant 0 : i32
      %dma_start3A_386 = arith.constant 0 : i32
      %dma_start3A_387 = arith.constant 0 : i32
      %dma_start3A_388 = tpu.memref_slice %arg23[%dma_start3A_370, %dma_start3A_385, %dma_start3A_386, %dma_start3A_387] : memref<2x4x8x128xf32, #tpu.memory_space<vmem>> -> memref<1x4x8x128xf32, #tpu.memory_space<vmem>>
      %dma_start3A_389 = tpu.memref_squeeze %dma_start3A_388 : memref<1x4x8x128xf32, #tpu.memory_space<vmem>> -> memref<4x8x128xf32, #tpu.memory_space<vmem>>
      tpu.enqueue_dma source(%dma_start3A_389 : memref<4x8x128xf32, #tpu.memory_space<vmem>>) target(%dma_start3A_384 : memref<4x8x128xf32, #tpu.memory_space<hbm>>) target_semaphore(%arg25 : memref<!tpu.dma_semaphore, #tpu.memory_space<semaphore_mem>>)
      %mul3A_390 = arith.constant 4 : i32
      %mul3A_391 = arith.muli %add3A, %mul3A_390 : i32
      %dma_start3A_392 = arith.constant 1 : i32
      %dma_start3A_393 = arith.constant 1 : i32
      %dma_start3A_394 = arith.constant 0 : i32
      %dma_start3A_395 = arith.constant 0 : i32
      %dma_start3A_396 = arith.constant 0 : i32
      %dma_start3A_397 = tpu.memref_slice %arg23[%dma_start3A_392, %dma_start3A_394, %dma_start3A_395, %dma_start3A_396] : memref<2x4x8x128xf32, #tpu.memory_space<vmem>> -> memref<1x4x8x128xf32, #tpu.memory_space<vmem>>
      %dma_start3A_398 = tpu.memref_squeeze %dma_start3A_397 : memref<1x4x8x128xf32, #tpu.memory_space<vmem>> -> memref<4x8x128xf32, #tpu.memory_space<vmem>>
      %dma_start3A_399 = arith.constant 0 : i32
      %dma_start3A_400 = arith.constant 0 : i32
      %dma_start3A_401 = tpu.memref_slice %arg4[%add3A_367, %dma_start3A_393, %mul3A_391, %dma_start3A_399, %dma_start3A_400] : memref<50x2x128x8x128xf32, #tpu.memory_space<hbm>> -> memref<1x1x4x8x128xf32, #tpu.memory_space<hbm>>
      %dma_start3A_402 = tpu.memref_squeeze %dma_start3A_401 : memref<1x1x4x8x128xf32, #tpu.memory_space<hbm>> -> memref<4x8x128xf32, #tpu.memory_space<hbm>>
      %dma_start3A_403 = arith.constant 0 : i32
      %dma_start3A_404 = arith.constant 0 : i32
      %dma_start3A_405 = tpu.memref_slice %arg4[%add3A_367, %dma_start3A_393, %mul3A_391, %dma_start3A_403, %dma_start3A_404] : memref<50x2x128x8x128xf32, #tpu.memory_space<hbm>> -> memref<1x1x4x8x128xf32, #tpu.memory_space<hbm>>
      %dma_start3A_406 = tpu.memref_squeeze %dma_start3A_405 : memref<1x1x4x8x128xf32, #tpu.memory_space<hbm>> -> memref<4x8x128xf32, #tpu.memory_space<hbm>>
      %dma_start3A_407 = arith.constant 0 : i32
      %dma_start3A_408 = arith.constant 0 : i32
      %dma_start3A_409 = arith.constant 0 : i32
      %dma_start3A_410 = tpu.memref_slice %arg23[%dma_start3A_392, %dma_start3A_407, %dma_start3A_408, %dma_start3A_409] : memref<2x4x8x128xf32, #tpu.memory_space<vmem>> -> memref<1x4x8x128xf32, #tpu.memory_space<vmem>>
      %dma_start3A_411 = tpu.memref_squeeze %dma_start3A_410 : memref<1x4x8x128xf32, #tpu.memory_space<vmem>> -> memref<4x8x128xf32, #tpu.memory_space<vmem>>
      tpu.enqueue_dma source(%dma_start3A_411 : memref<4x8x128xf32, #tpu.memory_space<vmem>>) target(%dma_start3A_406 : memref<4x8x128xf32, #tpu.memory_space<hbm>>) target_semaphore(%arg25 : memref<!tpu.dma_semaphore, #tpu.memory_space<semaphore_mem>>)
    }
    %scan3A_122 = arith.constant 24 : i32
    %mul3A_123 = arith.constant 4 : i32
    %mul3A_124 = arith.muli %add3A, %mul3A_123 : i32
    %dma_wait3A = arith.constant 0 : i32
    %dma_wait3A_125 = arith.constant 48 : i32
    %dma_wait3A_126 = arith.constant 0 : i32
    %dma_wait3A_127 = arith.constant 0 : i32
    %dma_wait3A_128 = arith.constant 0 : i32
    %dma_wait3A_129 = arith.constant 0 : i32
    %dma_wait3A_130 = tpu.memref_slice %arg22[%dma_wait3A, %dma_wait3A_127, %dma_wait3A_128, %dma_wait3A_129] : memref<2x4x8x128xf32, #tpu.memory_space<vmem>> -> memref<1x4x8x128xf32, #tpu.memory_space<vmem>>
    %dma_wait3A_131 = tpu.memref_squeeze %dma_wait3A_130 : memref<1x4x8x128xf32, #tpu.memory_space<vmem>> -> memref<4x8x128xf32, #tpu.memory_space<vmem>>
    %dma_wait3A_132 = arith.constant 0 : i32
    %dma_wait3A_133 = arith.constant 0 : i32
    %dma_wait3A_134 = tpu.memref_slice %arg4[%dma_wait3A_125, %dma_wait3A_126, %mul3A_124, %dma_wait3A_132, %dma_wait3A_133] : memref<50x2x128x8x128xf32, #tpu.memory_space<hbm>> -> memref<1x1x4x8x128xf32, #tpu.memory_space<hbm>>
    %dma_wait3A_135 = tpu.memref_squeeze %dma_wait3A_134 : memref<1x1x4x8x128xf32, #tpu.memory_space<hbm>> -> memref<4x8x128xf32, #tpu.memory_space<hbm>>
    %dma_wait3A_136 = arith.constant 0 : i32
    %dma_wait3A_137 = arith.constant 0 : i32
    %dma_wait3A_138 = tpu.memref_slice %arg4[%dma_wait3A_125, %dma_wait3A_126, %mul3A_124, %dma_wait3A_136, %dma_wait3A_137] : memref<50x2x128x8x128xf32, #tpu.memory_space<hbm>> -> memref<1x1x4x8x128xf32, #tpu.memory_space<hbm>>
    %dma_wait3A_139 = tpu.memref_squeeze %dma_wait3A_138 : memref<1x1x4x8x128xf32, #tpu.memory_space<hbm>> -> memref<4x8x128xf32, #tpu.memory_space<hbm>>
    %dma_wait3A_140 = arith.constant 0 : i32
    %dma_wait3A_141 = arith.constant 0 : i32
    %dma_wait3A_142 = arith.constant 0 : i32
    %dma_wait3A_143 = tpu.memref_slice %arg22[%dma_wait3A, %dma_wait3A_140, %dma_wait3A_141, %dma_wait3A_142] : memref<2x4x8x128xf32, #tpu.memory_space<vmem>> -> memref<1x4x8x128xf32, #tpu.memory_space<vmem>>
    %dma_wait3A_144 = tpu.memref_squeeze %dma_wait3A_143 : memref<1x4x8x128xf32, #tpu.memory_space<vmem>> -> memref<4x8x128xf32, #tpu.memory_space<vmem>>
    tpu.wait_dma2 semaphore(%arg24 : memref<!tpu.dma_semaphore, #tpu.memory_space<semaphore_mem>>) src(%dma_wait3A_144 : memref<4x8x128xf32, #tpu.memory_space<vmem>>) dst(%dma_wait3A_139 : memref<4x8x128xf32, #tpu.memory_space<hbm>>)
    %mul3A_145 = arith.constant 4 : i32
    %mul3A_146 = arith.muli %add3A, %mul3A_145 : i32
    %dma_wait3A_147 = arith.constant 1 : i32
    %dma_wait3A_148 = arith.constant 48 : i32
    %dma_wait3A_149 = arith.constant 1 : i32
    %dma_wait3A_150 = arith.constant 0 : i32
    %dma_wait3A_151 = arith.constant 0 : i32
    %dma_wait3A_152 = arith.constant 0 : i32
    %dma_wait3A_153 = tpu.memref_slice %arg22[%dma_wait3A_147, %dma_wait3A_150, %dma_wait3A_151, %dma_wait3A_152] : memref<2x4x8x128xf32, #tpu.memory_space<vmem>> -> memref<1x4x8x128xf32, #tpu.memory_space<vmem>>
    %dma_wait3A_154 = tpu.memref_squeeze %dma_wait3A_153 : memref<1x4x8x128xf32, #tpu.memory_space<vmem>> -> memref<4x8x128xf32, #tpu.memory_space<vmem>>
    %dma_wait3A_155 = arith.constant 0 : i32
    %dma_wait3A_156 = arith.constant 0 : i32
    %dma_wait3A_157 = tpu.memref_slice %arg4[%dma_wait3A_148, %dma_wait3A_149, %mul3A_146, %dma_wait3A_155, %dma_wait3A_156] : memref<50x2x128x8x128xf32, #tpu.memory_space<hbm>> -> memref<1x1x4x8x128xf32, #tpu.memory_space<hbm>>
    %dma_wait3A_158 = tpu.memref_squeeze %dma_wait3A_157 : memref<1x1x4x8x128xf32, #tpu.memory_space<hbm>> -> memref<4x8x128xf32, #tpu.memory_space<hbm>>
    %dma_wait3A_159 = arith.constant 0 : i32
    %dma_wait3A_160 = arith.constant 0 : i32
    %dma_wait3A_161 = tpu.memref_slice %arg4[%dma_wait3A_148, %dma_wait3A_149, %mul3A_146, %dma_wait3A_159, %dma_wait3A_160] : memref<50x2x128x8x128xf32, #tpu.memory_space<hbm>> -> memref<1x1x4x8x128xf32, #tpu.memory_space<hbm>>
    %dma_wait3A_162 = tpu.memref_squeeze %dma_wait3A_161 : memref<1x1x4x8x128xf32, #tpu.memory_space<hbm>> -> memref<4x8x128xf32, #tpu.memory_space<hbm>>
    %dma_wait3A_163 = arith.constant 0 : i32
    %dma_wait3A_164 = arith.constant 0 : i32
    %dma_wait3A_165 = arith.constant 0 : i32
    %dma_wait3A_166 = tpu.memref_slice %arg22[%dma_wait3A_147, %dma_wait3A_163, %dma_wait3A_164, %dma_wait3A_165] : memref<2x4x8x128xf32, #tpu.memory_space<vmem>> -> memref<1x4x8x128xf32, #tpu.memory_space<vmem>>
    %dma_wait3A_167 = tpu.memref_squeeze %dma_wait3A_166 : memref<1x4x8x128xf32, #tpu.memory_space<vmem>> -> memref<4x8x128xf32, #tpu.memory_space<vmem>>
    tpu.wait_dma2 semaphore(%arg24 : memref<!tpu.dma_semaphore, #tpu.memory_space<semaphore_mem>>) src(%dma_wait3A_167 : memref<4x8x128xf32, #tpu.memory_space<vmem>>) dst(%dma_wait3A_162 : memref<4x8x128xf32, #tpu.memory_space<hbm>>)
    %mul3A_168 = arith.constant 4 : i32
    %mul3A_169 = arith.muli %add3A, %mul3A_168 : i32
    %dma_wait3A_170 = arith.constant 0 : i32
    %dma_wait3A_171 = arith.constant 49 : i32
    %dma_wait3A_172 = arith.constant 0 : i32
    %dma_wait3A_173 = arith.constant 0 : i32
    %dma_wait3A_174 = arith.constant 0 : i32
    %dma_wait3A_175 = arith.constant 0 : i32
    %dma_wait3A_176 = tpu.memref_slice %arg23[%dma_wait3A_170, %dma_wait3A_173, %dma_wait3A_174, %dma_wait3A_175] : memref<2x4x8x128xf32, #tpu.memory_space<vmem>> -> memref<1x4x8x128xf32, #tpu.memory_space<vmem>>
    %dma_wait3A_177 = tpu.memref_squeeze %dma_wait3A_176 : memref<1x4x8x128xf32, #tpu.memory_space<vmem>> -> memref<4x8x128xf32, #tpu.memory_space<vmem>>
    %dma_wait3A_178 = arith.constant 0 : i32
    %dma_wait3A_179 = arith.constant 0 : i32
    %dma_wait3A_180 = tpu.memref_slice %arg4[%dma_wait3A_171, %dma_wait3A_172, %mul3A_169, %dma_wait3A_178, %dma_wait3A_179] : memref<50x2x128x8x128xf32, #tpu.memory_space<hbm>> -> memref<1x1x4x8x128xf32, #tpu.memory_space<hbm>>
    %dma_wait3A_181 = tpu.memref_squeeze %dma_wait3A_180 : memref<1x1x4x8x128xf32, #tpu.memory_space<hbm>> -> memref<4x8x128xf32, #tpu.memory_space<hbm>>
    %dma_wait3A_182 = arith.constant 0 : i32
    %dma_wait3A_183 = arith.constant 0 : i32
    %dma_wait3A_184 = tpu.memref_slice %arg4[%dma_wait3A_171, %dma_wait3A_172, %mul3A_169, %dma_wait3A_182, %dma_wait3A_183] : memref<50x2x128x8x128xf32, #tpu.memory_space<hbm>> -> memref<1x1x4x8x128xf32, #tpu.memory_space<hbm>>
    %dma_wait3A_185 = tpu.memref_squeeze %dma_wait3A_184 : memref<1x1x4x8x128xf32, #tpu.memory_space<hbm>> -> memref<4x8x128xf32, #tpu.memory_space<hbm>>
    %dma_wait3A_186 = arith.constant 0 : i32
    %dma_wait3A_187 = arith.constant 0 : i32
    %dma_wait3A_188 = arith.constant 0 : i32
    %dma_wait3A_189 = tpu.memref_slice %arg23[%dma_wait3A_170, %dma_wait3A_186, %dma_wait3A_187, %dma_wait3A_188] : memref<2x4x8x128xf32, #tpu.memory_space<vmem>> -> memref<1x4x8x128xf32, #tpu.memory_space<vmem>>
    %dma_wait3A_190 = tpu.memref_squeeze %dma_wait3A_189 : memref<1x4x8x128xf32, #tpu.memory_space<vmem>> -> memref<4x8x128xf32, #tpu.memory_space<vmem>>
    tpu.wait_dma2 semaphore(%arg25 : memref<!tpu.dma_semaphore, #tpu.memory_space<semaphore_mem>>) src(%dma_wait3A_190 : memref<4x8x128xf32, #tpu.memory_space<vmem>>) dst(%dma_wait3A_185 : memref<4x8x128xf32, #tpu.memory_space<hbm>>)
    %mul3A_191 = arith.constant 4 : i32
    %mul3A_192 = arith.muli %add3A, %mul3A_191 : i32
    %dma_wait3A_193 = arith.constant 1 : i32
    %dma_wait3A_194 = arith.constant 49 : i32
    %dma_wait3A_195 = arith.constant 1 : i32
    %dma_wait3A_196 = arith.constant 0 : i32
    %dma_wait3A_197 = arith.constant 0 : i32
    %dma_wait3A_198 = arith.constant 0 : i32
    %dma_wait3A_199 = tpu.memref_slice %arg23[%dma_wait3A_193, %dma_wait3A_196, %dma_wait3A_197, %dma_wait3A_198] : memref<2x4x8x128xf32, #tpu.memory_space<vmem>> -> memref<1x4x8x128xf32, #tpu.memory_space<vmem>>
    %dma_wait3A_200 = tpu.memref_squeeze %dma_wait3A_199 : memref<1x4x8x128xf32, #tpu.memory_space<vmem>> -> memref<4x8x128xf32, #tpu.memory_space<vmem>>
    %dma_wait3A_201 = arith.constant 0 : i32
    %dma_wait3A_202 = arith.constant 0 : i32
    %dma_wait3A_203 = tpu.memref_slice %arg4[%dma_wait3A_194, %dma_wait3A_195, %mul3A_192, %dma_wait3A_201, %dma_wait3A_202] : memref<50x2x128x8x128xf32, #tpu.memory_space<hbm>> -> memref<1x1x4x8x128xf32, #tpu.memory_space<hbm>>
    %dma_wait3A_204 = tpu.memref_squeeze %dma_wait3A_203 : memref<1x1x4x8x128xf32, #tpu.memory_space<hbm>> -> memref<4x8x128xf32, #tpu.memory_space<hbm>>
    %dma_wait3A_205 = arith.constant 0 : i32
    %dma_wait3A_206 = arith.constant 0 : i32
    %dma_wait3A_207 = tpu.memref_slice %arg4[%dma_wait3A_194, %dma_wait3A_195, %mul3A_192, %dma_wait3A_205, %dma_wait3A_206] : memref<50x2x128x8x128xf32, #tpu.memory_space<hbm>> -> memref<1x1x4x8x128xf32, #tpu.memory_space<hbm>>
    %dma_wait3A_208 = tpu.memref_squeeze %dma_wait3A_207 : memref<1x1x4x8x128xf32, #tpu.memory_space<hbm>> -> memref<4x8x128xf32, #tpu.memory_space<hbm>>
    %dma_wait3A_209 = arith.constant 0 : i32
    %dma_wait3A_210 = arith.constant 0 : i32
    %dma_wait3A_211 = arith.constant 0 : i32
    %dma_wait3A_212 = tpu.memref_slice %arg23[%dma_wait3A_193, %dma_wait3A_209, %dma_wait3A_210, %dma_wait3A_211] : memref<2x4x8x128xf32, #tpu.memory_space<vmem>> -> memref<1x4x8x128xf32, #tpu.memory_space<vmem>>
    %dma_wait3A_213 = tpu.memref_squeeze %dma_wait3A_212 : memref<1x4x8x128xf32, #tpu.memory_space<vmem>> -> memref<4x8x128xf32, #tpu.memory_space<vmem>>
    tpu.wait_dma2 semaphore(%arg25 : memref<!tpu.dma_semaphore, #tpu.memory_space<semaphore_mem>>) src(%dma_wait3A_213 : memref<4x8x128xf32, #tpu.memory_space<vmem>>) dst(%dma_wait3A_208 : memref<4x8x128xf32, #tpu.memory_space<hbm>>)
    return
  }
}

module attributes {stable_mosaic.version = 14 : i64} {
  func.func @_table_body(%arg0: memref<27x300xf32, #tpu.memory_space<vmem>>, %arg1: memref<16x300xf32, #tpu.memory_space<vmem>>, %arg2: memref<16x1xf32, #tpu.memory_space<vmem>>, %arg3: memref<16x32xf32, #tpu.memory_space<vmem>>) attributes {dimension_semantics = [], scalar_prefetch = 0 : i64, scratch_operands = 0 : i64, tpu.core_type = #tpu.core_type<tc>} {
    %get3A = arith.constant 0 : index
    %get3A_0 = arith.constant 0 : index
    %get3A_1 = vector.load %arg0[%get3A, %get3A_0] : memref<27x300xf32, #tpu.memory_space<vmem>>, vector<27x300xf32>
    %get3A_2 = arith.constant 0 : index
    %get3A_3 = arith.constant 0 : index
    %get3A_4 = vector.load %arg1[%get3A_2, %get3A_3] : memref<16x300xf32, #tpu.memory_space<vmem>>, vector<16x300xf32>
    %dot_general3A = arith.constant dense<0.000000e+00> : vector<16x27xf32>
    %dot_general3A_5 = tpu.matmul %get3A_4, %get3A_1, %dot_general3A {dimension_numbers = #tpu.dot_dimension_numbers<[1], [1], [0], [0], [0, 0, 1, 0], [], []>, transpose_lhs_hint = false} : vector<16x300xf32>, vector<27x300xf32>, vector<16x27xf32> -> vector<16x27xf32>
    %get3A_6 = arith.constant 0 : index
    %get3A_7 = arith.constant 0 : index
    %get3A_8 = vector.load %arg2[%get3A_6, %get3A_7] : memref<16x1xf32, #tpu.memory_space<vmem>>, vector<16x1xf32>
    %add3A = vector.broadcast %get3A_8 : vector<16x1xf32> to vector<16x27xf32>
    %add3A_9 = arith.addf %dot_general3A_5, %add3A : vector<16x27xf32>
    %swap3A = arith.constant 0 : index
    %swap3A_10 = arith.constant 0 : index
    %swap3A_11 = vector.load %arg3[%swap3A, %swap3A_10] : memref<16x32xf32, #tpu.memory_space<vmem>>, vector<16x27xf32>
    tpu.vector_store %arg3[%swap3A, %swap3A_10], %add3A_9 {strides = array<i32>} : memref<16x32xf32, #tpu.memory_space<vmem>>, vector<16x27xf32>,
    return
  }
}

</mosaic_0001>

<sc_bundles>
// kernel: kernel.4.cloned.1.call-start
scs
__scs_entry_jumppad:
0x0: {  	(pc) =	sbr.rel $0x88, $3  }
0x1: {  	(tag) =	ssettag $0x0;
	lr =	simm.s32 $0x1  }
0x2: {  	[smem:$0x3F9D] =	sst lr;
	_ =	strace $0xD0000000  }
0x3: {  	_ = 	snop  }
0x4: {  	_ = 	snop  }
0x5: {  	_ = 	snop  }
0x6: {  	_ = 	snop  }
0x7: {  	_ = 	snop  }
__scs_overlays_trampoline_lowered:
0x8: {  	[smem:$0x3FAC] =	sst s0  }
0x9: {  	[smem:$0x3FAD] =	sst s1  }
0xa: {  	[smem:$0x3FAE] =	sst s2  }
0xb: {  	[smem:$0x3FAF] =	sst s3  }
0xc: {  	[smem:$0x3FB0] =	sst s4  }
0xd: {  	[smem:$0x3FB1] =	sst s5  }
0xe: {  	[smem:$0x3FB2] =	sst s6  }
0xf: {  	[smem:$0x3FB3] =	sst s7  }
0x10: {  	[smem:$0x3FB4] =	sst s8  }
0x11: {  	[smem:$0x3FB5] =	sst s9;
	s0 =	simm.s32 @!p0 $0x0  }
0x12: {  	s1 =	sld [smem:$0x3F9B];
	s0 =	simm.s32 @p0 $0x1  }
0x13: {  	[smem:$0x3FB6] =	sst s0;
	s0 =	simm.s32 @!p1 $0x0  }
0x14: {  	s2 =	sld [smem:$0x3F9A];
	s0 =	simm.s32 @p1 $0x1  }
0x15: {  	[smem:$0x3FB7] =	sst s0;
	s0 =	simm.s32 @!p2 $0x0  }
0x16: {  	s3 =	sld [smem:$0x3FDB];
	s0 =	simm.s32 @p2 $0x1  }
0x17: {  	s4 =	simm.s32 $0x1BF5;
	[smem:$0x3FB9] =	sst s0  }
0x18: {  	s0 =	sld [smem:$0x3F9C];
	_ =	swait.ge [sflag:s4], $0x0  }
0x19: {  	s7 =	sld [smem:$0x3F9D]  }
0x1a: {  	s8 =	sadd.s32 $0xFFFFE003, lr  }
0x1b: {  	s9 =	sadd.s32 $0xFFFFFEF7, lr;
	s5 =	simm.s32 $0xFFFFFFFF;
	p2 =	slt.u32 s8, $0xFFFFF086  }
0x1c: {  	p1 =	slt.u32 s9, $0xF7A;
	s5 =	simm.s32 @!p2 $0x0  }
0x1d: {  	s5 =	simm.s32 @p1 $0x1;
	p0 =	seq.s32 s7, s2  }
0x1e: {  	s7 =	smul.u32 @!p0 $0xF7A, s2;
	p2 =	seq.s32 @!p0 s5, $0x0  }
0x1f: {  	s9 =	smul.u32 $0xF7A, s1;
	s8 =	simm.s32 @!p0 $0x1BF5;
	p2 =	por !p2, p0  }
0x20: {  	[sflag:s8] =	ssyncset.s32 @!p0 $0xFFFFF086;
	s6 =	sadd.s32 @!p0 s3, s7;
	s7 =	simm.s32 @!p0 $0x108  }
0x21: {  	s3 =	sadd.s32 s3, s9;
	s6 =	sadd.s32 @!p0 $0x88, s6;
	s7 =	simm.s32 @p2 $0x1082  }
0x22: {  	[simem:s7], [sflag:s8] =	dma.local @!p0 [hbm:s6], $0xF7A  }
0x23: {  	s9 =	sor.u32 $0xD0000000, s2;
	s6 =	simm.s32 $0x108;
	_ =	swait.ge @!p0 [sflag:s8], $0x0  }
0x24: {  	s3 =	sadd.s32 $0x88, s3;
	s6 =	simm.s32 @!p1 $0x1082;
	[sflag:s4] =	ssyncset.s32 $0xFFFFF086  }
0x25: {  	[simem:s6], [sflag:s4] =	dma.local [hbm:s3], $0xF7A  }
0x26: {  	[smem:$0x3F9D] =	sst s1;
	(tag) =	ssettag s2;
	_ =	strace s9  }
0x27: {  	s1 =	sld [smem:$0x3FAD]  }
0x28: {  	s2 =	sld [smem:$0x3FAE]  }
0x29: {  	s4 =	sld [smem:$0x3FB0]  }
0x2a: {  	p0 =	seq.s32 s5, $0x0;
	s5 =	sld [smem:$0x3FB1]  }
0x2b: {  	s6 =	sld [smem:$0x3FB2]  }
0x2c: {  	s7 =	sld [smem:$0x3FB3]  }
0x2d: {  	s3 =	simm.s32 $0x108;
	s8 =	sld [smem:$0x3FB4]  }
0x2e: {  	s3 =	simm.s32 @!p0 $0x1082;
	s9 =	sld [smem:$0x3FB5]  }
0x2f: {  	lr =	sadd.s32 s0, s3;
	s0 =	sld [smem:$0x3FAC]  }
0x30: {  	s3 =	sld [smem:$0x3FAF]  }
0x31: {  	[smem:$0x3FB8] =	sst s10  }
0x32: {  	s10 =	sld [smem:$0x3FB6];
	_ =	sdelay $0x3  }
0x33: {  	p0 =	seq.s32 s10, $0x1;
	s10 =	sld [smem:$0x3FB8];
	_ =	sdelay $0x3  }
0x34: {  	[smem:$0x3FB8] =	sst s10  }
0x35: {  	s10 =	sld [smem:$0x3FB7];
	_ =	sdelay $0x3  }
0x36: {  	p1 =	seq.s32 s10, $0x1;
	s10 =	sld [smem:$0x3FB8];
	_ =	sdelay $0x3  }
0x37: {  	[smem:$0x3FB8] =	sst s10  }
0x38: {  	s10 =	sld [smem:$0x3FB9]  }
0x39: {  	_ = 	snop;
	(pc) =	sbr.ind lr, $3  }
0x3a: {  	_ = 	snop  }
0x3b: {  	_ = 	snop  }
0x3c: {  	p2 =	seq.s32 s10, $0x1;
	s10 =	sld [smem:$0x3FB8]  }
0x3d: {  	_ =	shalt  }
0x3e: {  	_ =	shalt  }
0x3f: {  	_ =	shalt  }
0x40: {  	_ =	shalt  }
0x41: {  	_ =	shalt  }
0x42: {  	_ =	shalt  }
0x43: {  	_ =	shalt  }
0x44: {  	_ =	shalt  }
0x45: {  	_ =	shalt  }
0x46: {  	_ =	shalt  }
0x47: {  	_ =	shalt  }
0x48: {  	_ =	shalt  }
0x49: {  	_ =	shalt  }
0x4a: {  	_ =	shalt  }
0x4b: {  	_ =	shalt  }
0x4c: {  	_ =	shalt  }
0x4d: {  	_ =	shalt  }
0x4e: {  	_ =	shalt  }
0x4f: {  	_ =	shalt  }
0x50: {  	_ =	shalt  }
0x51: {  	_ =	shalt  }
0x52: {  	_ =	shalt  }
0x53: {  	_ =	shalt  }
0x54: {  	_ =	shalt  }
0x55: {  	_ =	shalt  }
0x56: {  	_ =	shalt  }
0x57: {  	_ =	shalt  }
0x58: {  	_ =	shalt  }
0x59: {  	_ =	shalt  }
0x5a: {  	_ =	shalt  }
0x5b: {  	_ =	shalt  }
0x5c: {  	_ =	shalt  }
0x5d: {  	_ =	shalt  }
0x5e: {  	_ =	shalt  }
0x5f: {  	_ =	shalt  }
0x60: {  	_ =	shalt  }
0x61: {  	_ =	shalt  }
0x62: {  	_ =	shalt  }
0x63: {  	_ =	shalt  }
0x64: {  	_ =	shalt  }
0x65: {  	_ =	shalt  }
0x66: {  	_ =	shalt  }
0x67: {  	_ =	shalt  }
0x68: {  	_ =	shalt  }
0x69: {  	_ =	shalt  }
0x6a: {  	_ =	shalt  }
0x6b: {  	_ =	shalt  }
0x6c: {  	_ =	shalt  }
0x6d: {  	_ =	shalt  }
0x6e: {  	_ =	shalt  }
0x6f: {  	_ =	shalt  }
0x70: {  	_ =	shalt  }
0x71: {  	_ =	shalt  }
0x72: {  	_ =	shalt  }
0x73: {  	_ =	shalt  }
0x74: {  	_ =	shalt  }
0x75: {  	_ =	shalt  }
0x76: {  	_ =	shalt  }
0x77: {  	_ =	shalt  }
0x78: {  	_ =	shalt  }
0x79: {  	_ =	shalt  }
0x7a: {  	_ =	shalt  }
0x7b: {  	_ =	shalt  }
0x7c: {  	_ =	shalt  }
0x7d: {  	_ =	shalt  }
0x7e: {  	_ =	shalt  }
0x7f: {  	_ =	shalt  }
0x80: {  	_ =	shalt  }
0x81: {  	_ =	shalt  }
0x82: {  	_ =	shalt  }
0x83: {  	_ =	shalt  }
0x84: {  	_ =	shalt  }
0x85: {  	_ =	shalt  }
0x86: {  	_ =	shalt  }
0x87: {  	_ =	shalt  }
.Lfunc_end0:
.L_simem_size_0:
called_computation_lowered:
.L_overlay_start_0:
0x88: {  	s2 =	sld [smem:$0x3FD9]  }
0x89: {  	s3 =	sld [smem:$0x3FFE];
	_ =	sdelay $0x1  }
0x8a: {  	s1 =	srdreg.scid  }
0x8b: {  	s0 =	sand.u32 $0x1, s1  }
0x8c: {  	s17 =	sshll.u32 s0, $0xA;
	s2 =	sadd.s32 s3, s2  }
0x8d: {  	s2 =	sadd.s32 s2, s17  }
0x8e: {  	[smem:$0x3FC4] =	sst s2  }
0x8f: {  	_ = 	snop  }
0x90: {  	s2 =	sld [smem:$0x3FD0];
	(tm) =	ssettm $0x1  }
0x91: {  	s18 =	sld [smem:$0x3FFB];
	_ =	sdelay $0x3  }
0x92: {  	_ =	strace s18  }
0x93: {  	s3 =	sld [smem:$0x3FFC];
	_ =	sdelay $0x3  }
0x94: {  	_ =	strace s3  }
0x95: {  	s3 =	sld [smem:$0x3FFD];
	_ =	sdelay $0x3  }
0x96: {  	_ =	strace s3  }
0x97: {  	_ =	strace $0x8FFFFFFF  }
0x98: {  	s19 =	sld [smem:$0x3FDB];
	_ =	sdelay $0x1  }
0x99: {  	s4 =	simm.s32 $_scs_section_size  }
0x9a: {  	s5 =	simm.s32 $_size__tile_overlayer_lowered;
	s6 =	simm.s32 $_tile_overlayer_lowered  }
0x9b: {  	s22 =	simm.s32 $0x1BFF;
	s21 =	sshll.u32 s6, $0x1;
	s3 =	sadd.s32 s4, s19  }
0x9c: {  	s7 =	simm.s32 $0x0;
	s20 =	sshll.u32 s5, $0x1;
	s5 =	sadd.s32 s21, s3  }
0x9d: {  	[timem:s7], [sflag:s22] =	dma.local [hbm:s5], s20  }
0x9e: {  	_ =	swait.ge [sflag:s22], s20  }
0x9f: {  	s4 =	ssub.s32 $0x0, s20;
	[sflag:s22] =	ssyncset.done $0x0  }
0xa0: {  	[sflag:s22] =	ssyncadd.s32 s4;
	_ =	sdelay $0x1  }
0xa1: {  	s23 =	simm.s32 $0x1B8B  }
0xa2: {  	_ =	swait.ge [sflag:s23], $0x1  }
0xa3: {  	[sflag:s23] =	ssyncset.done $0x0  }
0xa4: {  	s25 =	simm.s32 $0x1B8E;
	s24 =	sld [smem:$0x3FFE];
	[sflag:s23] =	ssyncadd.s32 $0xFFFFFFFF  }
0xa5: {  	s26 =	simm.s32 $execute0_lowered;
	[smem:$0x3FD2] =	sst s25  }
0xa6: {  	s5 =	sshll.u32 s26, $0x1;
	_ =	strace $0x80000046;
	[dreg:$0x1] =	wrdreg $0xFFFFFFFF  }
0xa7: {  	s28 =	simm.s32 $_size_execute0_lowered;
	s3 =	sadd.s32 s3, s5;
	[dreg:$0x0] =	wrdreg $0x0  }
0xa8: {  	s5 =	sshll.u32 s28, $0x1;
	[dreg:$0x2] =	wrdreg s3  }
0xa9: {  	[dreg:$0x3] =	wrdreg s5  }
0xaa: {  	[dreg:$0x4] =	wrdreg $0xC0  }
0xab: {  	_ =	task [dreg:s7], $0x5FFFF  }
0xac: {  	[dreg:$0x1] =	wrdreg $0xFFFFFFFF  }
0xad: {  	[dreg:$0x0] =	wrdreg $0x60  }
0xae: {  	[dreg:$0x2] =	wrdreg s24  }
0xaf: {  	[dreg:$0x3] =	wrdreg s2  }
0xb0: {  	[dreg:$0x4] =	wrdreg $0x9  }
0xb1: {  	_ =	task.clear_ibuf [dreg:s7], $0x5FFFF;
	_ =	strace $0x90000046  }
0xb2: {  	s29 =	simm.s32 $0x9;
	_ =	strace $0x80000048  }
0xb3: {  	_ =	swait.ge [sflag:s29], $0x1  }
0xb4: {  	[sflag:s29] =	ssyncadd.s32 $0xFFFFFFFF  }
0xb5: {  	_ =	strace $0x90000048  }
0xb6: {  	_ =	sfence  }
0xb7: {  	s30 =	sld [smem:$0x0];
	_ =	sdelay $0x2  }
0xb8: {  	s31 =	sshll.u32 s1, $0xD;
	s1 =	sshrl.u32 s1, $0x2  }
0xb9: {  	s3 =	sand.u32 $0x4000, s31;
	s1 =	sadd.s32 s1, s30  }
0xba: {  	s0 =	sor.u32 s3, s0;
	s1 =	sshll.u32 s1, $0x11  }
0xbb: {  	s0 =	sor.u32 s1, s0  }
0xbc: {  	s0 =	sadd.s32 $0x8F2B, s0  }
0xbd: {  	[sflag:s0] =	ssyncadd.remote.s32 $0x1  }
0xbe: {  	_ =	sfence.sel $0xFFFF  }
0xbf: {  	[dreg:$0x0] =	wrdreg $0xFFFFFFFF;
	(pc) =	sbr.abs _section_cstart, $3  }
0xc0: {  	[dreg:$0x1] =	wrdreg $0xFFFFFFFF  }
0xc1: {  	_ =	task.clear_ibuf [dreg:s7], $0x2FFFF;
	_ =	strace $0x9FFFFFFF  }
0xc2: {  	(tm) =	ssettm $0x7FFFFFFF  }
0xc3: {  	_ =	shalt  }
tec
execute0_lowered:
.L_overlay_start_1:
0x0: {  	(tag) =	ssettag $0x1  }
0x1: {  	s0 =	rddreg [dreg:$0x0]  }
0x2: {  	s6 =	rddreg [dreg:$0x1];
	s3 =	simm.s32 $0x0  }
0x3: {  	[smem:$0x7FF] =	sst s3;
	s4 =	sadd.s32 $0x800, s0  }
0x4: {  	s7 =	sadd.s32 $0x804, s0;
	_ =	strace $0x80000047;
	[dreg:$0x3] =	wrdreg s4  }
0x5: {  	s8 =	sadd.s32 $0x808, s0;
	[dreg:$0x4] =	wrdreg s7  }
0x6: {  	s9 =	sadd.s32 $0x80C, s0;
	[dreg:$0x5] =	wrdreg s8  }
0x7: {  	s10 =	sadd.s32 $0x810, s0;
	[dreg:$0x6] =	wrdreg s9  }
0x8: {  	s11 =	sadd.s32 $0x814, s0;
	[dreg:$0x7] =	wrdreg s10  }
0x9: {  	s12 =	sadd.s32 $0x818, s0;
	[dreg:$0x8] =	wrdreg s11  }
0xa: {  	s13 =	sadd.s32 $0x81C, s0;
	[dreg:$0x9] =	wrdreg s12  }
0xb: {  	s1 =	srdreg.scid;
	s14 =	sadd.s32 $0x820, s0;
	[dreg:$0xa] =	wrdreg s13  }
0xc: {  	s2 =	stileid.u32;
	s15 =	sadd.s32 $0x824, s0;
	[dreg:$0xb] =	wrdreg s14  }
0xd: {  	s30 =	simm.s32 $0x20;
	s16 =	sadd.s32 $0x828, s0;
	[dreg:$0xc] =	wrdreg s15  }
0xe: {  	s31 =	simm.s32 $0x40;
	s17 =	sadd.s32 $0x82C, s0;
	[dreg:$0xd] =	wrdreg s16  }
0xf: {  	s1 =	sand.u32 $0x1, s1;
	s18 =	sadd.s32 $0x830, s0;
	[dreg:$0xe] =	wrdreg s17  }
0x10: {  	s2 =	sshll.u32 s2, $0x1;
	s19 =	sadd.s32 $0x834, s0;
	[dreg:$0xf] =	wrdreg s18  }
0x11: {  	s20 =	sadd.s32 $0x838, s0;
	s24 =	sadd.s32 $0x4000, s6;
	[dreg:$0x10] =	wrdreg s19  }
0x12: {  	s2 =	sor.u32 s1, s2;
	s1 =	ssub.s32 $0x2, s1;
	[dreg:$0x11] =	wrdreg s20  }
0x13: {  	[dreg:$0x15] =	wrdreg s24;
	s7 =	simm.s32 $0x100;
	s8 =	simm.s32 $0x120  }
0x14: {  	s9 =	simm.s32 $0x140;
	s10 =	simm.s32 $0x160;
	s11 =	simm.s32 $0x180  }
0x15: {  	s12 =	simm.s32 $0x1A0;
	s13 =	simm.s32 $0x1C0;
	s14 =	simm.s32 $0x1E0  }
0x16: {  	s29 =	sshll.u32 s2, $0x6;
	s22 =	sshll.u32 s2, $0xC;
	s23 =	sshll.u32 s2, $0x9  }
0x17: {  	s4 =	sadd.s32 s29, s0;
	s0 =	sadd.s32 $0x83C, s0;
	[dreg:$0x14] =	wrdreg s22  }
0x18: {  	s16 =	simm.s32 $0x0;
	s25 =	sadd.s32 s6, s23;
	[dreg:$0x12] =	wrdreg s0  }
0x19: {  	s5 =	sshrl.u32 s1, $0x1;
	s21 =	sadd.s32 $0xA00, s4;
	[dreg:$0x16] =	wrdreg s25  }
0x1a: {  	s1 =	ssub.s32 s1, s5;
	s0 =	sadd.s32 s23, s24;
	[dreg:$0x13] =	wrdreg s21  }
0x1b: {  	s5 =	simm.s32 $0xC0;
	s26 =	smax.u32 s1, $0x1;
	[dreg:$0x17] =	wrdreg s0  }
0x1c: {  	s6 =	simm.s32 $0xE0;
	s28 =	sadd.s32 $0x8000, s25;
	[dreg:$0x18] =	wrdreg s26  }
0x1d: {  	s29 =	sadd.s32 $0xC000, s25;
	s1 =	simm.s32 $0x80;
	[dreg:$0x19] =	wrdreg s28  }
0x1e: {  	s4 =	simm.s32 $0xA0;
	[dreg:$0x1a] =	wrdreg s29;
	s0 =	simm.s32 $0x60  }
.LBB2_1:
0x1f: {  	[dreg:$0x1b] =	wrdreg s16  }
0x20: {  	s2 =	rddreg [dreg:$0x3];
	s15 =	simm.s32 $0x3  }
0x21: {  	[tilespmem:s3], [sflag:$0x3] =	stream.linear.gather [hbm4b:s2+s3], $0x20, $0x38;
	[tilespmem:$0xA600] =	vst v63  }
0x22: {  	_ =	swait.ge [sflag:s15], $0x20  }
0x23: {  	[sflag:s15] =	ssyncset.done $0x0  }
0x24: {  	s25 =	rddreg [dreg:$0x4];
	[sflag:s15] =	ssyncadd.s32 $0xFFFFFFE0  }
0x25: {  	[tilespmem:s30], [sflag:$0x3] =	stream.linear.gather [hbm4b:s25+s3], $0x20, $0x38;
	[tilespmem:$0xA600] =	vst v63  }
0x26: {  	_ =	swait.ge [sflag:s15], $0x20  }
0x27: {  	[sflag:s15] =	ssyncset.done $0x0  }
0x28: {  	s26 =	rddreg [dreg:$0x5];
	[sflag:s15] =	ssyncadd.s32 $0xFFFFFFE0  }
0x29: {  	[tilespmem:s31], [sflag:$0x3] =	stream.linear.gather [hbm4b:s26+s3], $0x20, $0x38;
	[tilespmem:$0xA600] =	vst v63  }
0x2a: {  	_ =	swait.ge [sflag:s15], $0x20  }
0x2b: {  	[sflag:s15] =	ssyncset.done $0x0  }
0x2c: {  	s28 =	rddreg [dreg:$0x6];
	[sflag:s15] =	ssyncadd.s32 $0xFFFFFFE0  }
0x2d: {  	[tilespmem:s0], [sflag:$0x3] =	stream.linear.gather [hbm4b:s28+s3], $0x20, $0x38;
	[tilespmem:$0xA600] =	vst v63  }
0x2e: {  	_ =	swait.ge [sflag:s15], $0x20  }
0x2f: {  	[sflag:s15] =	ssyncset.done $0x0  }
0x30: {  	s29 =	rddreg [dreg:$0x7];
	[sflag:s15] =	ssyncadd.s32 $0xFFFFFFE0  }
0x31: {  	[tilespmem:s1], [sflag:$0x3] =	stream.linear.gather [hbm4b:s29+s3], $0x20, $0x38;
	[tilespmem:$0xA600] =	vst v63  }
0x32: {  	_ =	swait.ge [sflag:s15], $0x20  }
0x33: {  	[sflag:s15] =	ssyncset.done $0x0  }
0x34: {  	s16 =	rddreg [dreg:$0x8];
	[sflag:s15] =	ssyncadd.s32 $0xFFFFFFE0  }
0x35: {  	[tilespmem:s4], [sflag:$0x3] =	stream.linear.gather [hbm4b:s16+s3], $0x20, $0x38;
	[tilespmem:$0xA600] =	vst v63  }
0x36: {  	_ =	swait.ge [sflag:s15], $0x20  }
0x37: {  	[sflag:s15] =	ssyncset.done $0x0  }
0x38: {  	s17 =	rddreg [dreg:$0x9];
	[sflag:s15] =	ssyncadd.s32 $0xFFFFFFE0  }
0x39: {  	[tilespmem:s5], [sflag:$0x3] =	stream.linear.gather [hbm4b:s17+s3], $0x20, $0x38;
	[tilespmem:$0xA600] =	vst v63  }
0x3a: {  	_ =	swait.ge [sflag:s15], $0x20  }
0x3b: {  	[sflag:s15] =	ssyncset.done $0x0  }
0x3c: {  	s18 =	rddreg [dreg:$0xa];
	[sflag:s15] =	ssyncadd.s32 $0xFFFFFFE0  }
0x3d: {  	[tilespmem:s6], [sflag:$0x3] =	stream.linear.gather [hbm4b:s18+s3], $0x20, $0x38;
	[tilespmem:$0xA600] =	vst v63  }
0x3e: {  	_ =	swait.ge [sflag:s15], $0x20  }
0x3f: {  	[sflag:s15] =	ssyncset.done $0x0  }
0x40: {  	s19 =	rddreg [dreg:$0xb];
	[sflag:s15] =	ssyncadd.s32 $0xFFFFFFE0  }
0x41: {  	[tilespmem:s7], [sflag:$0x3] =	stream.linear.gather [hbm4b:s19+s3], $0x20, $0x38;
	[tilespmem:$0xA600] =	vst v63  }
0x42: {  	_ =	swait.ge [sflag:s15], $0x20  }
0x43: {  	[sflag:s15] =	ssyncset.done $0x0  }
0x44: {  	s20 =	rddreg [dreg:$0xc];
	[sflag:s15] =	ssyncadd.s32 $0xFFFFFFE0  }
0x45: {  	[tilespmem:s8], [sflag:$0x3] =	stream.linear.gather [hbm4b:s20+s3], $0x20, $0x38;
	[tilespmem:$0xA600] =	vst v63  }
0x46: {  	_ =	swait.ge [sflag:s15], $0x20  }
0x47: {  	[sflag:s15] =	ssyncset.done $0x0  }
0x48: {  	s21 =	rddreg [dreg:$0xd];
	[sflag:s15] =	ssyncadd.s32 $0xFFFFFFE0  }
0x49: {  	[tilespmem:s9], [sflag:$0x3] =	stream.linear.gather [hbm4b:s21+s3], $0x20, $0x38;
	[tilespmem:$0xA600] =	vst v63  }
0x4a: {  	_ =	swait.ge [sflag:s15], $0x20  }
0x4b: {  	[sflag:s15] =	ssyncset.done $0x0  }
0x4c: {  	s22 =	rddreg [dreg:$0xe];
	[sflag:s15] =	ssyncadd.s32 $0xFFFFFFE0  }
0x4d: {  	[tilespmem:s10], [sflag:$0x3] =	stream.linear.gather [hbm4b:s22+s3], $0x20, $0x38;
	[tilespmem:$0xA600] =	vst v63  }
0x4e: {  	_ =	swait.ge [sflag:s15], $0x20  }
0x4f: {  	[sflag:s15] =	ssyncset.done $0x0  }
0x50: {  	s23 =	rddreg [dreg:$0xf];
	[sflag:s15] =	ssyncadd.s32 $0xFFFFFFE0  }
0x51: {  	[tilespmem:s11], [sflag:$0x3] =	stream.linear.gather [hbm4b:s23+s3], $0x20, $0x38;
	[tilespmem:$0xA600] =	vst v63  }
0x52: {  	_ =	swait.ge [sflag:s15], $0x20  }
0x53: {  	[sflag:s15] =	ssyncset.done $0x0  }
0x54: {  	s24 =	rddreg [dreg:$0x10];
	[sflag:s15] =	ssyncadd.s32 $0xFFFFFFE0  }
0x55: {  	[tilespmem:s12], [sflag:$0x3] =	stream.linear.gather [hbm4b:s24+s3], $0x20, $0x38;
	[tilespmem:$0xA600] =	vst v63  }
0x56: {  	_ =	swait.ge [sflag:s15], $0x20  }
0x57: {  	[sflag:s15] =	ssyncset.done $0x0  }
0x58: {  	s25 =	rddreg [dreg:$0x11];
	[sflag:s15] =	ssyncadd.s32 $0xFFFFFFE0  }
0x59: {  	[tilespmem:s13], [sflag:$0x3] =	stream.linear.gather [hbm4b:s25+s3], $0x20, $0x38;
	[tilespmem:$0xA600] =	vst v63  }
0x5a: {  	_ =	swait.ge [sflag:s15], $0x20  }
0x5b: {  	[sflag:s15] =	ssyncset.done $0x0  }
0x5c: {  	s26 =	rddreg [dreg:$0x12];
	[sflag:s15] =	ssyncadd.s32 $0xFFFFFFE0  }
0x5d: {  	[tilespmem:s14], [sflag:$0x3] =	stream.linear.gather [hbm4b:s26+s3], $0x20, $0x38;
	[tilespmem:$0xA600] =	vst v63  }
0x5e: {  	_ =	swait.ge [sflag:s15], $0x20  }
0x5f: {  	s29 =	simm.s32 $0x4000;
	[sflag:s15] =	ssyncset.done $0x0  }
0x60: {  	s17 =	simm.s32 $0x200;
	s28 =	rddreg [dreg:$0x13];
	[sflag:s15] =	ssyncadd.s32 $0xFFFFFFE0  }
0x61: {  	[tilespmem:s17], [sflag:$0x3] =	stream.strided.gather [hbm4b:s28+s17], $0x6400, s29, s17, $0x38;
	[tilespmem:$0xA600] =	vst v63  }
0x62: {  	_ =	swait.ge [sflag:s15], $0x6400  }
0x63: {  	s16 =	simm.s32 $0x220;
	s23 =	simm.s32 $0xFFFFFFFC;
	[sflag:s15] =	ssyncset.done $0x0  }
0x64: {  	s17 =	simm.s32 $0x0;
	[sflag:s15] =	ssyncadd.s32 $0xFFFF9C00;
	s15 =	simm.s32 $0x30  }
.LBB2_2:
0x65: {  	v0 =	vld [tilespmem:s16+$0xFFFFFFE0];
	_ =	sdelay $0x7  }
0x66: {  	v1 =	vld.idx.msk [tilespmem:v0+s3+$0x0], $0xffff;
	_ =	sdelay $0x1  }
0x67: {  	s2 =	sadd.s32 $0xFFFFFFD0, s15;
	s26 =	sand.u32 $0xC00, s17  }
0x68: {  	s28 =	sand.u32 $0x40, s2;
	s18 =	sadd.s32 $0x6600, s26  }
0x69: {  	s2 =	sor.u32 s28, s18  }
0x6a: {  	[tilespmem:s2+$0x0] =	vst v1  }
0x6b: {  	v1 =	vld.idx.msk [tilespmem:v0+s30+$0x0], $0xffff;
	_ =	sdelay $0x4  }
0x6c: {  	[tilespmem:s2+$0x80] =	vst v1  }
0x6d: {  	v1 =	vld.idx.msk [tilespmem:v0+s31+$0x0], $0xffff;
	_ =	sdelay $0x4  }
0x6e: {  	[tilespmem:s2+$0x100] =	vst v1  }
0x6f: {  	v1 =	vld.idx.msk [tilespmem:v0+s0+$0x0], $0xffff;
	_ =	sdelay $0x4  }
0x70: {  	[tilespmem:s2+$0x180] =	vst v1  }
0x71: {  	v1 =	vld.idx.msk [tilespmem:v0+s1+$0x0], $0xffff;
	_ =	sdelay $0x4  }
0x72: {  	[tilespmem:s2+$0x200] =	vst v1  }
0x73: {  	v1 =	vld.idx.msk [tilespmem:v0+s4+$0x0], $0xffff;
	_ =	sdelay $0x4  }
0x74: {  	[tilespmem:s2+$0x280] =	vst v1  }
0x75: {  	v1 =	vld.idx.msk [tilespmem:v0+s5+$0x0], $0xffff;
	_ =	sdelay $0x4  }
0x76: {  	[tilespmem:s2+$0x300] =	vst v1  }
0x77: {  	v1 =	vld.idx.msk [tilespmem:v0+s6+$0x0], $0xffff;
	_ =	sdelay $0x4  }
0x78: {  	[tilespmem:s2+$0x380] =	vst v1  }
0x79: {  	v1 =	vld.idx.msk [tilespmem:v0+s7+$0x0], $0xffff;
	_ =	sdelay $0x2  }
0x7a: {  	s24 =	sadd.s32 $0x7600, s26  }
0x7b: {  	s21 =	sor.u32 s28, s24  }
0x7c: {  	[tilespmem:s21+$0x0] =	vst v1  }
0x7d: {  	v1 =	vld.idx.msk [tilespmem:v0+s8+$0x0], $0xffff;
	_ =	sdelay $0x2  }
0x7e: {  	s2 =	sadd.s32 $0x7680, s26  }
0x7f: {  	s19 =	sor.u32 s28, s2  }
0x80: {  	[tilespmem:s19+$0x0] =	vst v1  }
0x81: {  	v1 =	vld.idx.msk [tilespmem:v0+s9+$0x0], $0xffff;
	_ =	sdelay $0x2  }
0x82: {  	s21 =	sadd.s32 $0x7700, s26  }
0x83: {  	s22 =	sor.u32 s28, s21  }
0x84: {  	[tilespmem:s22+$0x0] =	vst v1  }
0x85: {  	v1 =	vld.idx.msk [tilespmem:v0+s10+$0x0], $0xffff;
	_ =	sdelay $0x2  }
0x86: {  	s22 =	sadd.s32 $0x7780, s26  }
0x87: {  	s25 =	sor.u32 s28, s22  }
0x88: {  	[tilespmem:s25+$0x0] =	vst v1  }
0x89: {  	v1 =	vld.idx.msk [tilespmem:v0+s11+$0x0], $0xffff;
	_ =	sdelay $0x2  }
0x8a: {  	s19 =	sadd.s32 $0x7800, s26  }
0x8b: {  	s20 =	sor.u32 s28, s19  }
0x8c: {  	[tilespmem:s20+$0x0] =	vst v1  }
0x8d: {  	v1 =	vld.idx.msk [tilespmem:v0+s12+$0x0], $0xffff;
	_ =	sdelay $0x2  }
0x8e: {  	s20 =	sadd.s32 $0x7880, s26  }
0x8f: {  	s25 =	sor.u32 s28, s20  }
0x90: {  	[tilespmem:s25+$0x0] =	vst v1  }
0x91: {  	v1 =	vld.idx.msk [tilespmem:v0+s13+$0x0], $0xffff;
	_ =	sdelay $0x2  }
0x92: {  	s25 =	sadd.s32 $0x7900, s26  }
0x93: {  	s29 =	sor.u32 s28, s25  }
0x94: {  	[tilespmem:s29+$0x0] =	vst v1  }
0x95: {  	v0 =	vld.idx.msk [tilespmem:v0+s14+$0x0], $0xffff;
	_ =	sdelay $0x2  }
0x96: {  	s26 =	sadd.s32 $0x7980, s26  }
0x97: {  	s28 =	sor.u32 s28, s26  }
0x98: {  	[tilespmem:s28+$0x0] =	vst v0  }
0x99: {  	v0 =	vld [tilespmem:s16+$0xFFFFFFF0];
	_ =	sdelay $0x7  }
0x9a: {  	v1 =	vld.idx.msk [tilespmem:v0+s3+$0x0], $0xffff;
	_ =	sdelay $0x1  }
0x9b: {  	s29 =	sadd.s32 $0xFFFFFFE0, s15  }
0x9c: {  	s28 =	sand.u32 $0x50, s29  }
0x9d: {  	s29 =	sor.u32 s28, s18  }
0x9e: {  	[tilespmem:s29+$0x0] =	vst v1  }
0x9f: {  	v1 =	vld.idx.msk [tilespmem:v0+s30+$0x0], $0xffff;
	_ =	sdelay $0x4  }
0xa0: {  	[tilespmem:s29+$0x80] =	vst v1  }
0xa1: {  	v1 =	vld.idx.msk [tilespmem:v0+s31+$0x0], $0xffff;
	_ =	sdelay $0x4  }
0xa2: {  	[tilespmem:s29+$0x100] =	vst v1  }
0xa3: {  	v1 =	vld.idx.msk [tilespmem:v0+s0+$0x0], $0xffff;
	_ =	sdelay $0x4  }
0xa4: {  	[tilespmem:s29+$0x180] =	vst v1  }
0xa5: {  	v1 =	vld.idx.msk [tilespmem:v0+s1+$0x0], $0xffff;
	_ =	sdelay $0x4  }
0xa6: {  	[tilespmem:s29+$0x200] =	vst v1  }
0xa7: {  	v1 =	vld.idx.msk [tilespmem:v0+s4+$0x0], $0xffff;
	_ =	sdelay $0x4  }
0xa8: {  	[tilespmem:s29+$0x280] =	vst v1  }
0xa9: {  	v1 =	vld.idx.msk [tilespmem:v0+s5+$0x0], $0xffff;
	_ =	sdelay $0x4  }
0xaa: {  	[tilespmem:s29+$0x300] =	vst v1  }
0xab: {  	v1 =	vld.idx.msk [tilespmem:v0+s6+$0x0], $0xffff;
	_ =	sdelay $0x4  }
0xac: {  	[tilespmem:s29+$0x380] =	vst v1  }
0xad: {  	v1 =	vld.idx.msk [tilespmem:v0+s7+$0x0], $0xffff;
	_ =	sdelay $0x3  }
0xae: {  	s29 =	sor.u32 s28, s24  }
0xaf: {  	[tilespmem:s29+$0x0] =	vst v1  }
0xb0: {  	v1 =	vld.idx.msk [tilespmem:v0+s8+$0x0], $0xffff;
	_ =	sdelay $0x3  }
0xb1: {  	s29 =	sor.u32 s28, s2  }
0xb2: {  	[tilespmem:s29+$0x0] =	vst v1  }
0xb3: {  	v1 =	vld.idx.msk [tilespmem:v0+s9+$0x0], $0xffff;
	_ =	sdelay $0x3  }
0xb4: {  	s29 =	sor.u32 s28, s21  }
0xb5: {  	[tilespmem:s29+$0x0] =	vst v1  }
0xb6: {  	v1 =	vld.idx.msk [tilespmem:v0+s10+$0x0], $0xffff;
	_ =	sdelay $0x3  }
0xb7: {  	s29 =	sor.u32 s28, s22  }
0xb8: {  	[tilespmem:s29+$0x0] =	vst v1  }
0xb9: {  	v1 =	vld.idx.msk [tilespmem:v0+s11+$0x0], $0xffff;
	_ =	sdelay $0x3  }
0xba: {  	s29 =	sor.u32 s28, s19  }
0xbb: {  	[tilespmem:s29+$0x0] =	vst v1  }
0xbc: {  	v1 =	vld.idx.msk [tilespmem:v0+s12+$0x0], $0xffff;
	_ =	sdelay $0x3  }
0xbd: {  	s29 =	sor.u32 s28, s20  }
0xbe: {  	[tilespmem:s29+$0x0] =	vst v1  }
0xbf: {  	v1 =	vld.idx.msk [tilespmem:v0+s13+$0x0], $0xffff;
	_ =	sdelay $0x3  }
0xc0: {  	s29 =	sor.u32 s28, s25  }
0xc1: {  	[tilespmem:s29+$0x0] =	vst v1  }
0xc2: {  	v0 =	vld.idx.msk [tilespmem:v0+s14+$0x0], $0xffff;
	_ =	sdelay $0x3  }
0xc3: {  	s28 =	sor.u32 s28, s26  }
0xc4: {  	[tilespmem:s28+$0x0] =	vst v0  }
0xc5: {  	v0 =	vld [tilespmem:s16+$0x0];
	_ =	sdelay $0x7  }
0xc6: {  	v1 =	vld.idx.msk [tilespmem:v0+s3+$0x0], $0xffff;
	_ =	sdelay $0x1  }
0xc7: {  	s29 =	sadd.s32 $0xFFFFFFF0, s15  }
0xc8: {  	s28 =	sand.u32 $0x60, s29  }
0xc9: {  	s29 =	sor.u32 s28, s18  }
0xca: {  	[tilespmem:s29+$0x0] =	vst v1  }
0xcb: {  	v1 =	vld.idx.msk [tilespmem:v0+s30+$0x0], $0xffff;
	_ =	sdelay $0x4  }
0xcc: {  	[tilespmem:s29+$0x80] =	vst v1  }
0xcd: {  	v1 =	vld.idx.msk [tilespmem:v0+s31+$0x0], $0xffff;
	_ =	sdelay $0x4  }
0xce: {  	[tilespmem:s29+$0x100] =	vst v1  }
0xcf: {  	v1 =	vld.idx.msk [tilespmem:v0+s0+$0x0], $0xffff;
	_ =	sdelay $0x4  }
0xd0: {  	[tilespmem:s29+$0x180] =	vst v1  }
0xd1: {  	v1 =	vld.idx.msk [tilespmem:v0+s1+$0x0], $0xffff;
	_ =	sdelay $0x4  }
0xd2: {  	[tilespmem:s29+$0x200] =	vst v1  }
0xd3: {  	v1 =	vld.idx.msk [tilespmem:v0+s4+$0x0], $0xffff;
	_ =	sdelay $0x4  }
0xd4: {  	[tilespmem:s29+$0x280] =	vst v1  }
0xd5: {  	v1 =	vld.idx.msk [tilespmem:v0+s5+$0x0], $0xffff;
	_ =	sdelay $0x4  }
0xd6: {  	[tilespmem:s29+$0x300] =	vst v1  }
0xd7: {  	v1 =	vld.idx.msk [tilespmem:v0+s6+$0x0], $0xffff;
	_ =	sdelay $0x4  }
0xd8: {  	[tilespmem:s29+$0x380] =	vst v1  }
0xd9: {  	v1 =	vld.idx.msk [tilespmem:v0+s7+$0x0], $0xffff;
	_ =	sdelay $0x3  }
0xda: {  	s29 =	sor.u32 s28, s24  }
0xdb: {  	[tilespmem:s29+$0x0] =	vst v1  }
0xdc: {  	v1 =	vld.idx.msk [tilespmem:v0+s8+$0x0], $0xffff;
	_ =	sdelay $0x3  }
0xdd: {  	s29 =	sor.u32 s28, s2  }
0xde: {  	[tilespmem:s29+$0x0] =	vst v1  }
0xdf: {  	v1 =	vld.idx.msk [tilespmem:v0+s9+$0x0], $0xffff;
	_ =	sdelay $0x3  }
0xe0: {  	s29 =	sor.u32 s28, s21  }
0xe1: {  	[tilespmem:s29+$0x0] =	vst v1  }
0xe2: {  	v1 =	vld.idx.msk [tilespmem:v0+s10+$0x0], $0xffff;
	_ =	sdelay $0x3  }
0xe3: {  	s29 =	sor.u32 s28, s22  }
0xe4: {  	[tilespmem:s29+$0x0] =	vst v1  }
0xe5: {  	v1 =	vld.idx.msk [tilespmem:v0+s11+$0x0], $0xffff;
	_ =	sdelay $0x3  }
0xe6: {  	s29 =	sor.u32 s28, s19  }
0xe7: {  	[tilespmem:s29+$0x0] =	vst v1  }
0xe8: {  	v1 =	vld.idx.msk [tilespmem:v0+s12+$0x0], $0xffff;
	_ =	sdelay $0x3  }
0xe9: {  	s29 =	sor.u32 s28, s20  }
0xea: {  	[tilespmem:s29+$0x0] =	vst v1  }
0xeb: {  	v1 =	vld.idx.msk [tilespmem:v0+s13+$0x0], $0xffff;
	_ =	sdelay $0x3  }
0xec: {  	s29 =	sor.u32 s28, s25  }
0xed: {  	[tilespmem:s29+$0x0] =	vst v1  }
0xee: {  	v0 =	vld.idx.msk [tilespmem:v0+s14+$0x0], $0xffff;
	_ =	sdelay $0x3  }
0xef: {  	s28 =	sor.u32 s28, s26  }
0xf0: {  	[tilespmem:s28+$0x0] =	vst v0  }
0xf1: {  	v0 =	vld [tilespmem:s16+$0x10];
	_ =	sdelay $0x7  }
0xf2: {  	v1 =	vld.idx.msk [tilespmem:v0+s3+$0x0], $0xffff;
	_ =	sdelay $0x2  }
0xf3: {  	s28 =	sand.u32 $0x70, s15  }
0xf4: {  	s18 =	sor.u32 s28, s18  }
0xf5: {  	[tilespmem:s18+$0x0] =	vst v1  }
0xf6: {  	v1 =	vld.idx.msk [tilespmem:v0+s30+$0x0], $0xffff;
	_ =	sdelay $0x4  }
0xf7: {  	[tilespmem:s18+$0x80] =	vst v1  }
0xf8: {  	v1 =	vld.idx.msk [tilespmem:v0+s31+$0x0], $0xffff;
	_ =	sdelay $0x4  }
0xf9: {  	[tilespmem:s18+$0x100] =	vst v1  }
0xfa: {  	v1 =	vld.idx.msk [tilespmem:v0+s0+$0x0], $0xffff;
	_ =	sdelay $0x4  }
0xfb: {  	[tilespmem:s18+$0x180] =	vst v1  }
0xfc: {  	v1 =	vld.idx.msk [tilespmem:v0+s1+$0x0], $0xffff;
	_ =	sdelay $0x4  }
0xfd: {  	[tilespmem:s18+$0x200] =	vst v1  }
0xfe: {  	v1 =	vld.idx.msk [tilespmem:v0+s4+$0x0], $0xffff;
	_ =	sdelay $0x4  }
0xff: {  	[tilespmem:s18+$0x280] =	vst v1  }
0x100: {  	v1 =	vld.idx.msk [tilespmem:v0+s5+$0x0], $0xffff;
	_ =	sdelay $0x4  }
0x101: {  	[tilespmem:s18+$0x300] =	vst v1  }
0x102: {  	v1 =	vld.idx.msk [tilespmem:v0+s6+$0x0], $0xffff;
	_ =	sdelay $0x4  }
0x103: {  	[tilespmem:s18+$0x380] =	vst v1  }
0x104: {  	v1 =	vld.idx.msk [tilespmem:v0+s7+$0x0], $0xffff;
	_ =	sdelay $0x3  }
0x105: {  	s29 =	sor.u32 s28, s24  }
0x106: {  	[tilespmem:s29+$0x0] =	vst v1  }
0x107: {  	v1 =	vld.idx.msk [tilespmem:v0+s8+$0x0], $0xffff;
	_ =	sdelay $0x3  }
0x108: {  	s2 =	sor.u32 s28, s2  }
0x109: {  	[tilespmem:s2+$0x0] =	vst v1  }
0x10a: {  	v1 =	vld.idx.msk [tilespmem:v0+s9+$0x0], $0xffff;
	_ =	sdelay $0x3  }
0x10b: {  	s18 =	sor.u32 s28, s21  }
0x10c: {  	[tilespmem:s18+$0x0] =	vst v1  }
0x10d: {  	v1 =	vld.idx.msk [tilespmem:v0+s10+$0x0], $0xffff;
	_ =	sdelay $0x3  }
0x10e: {  	s21 =	sor.u32 s28, s22  }
0x10f: {  	[tilespmem:s21+$0x0] =	vst v1  }
0x110: {  	v1 =	vld.idx.msk [tilespmem:v0+s11+$0x0], $0xffff;
	_ =	sdelay $0x3  }
0x111: {  	s22 =	sor.u32 s28, s19  }
0x112: {  	[tilespmem:s22+$0x0] =	vst v1  }
0x113: {  	v1 =	vld.idx.msk [tilespmem:v0+s12+$0x0], $0xffff;
	_ =	sdelay $0x3  }
0x114: {  	s24 =	sor.u32 s28, s20  }
0x115: {  	[tilespmem:s24+$0x0] =	vst v1  }
0x116: {  	v1 =	vld.idx.msk [tilespmem:v0+s13+$0x0], $0xffff;
	_ =	sdelay $0x3  }
0x117: {  	s25 =	sor.u32 s28, s25  }
0x118: {  	s23 =	sadd.s32 $0x4, s23;
	[tilespmem:s25+$0x0] =	vst v1  }
0x119: {  	p0 =	slt.u32 s23, $0x1C;
	v0 =	vld.idx.msk [tilespmem:v0+s14+$0x0], $0xffff  }
.Ltmp0:
0x11a: {  	_ = 	snop;
	(pc) =	sbr.rel @p0 .LBB2_2-.Ltmp0, $3  }
0x11b: {  	_ =	sdelay $0x1  }
0x11c: {  	s29 =	sor.u32 s28, s26  }
0x11d: {  	s17 =	sadd.s32 $0x200, s17;
	s15 =	sadd.s32 $0x40, s15;
	s16 =	sadd.s32 $0x40, s16;
	[tilespmem:s29+$0x0] =	vst v0  }
0x11e: {  	s23 =	simm.s32 $0x0;
	s2 =	rddreg [dreg:$0x16]  }
0x11f: {  	s15 =	simm.s32 $0x6600;
	s28 =	rddreg [dreg:$0x17];
	s29 =	simm.s32 $0x7600  }
0x120: {  	[hbm4b:s2+s23] =	stream.linear.scatter [tilespmem:s15], [sflag:$0x1], $0x1000, $0x38;
	[tilespmem:$0xA600] =	vst v63  }
0x121: {  	s16 =	simm.s32 $0x30;
	s17 =	simm.s32 $0x430;
	s15 =	simm.s32 $0xFFFFFFFC  }
0x122: {  	[hbm4b:s28+s23] =	stream.linear.scatter [tilespmem:s29], [sflag:$0x1], $0x1000, $0x38;
	[tilespmem:$0xA600] =	vst v63  }
.LBB2_4:
0x123: {  	v0 =	vld [tilespmem:s17+$0xFFFFFFD0];
	_ =	sdelay $0x7  }
0x124: {  	v1 =	vld.idx.msk [tilespmem:v0+s3+$0x0], $0xffff;
	_ =	sdelay $0x1  }
0x125: {  	s2 =	sadd.s32 $0xFFFFFFD0, s16;
	s26 =	sand.u32 $0xC00, s23  }
0x126: {  	s28 =	sand.u32 $0x40, s2;
	s18 =	sadd.s32 $0x8600, s26  }
0x127: {  	s2 =	sor.u32 s28, s18  }
0x128: {  	[tilespmem:s2+$0x0] =	vst v1  }
0x129: {  	v1 =	vld.idx.msk [tilespmem:v0+s30+$0x0], $0xffff;
	_ =	sdelay $0x4  }
0x12a: {  	[tilespmem:s2+$0x80] =	vst v1  }
0x12b: {  	v1 =	vld.idx.msk [tilespmem:v0+s31+$0x0], $0xffff;
	_ =	sdelay $0x4  }
0x12c: {  	[tilespmem:s2+$0x100] =	vst v1  }
0x12d: {  	v1 =	vld.idx.msk [tilespmem:v0+s0+$0x0], $0xffff;
	_ =	sdelay $0x4  }
0x12e: {  	[tilespmem:s2+$0x180] =	vst v1  }
0x12f: {  	v1 =	vld.idx.msk [tilespmem:v0+s1+$0x0], $0xffff;
	_ =	sdelay $0x4  }
0x130: {  	[tilespmem:s2+$0x200] =	vst v1  }
0x131: {  	v1 =	vld.idx.msk [tilespmem:v0+s4+$0x0], $0xffff;
	_ =	sdelay $0x4  }
0x132: {  	[tilespmem:s2+$0x280] =	vst v1  }
0x133: {  	v1 =	vld.idx.msk [tilespmem:v0+s5+$0x0], $0xffff;
	_ =	sdelay $0x4  }
0x134: {  	[tilespmem:s2+$0x300] =	vst v1  }
0x135: {  	v1 =	vld.idx.msk [tilespmem:v0+s6+$0x0], $0xffff;
	_ =	sdelay $0x4  }
0x136: {  	[tilespmem:s2+$0x380] =	vst v1  }
0x137: {  	v1 =	vld.idx.msk [tilespmem:v0+s7+$0x0], $0xffff;
	_ =	sdelay $0x2  }
0x138: {  	s24 =	sadd.s32 $0x9600, s26  }
0x139: {  	s21 =	sor.u32 s28, s24  }
0x13a: {  	[tilespmem:s21+$0x0] =	vst v1  }
0x13b: {  	v1 =	vld.idx.msk [tilespmem:v0+s8+$0x0], $0xffff;
	_ =	sdelay $0x2  }
0x13c: {  	s2 =	sadd.s32 $0x9680, s26  }
0x13d: {  	s19 =	sor.u32 s28, s2  }
0x13e: {  	[tilespmem:s19+$0x0] =	vst v1  }
0x13f: {  	v1 =	vld.idx.msk [tilespmem:v0+s9+$0x0], $0xffff;
	_ =	sdelay $0x2  }
0x140: {  	s21 =	sadd.s32 $0x9700, s26  }
0x141: {  	s22 =	sor.u32 s28, s21  }
0x142: {  	[tilespmem:s22+$0x0] =	vst v1  }
0x143: {  	v1 =	vld.idx.msk [tilespmem:v0+s10+$0x0], $0xffff;
	_ =	sdelay $0x2  }
0x144: {  	s22 =	sadd.s32 $0x9780, s26  }
0x145: {  	s25 =	sor.u32 s28, s22  }
0x146: {  	[tilespmem:s25+$0x0] =	vst v1  }
0x147: {  	v1 =	vld.idx.msk [tilespmem:v0+s11+$0x0], $0xffff;
	_ =	sdelay $0x2  }
0x148: {  	s19 =	sadd.s32 $0x9800, s26  }
0x149: {  	s20 =	sor.u32 s28, s19  }
0x14a: {  	[tilespmem:s20+$0x0] =	vst v1  }
0x14b: {  	v1 =	vld.idx.msk [tilespmem:v0+s12+$0x0], $0xffff;
	_ =	sdelay $0x2  }
0x14c: {  	s20 =	sadd.s32 $0x9880, s26  }
0x14d: {  	s25 =	sor.u32 s28, s20  }
0x14e: {  	[tilespmem:s25+$0x0] =	vst v1  }
0x14f: {  	v1 =	vld.idx.msk [tilespmem:v0+s13+$0x0], $0xffff;
	_ =	sdelay $0x2  }
0x150: {  	s25 =	sadd.s32 $0x9900, s26  }
0x151: {  	s29 =	sor.u32 s28, s25  }
0x152: {  	[tilespmem:s29+$0x0] =	vst v1  }
0x153: {  	v0 =	vld.idx.msk [tilespmem:v0+s14+$0x0], $0xffff;
	_ =	sdelay $0x2  }
0x154: {  	s26 =	sadd.s32 $0x9980, s26  }
0x155: {  	s28 =	sor.u32 s28, s26  }
0x156: {  	[tilespmem:s28+$0x0] =	vst v0  }
0x157: {  	v0 =	vld [tilespmem:s17+$0xFFFFFFE0];
	_ =	sdelay $0x7  }
0x158: {  	v1 =	vld.idx.msk [tilespmem:v0+s3+$0x0], $0xffff;
	_ =	sdelay $0x1  }
0x159: {  	s29 =	sadd.s32 $0xFFFFFFE0, s16  }
0x15a: {  	s28 =	sand.u32 $0x50, s29  }
0x15b: {  	s29 =	sor.u32 s28, s18  }
0x15c: {  	[tilespmem:s29+$0x0] =	vst v1  }
0x15d: {  	v1 =	vld.idx.msk [tilespmem:v0+s30+$0x0], $0xffff;
	_ =	sdelay $0x4  }
0x15e: {  	[tilespmem:s29+$0x80] =	vst v1  }
0x15f: {  	v1 =	vld.idx.msk [tilespmem:v0+s31+$0x0], $0xffff;
	_ =	sdelay $0x4  }
0x160: {  	[tilespmem:s29+$0x100] =	vst v1  }
0x161: {  	v1 =	vld.idx.msk [tilespmem:v0+s0+$0x0], $0xffff;
	_ =	sdelay $0x4  }
0x162: {  	[tilespmem:s29+$0x180] =	vst v1  }
0x163: {  	v1 =	vld.idx.msk [tilespmem:v0+s1+$0x0], $0xffff;
	_ =	sdelay $0x4  }
0x164: {  	[tilespmem:s29+$0x200] =	vst v1  }
0x165: {  	v1 =	vld.idx.msk [tilespmem:v0+s4+$0x0], $0xffff;
	_ =	sdelay $0x4  }
0x166: {  	[tilespmem:s29+$0x280] =	vst v1  }
0x167: {  	v1 =	vld.idx.msk [tilespmem:v0+s5+$0x0], $0xffff;
	_ =	sdelay $0x4  }
0x168: {  	[tilespmem:s29+$0x300] =	vst v1  }
0x169: {  	v1 =	vld.idx.msk [tilespmem:v0+s6+$0x0], $0xffff;
	_ =	sdelay $0x4  }
0x16a: {  	[tilespmem:s29+$0x380] =	vst v1  }
0x16b: {  	v1 =	vld.idx.msk [tilespmem:v0+s7+$0x0], $0xffff;
	_ =	sdelay $0x3  }
0x16c: {  	s29 =	sor.u32 s28, s24  }
0x16d: {  	[tilespmem:s29+$0x0] =	vst v1  }
0x16e: {  	v1 =	vld.idx.msk [tilespmem:v0+s8+$0x0], $0xffff;
	_ =	sdelay $0x3  }
0x16f: {  	s29 =	sor.u32 s28, s2  }
0x170: {  	[tilespmem:s29+$0x0] =	vst v1  }
0x171: {  	v1 =	vld.idx.msk [tilespmem:v0+s9+$0x0], $0xffff;
	_ =	sdelay $0x3  }
0x172: {  	s29 =	sor.u32 s28, s21  }
0x173: {  	[tilespmem:s29+$0x0] =	vst v1  }
0x174: {  	v1 =	vld.idx.msk [tilespmem:v0+s10+$0x0], $0xffff;
	_ =	sdelay $0x3  }
0x175: {  	s29 =	sor.u32 s28, s22  }
0x176: {  	[tilespmem:s29+$0x0] =	vst v1  }
0x177: {  	v1 =	vld.idx.msk [tilespmem:v0+s11+$0x0], $0xffff;
	_ =	sdelay $0x3  }
0x178: {  	s29 =	sor.u32 s28, s19  }
0x179: {  	[tilespmem:s29+$0x0] =	vst v1  }
0x17a: {  	v1 =	vld.idx.msk [tilespmem:v0+s12+$0x0], $0xffff;
	_ =	sdelay $0x3  }
0x17b: {  	s29 =	sor.u32 s28, s20  }
0x17c: {  	[tilespmem:s29+$0x0] =	vst v1  }
0x17d: {  	v1 =	vld.idx.msk [tilespmem:v0+s13+$0x0], $0xffff;
	_ =	sdelay $0x3  }
0x17e: {  	s29 =	sor.u32 s28, s25  }
0x17f: {  	[tilespmem:s29+$0x0] =	vst v1  }
0x180: {  	v0 =	vld.idx.msk [tilespmem:v0+s14+$0x0], $0xffff;
	_ =	sdelay $0x3  }
0x181: {  	s28 =	sor.u32 s28, s26  }
0x182: {  	[tilespmem:s28+$0x0] =	vst v0  }
0x183: {  	v0 =	vld [tilespmem:s17+$0xFFFFFFF0];
	_ =	sdelay $0x7  }
0x184: {  	v1 =	vld.idx.msk [tilespmem:v0+s3+$0x0], $0xffff;
	_ =	sdelay $0x1  }
0x185: {  	s29 =	sadd.s32 $0xFFFFFFF0, s16  }
0x186: {  	s28 =	sand.u32 $0x60, s29  }
0x187: {  	s29 =	sor.u32 s28, s18  }
0x188: {  	[tilespmem:s29+$0x0] =	vst v1  }
0x189: {  	v1 =	vld.idx.msk [tilespmem:v0+s30+$0x0], $0xffff;
	_ =	sdelay $0x4  }
0x18a: {  	[tilespmem:s29+$0x80] =	vst v1  }
0x18b: {  	v1 =	vld.idx.msk [tilespmem:v0+s31+$0x0], $0xffff;
	_ =	sdelay $0x4  }
0x18c: {  	[tilespmem:s29+$0x100] =	vst v1  }
0x18d: {  	v1 =	vld.idx.msk [tilespmem:v0+s0+$0x0], $0xffff;
	_ =	sdelay $0x4  }
0x18e: {  	[tilespmem:s29+$0x180] =	vst v1  }
0x18f: {  	v1 =	vld.idx.msk [tilespmem:v0+s1+$0x0], $0xffff;
	_ =	sdelay $0x4  }
0x190: {  	[tilespmem:s29+$0x200] =	vst v1  }
0x191: {  	v1 =	vld.idx.msk [tilespmem:v0+s4+$0x0], $0xffff;
	_ =	sdelay $0x4  }
0x192: {  	[tilespmem:s29+$0x280] =	vst v1  }
0x193: {  	v1 =	vld.idx.msk [tilespmem:v0+s5+$0x0], $0xffff;
	_ =	sdelay $0x4  }
0x194: {  	[tilespmem:s29+$0x300] =	vst v1  }
0x195: {  	v1 =	vld.idx.msk [tilespmem:v0+s6+$0x0], $0xffff;
	_ =	sdelay $0x4  }
0x196: {  	[tilespmem:s29+$0x380] =	vst v1  }
0x197: {  	v1 =	vld.idx.msk [tilespmem:v0+s7+$0x0], $0xffff;
	_ =	sdelay $0x3  }
0x198: {  	s29 =	sor.u32 s28, s24  }
0x199: {  	[tilespmem:s29+$0x0] =	vst v1  }
0x19a: {  	v1 =	vld.idx.msk [tilespmem:v0+s8+$0x0], $0xffff;
	_ =	sdelay $0x3  }
0x19b: {  	s29 =	sor.u32 s28, s2  }
0x19c: {  	[tilespmem:s29+$0x0] =	vst v1  }
0x19d: {  	v1 =	vld.idx.msk [tilespmem:v0+s9+$0x0], $0xffff;
	_ =	sdelay $0x3  }
0x19e: {  	s29 =	sor.u32 s28, s21  }
0x19f: {  	[tilespmem:s29+$0x0] =	vst v1  }
0x1a0: {  	v1 =	vld.idx.msk [tilespmem:v0+s10+$0x0], $0xffff;
	_ =	sdelay $0x3  }
0x1a1: {  	s29 =	sor.u32 s28, s22  }
0x1a2: {  	[tilespmem:s29+$0x0] =	vst v1  }
0x1a3: {  	v1 =	vld.idx.msk [tilespmem:v0+s11+$0x0], $0xffff;
	_ =	sdelay $0x3  }
0x1a4: {  	s29 =	sor.u32 s28, s19  }
0x1a5: {  	[tilespmem:s29+$0x0] =	vst v1  }
0x1a6: {  	v1 =	vld.idx.msk [tilespmem:v0+s12+$0x0], $0xffff;
	_ =	sdelay $0x3  }
0x1a7: {  	s29 =	sor.u32 s28, s20  }
0x1a8: {  	[tilespmem:s29+$0x0] =	vst v1  }
0x1a9: {  	v1 =	vld.idx.msk [tilespmem:v0+s13+$0x0], $0xffff;
	_ =	sdelay $0x3  }
0x1aa: {  	s29 =	sor.u32 s28, s25  }
0x1ab: {  	[tilespmem:s29+$0x0] =	vst v1  }
0x1ac: {  	v0 =	vld.idx.msk [tilespmem:v0+s14+$0x0], $0xffff;
	_ =	sdelay $0x3  }
0x1ad: {  	s28 =	sor.u32 s28, s26  }
0x1ae: {  	[tilespmem:s28+$0x0] =	vst v0  }
0x1af: {  	v0 =	vld [tilespmem:s17+$0x0];
	_ =	sdelay $0x7  }
0x1b0: {  	v1 =	vld.idx.msk [tilespmem:v0+s3+$0x0], $0xffff;
	_ =	sdelay $0x2  }
0x1b1: {  	s28 =	sand.u32 $0x70, s16  }
0x1b2: {  	s18 =	sor.u32 s28, s18  }
0x1b3: {  	[tilespmem:s18+$0x0] =	vst v1  }
0x1b4: {  	v1 =	vld.idx.msk [tilespmem:v0+s30+$0x0], $0xffff;
	_ =	sdelay $0x4  }
0x1b5: {  	[tilespmem:s18+$0x80] =	vst v1  }
0x1b6: {  	v1 =	vld.idx.msk [tilespmem:v0+s31+$0x0], $0xffff;
	_ =	sdelay $0x4  }
0x1b7: {  	[tilespmem:s18+$0x100] =	vst v1  }
0x1b8: {  	v1 =	vld.idx.msk [tilespmem:v0+s0+$0x0], $0xffff;
	_ =	sdelay $0x4  }
0x1b9: {  	[tilespmem:s18+$0x180] =	vst v1  }
0x1ba: {  	v1 =	vld.idx.msk [tilespmem:v0+s1+$0x0], $0xffff;
	_ =	sdelay $0x4  }
0x1bb: {  	[tilespmem:s18+$0x200] =	vst v1  }
0x1bc: {  	v1 =	vld.idx.msk [tilespmem:v0+s4+$0x0], $0xffff;
	_ =	sdelay $0x4  }
0x1bd: {  	[tilespmem:s18+$0x280] =	vst v1  }
0x1be: {  	v1 =	vld.idx.msk [tilespmem:v0+s5+$0x0], $0xffff;
	_ =	sdelay $0x4  }
0x1bf: {  	[tilespmem:s18+$0x300] =	vst v1  }
0x1c0: {  	v1 =	vld.idx.msk [tilespmem:v0+s6+$0x0], $0xffff;
	_ =	sdelay $0x4  }
0x1c1: {  	[tilespmem:s18+$0x380] =	vst v1  }
0x1c2: {  	v1 =	vld.idx.msk [tilespmem:v0+s7+$0x0], $0xffff;
	_ =	sdelay $0x3  }
0x1c3: {  	s29 =	sor.u32 s28, s24  }
0x1c4: {  	[tilespmem:s29+$0x0] =	vst v1  }
0x1c5: {  	v1 =	vld.idx.msk [tilespmem:v0+s8+$0x0], $0xffff;
	_ =	sdelay $0x3  }
0x1c6: {  	s2 =	sor.u32 s28, s2  }
0x1c7: {  	[tilespmem:s2+$0x0] =	vst v1  }
0x1c8: {  	v1 =	vld.idx.msk [tilespmem:v0+s9+$0x0], $0xffff;
	_ =	sdelay $0x3  }
0x1c9: {  	s18 =	sor.u32 s28, s21  }
0x1ca: {  	[tilespmem:s18+$0x0] =	vst v1  }
0x1cb: {  	v1 =	vld.idx.msk [tilespmem:v0+s10+$0x0], $0xffff;
	_ =	sdelay $0x3  }
0x1cc: {  	s21 =	sor.u32 s28, s22  }
0x1cd: {  	[tilespmem:s21+$0x0] =	vst v1  }
0x1ce: {  	v1 =	vld.idx.msk [tilespmem:v0+s11+$0x0], $0xffff;
	_ =	sdelay $0x3  }
0x1cf: {  	s22 =	sor.u32 s28, s19  }
0x1d0: {  	[tilespmem:s22+$0x0] =	vst v1  }
0x1d1: {  	v1 =	vld.idx.msk [tilespmem:v0+s12+$0x0], $0xffff;
	_ =	sdelay $0x3  }
0x1d2: {  	s24 =	sor.u32 s28, s20  }
0x1d3: {  	[tilespmem:s24+$0x0] =	vst v1  }
0x1d4: {  	v1 =	vld.idx.msk [tilespmem:v0+s13+$0x0], $0xffff;
	_ =	sdelay $0x3  }
0x1d5: {  	s25 =	sor.u32 s28, s25  }
0x1d6: {  	s15 =	sadd.s32 $0x4, s15;
	[tilespmem:s25+$0x0] =	vst v1  }
0x1d7: {  	p0 =	slt.u32 s15, $0x1C;
	v0 =	vld.idx.msk [tilespmem:v0+s14+$0x0], $0xffff  }
.Ltmp1:
0x1d8: {  	_ = 	snop;
	(pc) =	sbr.rel @p0 .LBB2_4-.Ltmp1, $3  }
0x1d9: {  	_ =	sdelay $0x1  }
0x1da: {  	s29 =	sor.u32 s28, s26  }
0x1db: {  	s23 =	sadd.s32 $0x200, s23;
	s16 =	sadd.s32 $0x40, s16;
	s17 =	sadd.s32 $0x40, s17;
	[tilespmem:s29+$0x0] =	vst v0  }
0x1dc: {  	s16 =	simm.s32 $0x0;
	s2 =	rddreg [dreg:$0x19];
	s15 =	simm.s32 $0x8600  }
0x1dd: {  	[hbm4b:s2+s16] =	stream.linear.scatter [tilespmem:s15], [sflag:$0x2], $0x1000, $0x38;
	[tilespmem:$0xA600] =	vst v63  }
0x1de: {  	s26 =	rddreg [dreg:$0x1a];
	s28 =	simm.s32 $0x9600;
	s29 =	simm.s32 $0x830  }
0x1df: {  	[hbm4b:s26+s16] =	stream.linear.scatter [tilespmem:s28], [sflag:$0x2], $0x1000, $0x38;
	[tilespmem:$0xA600] =	vst v63  }
0x1e0: {  	[dreg:$0x1e] =	wrdreg s29;
	s26 =	simm.s32 $0x630  }
.LBB2_6:
0x1e1: {  	s2 =	simm.s32 $0x1  }
0x1e2: {  	_ =	swait.ge [sflag:s2], $0x1000  }
0x1e3: {  	[sflag:s2] =	ssyncset.done $0x0  }
0x1e4: {  	[sflag:s2] =	ssyncadd.s32 $0xFFFFF000  }
0x1e5: {  	s15 =	sshll.u32 s16, $0x1;
	_ =	swait.ge [sflag:s2], $0x1000;
	[dreg:$0x1c] =	wrdreg s16  }
0x1e6: {  	s18 =	simm.s32 $0x0;
	[dreg:$0x1f] =	wrdreg s15;
	s15 =	sadd.s32 $0x2, s15  }
0x1e7: {  	s16 =	simm.s32 $0x30;
	[dreg:$0x1d] =	wrdreg s26;
	[sflag:s2] =	ssyncset.done $0x0  }
0x1e8: {  	[smem:$0x7FD] =	sst s15;
	s15 =	simm.s32 $0xFFFFFFFC;
	[sflag:s2] =	ssyncadd.s32 $0xFFFFF000  }
.LBB2_7:
0x1e9: {  	v0 =	vld [tilespmem:s26+$0xFFFFFFD0];
	_ =	sdelay $0x7  }
0x1ea: {  	v1 =	vld.idx.msk [tilespmem:v0+s3+$0x0], $0xffff;
	_ =	sdelay $0x1  }
0x1eb: {  	s2 =	sadd.s32 $0xFFFFFFD0, s16;
	s17 =	sand.u32 $0xC00, s18  }
0x1ec: {  	s28 =	sand.u32 $0x40, s2;
	s29 =	sadd.s32 $0x6600, s17  }
0x1ed: {  	s2 =	sor.u32 s28, s29  }
0x1ee: {  	[tilespmem:s2+$0x0] =	vst v1  }
0x1ef: {  	v1 =	vld.idx.msk [tilespmem:v0+s30+$0x0], $0xffff;
	_ =	sdelay $0x4  }
0x1f0: {  	[tilespmem:s2+$0x80] =	vst v1  }
0x1f1: {  	v1 =	vld.idx.msk [tilespmem:v0+s31+$0x0], $0xffff;
	_ =	sdelay $0x4  }
0x1f2: {  	[tilespmem:s2+$0x100] =	vst v1  }
0x1f3: {  	v1 =	vld.idx.msk [tilespmem:v0+s0+$0x0], $0xffff;
	_ =	sdelay $0x4  }
0x1f4: {  	[tilespmem:s2+$0x180] =	vst v1  }
0x1f5: {  	v1 =	vld.idx.msk [tilespmem:v0+s1+$0x0], $0xffff;
	_ =	sdelay $0x4  }
0x1f6: {  	[tilespmem:s2+$0x200] =	vst v1  }
0x1f7: {  	v1 =	vld.idx.msk [tilespmem:v0+s4+$0x0], $0xffff;
	_ =	sdelay $0x4  }
0x1f8: {  	[tilespmem:s2+$0x280] =	vst v1  }
0x1f9: {  	v1 =	vld.idx.msk [tilespmem:v0+s5+$0x0], $0xffff;
	_ =	sdelay $0x4  }
0x1fa: {  	[tilespmem:s2+$0x300] =	vst v1  }
0x1fb: {  	v1 =	vld.idx.msk [tilespmem:v0+s6+$0x0], $0xffff;
	_ =	sdelay $0x4  }
0x1fc: {  	[tilespmem:s2+$0x380] =	vst v1  }
0x1fd: {  	v1 =	vld.idx.msk [tilespmem:v0+s7+$0x0], $0xffff;
	_ =	sdelay $0x2  }
0x1fe: {  	s2 =	sadd.s32 $0x7600, s17  }
0x1ff: {  	s19 =	sor.u32 s28, s2  }
0x200: {  	[tilespmem:s19+$0x0] =	vst v1  }
0x201: {  	v1 =	vld.idx.msk [tilespmem:v0+s8+$0x0], $0xffff;
	_ =	sdelay $0x2  }
0x202: {  	s21 =	sadd.s32 $0x7680, s17  }
0x203: {  	s23 =	sor.u32 s28, s21  }
0x204: {  	[tilespmem:s23+$0x0] =	vst v1  }
0x205: {  	v1 =	vld.idx.msk [tilespmem:v0+s9+$0x0], $0xffff;
	_ =	sdelay $0x2  }
0x206: {  	s22 =	sadd.s32 $0x7700, s17  }
0x207: {  	s24 =	sor.u32 s28, s22  }
0x208: {  	[tilespmem:s24+$0x0] =	vst v1  }
0x209: {  	v1 =	vld.idx.msk [tilespmem:v0+s10+$0x0], $0xffff;
	_ =	sdelay $0x2  }
0x20a: {  	s19 =	sadd.s32 $0x7780, s17  }
0x20b: {  	s20 =	sor.u32 s28, s19  }
0x20c: {  	[tilespmem:s20+$0x0] =	vst v1  }
0x20d: {  	v1 =	vld.idx.msk [tilespmem:v0+s11+$0x0], $0xffff;
	_ =	sdelay $0x2  }
0x20e: {  	s20 =	sadd.s32 $0x7800, s17  }
0x20f: {  	s23 =	sor.u32 s28, s20  }
0x210: {  	[tilespmem:s23+$0x0] =	vst v1  }
0x211: {  	v1 =	vld.idx.msk [tilespmem:v0+s12+$0x0], $0xffff;
	_ =	sdelay $0x2  }
0x212: {  	s24 =	sadd.s32 $0x7880, s17  }
0x213: {  	s25 =	sor.u32 s28, s24  }
0x214: {  	[tilespmem:s25+$0x0] =	vst v1  }
0x215: {  	v1 =	vld.idx.msk [tilespmem:v0+s13+$0x0], $0xffff;
	_ =	sdelay $0x2  }
0x216: {  	s23 =	sadd.s32 $0x7900, s17  }
0x217: {  	s25 =	sor.u32 s28, s23  }
0x218: {  	[tilespmem:s25+$0x0] =	vst v1  }
0x219: {  	v0 =	vld.idx.msk [tilespmem:v0+s14+$0x0], $0xffff;
	_ =	sdelay $0x2  }
0x21a: {  	s17 =	sadd.s32 $0x7980, s17  }
0x21b: {  	s28 =	sor.u32 s28, s17  }
0x21c: {  	[tilespmem:s28+$0x0] =	vst v0  }
0x21d: {  	v0 =	vld [tilespmem:s26+$0xFFFFFFE0];
	_ =	sdelay $0x7  }
0x21e: {  	v1 =	vld.idx.msk [tilespmem:v0+s3+$0x0], $0xffff;
	_ =	sdelay $0x1  }
0x21f: {  	s28 =	sadd.s32 $0xFFFFFFE0, s16  }
0x220: {  	s25 =	sand.u32 $0x50, s28  }
0x221: {  	s28 =	sor.u32 s25, s29  }
0x222: {  	[tilespmem:s28+$0x0] =	vst v1  }
0x223: {  	v1 =	vld.idx.msk [tilespmem:v0+s30+$0x0], $0xffff;
	_ =	sdelay $0x4  }
0x224: {  	[tilespmem:s28+$0x80] =	vst v1  }
0x225: {  	v1 =	vld.idx.msk [tilespmem:v0+s31+$0x0], $0xffff;
	_ =	sdelay $0x4  }
0x226: {  	[tilespmem:s28+$0x100] =	vst v1  }
0x227: {  	v1 =	vld.idx.msk [tilespmem:v0+s0+$0x0], $0xffff;
	_ =	sdelay $0x4  }
0x228: {  	[tilespmem:s28+$0x180] =	vst v1  }
0x229: {  	v1 =	vld.idx.msk [tilespmem:v0+s1+$0x0], $0xffff;
	_ =	sdelay $0x4  }
0x22a: {  	[tilespmem:s28+$0x200] =	vst v1  }
0x22b: {  	v1 =	vld.idx.msk [tilespmem:v0+s4+$0x0], $0xffff;
	_ =	sdelay $0x4  }
0x22c: {  	[tilespmem:s28+$0x280] =	vst v1  }
0x22d: {  	v1 =	vld.idx.msk [tilespmem:v0+s5+$0x0], $0xffff;
	_ =	sdelay $0x4  }
0x22e: {  	[tilespmem:s28+$0x300] =	vst v1  }
0x22f: {  	v1 =	vld.idx.msk [tilespmem:v0+s6+$0x0], $0xffff;
	_ =	sdelay $0x4  }
0x230: {  	[tilespmem:s28+$0x380] =	vst v1  }
0x231: {  	v1 =	vld.idx.msk [tilespmem:v0+s7+$0x0], $0xffff;
	_ =	sdelay $0x3  }
0x232: {  	s28 =	sor.u32 s25, s2  }
0x233: {  	[tilespmem:s28+$0x0] =	vst v1  }
0x234: {  	v1 =	vld.idx.msk [tilespmem:v0+s8+$0x0], $0xffff;
	_ =	sdelay $0x3  }
0x235: {  	s28 =	sor.u32 s25, s21  }
0x236: {  	[tilespmem:s28+$0x0] =	vst v1  }
0x237: {  	v1 =	vld.idx.msk [tilespmem:v0+s9+$0x0], $0xffff;
	_ =	sdelay $0x3  }
0x238: {  	s28 =	sor.u32 s25, s22  }
0x239: {  	[tilespmem:s28+$0x0] =	vst v1  }
0x23a: {  	v1 =	vld.idx.msk [tilespmem:v0+s10+$0x0], $0xffff;
	_ =	sdelay $0x3  }
0x23b: {  	s28 =	sor.u32 s25, s19  }
0x23c: {  	[tilespmem:s28+$0x0] =	vst v1  }
0x23d: {  	v1 =	vld.idx.msk [tilespmem:v0+s11+$0x0], $0xffff;
	_ =	sdelay $0x3  }
0x23e: {  	s28 =	sor.u32 s25, s20  }
0x23f: {  	[tilespmem:s28+$0x0] =	vst v1  }
0x240: {  	v1 =	vld.idx.msk [tilespmem:v0+s12+$0x0], $0xffff;
	_ =	sdelay $0x3  }
0x241: {  	s28 =	sor.u32 s25, s24  }
0x242: {  	[tilespmem:s28+$0x0] =	vst v1  }
0x243: {  	v1 =	vld.idx.msk [tilespmem:v0+s13+$0x0], $0xffff;
	_ =	sdelay $0x3  }
0x244: {  	s28 =	sor.u32 s25, s23  }
0x245: {  	[tilespmem:s28+$0x0] =	vst v1  }
0x246: {  	v0 =	vld.idx.msk [tilespmem:v0+s14+$0x0], $0xffff;
	_ =	sdelay $0x3  }
0x247: {  	s25 =	sor.u32 s25, s17  }
0x248: {  	[tilespmem:s25+$0x0] =	vst v0  }
0x249: {  	v0 =	vld [tilespmem:s26+$0xFFFFFFF0];
	_ =	sdelay $0x7  }
0x24a: {  	v1 =	vld.idx.msk [tilespmem:v0+s3+$0x0], $0xffff;
	_ =	sdelay $0x1  }
0x24b: {  	s28 =	sadd.s32 $0xFFFFFFF0, s16  }
0x24c: {  	s25 =	sand.u32 $0x60, s28  }
0x24d: {  	s28 =	sor.u32 s25, s29  }
0x24e: {  	[tilespmem:s28+$0x0] =	vst v1  }
0x24f: {  	v1 =	vld.idx.msk [tilespmem:v0+s30+$0x0], $0xffff;
	_ =	sdelay $0x4  }
0x250: {  	[tilespmem:s28+$0x80] =	vst v1  }
0x251: {  	v1 =	vld.idx.msk [tilespmem:v0+s31+$0x0], $0xffff;
	_ =	sdelay $0x4  }
0x252: {  	[tilespmem:s28+$0x100] =	vst v1  }
0x253: {  	v1 =	vld.idx.msk [tilespmem:v0+s0+$0x0], $0xffff;
	_ =	sdelay $0x4  }
0x254: {  	[tilespmem:s28+$0x180] =	vst v1  }
0x255: {  	v1 =	vld.idx.msk [tilespmem:v0+s1+$0x0], $0xffff;
	_ =	sdelay $0x4  }
0x256: {  	[tilespmem:s28+$0x200] =	vst v1  }
0x257: {  	v1 =	vld.idx.msk [tilespmem:v0+s4+$0x0], $0xffff;
	_ =	sdelay $0x4  }
0x258: {  	[tilespmem:s28+$0x280] =	vst v1  }
0x259: {  	v1 =	vld.idx.msk [tilespmem:v0+s5+$0x0], $0xffff;
	_ =	sdelay $0x4  }
0x25a: {  	[tilespmem:s28+$0x300] =	vst v1  }
0x25b: {  	v1 =	vld.idx.msk [tilespmem:v0+s6+$0x0], $0xffff;
	_ =	sdelay $0x4  }
0x25c: {  	[tilespmem:s28+$0x380] =	vst v1  }
0x25d: {  	v1 =	vld.idx.msk [tilespmem:v0+s7+$0x0], $0xffff;
	_ =	sdelay $0x3  }
0x25e: {  	s28 =	sor.u32 s25, s2  }
0x25f: {  	[tilespmem:s28+$0x0] =	vst v1  }
0x260: {  	v1 =	vld.idx.msk [tilespmem:v0+s8+$0x0], $0xffff;
	_ =	sdelay $0x3  }
0x261: {  	s28 =	sor.u32 s25, s21  }
0x262: {  	[tilespmem:s28+$0x0] =	vst v1  }
0x263: {  	v1 =	vld.idx.msk [tilespmem:v0+s9+$0x0], $0xffff;
	_ =	sdelay $0x3  }
0x264: {  	s28 =	sor.u32 s25, s22  }
0x265: {  	[tilespmem:s28+$0x0] =	vst v1  }
0x266: {  	v1 =	vld.idx.msk [tilespmem:v0+s10+$0x0], $0xffff;
	_ =	sdelay $0x3  }
0x267: {  	s28 =	sor.u32 s25, s19  }
0x268: {  	[tilespmem:s28+$0x0] =	vst v1  }
0x269: {  	v1 =	vld.idx.msk [tilespmem:v0+s11+$0x0], $0xffff;
	_ =	sdelay $0x3  }
0x26a: {  	s28 =	sor.u32 s25, s20  }
0x26b: {  	[tilespmem:s28+$0x0] =	vst v1  }
0x26c: {  	v1 =	vld.idx.msk [tilespmem:v0+s12+$0x0], $0xffff;
	_ =	sdelay $0x3  }
0x26d: {  	s28 =	sor.u32 s25, s24  }
0x26e: {  	[tilespmem:s28+$0x0] =	vst v1  }
0x26f: {  	v1 =	vld.idx.msk [tilespmem:v0+s13+$0x0], $0xffff;
	_ =	sdelay $0x3  }
0x270: {  	s28 =	sor.u32 s25, s23  }
0x271: {  	[tilespmem:s28+$0x0] =	vst v1  }
0x272: {  	v0 =	vld.idx.msk [tilespmem:v0+s14+$0x0], $0xffff;
	_ =	sdelay $0x3  }
0x273: {  	s25 =	sor.u32 s25, s17  }
0x274: {  	[tilespmem:s25+$0x0] =	vst v0  }
0x275: {  	v0 =	vld [tilespmem:s26+$0x0];
	_ =	sdelay $0x7  }
0x276: {  	v1 =	vld.idx.msk [tilespmem:v0+s3+$0x0], $0xffff;
	_ =	sdelay $0x2  }
0x277: {  	s25 =	sand.u32 $0x70, s16  }
0x278: {  	s29 =	sor.u32 s25, s29  }
0x279: {  	[tilespmem:s29+$0x0] =	vst v1  }
0x27a: {  	v1 =	vld.idx.msk [tilespmem:v0+s30+$0x0], $0xffff;
	_ =	sdelay $0x4  }
0x27b: {  	[tilespmem:s29+$0x80] =	vst v1  }
0x27c: {  	v1 =	vld.idx.msk [tilespmem:v0+s31+$0x0], $0xffff;
	_ =	sdelay $0x4  }
0x27d: {  	[tilespmem:s29+$0x100] =	vst v1  }
0x27e: {  	v1 =	vld.idx.msk [tilespmem:v0+s0+$0x0], $0xffff;
	_ =	sdelay $0x4  }
0x27f: {  	[tilespmem:s29+$0x180] =	vst v1  }
0x280: {  	v1 =	vld.idx.msk [tilespmem:v0+s1+$0x0], $0xffff;
	_ =	sdelay $0x4  }
0x281: {  	[tilespmem:s29+$0x200] =	vst v1  }
0x282: {  	v1 =	vld.idx.msk [tilespmem:v0+s4+$0x0], $0xffff;
	_ =	sdelay $0x4  }
0x283: {  	[tilespmem:s29+$0x280] =	vst v1  }
0x284: {  	v1 =	vld.idx.msk [tilespmem:v0+s5+$0x0], $0xffff;
	_ =	sdelay $0x4  }
0x285: {  	[tilespmem:s29+$0x300] =	vst v1  }
0x286: {  	v1 =	vld.idx.msk [tilespmem:v0+s6+$0x0], $0xffff;
	_ =	sdelay $0x4  }
0x287: {  	[tilespmem:s29+$0x380] =	vst v1  }
0x288: {  	v1 =	vld.idx.msk [tilespmem:v0+s7+$0x0], $0xffff;
	_ =	sdelay $0x3  }
0x289: {  	s2 =	sor.u32 s25, s2  }
0x28a: {  	[tilespmem:s2+$0x0] =	vst v1  }
0x28b: {  	v1 =	vld.idx.msk [tilespmem:v0+s8+$0x0], $0xffff;
	_ =	sdelay $0x3  }
0x28c: {  	s28 =	sor.u32 s25, s21  }
0x28d: {  	[tilespmem:s28+$0x0] =	vst v1  }
0x28e: {  	v1 =	vld.idx.msk [tilespmem:v0+s9+$0x0], $0xffff;
	_ =	sdelay $0x3  }
0x28f: {  	s29 =	sor.u32 s25, s22  }
0x290: {  	[tilespmem:s29+$0x0] =	vst v1  }
0x291: {  	v1 =	vld.idx.msk [tilespmem:v0+s10+$0x0], $0xffff;
	_ =	sdelay $0x3  }
0x292: {  	s21 =	sor.u32 s25, s19  }
0x293: {  	[tilespmem:s21+$0x0] =	vst v1  }
0x294: {  	v1 =	vld.idx.msk [tilespmem:v0+s11+$0x0], $0xffff;
	_ =	sdelay $0x3  }
0x295: {  	s22 =	sor.u32 s25, s20  }
0x296: {  	[tilespmem:s22+$0x0] =	vst v1  }
0x297: {  	v1 =	vld.idx.msk [tilespmem:v0+s12+$0x0], $0xffff;
	_ =	sdelay $0x3  }
0x298: {  	s24 =	sor.u32 s25, s24  }
0x299: {  	[tilespmem:s24+$0x0] =	vst v1  }
0x29a: {  	v1 =	vld.idx.msk [tilespmem:v0+s13+$0x0], $0xffff;
	_ =	sdelay $0x3  }
0x29b: {  	s28 =	sor.u32 s25, s23  }
0x29c: {  	s15 =	sadd.s32 $0x4, s15;
	[tilespmem:s28+$0x0] =	vst v1  }
0x29d: {  	p0 =	slt.u32 s15, $0x1C;
	v0 =	vld.idx.msk [tilespmem:v0+s14+$0x0], $0xffff  }
.Ltmp2:
0x29e: {  	_ = 	snop;
	(pc) =	sbr.rel @p0 .LBB2_7-.Ltmp2, $3  }
0x29f: {  	_ =	sdelay $0x1  }
0x2a0: {  	s29 =	sor.u32 s25, s17  }
0x2a1: {  	s18 =	sadd.s32 $0x200, s18;
	s16 =	sadd.s32 $0x40, s16;
	s26 =	sadd.s32 $0x40, s26;
	[tilespmem:s29+$0x0] =	vst v0  }
0x2a2: {  	s2 =	sld [smem:$0x7FD];
	_ =	sdelay $0x2  }
0x2a3: {  	s15 =	rddreg [dreg:$0x14];
	s2 =	sshll.u32 s2, $0x12  }
0x2a4: {  	s2 =	sor.u32 s15, s2  }
0x2a5: {  	s24 =	rddreg [dreg:$0x1];
	s16 =	simm.s32 $0x6600;
	s2 =	sshrl.u32 s2, $0x3  }
0x2a6: {  	s25 =	rddreg [dreg:$0x15];
	s15 =	sadd.s32 s24, s2;
	s24 =	simm.s32 $0x0  }
0x2a7: {  	[hbm4b:s15+s24] =	stream.linear.scatter [tilespmem:s16], [sflag:$0x1], $0x1000, $0x38;
	[tilespmem:$0xA600] =	vst v63  }
0x2a8: {  	s26 =	simm.s32 $0x7600;
	s28 =	simm.s32 $0x2;
	s2 =	sadd.s32 s2, s25  }
0x2a9: {  	[hbm4b:s2+s24] =	stream.linear.scatter [tilespmem:s26], [sflag:$0x1], $0x1000, $0x38;
	[tilespmem:$0xA600] =	vst v63  }
0x2aa: {  	_ =	swait.ge [sflag:s28], $0x1000  }
0x2ab: {  	[sflag:s28] =	ssyncset.done $0x0  }
0x2ac: {  	[sflag:s28] =	ssyncadd.s32 $0xFFFFF000  }
0x2ad: {  	_ =	swait.ge [sflag:s28], $0x1000  }
0x2ae: {  	s15 =	simm.s32 $0xFFFFFFFC;
	s29 =	rddreg [dreg:$0x1f]  }
0x2af: {  	[sflag:s28] =	ssyncset.done $0x0;
	s18 =	rddreg [dreg:$0x1e];
	s2 =	sadd.s32 $0x3, s29  }
0x2b0: {  	s16 =	simm.s32 $0x30;
	[sflag:s28] =	ssyncadd.s32 $0xFFFFF000;
	[smem:$0x7FC] =	sst s2  }
.LBB2_9:
0x2b1: {  	v0 =	vld [tilespmem:s18+$0xFFFFFFD0];
	_ =	sdelay $0x7  }
0x2b2: {  	v1 =	vld.idx.msk [tilespmem:v0+s3+$0x0], $0xffff;
	_ =	sdelay $0x1  }
0x2b3: {  	s2 =	sadd.s32 $0xFFFFFFD0, s16;
	s23 =	sand.u32 $0xC00, s24  }
0x2b4: {  	s25 =	sand.u32 $0x40, s2;
	s26 =	sadd.s32 $0x8600, s23  }
0x2b5: {  	s2 =	sor.u32 s25, s26  }
0x2b6: {  	[tilespmem:s2+$0x0] =	vst v1  }
0x2b7: {  	v1 =	vld.idx.msk [tilespmem:v0+s30+$0x0], $0xffff;
	_ =	sdelay $0x4  }
0x2b8: {  	[tilespmem:s2+$0x80] =	vst v1  }
0x2b9: {  	v1 =	vld.idx.msk [tilespmem:v0+s31+$0x0], $0xffff;
	_ =	sdelay $0x4  }
0x2ba: {  	[tilespmem:s2+$0x100] =	vst v1  }
0x2bb: {  	v1 =	vld.idx.msk [tilespmem:v0+s0+$0x0], $0xffff;
	_ =	sdelay $0x4  }
0x2bc: {  	[tilespmem:s2+$0x180] =	vst v1  }
0x2bd: {  	v1 =	vld.idx.msk [tilespmem:v0+s1+$0x0], $0xffff;
	_ =	sdelay $0x4  }
0x2be: {  	[tilespmem:s2+$0x200] =	vst v1  }
0x2bf: {  	v1 =	vld.idx.msk [tilespmem:v0+s4+$0x0], $0xffff;
	_ =	sdelay $0x4  }
0x2c0: {  	[tilespmem:s2+$0x280] =	vst v1  }
0x2c1: {  	v1 =	vld.idx.msk [tilespmem:v0+s5+$0x0], $0xffff;
	_ =	sdelay $0x4  }
0x2c2: {  	[tilespmem:s2+$0x300] =	vst v1  }
0x2c3: {  	v1 =	vld.idx.msk [tilespmem:v0+s6+$0x0], $0xffff;
	_ =	sdelay $0x4  }
0x2c4: {  	[tilespmem:s2+$0x380] =	vst v1  }
0x2c5: {  	v1 =	vld.idx.msk [tilespmem:v0+s7+$0x0], $0xffff;
	_ =	sdelay $0x2  }
0x2c6: {  	s2 =	sadd.s32 $0x9600, s23  }
0x2c7: {  	s17 =	sor.u32 s25, s2  }
0x2c8: {  	[tilespmem:s17+$0x0] =	vst v1  }
0x2c9: {  	v1 =	vld.idx.msk [tilespmem:v0+s8+$0x0], $0xffff;
	_ =	sdelay $0x2  }
0x2ca: {  	s21 =	sadd.s32 $0x9680, s23  }
0x2cb: {  	s19 =	sor.u32 s25, s21  }
0x2cc: {  	[tilespmem:s19+$0x0] =	vst v1  }
0x2cd: {  	v1 =	vld.idx.msk [tilespmem:v0+s9+$0x0], $0xffff;
	_ =	sdelay $0x2  }
0x2ce: {  	s22 =	sadd.s32 $0x9700, s23  }
0x2cf: {  	s20 =	sor.u32 s25, s22  }
0x2d0: {  	[tilespmem:s20+$0x0] =	vst v1  }
0x2d1: {  	v1 =	vld.idx.msk [tilespmem:v0+s10+$0x0], $0xffff;
	_ =	sdelay $0x2  }
0x2d2: {  	s19 =	sadd.s32 $0x9780, s23  }
0x2d3: {  	s28 =	sor.u32 s25, s19  }
0x2d4: {  	[tilespmem:s28+$0x0] =	vst v1  }
0x2d5: {  	v1 =	vld.idx.msk [tilespmem:v0+s11+$0x0], $0xffff;
	_ =	sdelay $0x2  }
0x2d6: {  	s20 =	sadd.s32 $0x9800, s23  }
0x2d7: {  	s29 =	sor.u32 s25, s20  }
0x2d8: {  	[tilespmem:s29+$0x0] =	vst v1  }
0x2d9: {  	v1 =	vld.idx.msk [tilespmem:v0+s12+$0x0], $0xffff;
	_ =	sdelay $0x2  }
0x2da: {  	s29 =	sadd.s32 $0x9880, s23  }
0x2db: {  	s28 =	sor.u32 s25, s29  }
0x2dc: {  	[tilespmem:s28+$0x0] =	vst v1  }
0x2dd: {  	v1 =	vld.idx.msk [tilespmem:v0+s13+$0x0], $0xffff;
	_ =	sdelay $0x2  }
0x2de: {  	s17 =	sadd.s32 $0x9900, s23  }
0x2df: {  	s28 =	sor.u32 s25, s17  }
0x2e0: {  	[tilespmem:s28+$0x0] =	vst v1  }
0x2e1: {  	v0 =	vld.idx.msk [tilespmem:v0+s14+$0x0], $0xffff;
	_ =	sdelay $0x2  }
0x2e2: {  	s23 =	sadd.s32 $0x9980, s23  }
0x2e3: {  	s25 =	sor.u32 s25, s23  }
0x2e4: {  	[tilespmem:s25+$0x0] =	vst v0  }
0x2e5: {  	v0 =	vld [tilespmem:s18+$0xFFFFFFE0];
	_ =	sdelay $0x7  }
0x2e6: {  	v1 =	vld.idx.msk [tilespmem:v0+s3+$0x0], $0xffff;
	_ =	sdelay $0x1  }
0x2e7: {  	s28 =	sadd.s32 $0xFFFFFFE0, s16  }
0x2e8: {  	s25 =	sand.u32 $0x50, s28  }
0x2e9: {  	s28 =	sor.u32 s25, s26  }
0x2ea: {  	[tilespmem:s28+$0x0] =	vst v1  }
0x2eb: {  	v1 =	vld.idx.msk [tilespmem:v0+s30+$0x0], $0xffff;
	_ =	sdelay $0x4  }
0x2ec: {  	[tilespmem:s28+$0x80] =	vst v1  }
0x2ed: {  	v1 =	vld.idx.msk [tilespmem:v0+s31+$0x0], $0xffff;
	_ =	sdelay $0x4  }
0x2ee: {  	[tilespmem:s28+$0x100] =	vst v1  }
0x2ef: {  	v1 =	vld.idx.msk [tilespmem:v0+s0+$0x0], $0xffff;
	_ =	sdelay $0x4  }
0x2f0: {  	[tilespmem:s28+$0x180] =	vst v1  }
0x2f1: {  	v1 =	vld.idx.msk [tilespmem:v0+s1+$0x0], $0xffff;
	_ =	sdelay $0x4  }
0x2f2: {  	[tilespmem:s28+$0x200] =	vst v1  }
0x2f3: {  	v1 =	vld.idx.msk [tilespmem:v0+s4+$0x0], $0xffff;
	_ =	sdelay $0x4  }
0x2f4: {  	[tilespmem:s28+$0x280] =	vst v1  }
0x2f5: {  	v1 =	vld.idx.msk [tilespmem:v0+s5+$0x0], $0xffff;
	_ =	sdelay $0x4  }
0x2f6: {  	[tilespmem:s28+$0x300] =	vst v1  }
0x2f7: {  	v1 =	vld.idx.msk [tilespmem:v0+s6+$0x0], $0xffff;
	_ =	sdelay $0x4  }
0x2f8: {  	[tilespmem:s28+$0x380] =	vst v1  }
0x2f9: {  	v1 =	vld.idx.msk [tilespmem:v0+s7+$0x0], $0xffff;
	_ =	sdelay $0x3  }
0x2fa: {  	s28 =	sor.u32 s25, s2  }
0x2fb: {  	[tilespmem:s28+$0x0] =	vst v1  }
0x2fc: {  	v1 =	vld.idx.msk [tilespmem:v0+s8+$0x0], $0xffff;
	_ =	sdelay $0x3  }
0x2fd: {  	s28 =	sor.u32 s25, s21  }
0x2fe: {  	[tilespmem:s28+$0x0] =	vst v1  }
0x2ff: {  	v1 =	vld.idx.msk [tilespmem:v0+s9+$0x0], $0xffff;
	_ =	sdelay $0x3  }
0x300: {  	s28 =	sor.u32 s25, s22  }
0x301: {  	[tilespmem:s28+$0x0] =	vst v1  }
0x302: {  	v1 =	vld.idx.msk [tilespmem:v0+s10+$0x0], $0xffff;
	_ =	sdelay $0x3  }
0x303: {  	s28 =	sor.u32 s25, s19  }
0x304: {  	[tilespmem:s28+$0x0] =	vst v1  }
0x305: {  	v1 =	vld.idx.msk [tilespmem:v0+s11+$0x0], $0xffff;
	_ =	sdelay $0x3  }
0x306: {  	s28 =	sor.u32 s25, s20  }
0x307: {  	[tilespmem:s28+$0x0] =	vst v1  }
0x308: {  	v1 =	vld.idx.msk [tilespmem:v0+s12+$0x0], $0xffff;
	_ =	sdelay $0x3  }
0x309: {  	s28 =	sor.u32 s25, s29  }
0x30a: {  	[tilespmem:s28+$0x0] =	vst v1  }
0x30b: {  	v1 =	vld.idx.msk [tilespmem:v0+s13+$0x0], $0xffff;
	_ =	sdelay $0x3  }
0x30c: {  	s28 =	sor.u32 s25, s17  }
0x30d: {  	[tilespmem:s28+$0x0] =	vst v1  }
0x30e: {  	v0 =	vld.idx.msk [tilespmem:v0+s14+$0x0], $0xffff;
	_ =	sdelay $0x3  }
0x30f: {  	s25 =	sor.u32 s25, s23  }
0x310: {  	[tilespmem:s25+$0x0] =	vst v0  }
0x311: {  	v0 =	vld [tilespmem:s18+$0xFFFFFFF0];
	_ =	sdelay $0x7  }
0x312: {  	v1 =	vld.idx.msk [tilespmem:v0+s3+$0x0], $0xffff;
	_ =	sdelay $0x1  }
0x313: {  	s28 =	sadd.s32 $0xFFFFFFF0, s16  }
0x314: {  	s25 =	sand.u32 $0x60, s28  }
0x315: {  	s28 =	sor.u32 s25, s26  }
0x316: {  	[tilespmem:s28+$0x0] =	vst v1  }
0x317: {  	v1 =	vld.idx.msk [tilespmem:v0+s30+$0x0], $0xffff;
	_ =	sdelay $0x4  }
0x318: {  	[tilespmem:s28+$0x80] =	vst v1  }
0x319: {  	v1 =	vld.idx.msk [tilespmem:v0+s31+$0x0], $0xffff;
	_ =	sdelay $0x4  }
0x31a: {  	[tilespmem:s28+$0x100] =	vst v1  }
0x31b: {  	v1 =	vld.idx.msk [tilespmem:v0+s0+$0x0], $0xffff;
	_ =	sdelay $0x4  }
0x31c: {  	[tilespmem:s28+$0x180] =	vst v1  }
0x31d: {  	v1 =	vld.idx.msk [tilespmem:v0+s1+$0x0], $0xffff;
	_ =	sdelay $0x4  }
0x31e: {  	[tilespmem:s28+$0x200] =	vst v1  }
0x31f: {  	v1 =	vld.idx.msk [tilespmem:v0+s4+$0x0], $0xffff;
	_ =	sdelay $0x4  }
0x320: {  	[tilespmem:s28+$0x280] =	vst v1  }
0x321: {  	v1 =	vld.idx.msk [tilespmem:v0+s5+$0x0], $0xffff;
	_ =	sdelay $0x4  }
0x322: {  	[tilespmem:s28+$0x300] =	vst v1  }
0x323: {  	v1 =	vld.idx.msk [tilespmem:v0+s6+$0x0], $0xffff;
	_ =	sdelay $0x4  }
0x324: {  	[tilespmem:s28+$0x380] =	vst v1  }
0x325: {  	v1 =	vld.idx.msk [tilespmem:v0+s7+$0x0], $0xffff;
	_ =	sdelay $0x3  }
0x326: {  	s28 =	sor.u32 s25, s2  }
0x327: {  	[tilespmem:s28+$0x0] =	vst v1  }
0x328: {  	v1 =	vld.idx.msk [tilespmem:v0+s8+$0x0], $0xffff;
	_ =	sdelay $0x3  }
0x329: {  	s28 =	sor.u32 s25, s21  }
0x32a: {  	[tilespmem:s28+$0x0] =	vst v1  }
0x32b: {  	v1 =	vld.idx.msk [tilespmem:v0+s9+$0x0], $0xffff;
	_ =	sdelay $0x3  }
0x32c: {  	s28 =	sor.u32 s25, s22  }
0x32d: {  	[tilespmem:s28+$0x0] =	vst v1  }
0x32e: {  	v1 =	vld.idx.msk [tilespmem:v0+s10+$0x0], $0xffff;
	_ =	sdelay $0x3  }
0x32f: {  	s28 =	sor.u32 s25, s19  }
0x330: {  	[tilespmem:s28+$0x0] =	vst v1  }
0x331: {  	v1 =	vld.idx.msk [tilespmem:v0+s11+$0x0], $0xffff;
	_ =	sdelay $0x3  }
0x332: {  	s28 =	sor.u32 s25, s20  }
0x333: {  	[tilespmem:s28+$0x0] =	vst v1  }
0x334: {  	v1 =	vld.idx.msk [tilespmem:v0+s12+$0x0], $0xffff;
	_ =	sdelay $0x3  }
0x335: {  	s28 =	sor.u32 s25, s29  }
0x336: {  	[tilespmem:s28+$0x0] =	vst v1  }
0x337: {  	v1 =	vld.idx.msk [tilespmem:v0+s13+$0x0], $0xffff;
	_ =	sdelay $0x3  }
0x338: {  	s28 =	sor.u32 s25, s17  }
0x339: {  	[tilespmem:s28+$0x0] =	vst v1  }
0x33a: {  	v0 =	vld.idx.msk [tilespmem:v0+s14+$0x0], $0xffff;
	_ =	sdelay $0x3  }
0x33b: {  	s25 =	sor.u32 s25, s23  }
0x33c: {  	[tilespmem:s25+$0x0] =	vst v0  }
0x33d: {  	v0 =	vld [tilespmem:s18+$0x0];
	_ =	sdelay $0x7  }
0x33e: {  	v1 =	vld.idx.msk [tilespmem:v0+s3+$0x0], $0xffff;
	_ =	sdelay $0x2  }
0x33f: {  	s25 =	sand.u32 $0x70, s16  }
0x340: {  	s26 =	sor.u32 s25, s26  }
0x341: {  	[tilespmem:s26+$0x0] =	vst v1  }
0x342: {  	v1 =	vld.idx.msk [tilespmem:v0+s30+$0x0], $0xffff;
	_ =	sdelay $0x4  }
0x343: {  	[tilespmem:s26+$0x80] =	vst v1  }
0x344: {  	v1 =	vld.idx.msk [tilespmem:v0+s31+$0x0], $0xffff;
	_ =	sdelay $0x4  }
0x345: {  	[tilespmem:s26+$0x100] =	vst v1  }
0x346: {  	v1 =	vld.idx.msk [tilespmem:v0+s0+$0x0], $0xffff;
	_ =	sdelay $0x4  }
0x347: {  	[tilespmem:s26+$0x180] =	vst v1  }
0x348: {  	v1 =	vld.idx.msk [tilespmem:v0+s1+$0x0], $0xffff;
	_ =	sdelay $0x4  }
0x349: {  	[tilespmem:s26+$0x200] =	vst v1  }
0x34a: {  	v1 =	vld.idx.msk [tilespmem:v0+s4+$0x0], $0xffff;
	_ =	sdelay $0x4  }
0x34b: {  	[tilespmem:s26+$0x280] =	vst v1  }
0x34c: {  	v1 =	vld.idx.msk [tilespmem:v0+s5+$0x0], $0xffff;
	_ =	sdelay $0x4  }
0x34d: {  	[tilespmem:s26+$0x300] =	vst v1  }
0x34e: {  	v1 =	vld.idx.msk [tilespmem:v0+s6+$0x0], $0xffff;
	_ =	sdelay $0x4  }
0x34f: {  	[tilespmem:s26+$0x380] =	vst v1  }
0x350: {  	v1 =	vld.idx.msk [tilespmem:v0+s7+$0x0], $0xffff;
	_ =	sdelay $0x3  }
0x351: {  	s2 =	sor.u32 s25, s2  }
0x352: {  	[tilespmem:s2+$0x0] =	vst v1  }
0x353: {  	v1 =	vld.idx.msk [tilespmem:v0+s8+$0x0], $0xffff;
	_ =	sdelay $0x3  }
0x354: {  	s26 =	sor.u32 s25, s21  }
0x355: {  	[tilespmem:s26+$0x0] =	vst v1  }
0x356: {  	v1 =	vld.idx.msk [tilespmem:v0+s9+$0x0], $0xffff;
	_ =	sdelay $0x3  }
0x357: {  	s28 =	sor.u32 s25, s22  }
0x358: {  	[tilespmem:s28+$0x0] =	vst v1  }
0x359: {  	v1 =	vld.idx.msk [tilespmem:v0+s10+$0x0], $0xffff;
	_ =	sdelay $0x3  }
0x35a: {  	s21 =	sor.u32 s25, s19  }
0x35b: {  	[tilespmem:s21+$0x0] =	vst v1  }
0x35c: {  	v1 =	vld.idx.msk [tilespmem:v0+s11+$0x0], $0xffff;
	_ =	sdelay $0x3  }
0x35d: {  	s22 =	sor.u32 s25, s20  }
0x35e: {  	[tilespmem:s22+$0x0] =	vst v1  }
0x35f: {  	v1 =	vld.idx.msk [tilespmem:v0+s12+$0x0], $0xffff;
	_ =	sdelay $0x3  }
0x360: {  	s26 =	sor.u32 s25, s29  }
0x361: {  	[tilespmem:s26+$0x0] =	vst v1  }
0x362: {  	v1 =	vld.idx.msk [tilespmem:v0+s13+$0x0], $0xffff;
	_ =	sdelay $0x3  }
0x363: {  	s28 =	sor.u32 s25, s17  }
0x364: {  	s15 =	sadd.s32 $0x4, s15;
	[tilespmem:s28+$0x0] =	vst v1  }
0x365: {  	p0 =	slt.u32 s15, $0x1C;
	v0 =	vld.idx.msk [tilespmem:v0+s14+$0x0], $0xffff  }
.Ltmp3:
0x366: {  	_ = 	snop;
	(pc) =	sbr.rel @p0 .LBB2_9-.Ltmp3, $3  }
0x367: {  	_ =	sdelay $0x1  }
0x368: {  	s29 =	sor.u32 s25, s23  }
0x369: {  	s24 =	sadd.s32 $0x200, s24;
	s16 =	sadd.s32 $0x40, s16;
	s18 =	sadd.s32 $0x40, s18;
	[tilespmem:s29+$0x0] =	vst v0  }
0x36a: {  	s2 =	sld [smem:$0x7FC];
	_ =	sdelay $0x2  }
0x36b: {  	s15 =	rddreg [dreg:$0x14];
	s2 =	sshll.u32 s2, $0x12  }
0x36c: {  	s2 =	sor.u32 s15, s2  }
0x36d: {  	s24 =	rddreg [dreg:$0x1];
	s2 =	sshrl.u32 s2, $0x3  }
0x36e: {  	s16 =	simm.s32 $0x8600;
	s28 =	rddreg [dreg:$0x1c];
	s15 =	sadd.s32 s24, s2  }
0x36f: {  	[hbm4b:s15+s3] =	stream.linear.scatter [tilespmem:s16], [sflag:$0x2], $0x1000, $0x38;
	[tilespmem:$0xA600] =	vst v63  }
0x370: {  	s16 =	sadd.s32 $0x1, s28  }
0x371: {  	p0 =	sne.s32 s16, $0x18  }
.Ltmp4:
0x372: {  	s25 =	rddreg [dreg:$0x15];
	(pc) =	sbr.rel @p0 .LBB2_6-.Ltmp4, $4  }
0x373: {  	s26 =	simm.s32 $0x9600;
	s29 =	rddreg [dreg:$0x1e];
	s2 =	sadd.s32 s2, s25  }
0x374: {  	[hbm4b:s2+s3] =	stream.linear.scatter [tilespmem:s26], [sflag:$0x2], $0x1000, $0x38;
	[tilespmem:$0xA600] =	vst v63  }
0x375: {  	s26 =	rddreg [dreg:$0x1d];
	s2 =	sadd.s32 $0x400, s29  }
0x376: {  	s26 =	sadd.s32 $0x400, s26;
	[dreg:$0x1e] =	wrdreg s2  }
0x377: {  	s2 =	simm.s32 $0x1  }
0x378: {  	_ =	swait.ge [sflag:s2], $0x1000  }
0x379: {  	[sflag:s2] =	ssyncset.done $0x0  }
0x37a: {  	[sflag:s2] =	ssyncadd.s32 $0xFFFFF000  }
0x37b: {  	_ =	swait.ge [sflag:s2], $0x1000  }
0x37c: {  	[sflag:s2] =	ssyncset.done $0x0  }
0x37d: {  	s15 =	simm.s32 $0x2;
	[sflag:s2] =	ssyncadd.s32 $0xFFFFF000  }
0x37e: {  	_ =	swait.ge [sflag:s15], $0x1000  }
0x37f: {  	[sflag:s15] =	ssyncset.done $0x0  }
0x380: {  	[sflag:s15] =	ssyncadd.s32 $0xFFFFF000  }
0x381: {  	_ =	swait.ge [sflag:s15], $0x1000  }
0x382: {  	s16 =	rddreg [dreg:$0x1b]  }
0x383: {  	s29 =	rddreg [dreg:$0x18];
	s16 =	sadd.s32 $0x1, s16  }
0x384: {  	p0 =	sne.s32 s16, s29  }
.Ltmp5:
0x385: {  	_ = 	snop;
	(pc) =	sbr.rel @p0 .LBB2_1-.Ltmp5, $3  }
0x386: {  	_ =	sdelay $0x1  }
0x387: {  	[sflag:s15] =	ssyncset.done $0x0  }
0x388: {  	[sflag:s15] =	ssyncadd.s32 $0xFFFFF000  }
0x389: {  	_ =	sfence.sel $0x180000  }
0x38a: {  	[bflag:$0x0] =	sbarrier.arrive $0xFFFF  }
0x38b: {  	_ =	strace $0x90000047  }
0x38c: {  	s0 =	stileid.u32;
	[bflag:$0x2] =	sbarrier.arrive $0xFFFF  }
0x38d: {  	p0 =	sne.s32 s0, $0x0;
	s0 =	rddreg [dreg:$0x2]  }
0x38e: {  	s0 =	sadd.s32 @!p0 $0x100000, s0  }
0x38f: {  	[sflag:s0] =	ssyncadd.tile.s32 @!p0 $0x1;
	_ =	shalt  }
.Lfunc_end2:
_tile_overlayer_lowered:
.L_overlay_start_2:
0x390: {  	(tag) =	ssettag $0x2  }
0x391: {  	s0 =	rddreg [dreg:$0x0];
	s2 =	stileid.u32  }
0x392: {  	s1 =	rddreg [dreg:$0x1];
	p0 =	sne.s32 s2, $0x0  }
0x393: {  	s3 =	rddreg [dreg:$0x2];
	[bflag:$0x3] =	sbarrier.arrive $0xFFFF;
	s2 =	simm.s32 @!p0 $0x1C03  }
0x394: {  	[timem:s3], [sflag:s2] =	dma.local @!p0 [hbm:s0], s1  }
0x395: {  	s0 =	simm.s32 @!p0 $0x3  }
0x396: {  	_ =	swait.ge @!p0 [sflag:s0], s1  }
0x397: {  	s1 =	ssub.s32 @!p0 $0x0, s1;
	[sflag:s0] =	ssyncset.done @!p0 $0x0  }
0x398: {  	[sflag:s0] =	ssyncadd.s32 @!p0 s1  }
0x399: {  	[bflag:$0x3] =	sbarrier.arrive $0xFFFF  }
0x39a: {  	_ =	shalt  }

</sc_bundles>
